<compile_context>
chip_gen: v7x
topology: tpu7x:2x2x1
jax: 0.10.2.dev20260603
libtpu: 0.0.44.dev20260713+nightly
codegen_flags: <defaults>
</compile_context>

<pallas_src>
import functools

import jax
import jax.numpy as jnp
from jax import lax
from jax.experimental import pallas as pl
from jax.experimental.pallas import tpu as pltpu
from jax.experimental.pallas import tpu_sc as plsc

B = 16384
D = 128
NUM_CORES = 2
NUM_SUBCORES = 16
NW = NUM_CORES * NUM_SUBCORES
B_PER_W = B // NW
CHUNK = 64
NCHUNK = B_PER_W // CHUNK
LANES = 16
VPR = D // LANES
NBUF = 4

_mesh = plsc.VectorSubcoreMesh(core_axis_name="c", subcore_axis_name="s")


@functools.partial(
    pl.kernel,
    mesh=_mesh,
    out_type=jax.ShapeDtypeStruct((B, D), jnp.float32),
    scratch_types=[
        pltpu.VMEM((B_PER_W,), jnp.int32),
        pltpu.VMEM((B_PER_W,), jnp.int32),
        pltpu.VMEM((NBUF, CHUNK, D), jnp.float32),
        pltpu.VMEM((NBUF, CHUNK, D), jnp.float32),
        pltpu.VMEM((NBUF, CHUNK, D), jnp.float32),
        pltpu.SemaphoreType.DMA((NBUF,)),
        pltpu.SemaphoreType.DMA((NBUF,)),
        pltpu.SemaphoreType.DMA((NBUF,)),
        pltpu.SemaphoreType.DMA,
    ],
)
def _gmf_sc(uidx_hbm, iidx_hbm, utab_hbm, itab_hbm, out_hbm,
            uidx_v, iidx_v, ubuf, ibuf, obuf, usem, isem, osem, xsem):
    wid = lax.axis_index("s") * NUM_CORES + lax.axis_index("c")
    base = wid * B_PER_W
    lu = pltpu.async_copy(uidx_hbm.at[pl.ds(base, B_PER_W)], uidx_v, xsem)
    li = pltpu.async_copy(iidx_hbm.at[pl.ds(base, B_PER_W)], iidx_v, xsem)
    lu.wait()
    li.wait()

    def start_gathers(ci):
        b = ci % NBUF
        cbase = ci * CHUNK
        gu = pltpu.async_copy(
            utab_hbm.at[uidx_v.at[pl.ds(cbase, CHUNK)]], ubuf.at[b], usem.at[b])
        gi = pltpu.async_copy(
            itab_hbm.at[iidx_v.at[pl.ds(cbase, CHUNK)]], ibuf.at[b], isem.at[b])
        return gu, gi

    gathers = [start_gathers(ci) for ci in range(NBUF)]
    stores = [None] * NCHUNK

    for ci in range(NCHUNK):
        b = ci % NBUF
        gu, gi = gathers[ci]
        gu.wait()
        gi.wait()
        if ci - NBUF >= 0:
            stores[ci - NBUF].wait()

        def row_body(r2, _):
            for u in range(2):
                r = r2 * 2 + u
                for v in range(VPR):
                    sl = pl.ds(v * LANES, LANES)
                    obuf[b, r, sl] = ubuf[b, r, sl] * ibuf[b, r, sl]
            return 0

        lax.fori_loop(0, CHUNK // 2, row_body, 0)

        if ci + NBUF < NCHUNK:
            gathers.append(start_gathers(ci + NBUF))
        stores[ci] = pltpu.async_copy(
            obuf.at[b], out_hbm.at[pl.ds(base + ci * CHUNK, CHUNK)], osem.at[b])

    for ci in range(NCHUNK - NBUF, NCHUNK):
        stores[ci].wait()


def kernel(user_indices, item_indices, user_table, item_table):
    return _gmf_sc(
        user_indices.astype(jnp.int32),
        item_indices.astype(jnp.int32),
        user_table,
        item_table,
    )

# --- scband reference (transcript-rebuilt; emitter-appended) ---
"""Pipeline reference for scband-gmf-69965017252513 (READ-ONLY COPY).

The authoritative reference and input builder live on the scoring server;
editing this copy changes nothing except your own understanding.
"""

import jax, jax.numpy as jnp
import numpy as np

NUM_USERS = 1000000
NUM_ITEMS = 1000000
EMBED_DIM = 128
BATCH = 16384

def setup_inputs(seed: int = 0) -> dict:
    key = jax.random.key(seed)
    k1, k2, k3, k4 = jax.random.split(key, 4)
    user_indices = jax.random.randint(k1, (BATCH,), 0, NUM_USERS, dtype=jnp.int64 if jax.config.jax_enable_x64 else jnp.int32)
    item_indices = jax.random.randint(k2, (BATCH,), 0, NUM_ITEMS, dtype=jnp.int64 if jax.config.jax_enable_x64 else jnp.int32)
    user_table = jax.random.normal(k3, (NUM_USERS, EMBED_DIM), dtype=jnp.float32) * 0.02
    item_table = jax.random.normal(k4, (NUM_ITEMS, EMBED_DIM), dtype=jnp.float32) * 0.02
    return {"user_indices": user_indices, "item_indices": item_indices, "user_table": user_table, "item_table": item_table}

def reference(user_indices, item_indices, user_table, item_table):
    user_embedded = jnp.take(user_table, user_indices, axis=0)
    item_embedded = jnp.take(item_table, item_indices, axis=0)
    gmf_vector = user_embedded * item_embedded
    return gmf_vector

if __name__ == "__main__":
    import jax
    _d = setup_inputs()
    print(jax.jit(kernel)(*tuple(_d.values())))

</pallas_src>

<mosaic_0001>
#map = affine_map<(d0, d1) -> (0)>
#map1 = affine_map<(d0, d1) -> (0, 0)>
module attributes {stable_mosaic.version = 14 : i64} {
  func.func @_gmf_sc(%arg0: i32, %arg1: i32, %arg2: memref<16384xi32, #tpu.memory_space<hbm>>, %arg3: memref<16384xi32, #tpu.memory_space<hbm>>, %arg4: memref<1000000x128xf32, #tpu.memory_space<hbm>>, %arg5: memref<1000000x128xf32, #tpu.memory_space<hbm>>, %arg6: memref<16384x128xf32, #tpu.memory_space<hbm>>, %arg7: memref<512xi32, #tpu.memory_space<vmem>>, %arg8: memref<512xi32, #tpu.memory_space<vmem>>, %arg9: memref<4x64x128xf32, #tpu.memory_space<vmem>>, %arg10: memref<4x64x128xf32, #tpu.memory_space<vmem>>, %arg11: memref<4x64x128xf32, #tpu.memory_space<vmem>>, %arg12: memref<4x!tpu.dma_semaphore, #tpu.memory_space<semaphore_mem>>, %arg13: memref<4x!tpu.dma_semaphore, #tpu.memory_space<semaphore_mem>>, %arg14: memref<4x!tpu.dma_semaphore, #tpu.memory_space<semaphore_mem>>, %arg15: memref<!tpu.dma_semaphore, #tpu.memory_space<semaphore_mem>>) attributes {dimension_semantics = [#tpu.dimension_semantics<core_parallel>, #tpu.dimension_semantics<subcore_parallel>], iteration_bounds = array<i64: 2, 16>, scalar_prefetch = 0 : i64, scratch_operands = 9 : i64, tpu.core_type = #tpu.core_type<sc_vector_subcore>, window_params = [{transform_indices = #map}, {transform_indices = #map}, {transform_indices = #map1}, {transform_indices = #map1}, {transform_indices = #map1}]} {
    %mul3A = arith.constant 2 : i32
    %mul3A_0 = arith.muli %arg1, %mul3A : i32
    %add3A = arith.addi %mul3A_0, %arg0 : i32
    %mul3A_1 = arith.constant 512 : i32
    %mul3A_2 = arith.muli %add3A, %mul3A_1 : i32
    %dma_start3A = tpu.memref_slice %arg2[%mul3A_2] : memref<16384xi32, #tpu.memory_space<hbm>> -> memref<512xi32, #tpu.memory_space<hbm>>
    %dma_start3A_3 = tpu.memref_slice %arg2[%mul3A_2] : memref<16384xi32, #tpu.memory_space<hbm>> -> memref<512xi32, #tpu.memory_space<hbm>>
    tpu.enqueue_dma source(%dma_start3A_3 : memref<512xi32, #tpu.memory_space<hbm>>) target(%arg7 : memref<512xi32, #tpu.memory_space<vmem>>) target_semaphore(%arg15 : memref<!tpu.dma_semaphore, #tpu.memory_space<semaphore_mem>>)
    %dma_start3A_4 = tpu.memref_slice %arg3[%mul3A_2] : memref<16384xi32, #tpu.memory_space<hbm>> -> memref<512xi32, #tpu.memory_space<hbm>>
    %dma_start3A_5 = tpu.memref_slice %arg3[%mul3A_2] : memref<16384xi32, #tpu.memory_space<hbm>> -> memref<512xi32, #tpu.memory_space<hbm>>
    tpu.enqueue_dma source(%dma_start3A_5 : memref<512xi32, #tpu.memory_space<hbm>>) target(%arg8 : memref<512xi32, #tpu.memory_space<vmem>>) target_semaphore(%arg15 : memref<!tpu.dma_semaphore, #tpu.memory_space<semaphore_mem>>)
    %dma_wait3A = tpu.memref_slice %arg2[%mul3A_2] : memref<16384xi32, #tpu.memory_space<hbm>> -> memref<512xi32, #tpu.memory_space<hbm>>
    %dma_wait3A_6 = tpu.memref_slice %arg2[%mul3A_2] : memref<16384xi32, #tpu.memory_space<hbm>> -> memref<512xi32, #tpu.memory_space<hbm>>
    tpu.wait_dma2 semaphore(%arg15 : memref<!tpu.dma_semaphore, #tpu.memory_space<semaphore_mem>>) src(%dma_wait3A_6 : memref<512xi32, #tpu.memory_space<hbm>>) dst(%arg7 : memref<512xi32, #tpu.memory_space<vmem>>)
    %dma_wait3A_7 = tpu.memref_slice %arg3[%mul3A_2] : memref<16384xi32, #tpu.memory_space<hbm>> -> memref<512xi32, #tpu.memory_space<hbm>>
    %dma_wait3A_8 = tpu.memref_slice %arg3[%mul3A_2] : memref<16384xi32, #tpu.memory_space<hbm>> -> memref<512xi32, #tpu.memory_space<hbm>>
    tpu.wait_dma2 semaphore(%arg15 : memref<!tpu.dma_semaphore, #tpu.memory_space<semaphore_mem>>) src(%dma_wait3A_8 : memref<512xi32, #tpu.memory_space<hbm>>) dst(%arg8 : memref<512xi32, #tpu.memory_space<vmem>>)
    %dma_start3A_9 = arith.constant 0 : i32
    %dma_start3A_10 = arith.constant 0 : i32
    %dma_start3A_11 = arith.constant 0 : i32
    %dma_start3A_12 = arith.constant 0 : i32
    %dma_start3A_13 = tpu.memref_slice %arg9[%dma_start3A_9, %dma_start3A_11, %dma_start3A_12] : memref<4x64x128xf32, #tpu.memory_space<vmem>> -> memref<1x64x128xf32, #tpu.memory_space<vmem>>
    %dma_start3A_14 = tpu.memref_squeeze %dma_start3A_13 : memref<1x64x128xf32, #tpu.memory_space<vmem>> -> memref<64x128xf32, #tpu.memory_space<vmem>>
    %dma_start3A_15 = arith.constant 0 : i32
    %dma_start3A_16 = tpu.memref_slice %arg7[%dma_start3A_15] : memref<512xi32, #tpu.memory_space<vmem>> -> memref<64xi32, #tpu.memory_space<vmem>>
    %dma_start3A_17 = arith.constant 0 : i32
    %dma_start3A_18 = arith.constant 0 : i32
    %dma_start3A_19 = tpu.memref_slice %arg4[%dma_start3A_17, %dma_start3A_18] : memref<1000000x128xf32, #tpu.memory_space<hbm>> -> memref<1000000x128xf32, #tpu.memory_space<hbm>>
    %dma_start3A_20 = tpu.memref_slice %arg12[%dma_start3A_10] : memref<4x!tpu.dma_semaphore, #tpu.memory_space<semaphore_mem>> -> memref<1x!tpu.dma_semaphore, #tpu.memory_space<semaphore_mem>>
    %dma_start3A_21 = tpu.memref_squeeze %dma_start3A_20 : memref<1x!tpu.dma_semaphore, #tpu.memory_space<semaphore_mem>> -> memref<!tpu.dma_semaphore, #tpu.memory_space<semaphore_mem>>
    tpu.enqueue_indirect_dma source(%dma_start3A_19 : memref<1000000x128xf32, #tpu.memory_space<hbm>>) target(%dma_start3A_14 : memref<64x128xf32, #tpu.memory_space<vmem>>) offsets(%dma_start3A_16 : memref<64xi32, #tpu.memory_space<vmem>>) semaphore(%dma_start3A_21 : memref<!tpu.dma_semaphore, #tpu.memory_space<semaphore_mem>>)
    %dma_start3A_22 = arith.constant 0 : i32
    %dma_start3A_23 = arith.constant 0 : i32
    %dma_start3A_24 = arith.constant 0 : i32
    %dma_start3A_25 = arith.constant 0 : i32
    %dma_start3A_26 = tpu.memref_slice %arg10[%dma_start3A_22, %dma_start3A_24, %dma_start3A_25] : memref<4x64x128xf32, #tpu.memory_space<vmem>> -> memref<1x64x128xf32, #tpu.memory_space<vmem>>
    %dma_start3A_27 = tpu.memref_squeeze %dma_start3A_26 : memref<1x64x128xf32, #tpu.memory_space<vmem>> -> memref<64x128xf32, #tpu.memory_space<vmem>>
    %dma_start3A_28 = arith.constant 0 : i32
    %dma_start3A_29 = tpu.memref_slice %arg8[%dma_start3A_28] : memref<512xi32, #tpu.memory_space<vmem>> -> memref<64xi32, #tpu.memory_space<vmem>>
    %dma_start3A_30 = arith.constant 0 : i32
    %dma_start3A_31 = arith.constant 0 : i32
    %dma_start3A_32 = tpu.memref_slice %arg5[%dma_start3A_30, %dma_start3A_31] : memref<1000000x128xf32, #tpu.memory_space<hbm>> -> memref<1000000x128xf32, #tpu.memory_space<hbm>>
    %dma_start3A_33 = tpu.memref_slice %arg13[%dma_start3A_23] : memref<4x!tpu.dma_semaphore, #tpu.memory_space<semaphore_mem>> -> memref<1x!tpu.dma_semaphore, #tpu.memory_space<semaphore_mem>>
    %dma_start3A_34 = tpu.memref_squeeze %dma_start3A_33 : memref<1x!tpu.dma_semaphore, #tpu.memory_space<semaphore_mem>> -> memref<!tpu.dma_semaphore, #tpu.memory_space<semaphore_mem>>
    tpu.enqueue_indirect_dma source(%dma_start3A_32 : memref<1000000x128xf32, #tpu.memory_space<hbm>>) target(%dma_start3A_27 : memref<64x128xf32, #tpu.memory_space<vmem>>) offsets(%dma_start3A_29 : memref<64xi32, #tpu.memory_space<vmem>>) semaphore(%dma_start3A_34 : memref<!tpu.dma_semaphore, #tpu.memory_space<semaphore_mem>>)
    %dma_start3A_35 = arith.constant 1 : i32
    %dma_start3A_36 = arith.constant 1 : i32
    %dma_start3A_37 = arith.constant 0 : i32
    %dma_start3A_38 = arith.constant 0 : i32
    %dma_start3A_39 = tpu.memref_slice %arg9[%dma_start3A_35, %dma_start3A_37, %dma_start3A_38] : memref<4x64x128xf32, #tpu.memory_space<vmem>> -> memref<1x64x128xf32, #tpu.memory_space<vmem>>
    %dma_start3A_40 = tpu.memref_squeeze %dma_start3A_39 : memref<1x64x128xf32, #tpu.memory_space<vmem>> -> memref<64x128xf32, #tpu.memory_space<vmem>>
    %dma_start3A_41 = arith.constant 64 : i32
    %dma_start3A_42 = tpu.memref_slice %arg7[%dma_start3A_41] : memref<512xi32, #tpu.memory_space<vmem>> -> memref<64xi32, #tpu.memory_space<vmem>>
    %dma_start3A_43 = arith.constant 0 : i32
    %dma_start3A_44 = arith.constant 0 : i32
    %dma_start3A_45 = tpu.memref_slice %arg4[%dma_start3A_43, %dma_start3A_44] : memref<1000000x128xf32, #tpu.memory_space<hbm>> -> memref<1000000x128xf32, #tpu.memory_space<hbm>>
    %dma_start3A_46 = tpu.memref_slice %arg12[%dma_start3A_36] : memref<4x!tpu.dma_semaphore, #tpu.memory_space<semaphore_mem>> -> memref<1x!tpu.dma_semaphore, #tpu.memory_space<semaphore_mem>>
    %dma_start3A_47 = tpu.memref_squeeze %dma_start3A_46 : memref<1x!tpu.dma_semaphore, #tpu.memory_space<semaphore_mem>> -> memref<!tpu.dma_semaphore, #tpu.memory_space<semaphore_mem>>
    tpu.enqueue_indirect_dma source(%dma_start3A_45 : memref<1000000x128xf32, #tpu.memory_space<hbm>>) target(%dma_start3A_40 : memref<64x128xf32, #tpu.memory_space<vmem>>) offsets(%dma_start3A_42 : memref<64xi32, #tpu.memory_space<vmem>>) semaphore(%dma_start3A_47 : memref<!tpu.dma_semaphore, #tpu.memory_space<semaphore_mem>>)
    %dma_start3A_48 = arith.constant 1 : i32
    %dma_start3A_49 = arith.constant 1 : i32
    %dma_start3A_50 = arith.constant 0 : i32
    %dma_start3A_51 = arith.constant 0 : i32
    %dma_start3A_52 = tpu.memref_slice %arg10[%dma_start3A_48, %dma_start3A_50, %dma_start3A_51] : memref<4x64x128xf32, #tpu.memory_space<vmem>> -> memref<1x64x128xf32, #tpu.memory_space<vmem>>
    %dma_start3A_53 = tpu.memref_squeeze %dma_start3A_52 : memref<1x64x128xf32, #tpu.memory_space<vmem>> -> memref<64x128xf32, #tpu.memory_space<vmem>>
    %dma_start3A_54 = arith.constant 64 : i32
    %dma_start3A_55 = tpu.memref_slice %arg8[%dma_start3A_54] : memref<512xi32, #tpu.memory_space<vmem>> -> memref<64xi32, #tpu.memory_space<vmem>>
    %dma_start3A_56 = arith.constant 0 : i32
    %dma_start3A_57 = arith.constant 0 : i32
    %dma_start3A_58 = tpu.memref_slice %arg5[%dma_start3A_56, %dma_start3A_57] : memref<1000000x128xf32, #tpu.memory_space<hbm>> -> memref<1000000x128xf32, #tpu.memory_space<hbm>>
    %dma_start3A_59 = tpu.memref_slice %arg13[%dma_start3A_49] : memref<4x!tpu.dma_semaphore, #tpu.memory_space<semaphore_mem>> -> memref<1x!tpu.dma_semaphore, #tpu.memory_space<semaphore_mem>>
    %dma_start3A_60 = tpu.memref_squeeze %dma_start3A_59 : memref<1x!tpu.dma_semaphore, #tpu.memory_space<semaphore_mem>> -> memref<!tpu.dma_semaphore, #tpu.memory_space<semaphore_mem>>
    tpu.enqueue_indirect_dma source(%dma_start3A_58 : memref<1000000x128xf32, #tpu.memory_space<hbm>>) target(%dma_start3A_53 : memref<64x128xf32, #tpu.memory_space<vmem>>) offsets(%dma_start3A_55 : memref<64xi32, #tpu.memory_space<vmem>>) semaphore(%dma_start3A_60 : memref<!tpu.dma_semaphore, #tpu.memory_space<semaphore_mem>>)
    %dma_start3A_61 = arith.constant 2 : i32
    %dma_start3A_62 = arith.constant 2 : i32
    %dma_start3A_63 = arith.constant 0 : i32
    %dma_start3A_64 = arith.constant 0 : i32
    %dma_start3A_65 = tpu.memref_slice %arg9[%dma_start3A_61, %dma_start3A_63, %dma_start3A_64] : memref<4x64x128xf32, #tpu.memory_space<vmem>> -> memref<1x64x128xf32, #tpu.memory_space<vmem>>
    %dma_start3A_66 = tpu.memref_squeeze %dma_start3A_65 : memref<1x64x128xf32, #tpu.memory_space<vmem>> -> memref<64x128xf32, #tpu.memory_space<vmem>>
    %dma_start3A_67 = arith.constant 128 : i32
    %dma_start3A_68 = tpu.memref_slice %arg7[%dma_start3A_67] : memref<512xi32, #tpu.memory_space<vmem>> -> memref<64xi32, #tpu.memory_space<vmem>>
    %dma_start3A_69 = arith.constant 0 : i32
    %dma_start3A_70 = arith.constant 0 : i32
    %dma_start3A_71 = tpu.memref_slice %arg4[%dma_start3A_69, %dma_start3A_70] : memref<1000000x128xf32, #tpu.memory_space<hbm>> -> memref<1000000x128xf32, #tpu.memory_space<hbm>>
    %dma_start3A_72 = tpu.memref_slice %arg12[%dma_start3A_62] : memref<4x!tpu.dma_semaphore, #tpu.memory_space<semaphore_mem>> -> memref<1x!tpu.dma_semaphore, #tpu.memory_space<semaphore_mem>>
    %dma_start3A_73 = tpu.memref_squeeze %dma_start3A_72 : memref<1x!tpu.dma_semaphore, #tpu.memory_space<semaphore_mem>> -> memref<!tpu.dma_semaphore, #tpu.memory_space<semaphore_mem>>
    tpu.enqueue_indirect_dma source(%dma_start3A_71 : memref<1000000x128xf32, #tpu.memory_space<hbm>>) target(%dma_start3A_66 : memref<64x128xf32, #tpu.memory_space<vmem>>) offsets(%dma_start3A_68 : memref<64xi32, #tpu.memory_space<vmem>>) semaphore(%dma_start3A_73 : memref<!tpu.dma_semaphore, #tpu.memory_space<semaphore_mem>>)
    %dma_start3A_74 = arith.constant 2 : i32
    %dma_start3A_75 = arith.constant 2 : i32
    %dma_start3A_76 = arith.constant 0 : i32
    %dma_start3A_77 = arith.constant 0 : i32
    %dma_start3A_78 = tpu.memref_slice %arg10[%dma_start3A_74, %dma_start3A_76, %dma_start3A_77] : memref<4x64x128xf32, #tpu.memory_space<vmem>> -> memref<1x64x128xf32, #tpu.memory_space<vmem>>
    %dma_start3A_79 = tpu.memref_squeeze %dma_start3A_78 : memref<1x64x128xf32, #tpu.memory_space<vmem>> -> memref<64x128xf32, #tpu.memory_space<vmem>>
    %dma_start3A_80 = arith.constant 128 : i32
    %dma_start3A_81 = tpu.memref_slice %arg8[%dma_start3A_80] : memref<512xi32, #tpu.memory_space<vmem>> -> memref<64xi32, #tpu.memory_space<vmem>>
    %dma_start3A_82 = arith.constant 0 : i32
    %dma_start3A_83 = arith.constant 0 : i32
    %dma_start3A_84 = tpu.memref_slice %arg5[%dma_start3A_82, %dma_start3A_83] : memref<1000000x128xf32, #tpu.memory_space<hbm>> -> memref<1000000x128xf32, #tpu.memory_space<hbm>>
    %dma_start3A_85 = tpu.memref_slice %arg13[%dma_start3A_75] : memref<4x!tpu.dma_semaphore, #tpu.memory_space<semaphore_mem>> -> memref<1x!tpu.dma_semaphore, #tpu.memory_space<semaphore_mem>>
    %dma_start3A_86 = tpu.memref_squeeze %dma_start3A_85 : memref<1x!tpu.dma_semaphore, #tpu.memory_space<semaphore_mem>> -> memref<!tpu.dma_semaphore, #tpu.memory_space<semaphore_mem>>
    tpu.enqueue_indirect_dma source(%dma_start3A_84 : memref<1000000x128xf32, #tpu.memory_space<hbm>>) target(%dma_start3A_79 : memref<64x128xf32, #tpu.memory_space<vmem>>) offsets(%dma_start3A_81 : memref<64xi32, #tpu.memory_space<vmem>>) semaphore(%dma_start3A_86 : memref<!tpu.dma_semaphore, #tpu.memory_space<semaphore_mem>>)
    %dma_start3A_87 = arith.constant 3 : i32
    %dma_start3A_88 = arith.constant 3 : i32
    %dma_start3A_89 = arith.constant 0 : i32
    %dma_start3A_90 = arith.constant 0 : i32
    %dma_start3A_91 = tpu.memref_slice %arg9[%dma_start3A_87, %dma_start3A_89, %dma_start3A_90] : memref<4x64x128xf32, #tpu.memory_space<vmem>> -> memref<1x64x128xf32, #tpu.memory_space<vmem>>
    %dma_start3A_92 = tpu.memref_squeeze %dma_start3A_91 : memref<1x64x128xf32, #tpu.memory_space<vmem>> -> memref<64x128xf32, #tpu.memory_space<vmem>>
    %dma_start3A_93 = arith.constant 192 : i32
    %dma_start3A_94 = tpu.memref_slice %arg7[%dma_start3A_93] : memref<512xi32, #tpu.memory_space<vmem>> -> memref<64xi32, #tpu.memory_space<vmem>>
    %dma_start3A_95 = arith.constant 0 : i32
    %dma_start3A_96 = arith.constant 0 : i32
    %dma_start3A_97 = tpu.memref_slice %arg4[%dma_start3A_95, %dma_start3A_96] : memref<1000000x128xf32, #tpu.memory_space<hbm>> -> memref<1000000x128xf32, #tpu.memory_space<hbm>>
    %dma_start3A_98 = tpu.memref_slice %arg12[%dma_start3A_88] : memref<4x!tpu.dma_semaphore, #tpu.memory_space<semaphore_mem>> -> memref<1x!tpu.dma_semaphore, #tpu.memory_space<semaphore_mem>>
    %dma_start3A_99 = tpu.memref_squeeze %dma_start3A_98 : memref<1x!tpu.dma_semaphore, #tpu.memory_space<semaphore_mem>> -> memref<!tpu.dma_semaphore, #tpu.memory_space<semaphore_mem>>
    tpu.enqueue_indirect_dma source(%dma_start3A_97 : memref<1000000x128xf32, #tpu.memory_space<hbm>>) target(%dma_start3A_92 : memref<64x128xf32, #tpu.memory_space<vmem>>) offsets(%dma_start3A_94 : memref<64xi32, #tpu.memory_space<vmem>>) semaphore(%dma_start3A_99 : memref<!tpu.dma_semaphore, #tpu.memory_space<semaphore_mem>>)
    %dma_start3A_100 = arith.constant 3 : i32
    %dma_start3A_101 = arith.constant 3 : i32
    %dma_start3A_102 = arith.constant 0 : i32
    %dma_start3A_103 = arith.constant 0 : i32
    %dma_start3A_104 = tpu.memref_slice %arg10[%dma_start3A_100, %dma_start3A_102, %dma_start3A_103] : memref<4x64x128xf32, #tpu.memory_space<vmem>> -> memref<1x64x128xf32, #tpu.memory_space<vmem>>
    %dma_start3A_105 = tpu.memref_squeeze %dma_start3A_104 : memref<1x64x128xf32, #tpu.memory_space<vmem>> -> memref<64x128xf32, #tpu.memory_space<vmem>>
    %dma_start3A_106 = arith.constant 192 : i32
    %dma_start3A_107 = tpu.memref_slice %arg8[%dma_start3A_106] : memref<512xi32, #tpu.memory_space<vmem>> -> memref<64xi32, #tpu.memory_space<vmem>>
    %dma_start3A_108 = arith.constant 0 : i32
    %dma_start3A_109 = arith.constant 0 : i32
    %dma_start3A_110 = tpu.memref_slice %arg5[%dma_start3A_108, %dma_start3A_109] : memref<1000000x128xf32, #tpu.memory_space<hbm>> -> memref<1000000x128xf32, #tpu.memory_space<hbm>>
    %dma_start3A_111 = tpu.memref_slice %arg13[%dma_start3A_101] : memref<4x!tpu.dma_semaphore, #tpu.memory_space<semaphore_mem>> -> memref<1x!tpu.dma_semaphore, #tpu.memory_space<semaphore_mem>>
    %dma_start3A_112 = tpu.memref_squeeze %dma_start3A_111 : memref<1x!tpu.dma_semaphore, #tpu.memory_space<semaphore_mem>> -> memref<!tpu.dma_semaphore, #tpu.memory_space<semaphore_mem>>
    tpu.enqueue_indirect_dma source(%dma_start3A_110 : memref<1000000x128xf32, #tpu.memory_space<hbm>>) target(%dma_start3A_105 : memref<64x128xf32, #tpu.memory_space<vmem>>) offsets(%dma_start3A_107 : memref<64xi32, #tpu.memory_space<vmem>>) semaphore(%dma_start3A_112 : memref<!tpu.dma_semaphore, #tpu.memory_space<semaphore_mem>>)
    %dma_wait3A_113 = arith.constant 0 : i32
    %dma_wait3A_114 = arith.constant 0 : i32
    %dma_wait3A_115 = arith.constant 0 : i32
    %dma_wait3A_116 = arith.constant 0 : i32
    %dma_wait3A_117 = tpu.memref_slice %arg9[%dma_wait3A_113, %dma_wait3A_115, %dma_wait3A_116] : memref<4x64x128xf32, #tpu.memory_space<vmem>> -> memref<1x64x128xf32, #tpu.memory_space<vmem>>
    %dma_wait3A_118 = tpu.memref_squeeze %dma_wait3A_117 : memref<1x64x128xf32, #tpu.memory_space<vmem>> -> memref<64x128xf32, #tpu.memory_space<vmem>>
    %dma_wait3A_119 = arith.constant 0 : i32
    %dma_wait3A_120 = tpu.memref_slice %arg7[%dma_wait3A_119] : memref<512xi32, #tpu.memory_space<vmem>> -> memref<64xi32, #tpu.memory_space<vmem>>
    %dma_wait3A_121 = arith.constant 0 : i32
    %dma_wait3A_122 = arith.constant 0 : i32
    %dma_wait3A_123 = tpu.memref_slice %arg4[%dma_wait3A_121, %dma_wait3A_122] : memref<1000000x128xf32, #tpu.memory_space<hbm>> -> memref<1000000x128xf32, #tpu.memory_space<hbm>>
    %dma_wait3A_124 = tpu.memref_slice %arg12[%dma_wait3A_114] : memref<4x!tpu.dma_semaphore, #tpu.memory_space<semaphore_mem>> -> memref<1x!tpu.dma_semaphore, #tpu.memory_space<semaphore_mem>>
    %dma_wait3A_125 = tpu.memref_squeeze %dma_wait3A_124 : memref<1x!tpu.dma_semaphore, #tpu.memory_space<semaphore_mem>> -> memref<!tpu.dma_semaphore, #tpu.memory_space<semaphore_mem>>
    tpu.wait_indirect_dma semaphore(%dma_wait3A_125 : memref<!tpu.dma_semaphore, #tpu.memory_space<semaphore_mem>>) src(%dma_wait3A_123 : memref<1000000x128xf32, #tpu.memory_space<hbm>>) dst(%dma_wait3A_118 : memref<64x128xf32, #tpu.memory_space<vmem>>)
    %dma_wait3A_126 = arith.constant 0 : i32
    %dma_wait3A_127 = arith.constant 0 : i32
    %dma_wait3A_128 = arith.constant 0 : i32
    %dma_wait3A_129 = arith.constant 0 : i32
    %dma_wait3A_130 = tpu.memref_slice %arg10[%dma_wait3A_126, %dma_wait3A_128, %dma_wait3A_129] : memref<4x64x128xf32, #tpu.memory_space<vmem>> -> memref<1x64x128xf32, #tpu.memory_space<vmem>>
    %dma_wait3A_131 = tpu.memref_squeeze %dma_wait3A_130 : memref<1x64x128xf32, #tpu.memory_space<vmem>> -> memref<64x128xf32, #tpu.memory_space<vmem>>
    %dma_wait3A_132 = arith.constant 0 : i32
    %dma_wait3A_133 = tpu.memref_slice %arg8[%dma_wait3A_132] : memref<512xi32, #tpu.memory_space<vmem>> -> memref<64xi32, #tpu.memory_space<vmem>>
    %dma_wait3A_134 = arith.constant 0 : i32
    %dma_wait3A_135 = arith.constant 0 : i32
    %dma_wait3A_136 = tpu.memref_slice %arg5[%dma_wait3A_134, %dma_wait3A_135] : memref<1000000x128xf32, #tpu.memory_space<hbm>> -> memref<1000000x128xf32, #tpu.memory_space<hbm>>
    %dma_wait3A_137 = tpu.memref_slice %arg13[%dma_wait3A_127] : memref<4x!tpu.dma_semaphore, #tpu.memory_space<semaphore_mem>> -> memref<1x!tpu.dma_semaphore, #tpu.memory_space<semaphore_mem>>
    %dma_wait3A_138 = tpu.memref_squeeze %dma_wait3A_137 : memref<1x!tpu.dma_semaphore, #tpu.memory_space<semaphore_mem>> -> memref<!tpu.dma_semaphore, #tpu.memory_space<semaphore_mem>>
    tpu.wait_indirect_dma semaphore(%dma_wait3A_138 : memref<!tpu.dma_semaphore, #tpu.memory_space<semaphore_mem>>) src(%dma_wait3A_136 : memref<1000000x128xf32, #tpu.memory_space<hbm>>) dst(%dma_wait3A_131 : memref<64x128xf32, #tpu.memory_space<vmem>>)
    %scan3A = arith.constant 0 : i32
    %scan3A_139 = arith.constant 0 : i32
    %scan3A_140 = arith.constant 32 : i32
    %scan3A_141 = arith.addi %scan3A_139, %scan3A_140 : i32
    %scan3A_142 = arith.constant 1 : i32
    %scan3A_143 = scf.for %scan3A_752 = %scan3A_139 to %scan3A_141 step %scan3A_142 iter_args(%scan3A_753 = %scan3A) -> (i32)  : i32 {
      %mul3A_754 = arith.constant 2 : i32
      %mul3A_755 = arith.muli %scan3A_752, %mul3A_754 : i32
      %add3A_756 = arith.constant 0 : i32
      %add3A_757 = arith.addi %mul3A_755, %add3A_756 : i32
      %get3A = arith.constant 0 : i32
      %get3A_758 = arith.index_cast %get3A : i32 to index
      %get3A_759 = arith.index_cast %add3A_757 : i32 to index
      %get3A_760 = arith.constant 0 : index
      %get3A_761 = tpu.vector_load %arg9[%get3A_758, %get3A_759, %get3A_760] {strides = array<i32>} : memref<4x64x128xf32, #tpu.memory_space<vmem>>, vector<1x1x16xf32>,
      %get3A_762 = vector.shape_cast %get3A_761 : vector<1x1x16xf32> to vector<16xf32>
      %get3A_763 = arith.constant 0 : i32
      %get3A_764 = arith.index_cast %get3A_763 : i32 to index
      %get3A_765 = arith.index_cast %add3A_757 : i32 to index
      %get3A_766 = arith.constant 0 : index
      %get3A_767 = tpu.vector_load %arg10[%get3A_764, %get3A_765, %get3A_766] {strides = array<i32>} : memref<4x64x128xf32, #tpu.memory_space<vmem>>, vector<1x1x16xf32>,
      %get3A_768 = vector.shape_cast %get3A_767 : vector<1x1x16xf32> to vector<16xf32>
      %mul3A_769 = arith.mulf %get3A_762, %get3A_768 : vector<16xf32>
      %swap3A = arith.constant 0 : i32
      %swap3A_770 = arith.index_cast %swap3A : i32 to index
      %swap3A_771 = arith.index_cast %add3A_757 : i32 to index
      %swap3A_772 = arith.constant 0 : index
      %swap3A_773 = tpu.vector_load %arg11[%swap3A_770, %swap3A_771, %swap3A_772] {strides = array<i32>} : memref<4x64x128xf32, #tpu.memory_space<vmem>>, vector<1x1x16xf32>,
      %swap3A_774 = vector.shape_cast %swap3A_773 : vector<1x1x16xf32> to vector<16xf32>
      %swap3A_775 = vector.shape_cast %mul3A_769 : vector<16xf32> to vector<1x1x16xf32>
      tpu.vector_store %arg11[%swap3A_770, %swap3A_771, %swap3A_772], %swap3A_775 {strides = array<i32>} : memref<4x64x128xf32, #tpu.memory_space<vmem>>, vector<1x1x16xf32>,
      %get3A_776 = arith.constant 0 : i32
      %get3A_777 = arith.index_cast %get3A_776 : i32 to index
      %get3A_778 = arith.index_cast %add3A_757 : i32 to index
      %get3A_779 = arith.constant 16 : index
      %get3A_780 = tpu.vector_load %arg9[%get3A_777, %get3A_778, %get3A_779] {strides = array<i32>} : memref<4x64x128xf32, #tpu.memory_space<vmem>>, vector<1x1x16xf32>,
      %get3A_781 = vector.shape_cast %get3A_780 : vector<1x1x16xf32> to vector<16xf32>
      %get3A_782 = arith.constant 0 : i32
      %get3A_783 = arith.index_cast %get3A_782 : i32 to index
      %get3A_784 = arith.index_cast %add3A_757 : i32 to index
      %get3A_785 = arith.constant 16 : index
      %get3A_786 = tpu.vector_load %arg10[%get3A_783, %get3A_784, %get3A_785] {strides = array<i32>} : memref<4x64x128xf32, #tpu.memory_space<vmem>>, vector<1x1x16xf32>,
      %get3A_787 = vector.shape_cast %get3A_786 : vector<1x1x16xf32> to vector<16xf32>
      %mul3A_788 = arith.mulf %get3A_781, %get3A_787 : vector<16xf32>
      %swap3A_789 = arith.constant 0 : i32
      %swap3A_790 = arith.index_cast %swap3A_789 : i32 to index
      %swap3A_791 = arith.index_cast %add3A_757 : i32 to index
      %swap3A_792 = arith.constant 16 : index
      %swap3A_793 = tpu.vector_load %arg11[%swap3A_790, %swap3A_791, %swap3A_792] {strides = array<i32>} : memref<4x64x128xf32, #tpu.memory_space<vmem>>, vector<1x1x16xf32>,
      %swap3A_794 = vector.shape_cast %swap3A_793 : vector<1x1x16xf32> to vector<16xf32>
      %swap3A_795 = vector.shape_cast %mul3A_788 : vector<16xf32> to vector<1x1x16xf32>
      tpu.vector_store %arg11[%swap3A_790, %swap3A_791, %swap3A_792], %swap3A_795 {strides = array<i32>} : memref<4x64x128xf32, #tpu.memory_space<vmem>>, vector<1x1x16xf32>,
      %get3A_796 = arith.constant 0 : i32
      %get3A_797 = arith.index_cast %get3A_796 : i32 to index
      %get3A_798 = arith.index_cast %add3A_757 : i32 to index
      %get3A_799 = arith.constant 32 : index
      %get3A_800 = tpu.vector_load %arg9[%get3A_797, %get3A_798, %get3A_799] {strides = array<i32>} : memref<4x64x128xf32, #tpu.memory_space<vmem>>, vector<1x1x16xf32>,
      %get3A_801 = vector.shape_cast %get3A_800 : vector<1x1x16xf32> to vector<16xf32>
      %get3A_802 = arith.constant 0 : i32
      %get3A_803 = arith.index_cast %get3A_802 : i32 to index
      %get3A_804 = arith.index_cast %add3A_757 : i32 to index
      %get3A_805 = arith.constant 32 : index
      %get3A_806 = tpu.vector_load %arg10[%get3A_803, %get3A_804, %get3A_805] {strides = array<i32>} : memref<4x64x128xf32, #tpu.memory_space<vmem>>, vector<1x1x16xf32>,
      %get3A_807 = vector.shape_cast %get3A_806 : vector<1x1x16xf32> to vector<16xf32>
      %mul3A_808 = arith.mulf %get3A_801, %get3A_807 : vector<16xf32>
      %swap3A_809 = arith.constant 0 : i32
      %swap3A_810 = arith.index_cast %swap3A_809 : i32 to index
      %swap3A_811 = arith.index_cast %add3A_757 : i32 to index
      %swap3A_812 = arith.constant 32 : index
      %swap3A_813 = tpu.vector_load %arg11[%swap3A_810, %swap3A_811, %swap3A_812] {strides = array<i32>} : memref<4x64x128xf32, #tpu.memory_space<vmem>>, vector<1x1x16xf32>,
      %swap3A_814 = vector.shape_cast %swap3A_813 : vector<1x1x16xf32> to vector<16xf32>
      %swap3A_815 = vector.shape_cast %mul3A_808 : vector<16xf32> to vector<1x1x16xf32>
      tpu.vector_store %arg11[%swap3A_810, %swap3A_811, %swap3A_812], %swap3A_815 {strides = array<i32>} : memref<4x64x128xf32, #tpu.memory_space<vmem>>, vector<1x1x16xf32>,
      %get3A_816 = arith.constant 0 : i32
      %get3A_817 = arith.index_cast %get3A_816 : i32 to index
      %get3A_818 = arith.index_cast %add3A_757 : i32 to index
      %get3A_819 = arith.constant 48 : index
      %get3A_820 = tpu.vector_load %arg9[%get3A_817, %get3A_818, %get3A_819] {strides = array<i32>} : memref<4x64x128xf32, #tpu.memory_space<vmem>>, vector<1x1x16xf32>,
      %get3A_821 = vector.shape_cast %get3A_820 : vector<1x1x16xf32> to vector<16xf32>
      %get3A_822 = arith.constant 0 : i32
      %get3A_823 = arith.index_cast %get3A_822 : i32 to index
      %get3A_824 = arith.index_cast %add3A_757 : i32 to index
      %get3A_825 = arith.constant 48 : index
      %get3A_826 = tpu.vector_load %arg10[%get3A_823, %get3A_824, %get3A_825] {strides = array<i32>} : memref<4x64x128xf32, #tpu.memory_space<vmem>>, vector<1x1x16xf32>,
      %get3A_827 = vector.shape_cast %get3A_826 : vector<1x1x16xf32> to vector<16xf32>
      %mul3A_828 = arith.mulf %get3A_821, %get3A_827 : vector<16xf32>
      %swap3A_829 = arith.constant 0 : i32
      %swap3A_830 = arith.index_cast %swap3A_829 : i32 to index
      %swap3A_831 = arith.index_cast %add3A_757 : i32 to index
      %swap3A_832 = arith.constant 48 : index
      %swap3A_833 = tpu.vector_load %arg11[%swap3A_830, %swap3A_831, %swap3A_832] {strides = array<i32>} : memref<4x64x128xf32, #tpu.memory_space<vmem>>, vector<1x1x16xf32>,
      %swap3A_834 = vector.shape_cast %swap3A_833 : vector<1x1x16xf32> to vector<16xf32>
      %swap3A_835 = vector.shape_cast %mul3A_828 : vector<16xf32> to vector<1x1x16xf32>
      tpu.vector_store %arg11[%swap3A_830, %swap3A_831, %swap3A_832], %swap3A_835 {strides = array<i32>} : memref<4x64x128xf32, #tpu.memory_space<vmem>>, vector<1x1x16xf32>,
      %get3A_836 = arith.constant 0 : i32
      %get3A_837 = arith.index_cast %get3A_836 : i32 to index
      %get3A_838 = arith.index_cast %add3A_757 : i32 to index
      %get3A_839 = arith.constant 64 : index
      %get3A_840 = tpu.vector_load %arg9[%get3A_837, %get3A_838, %get3A_839] {strides = array<i32>} : memref<4x64x128xf32, #tpu.memory_space<vmem>>, vector<1x1x16xf32>,
      %get3A_841 = vector.shape_cast %get3A_840 : vector<1x1x16xf32> to vector<16xf32>
      %get3A_842 = arith.constant 0 : i32
      %get3A_843 = arith.index_cast %get3A_842 : i32 to index
      %get3A_844 = arith.index_cast %add3A_757 : i32 to index
      %get3A_845 = arith.constant 64 : index
      %get3A_846 = tpu.vector_load %arg10[%get3A_843, %get3A_844, %get3A_845] {strides = array<i32>} : memref<4x64x128xf32, #tpu.memory_space<vmem>>, vector<1x1x16xf32>,
      %get3A_847 = vector.shape_cast %get3A_846 : vector<1x1x16xf32> to vector<16xf32>
      %mul3A_848 = arith.mulf %get3A_841, %get3A_847 : vector<16xf32>
      %swap3A_849 = arith.constant 0 : i32
      %swap3A_850 = arith.index_cast %swap3A_849 : i32 to index
      %swap3A_851 = arith.index_cast %add3A_757 : i32 to index
      %swap3A_852 = arith.constant 64 : index
      %swap3A_853 = tpu.vector_load %arg11[%swap3A_850, %swap3A_851, %swap3A_852] {strides = array<i32>} : memref<4x64x128xf32, #tpu.memory_space<vmem>>, vector<1x1x16xf32>,
      %swap3A_854 = vector.shape_cast %swap3A_853 : vector<1x1x16xf32> to vector<16xf32>
      %swap3A_855 = vector.shape_cast %mul3A_848 : vector<16xf32> to vector<1x1x16xf32>
      tpu.vector_store %arg11[%swap3A_850, %swap3A_851, %swap3A_852], %swap3A_855 {strides = array<i32>} : memref<4x64x128xf32, #tpu.memory_space<vmem>>, vector<1x1x16xf32>,
      %get3A_856 = arith.constant 0 : i32
      %get3A_857 = arith.index_cast %get3A_856 : i32 to index
      %get3A_858 = arith.index_cast %add3A_757 : i32 to index
      %get3A_859 = arith.constant 80 : index
      %get3A_860 = tpu.vector_load %arg9[%get3A_857, %get3A_858, %get3A_859] {strides = array<i32>} : memref<4x64x128xf32, #tpu.memory_space<vmem>>, vector<1x1x16xf32>,
      %get3A_861 = vector.shape_cast %get3A_860 : vector<1x1x16xf32> to vector<16xf32>
      %get3A_862 = arith.constant 0 : i32
      %get3A_863 = arith.index_cast %get3A_862 : i32 to index
      %get3A_864 = arith.index_cast %add3A_757 : i32 to index
      %get3A_865 = arith.constant 80 : index
      %get3A_866 = tpu.vector_load %arg10[%get3A_863, %get3A_864, %get3A_865] {strides = array<i32>} : memref<4x64x128xf32, #tpu.memory_space<vmem>>, vector<1x1x16xf32>,
      %get3A_867 = vector.shape_cast %get3A_866 : vector<1x1x16xf32> to vector<16xf32>
      %mul3A_868 = arith.mulf %get3A_861, %get3A_867 : vector<16xf32>
      %swap3A_869 = arith.constant 0 : i32
      %swap3A_870 = arith.index_cast %swap3A_869 : i32 to index
      %swap3A_871 = arith.index_cast %add3A_757 : i32 to index
      %swap3A_872 = arith.constant 80 : index
      %swap3A_873 = tpu.vector_load %arg11[%swap3A_870, %swap3A_871, %swap3A_872] {strides = array<i32>} : memref<4x64x128xf32, #tpu.memory_space<vmem>>, vector<1x1x16xf32>,
      %swap3A_874 = vector.shape_cast %swap3A_873 : vector<1x1x16xf32> to vector<16xf32>
      %swap3A_875 = vector.shape_cast %mul3A_868 : vector<16xf32> to vector<1x1x16xf32>
      tpu.vector_store %arg11[%swap3A_870, %swap3A_871, %swap3A_872], %swap3A_875 {strides = array<i32>} : memref<4x64x128xf32, #tpu.memory_space<vmem>>, vector<1x1x16xf32>,
      %get3A_876 = arith.constant 0 : i32
      %get3A_877 = arith.index_cast %get3A_876 : i32 to index
      %get3A_878 = arith.index_cast %add3A_757 : i32 to index
      %get3A_879 = arith.constant 96 : index
      %get3A_880 = tpu.vector_load %arg9[%get3A_877, %get3A_878, %get3A_879] {strides = array<i32>} : memref<4x64x128xf32, #tpu.memory_space<vmem>>, vector<1x1x16xf32>,
      %get3A_881 = vector.shape_cast %get3A_880 : vector<1x1x16xf32> to vector<16xf32>
      %get3A_882 = arith.constant 0 : i32
      %get3A_883 = arith.index_cast %get3A_882 : i32 to index
      %get3A_884 = arith.index_cast %add3A_757 : i32 to index
      %get3A_885 = arith.constant 96 : index
      %get3A_886 = tpu.vector_load %arg10[%get3A_883, %get3A_884, %get3A_885] {strides = array<i32>} : memref<4x64x128xf32, #tpu.memory_space<vmem>>, vector<1x1x16xf32>,
      %get3A_887 = vector.shape_cast %get3A_886 : vector<1x1x16xf32> to vector<16xf32>
      %mul3A_888 = arith.mulf %get3A_881, %get3A_887 : vector<16xf32>
      %swap3A_889 = arith.constant 0 : i32
      %swap3A_890 = arith.index_cast %swap3A_889 : i32 to index
      %swap3A_891 = arith.index_cast %add3A_757 : i32 to index
      %swap3A_892 = arith.constant 96 : index
      %swap3A_893 = tpu.vector_load %arg11[%swap3A_890, %swap3A_891, %swap3A_892] {strides = array<i32>} : memref<4x64x128xf32, #tpu.memory_space<vmem>>, vector<1x1x16xf32>,
      %swap3A_894 = vector.shape_cast %swap3A_893 : vector<1x1x16xf32> to vector<16xf32>
      %swap3A_895 = vector.shape_cast %mul3A_888 : vector<16xf32> to vector<1x1x16xf32>
      tpu.vector_store %arg11[%swap3A_890, %swap3A_891, %swap3A_892], %swap3A_895 {strides = array<i32>} : memref<4x64x128xf32, #tpu.memory_space<vmem>>, vector<1x1x16xf32>,
      %get3A_896 = arith.constant 0 : i32
      %get3A_897 = arith.index_cast %get3A_896 : i32 to index
      %get3A_898 = arith.index_cast %add3A_757 : i32 to index
      %get3A_899 = arith.constant 112 : index
      %get3A_900 = tpu.vector_load %arg9[%get3A_897, %get3A_898, %get3A_899] {strides = array<i32>} : memref<4x64x128xf32, #tpu.memory_space<vmem>>, vector<1x1x16xf32>,
      %get3A_901 = vector.shape_cast %get3A_900 : vector<1x1x16xf32> to vector<16xf32>
      %get3A_902 = arith.constant 0 : i32
      %get3A_903 = arith.index_cast %get3A_902 : i32 to index
      %get3A_904 = arith.index_cast %add3A_757 : i32 to index
      %get3A_905 = arith.constant 112 : index
      %get3A_906 = tpu.vector_load %arg10[%get3A_903, %get3A_904, %get3A_905] {strides = array<i32>} : memref<4x64x128xf32, #tpu.memory_space<vmem>>, vector<1x1x16xf32>,
      %get3A_907 = vector.shape_cast %get3A_906 : vector<1x1x16xf32> to vector<16xf32>
      %mul3A_908 = arith.mulf %get3A_901, %get3A_907 : vector<16xf32>
      %swap3A_909 = arith.constant 0 : i32
      %swap3A_910 = arith.index_cast %swap3A_909 : i32 to index
      %swap3A_911 = arith.index_cast %add3A_757 : i32 to index
      %swap3A_912 = arith.constant 112 : index
      %swap3A_913 = tpu.vector_load %arg11[%swap3A_910, %swap3A_911, %swap3A_912] {strides = array<i32>} : memref<4x64x128xf32, #tpu.memory_space<vmem>>, vector<1x1x16xf32>,
      %swap3A_914 = vector.shape_cast %swap3A_913 : vector<1x1x16xf32> to vector<16xf32>
      %swap3A_915 = vector.shape_cast %mul3A_908 : vector<16xf32> to vector<1x1x16xf32>
      tpu.vector_store %arg11[%swap3A_910, %swap3A_911, %swap3A_912], %swap3A_915 {strides = array<i32>} : memref<4x64x128xf32, #tpu.memory_space<vmem>>, vector<1x1x16xf32>,
      %mul3A_916 = arith.constant 2 : i32
      %mul3A_917 = arith.muli %scan3A_752, %mul3A_916 : i32
      %add3A_918 = arith.constant 1 : i32
      %add3A_919 = arith.addi %mul3A_917, %add3A_918 : i32
      %get3A_920 = arith.constant 0 : i32
      %get3A_921 = arith.index_cast %get3A_920 : i32 to index
      %get3A_922 = arith.index_cast %add3A_919 : i32 to index
      %get3A_923 = arith.constant 0 : index
      %get3A_924 = tpu.vector_load %arg9[%get3A_921, %get3A_922, %get3A_923] {strides = array<i32>} : memref<4x64x128xf32, #tpu.memory_space<vmem>>, vector<1x1x16xf32>,
      %get3A_925 = vector.shape_cast %get3A_924 : vector<1x1x16xf32> to vector<16xf32>
      %get3A_926 = arith.constant 0 : i32
      %get3A_927 = arith.index_cast %get3A_926 : i32 to index
      %get3A_928 = arith.index_cast %add3A_919 : i32 to index
      %get3A_929 = arith.constant 0 : index
      %get3A_930 = tpu.vector_load %arg10[%get3A_927, %get3A_928, %get3A_929] {strides = array<i32>} : memref<4x64x128xf32, #tpu.memory_space<vmem>>, vector<1x1x16xf32>,
      %get3A_931 = vector.shape_cast %get3A_930 : vector<1x1x16xf32> to vector<16xf32>
      %mul3A_932 = arith.mulf %get3A_925, %get3A_931 : vector<16xf32>
      %swap3A_933 = arith.constant 0 : i32
      %swap3A_934 = arith.index_cast %swap3A_933 : i32 to index
      %swap3A_935 = arith.index_cast %add3A_919 : i32 to index
      %swap3A_936 = arith.constant 0 : index
      %swap3A_937 = tpu.vector_load %arg11[%swap3A_934, %swap3A_935, %swap3A_936] {strides = array<i32>} : memref<4x64x128xf32, #tpu.memory_space<vmem>>, vector<1x1x16xf32>,
      %swap3A_938 = vector.shape_cast %swap3A_937 : vector<1x1x16xf32> to vector<16xf32>
      %swap3A_939 = vector.shape_cast %mul3A_932 : vector<16xf32> to vector<1x1x16xf32>
      tpu.vector_store %arg11[%swap3A_934, %swap3A_935, %swap3A_936], %swap3A_939 {strides = array<i32>} : memref<4x64x128xf32, #tpu.memory_space<vmem>>, vector<1x1x16xf32>,
      %get3A_940 = arith.constant 0 : i32
      %get3A_941 = arith.index_cast %get3A_940 : i32 to index
      %get3A_942 = arith.index_cast %add3A_919 : i32 to index
      %get3A_943 = arith.constant 16 : index
      %get3A_944 = tpu.vector_load %arg9[%get3A_941, %get3A_942, %get3A_943] {strides = array<i32>} : memref<4x64x128xf32, #tpu.memory_space<vmem>>, vector<1x1x16xf32>,
      %get3A_945 = vector.shape_cast %get3A_944 : vector<1x1x16xf32> to vector<16xf32>
      %get3A_946 = arith.constant 0 : i32
      %get3A_947 = arith.index_cast %get3A_946 : i32 to index
      %get3A_948 = arith.index_cast %add3A_919 : i32 to index
      %get3A_949 = arith.constant 16 : index
      %get3A_950 = tpu.vector_load %arg10[%get3A_947, %get3A_948, %get3A_949] {strides = array<i32>} : memref<4x64x128xf32, #tpu.memory_space<vmem>>, vector<1x1x16xf32>,
      %get3A_951 = vector.shape_cast %get3A_950 : vector<1x1x16xf32> to vector<16xf32>
      %mul3A_952 = arith.mulf %get3A_945, %get3A_951 : vector<16xf32>
      %swap3A_953 = arith.constant 0 : i32
      %swap3A_954 = arith.index_cast %swap3A_953 : i32 to index
      %swap3A_955 = arith.index_cast %add3A_919 : i32 to index
      %swap3A_956 = arith.constant 16 : index
      %swap3A_957 = tpu.vector_load %arg11[%swap3A_954, %swap3A_955, %swap3A_956] {strides = array<i32>} : memref<4x64x128xf32, #tpu.memory_space<vmem>>, vector<1x1x16xf32>,
      %swap3A_958 = vector.shape_cast %swap3A_957 : vector<1x1x16xf32> to vector<16xf32>
      %swap3A_959 = vector.shape_cast %mul3A_952 : vector<16xf32> to vector<1x1x16xf32>
      tpu.vector_store %arg11[%swap3A_954, %swap3A_955, %swap3A_956], %swap3A_959 {strides = array<i32>} : memref<4x64x128xf32, #tpu.memory_space<vmem>>, vector<1x1x16xf32>,
      %get3A_960 = arith.constant 0 : i32
      %get3A_961 = arith.index_cast %get3A_960 : i32 to index
      %get3A_962 = arith.index_cast %add3A_919 : i32 to index
      %get3A_963 = arith.constant 32 : index
      %get3A_964 = tpu.vector_load %arg9[%get3A_961, %get3A_962, %get3A_963] {strides = array<i32>} : memref<4x64x128xf32, #tpu.memory_space<vmem>>, vector<1x1x16xf32>,
      %get3A_965 = vector.shape_cast %get3A_964 : vector<1x1x16xf32> to vector<16xf32>
      %get3A_966 = arith.constant 0 : i32
      %get3A_967 = arith.index_cast %get3A_966 : i32 to index
      %get3A_968 = arith.index_cast %add3A_919 : i32 to index
      %get3A_969 = arith.constant 32 : index
      %get3A_970 = tpu.vector_load %arg10[%get3A_967, %get3A_968, %get3A_969] {strides = array<i32>} : memref<4x64x128xf32, #tpu.memory_space<vmem>>, vector<1x1x16xf32>,
      %get3A_971 = vector.shape_cast %get3A_970 : vector<1x1x16xf32> to vector<16xf32>
      %mul3A_972 = arith.mulf %get3A_965, %get3A_971 : vector<16xf32>
      %swap3A_973 = arith.constant 0 : i32
      %swap3A_974 = arith.index_cast %swap3A_973 : i32 to index
      %swap3A_975 = arith.index_cast %add3A_919 : i32 to index
      %swap3A_976 = arith.constant 32 : index
      %swap3A_977 = tpu.vector_load %arg11[%swap3A_974, %swap3A_975, %swap3A_976] {strides = array<i32>} : memref<4x64x128xf32, #tpu.memory_space<vmem>>, vector<1x1x16xf32>,
      %swap3A_978 = vector.shape_cast %swap3A_977 : vector<1x1x16xf32> to vector<16xf32>
      %swap3A_979 = vector.shape_cast %mul3A_972 : vector<16xf32> to vector<1x1x16xf32>
      tpu.vector_store %arg11[%swap3A_974, %swap3A_975, %swap3A_976], %swap3A_979 {strides = array<i32>} : memref<4x64x128xf32, #tpu.memory_space<vmem>>, vector<1x1x16xf32>,
      %get3A_980 = arith.constant 0 : i32
      %get3A_981 = arith.index_cast %get3A_980 : i32 to index
      %get3A_982 = arith.index_cast %add3A_919 : i32 to index
      %get3A_983 = arith.constant 48 : index
      %get3A_984 = tpu.vector_load %arg9[%get3A_981, %get3A_982, %get3A_983] {strides = array<i32>} : memref<4x64x128xf32, #tpu.memory_space<vmem>>, vector<1x1x16xf32>,
      %get3A_985 = vector.shape_cast %get3A_984 : vector<1x1x16xf32> to vector<16xf32>
      %get3A_986 = arith.constant 0 : i32
      %get3A_987 = arith.index_cast %get3A_986 : i32 to index
      %get3A_988 = arith.index_cast %add3A_919 : i32 to index
      %get3A_989 = arith.constant 48 : index
      %get3A_990 = tpu.vector_load %arg10[%get3A_987, %get3A_988, %get3A_989] {strides = array<i32>} : memref<4x64x128xf32, #tpu.memory_space<vmem>>, vector<1x1x16xf32>,
      %get3A_991 = vector.shape_cast %get3A_990 : vector<1x1x16xf32> to vector<16xf32>
      %mul3A_992 = arith.mulf %get3A_985, %get3A_991 : vector<16xf32>
      %swap3A_993 = arith.constant 0 : i32
      %swap3A_994 = arith.index_cast %swap3A_993 : i32 to index
      %swap3A_995 = arith.index_cast %add3A_919 : i32 to index
      %swap3A_996 = arith.constant 48 : index
      %swap3A_997 = tpu.vector_load %arg11[%swap3A_994, %swap3A_995, %swap3A_996] {strides = array<i32>} : memref<4x64x128xf32, #tpu.memory_space<vmem>>, vector<1x1x16xf32>,
      %swap3A_998 = vector.shape_cast %swap3A_997 : vector<1x1x16xf32> to vector<16xf32>
      %swap3A_999 = vector.shape_cast %mul3A_992 : vector<16xf32> to vector<1x1x16xf32>
      tpu.vector_store %arg11[%swap3A_994, %swap3A_995, %swap3A_996], %swap3A_999 {strides = array<i32>} : memref<4x64x128xf32, #tpu.memory_space<vmem>>, vector<1x1x16xf32>,
      %get3A_1000 = arith.constant 0 : i32
      %get3A_1001 = arith.index_cast %get3A_1000 : i32 to index
      %get3A_1002 = arith.index_cast %add3A_919 : i32 to index
      %get3A_1003 = arith.constant 64 : index
      %get3A_1004 = tpu.vector_load %arg9[%get3A_1001, %get3A_1002, %get3A_1003] {strides = array<i32>} : memref<4x64x128xf32, #tpu.memory_space<vmem>>, vector<1x1x16xf32>,
      %get3A_1005 = vector.shape_cast %get3A_1004 : vector<1x1x16xf32> to vector<16xf32>
      %get3A_1006 = arith.constant 0 : i32
      %get3A_1007 = arith.index_cast %get3A_1006 : i32 to index
      %get3A_1008 = arith.index_cast %add3A_919 : i32 to index
      %get3A_1009 = arith.constant 64 : index
      %get3A_1010 = tpu.vector_load %arg10[%get3A_1007, %get3A_1008, %get3A_1009] {strides = array<i32>} : memref<4x64x128xf32, #tpu.memory_space<vmem>>, vector<1x1x16xf32>,
      %get3A_1011 = vector.shape_cast %get3A_1010 : vector<1x1x16xf32> to vector<16xf32>
      %mul3A_1012 = arith.mulf %get3A_1005, %get3A_1011 : vector<16xf32>
      %swap3A_1013 = arith.constant 0 : i32
      %swap3A_1014 = arith.index_cast %swap3A_1013 : i32 to index
      %swap3A_1015 = arith.index_cast %add3A_919 : i32 to index
      %swap3A_1016 = arith.constant 64 : index
      %swap3A_1017 = tpu.vector_load %arg11[%swap3A_1014, %swap3A_1015, %swap3A_1016] {strides = array<i32>} : memref<4x64x128xf32, #tpu.memory_space<vmem>>, vector<1x1x16xf32>,
      %swap3A_1018 = vector.shape_cast %swap3A_1017 : vector<1x1x16xf32> to vector<16xf32>
      %swap3A_1019 = vector.shape_cast %mul3A_1012 : vector<16xf32> to vector<1x1x16xf32>
      tpu.vector_store %arg11[%swap3A_1014, %swap3A_1015, %swap3A_1016], %swap3A_1019 {strides = array<i32>} : memref<4x64x128xf32, #tpu.memory_space<vmem>>, vector<1x1x16xf32>,
      %get3A_1020 = arith.constant 0 : i32
      %get3A_1021 = arith.index_cast %get3A_1020 : i32 to index
      %get3A_1022 = arith.index_cast %add3A_919 : i32 to index
      %get3A_1023 = arith.constant 80 : index
      %get3A_1024 = tpu.vector_load %arg9[%get3A_1021, %get3A_1022, %get3A_1023] {strides = array<i32>} : memref<4x64x128xf32, #tpu.memory_space<vmem>>, vector<1x1x16xf32>,
      %get3A_1025 = vector.shape_cast %get3A_1024 : vector<1x1x16xf32> to vector<16xf32>
      %get3A_1026 = arith.constant 0 : i32
      %get3A_1027 = arith.index_cast %get3A_1026 : i32 to index
      %get3A_1028 = arith.index_cast %add3A_919 : i32 to index
      %get3A_1029 = arith.constant 80 : index
      %get3A_1030 = tpu.vector_load %arg10[%get3A_1027, %get3A_1028, %get3A_1029] {strides = array<i32>} : memref<4x64x128xf32, #tpu.memory_space<vmem>>, vector<1x1x16xf32>,
      %get3A_1031 = vector.shape_cast %get3A_1030 : vector<1x1x16xf32> to vector<16xf32>
      %mul3A_1032 = arith.mulf %get3A_1025, %get3A_1031 : vector<16xf32>
      %swap3A_1033 = arith.constant 0 : i32
      %swap3A_1034 = arith.index_cast %swap3A_1033 : i32 to index
      %swap3A_1035 = arith.index_cast %add3A_919 : i32 to index
      %swap3A_1036 = arith.constant 80 : index
      %swap3A_1037 = tpu.vector_load %arg11[%swap3A_1034, %swap3A_1035, %swap3A_1036] {strides = array<i32>} : memref<4x64x128xf32, #tpu.memory_space<vmem>>, vector<1x1x16xf32>,
      %swap3A_1038 = vector.shape_cast %swap3A_1037 : vector<1x1x16xf32> to vector<16xf32>
      %swap3A_1039 = vector.shape_cast %mul3A_1032 : vector<16xf32> to vector<1x1x16xf32>
      tpu.vector_store %arg11[%swap3A_1034, %swap3A_1035, %swap3A_1036], %swap3A_1039 {strides = array<i32>} : memref<4x64x128xf32, #tpu.memory_space<vmem>>, vector<1x1x16xf32>,
      %get3A_1040 = arith.constant 0 : i32
      %get3A_1041 = arith.index_cast %get3A_1040 : i32 to index
      %get3A_1042 = arith.index_cast %add3A_919 : i32 to index
      %get3A_1043 = arith.constant 96 : index
      %get3A_1044 = tpu.vector_load %arg9[%get3A_1041, %get3A_1042, %get3A_1043] {strides = array<i32>} : memref<4x64x128xf32, #tpu.memory_space<vmem>>, vector<1x1x16xf32>,
      %get3A_1045 = vector.shape_cast %get3A_1044 : vector<1x1x16xf32> to vector<16xf32>
      %get3A_1046 = arith.constant 0 : i32
      %get3A_1047 = arith.index_cast %get3A_1046 : i32 to index
      %get3A_1048 = arith.index_cast %add3A_919 : i32 to index
      %get3A_1049 = arith.constant 96 : index
      %get3A_1050 = tpu.vector_load %arg10[%get3A_1047, %get3A_1048, %get3A_1049] {strides = array<i32>} : memref<4x64x128xf32, #tpu.memory_space<vmem>>, vector<1x1x16xf32>,
      %get3A_1051 = vector.shape_cast %get3A_1050 : vector<1x1x16xf32> to vector<16xf32>
      %mul3A_1052 = arith.mulf %get3A_1045, %get3A_1051 : vector<16xf32>
      %swap3A_1053 = arith.constant 0 : i32
      %swap3A_1054 = arith.index_cast %swap3A_1053 : i32 to index
      %swap3A_1055 = arith.index_cast %add3A_919 : i32 to index
      %swap3A_1056 = arith.constant 96 : index
      %swap3A_1057 = tpu.vector_load %arg11[%swap3A_1054, %swap3A_1055, %swap3A_1056] {strides = array<i32>} : memref<4x64x128xf32, #tpu.memory_space<vmem>>, vector<1x1x16xf32>,
      %swap3A_1058 = vector.shape_cast %swap3A_1057 : vector<1x1x16xf32> to vector<16xf32>
      %swap3A_1059 = vector.shape_cast %mul3A_1052 : vector<16xf32> to vector<1x1x16xf32>
      tpu.vector_store %arg11[%swap3A_1054, %swap3A_1055, %swap3A_1056], %swap3A_1059 {strides = array<i32>} : memref<4x64x128xf32, #tpu.memory_space<vmem>>, vector<1x1x16xf32>,
      %get3A_1060 = arith.constant 0 : i32
      %get3A_1061 = arith.index_cast %get3A_1060 : i32 to index
      %get3A_1062 = arith.index_cast %add3A_919 : i32 to index
      %get3A_1063 = arith.constant 112 : index
      %get3A_1064 = tpu.vector_load %arg9[%get3A_1061, %get3A_1062, %get3A_1063] {strides = array<i32>} : memref<4x64x128xf32, #tpu.memory_space<vmem>>, vector<1x1x16xf32>,
      %get3A_1065 = vector.shape_cast %get3A_1064 : vector<1x1x16xf32> to vector<16xf32>
      %get3A_1066 = arith.constant 0 : i32
      %get3A_1067 = arith.index_cast %get3A_1066 : i32 to index
      %get3A_1068 = arith.index_cast %add3A_919 : i32 to index
      %get3A_1069 = arith.constant 112 : index
      %get3A_1070 = tpu.vector_load %arg10[%get3A_1067, %get3A_1068, %get3A_1069] {strides = array<i32>} : memref<4x64x128xf32, #tpu.memory_space<vmem>>, vector<1x1x16xf32>,
      %get3A_1071 = vector.shape_cast %get3A_1070 : vector<1x1x16xf32> to vector<16xf32>
      %mul3A_1072 = arith.mulf %get3A_1065, %get3A_1071 : vector<16xf32>
      %swap3A_1073 = arith.constant 0 : i32
      %swap3A_1074 = arith.index_cast %swap3A_1073 : i32 to index
      %swap3A_1075 = arith.index_cast %add3A_919 : i32 to index
      %swap3A_1076 = arith.constant 112 : index
      %swap3A_1077 = tpu.vector_load %arg11[%swap3A_1074, %swap3A_1075, %swap3A_1076] {strides = array<i32>} : memref<4x64x128xf32, #tpu.memory_space<vmem>>, vector<1x1x16xf32>,
      %swap3A_1078 = vector.shape_cast %swap3A_1077 : vector<1x1x16xf32> to vector<16xf32>
      %swap3A_1079 = vector.shape_cast %mul3A_1072 : vector<16xf32> to vector<1x1x16xf32>
      tpu.vector_store %arg11[%swap3A_1074, %swap3A_1075, %swap3A_1076], %swap3A_1079 {strides = array<i32>} : memref<4x64x128xf32, #tpu.memory_space<vmem>>, vector<1x1x16xf32>,
      %scan3A_1080 = arith.constant 0 : i32
      scf.yield %scan3A_1080 : i32
    }
    %scan3A_144 = arith.constant 32 : i32
    %dma_start3A_145 = arith.constant 0 : i32
    %dma_start3A_146 = arith.constant 0 : i32
    %dma_start3A_147 = arith.constant 0 : i32
    %dma_start3A_148 = arith.constant 0 : i32
    %dma_start3A_149 = tpu.memref_slice %arg9[%dma_start3A_145, %dma_start3A_147, %dma_start3A_148] : memref<4x64x128xf32, #tpu.memory_space<vmem>> -> memref<1x64x128xf32, #tpu.memory_space<vmem>>
    %dma_start3A_150 = tpu.memref_squeeze %dma_start3A_149 : memref<1x64x128xf32, #tpu.memory_space<vmem>> -> memref<64x128xf32, #tpu.memory_space<vmem>>
    %dma_start3A_151 = arith.constant 256 : i32
    %dma_start3A_152 = tpu.memref_slice %arg7[%dma_start3A_151] : memref<512xi32, #tpu.memory_space<vmem>> -> memref<64xi32, #tpu.memory_space<vmem>>
    %dma_start3A_153 = arith.constant 0 : i32
    %dma_start3A_154 = arith.constant 0 : i32
    %dma_start3A_155 = tpu.memref_slice %arg4[%dma_start3A_153, %dma_start3A_154] : memref<1000000x128xf32, #tpu.memory_space<hbm>> -> memref<1000000x128xf32, #tpu.memory_space<hbm>>
    %dma_start3A_156 = tpu.memref_slice %arg12[%dma_start3A_146] : memref<4x!tpu.dma_semaphore, #tpu.memory_space<semaphore_mem>> -> memref<1x!tpu.dma_semaphore, #tpu.memory_space<semaphore_mem>>
    %dma_start3A_157 = tpu.memref_squeeze %dma_start3A_156 : memref<1x!tpu.dma_semaphore, #tpu.memory_space<semaphore_mem>> -> memref<!tpu.dma_semaphore, #tpu.memory_space<semaphore_mem>>
    tpu.enqueue_indirect_dma source(%dma_start3A_155 : memref<1000000x128xf32, #tpu.memory_space<hbm>>) target(%dma_start3A_150 : memref<64x128xf32, #tpu.memory_space<vmem>>) offsets(%dma_start3A_152 : memref<64xi32, #tpu.memory_space<vmem>>) semaphore(%dma_start3A_157 : memref<!tpu.dma_semaphore, #tpu.memory_space<semaphore_mem>>)
    %dma_start3A_158 = arith.constant 0 : i32
    %dma_start3A_159 = arith.constant 0 : i32
    %dma_start3A_160 = arith.constant 0 : i32
    %dma_start3A_161 = arith.constant 0 : i32
    %dma_start3A_162 = tpu.memref_slice %arg10[%dma_start3A_158, %dma_start3A_160, %dma_start3A_161] : memref<4x64x128xf32, #tpu.memory_space<vmem>> -> memref<1x64x128xf32, #tpu.memory_space<vmem>>
    %dma_start3A_163 = tpu.memref_squeeze %dma_start3A_162 : memref<1x64x128xf32, #tpu.memory_space<vmem>> -> memref<64x128xf32, #tpu.memory_space<vmem>>
    %dma_start3A_164 = arith.constant 256 : i32
    %dma_start3A_165 = tpu.memref_slice %arg8[%dma_start3A_164] : memref<512xi32, #tpu.memory_space<vmem>> -> memref<64xi32, #tpu.memory_space<vmem>>
    %dma_start3A_166 = arith.constant 0 : i32
    %dma_start3A_167 = arith.constant 0 : i32
    %dma_start3A_168 = tpu.memref_slice %arg5[%dma_start3A_166, %dma_start3A_167] : memref<1000000x128xf32, #tpu.memory_space<hbm>> -> memref<1000000x128xf32, #tpu.memory_space<hbm>>
    %dma_start3A_169 = tpu.memref_slice %arg13[%dma_start3A_159] : memref<4x!tpu.dma_semaphore, #tpu.memory_space<semaphore_mem>> -> memref<1x!tpu.dma_semaphore, #tpu.memory_space<semaphore_mem>>
    %dma_start3A_170 = tpu.memref_squeeze %dma_start3A_169 : memref<1x!tpu.dma_semaphore, #tpu.memory_space<semaphore_mem>> -> memref<!tpu.dma_semaphore, #tpu.memory_space<semaphore_mem>>
    tpu.enqueue_indirect_dma source(%dma_start3A_168 : memref<1000000x128xf32, #tpu.memory_space<hbm>>) target(%dma_start3A_163 : memref<64x128xf32, #tpu.memory_space<vmem>>) offsets(%dma_start3A_165 : memref<64xi32, #tpu.memory_space<vmem>>) semaphore(%dma_start3A_170 : memref<!tpu.dma_semaphore, #tpu.memory_space<semaphore_mem>>)
    %add3A_171 = arith.constant 0 : i32
    %add3A_172 = arith.addi %mul3A_2, %add3A_171 : i32
    %dma_start3A_173 = arith.constant 0 : i32
    %dma_start3A_174 = arith.constant 0 : i32
    %dma_start3A_175 = arith.constant 0 : i32
    %dma_start3A_176 = arith.constant 0 : i32
    %dma_start3A_177 = tpu.memref_slice %arg11[%dma_start3A_173, %dma_start3A_175, %dma_start3A_176] : memref<4x64x128xf32, #tpu.memory_space<vmem>> -> memref<1x64x128xf32, #tpu.memory_space<vmem>>
    %dma_start3A_178 = tpu.memref_squeeze %dma_start3A_177 : memref<1x64x128xf32, #tpu.memory_space<vmem>> -> memref<64x128xf32, #tpu.memory_space<vmem>>
    %dma_start3A_179 = arith.constant 0 : i32
    %dma_start3A_180 = tpu.memref_slice %arg6[%add3A_172, %dma_start3A_179] : memref<16384x128xf32, #tpu.memory_space<hbm>> -> memref<64x128xf32, #tpu.memory_space<hbm>>
    %dma_start3A_181 = tpu.memref_slice %arg14[%dma_start3A_174] : memref<4x!tpu.dma_semaphore, #tpu.memory_space<semaphore_mem>> -> memref<1x!tpu.dma_semaphore, #tpu.memory_space<semaphore_mem>>
    %dma_start3A_182 = tpu.memref_squeeze %dma_start3A_181 : memref<1x!tpu.dma_semaphore, #tpu.memory_space<semaphore_mem>> -> memref<!tpu.dma_semaphore, #tpu.memory_space<semaphore_mem>>
    %dma_start3A_183 = arith.constant 0 : i32
    %dma_start3A_184 = tpu.memref_slice %arg6[%add3A_172, %dma_start3A_183] : memref<16384x128xf32, #tpu.memory_space<hbm>> -> memref<64x128xf32, #tpu.memory_space<hbm>>
    %dma_start3A_185 = arith.constant 0 : i32
    %dma_start3A_186 = arith.constant 0 : i32
    %dma_start3A_187 = tpu.memref_slice %arg11[%dma_start3A_173, %dma_start3A_185, %dma_start3A_186] : memref<4x64x128xf32, #tpu.memory_space<vmem>> -> memref<1x64x128xf32, #tpu.memory_space<vmem>>
    %dma_start3A_188 = tpu.memref_squeeze %dma_start3A_187 : memref<1x64x128xf32, #tpu.memory_space<vmem>> -> memref<64x128xf32, #tpu.memory_space<vmem>>
    tpu.enqueue_dma source(%dma_start3A_188 : memref<64x128xf32, #tpu.memory_space<vmem>>) target(%dma_start3A_184 : memref<64x128xf32, #tpu.memory_space<hbm>>) target_semaphore(%dma_start3A_182 : memref<!tpu.dma_semaphore, #tpu.memory_space<semaphore_mem>>)
    %dma_wait3A_189 = arith.constant 1 : i32
    %dma_wait3A_190 = arith.constant 1 : i32
    %dma_wait3A_191 = arith.constant 0 : i32
    %dma_wait3A_192 = arith.constant 0 : i32
    %dma_wait3A_193 = tpu.memref_slice %arg9[%dma_wait3A_189, %dma_wait3A_191, %dma_wait3A_192] : memref<4x64x128xf32, #tpu.memory_space<vmem>> -> memref<1x64x128xf32, #tpu.memory_space<vmem>>
    %dma_wait3A_194 = tpu.memref_squeeze %dma_wait3A_193 : memref<1x64x128xf32, #tpu.memory_space<vmem>> -> memref<64x128xf32, #tpu.memory_space<vmem>>
    %dma_wait3A_195 = arith.constant 64 : i32
    %dma_wait3A_196 = tpu.memref_slice %arg7[%dma_wait3A_195] : memref<512xi32, #tpu.memory_space<vmem>> -> memref<64xi32, #tpu.memory_space<vmem>>
    %dma_wait3A_197 = arith.constant 0 : i32
    %dma_wait3A_198 = arith.constant 0 : i32
    %dma_wait3A_199 = tpu.memref_slice %arg4[%dma_wait3A_197, %dma_wait3A_198] : memref<1000000x128xf32, #tpu.memory_space<hbm>> -> memref<1000000x128xf32, #tpu.memory_space<hbm>>
    %dma_wait3A_200 = tpu.memref_slice %arg12[%dma_wait3A_190] : memref<4x!tpu.dma_semaphore, #tpu.memory_space<semaphore_mem>> -> memref<1x!tpu.dma_semaphore, #tpu.memory_space<semaphore_mem>>
    %dma_wait3A_201 = tpu.memref_squeeze %dma_wait3A_200 : memref<1x!tpu.dma_semaphore, #tpu.memory_space<semaphore_mem>> -> memref<!tpu.dma_semaphore, #tpu.memory_space<semaphore_mem>>
    tpu.wait_indirect_dma semaphore(%dma_wait3A_201 : memref<!tpu.dma_semaphore, #tpu.memory_space<semaphore_mem>>) src(%dma_wait3A_199 : memref<1000000x128xf32, #tpu.memory_space<hbm>>) dst(%dma_wait3A_194 : memref<64x128xf32, #tpu.memory_space<vmem>>)
    %dma_wait3A_202 = arith.constant 1 : i32
    %dma_wait3A_203 = arith.constant 1 : i32
    %dma_wait3A_204 = arith.constant 0 : i32
    %dma_wait3A_205 = arith.constant 0 : i32
    %dma_wait3A_206 = tpu.memref_slice %arg10[%dma_wait3A_202, %dma_wait3A_204, %dma_wait3A_205] : memref<4x64x128xf32, #tpu.memory_space<vmem>> -> memref<1x64x128xf32, #tpu.memory_space<vmem>>
    %dma_wait3A_207 = tpu.memref_squeeze %dma_wait3A_206 : memref<1x64x128xf32, #tpu.memory_space<vmem>> -> memref<64x128xf32, #tpu.memory_space<vmem>>
    %dma_wait3A_208 = arith.constant 64 : i32
    %dma_wait3A_209 = tpu.memref_slice %arg8[%dma_wait3A_208] : memref<512xi32, #tpu.memory_space<vmem>> -> memref<64xi32, #tpu.memory_space<vmem>>
    %dma_wait3A_210 = arith.constant 0 : i32
    %dma_wait3A_211 = arith.constant 0 : i32
    %dma_wait3A_212 = tpu.memref_slice %arg5[%dma_wait3A_210, %dma_wait3A_211] : memref<1000000x128xf32, #tpu.memory_space<hbm>> -> memref<1000000x128xf32, #tpu.memory_space<hbm>>
    %dma_wait3A_213 = tpu.memref_slice %arg13[%dma_wait3A_203] : memref<4x!tpu.dma_semaphore, #tpu.memory_space<semaphore_mem>> -> memref<1x!tpu.dma_semaphore, #tpu.memory_space<semaphore_mem>>
    %dma_wait3A_214 = tpu.memref_squeeze %dma_wait3A_213 : memref<1x!tpu.dma_semaphore, #tpu.memory_space<semaphore_mem>> -> memref<!tpu.dma_semaphore, #tpu.memory_space<semaphore_mem>>
    tpu.wait_indirect_dma semaphore(%dma_wait3A_214 : memref<!tpu.dma_semaphore, #tpu.memory_space<semaphore_mem>>) src(%dma_wait3A_212 : memref<1000000x128xf32, #tpu.memory_space<hbm>>) dst(%dma_wait3A_207 : memref<64x128xf32, #tpu.memory_space<vmem>>)
    %scan3A_215 = arith.constant 0 : i32
    %scan3A_216 = arith.constant 0 : i32
    %scan3A_217 = arith.constant 32 : i32
    %scan3A_218 = arith.addi %scan3A_216, %scan3A_217 : i32
    %scan3A_219 = arith.constant 1 : i32
    %scan3A_220 = scf.for %scan3A_752 = %scan3A_216 to %scan3A_218 step %scan3A_219 iter_args(%scan3A_753 = %scan3A_215) -> (i32)  : i32 {
      %mul3A_754 = arith.constant 2 : i32
      %mul3A_755 = arith.muli %scan3A_752, %mul3A_754 : i32
      %add3A_756 = arith.constant 0 : i32
      %add3A_757 = arith.addi %mul3A_755, %add3A_756 : i32
      %get3A = arith.constant 1 : i32
      %get3A_758 = arith.index_cast %get3A : i32 to index
      %get3A_759 = arith.index_cast %add3A_757 : i32 to index
      %get3A_760 = arith.constant 0 : index
      %get3A_761 = tpu.vector_load %arg9[%get3A_758, %get3A_759, %get3A_760] {strides = array<i32>} : memref<4x64x128xf32, #tpu.memory_space<vmem>>, vector<1x1x16xf32>,
      %get3A_762 = vector.shape_cast %get3A_761 : vector<1x1x16xf32> to vector<16xf32>
      %get3A_763 = arith.constant 1 : i32
      %get3A_764 = arith.index_cast %get3A_763 : i32 to index
      %get3A_765 = arith.index_cast %add3A_757 : i32 to index
      %get3A_766 = arith.constant 0 : index
      %get3A_767 = tpu.vector_load %arg10[%get3A_764, %get3A_765, %get3A_766] {strides = array<i32>} : memref<4x64x128xf32, #tpu.memory_space<vmem>>, vector<1x1x16xf32>,
      %get3A_768 = vector.shape_cast %get3A_767 : vector<1x1x16xf32> to vector<16xf32>
      %mul3A_769 = arith.mulf %get3A_762, %get3A_768 : vector<16xf32>
      %swap3A = arith.constant 1 : i32
      %swap3A_770 = arith.index_cast %swap3A : i32 to index
      %swap3A_771 = arith.index_cast %add3A_757 : i32 to index
      %swap3A_772 = arith.constant 0 : index
      %swap3A_773 = tpu.vector_load %arg11[%swap3A_770, %swap3A_771, %swap3A_772] {strides = array<i32>} : memref<4x64x128xf32, #tpu.memory_space<vmem>>, vector<1x1x16xf32>,
      %swap3A_774 = vector.shape_cast %swap3A_773 : vector<1x1x16xf32> to vector<16xf32>
      %swap3A_775 = vector.shape_cast %mul3A_769 : vector<16xf32> to vector<1x1x16xf32>
      tpu.vector_store %arg11[%swap3A_770, %swap3A_771, %swap3A_772], %swap3A_775 {strides = array<i32>} : memref<4x64x128xf32, #tpu.memory_space<vmem>>, vector<1x1x16xf32>,
      %get3A_776 = arith.constant 1 : i32
      %get3A_777 = arith.index_cast %get3A_776 : i32 to index
      %get3A_778 = arith.index_cast %add3A_757 : i32 to index
      %get3A_779 = arith.constant 16 : index
      %get3A_780 = tpu.vector_load %arg9[%get3A_777, %get3A_778, %get3A_779] {strides = array<i32>} : memref<4x64x128xf32, #tpu.memory_space<vmem>>, vector<1x1x16xf32>,
      %get3A_781 = vector.shape_cast %get3A_780 : vector<1x1x16xf32> to vector<16xf32>
      %get3A_782 = arith.constant 1 : i32
      %get3A_783 = arith.index_cast %get3A_782 : i32 to index
      %get3A_784 = arith.index_cast %add3A_757 : i32 to index
      %get3A_785 = arith.constant 16 : index
      %get3A_786 = tpu.vector_load %arg10[%get3A_783, %get3A_784, %get3A_785] {strides = array<i32>} : memref<4x64x128xf32, #tpu.memory_space<vmem>>, vector<1x1x16xf32>,
      %get3A_787 = vector.shape_cast %get3A_786 : vector<1x1x16xf32> to vector<16xf32>
      %mul3A_788 = arith.mulf %get3A_781, %get3A_787 : vector<16xf32>
      %swap3A_789 = arith.constant 1 : i32
      %swap3A_790 = arith.index_cast %swap3A_789 : i32 to index
      %swap3A_791 = arith.index_cast %add3A_757 : i32 to index
      %swap3A_792 = arith.constant 16 : index
      %swap3A_793 = tpu.vector_load %arg11[%swap3A_790, %swap3A_791, %swap3A_792] {strides = array<i32>} : memref<4x64x128xf32, #tpu.memory_space<vmem>>, vector<1x1x16xf32>,
      %swap3A_794 = vector.shape_cast %swap3A_793 : vector<1x1x16xf32> to vector<16xf32>
      %swap3A_795 = vector.shape_cast %mul3A_788 : vector<16xf32> to vector<1x1x16xf32>
      tpu.vector_store %arg11[%swap3A_790, %swap3A_791, %swap3A_792], %swap3A_795 {strides = array<i32>} : memref<4x64x128xf32, #tpu.memory_space<vmem>>, vector<1x1x16xf32>,
      %get3A_796 = arith.constant 1 : i32
      %get3A_797 = arith.index_cast %get3A_796 : i32 to index
      %get3A_798 = arith.index_cast %add3A_757 : i32 to index
      %get3A_799 = arith.constant 32 : index
      %get3A_800 = tpu.vector_load %arg9[%get3A_797, %get3A_798, %get3A_799] {strides = array<i32>} : memref<4x64x128xf32, #tpu.memory_space<vmem>>, vector<1x1x16xf32>,
      %get3A_801 = vector.shape_cast %get3A_800 : vector<1x1x16xf32> to vector<16xf32>
      %get3A_802 = arith.constant 1 : i32
      %get3A_803 = arith.index_cast %get3A_802 : i32 to index
      %get3A_804 = arith.index_cast %add3A_757 : i32 to index
      %get3A_805 = arith.constant 32 : index
      %get3A_806 = tpu.vector_load %arg10[%get3A_803, %get3A_804, %get3A_805] {strides = array<i32>} : memref<4x64x128xf32, #tpu.memory_space<vmem>>, vector<1x1x16xf32>,
      %get3A_807 = vector.shape_cast %get3A_806 : vector<1x1x16xf32> to vector<16xf32>
      %mul3A_808 = arith.mulf %get3A_801, %get3A_807 : vector<16xf32>
      %swap3A_809 = arith.constant 1 : i32
      %swap3A_810 = arith.index_cast %swap3A_809 : i32 to index
      %swap3A_811 = arith.index_cast %add3A_757 : i32 to index
      %swap3A_812 = arith.constant 32 : index
      %swap3A_813 = tpu.vector_load %arg11[%swap3A_810, %swap3A_811, %swap3A_812] {strides = array<i32>} : memref<4x64x128xf32, #tpu.memory_space<vmem>>, vector<1x1x16xf32>,
      %swap3A_814 = vector.shape_cast %swap3A_813 : vector<1x1x16xf32> to vector<16xf32>
      %swap3A_815 = vector.shape_cast %mul3A_808 : vector<16xf32> to vector<1x1x16xf32>
      tpu.vector_store %arg11[%swap3A_810, %swap3A_811, %swap3A_812], %swap3A_815 {strides = array<i32>} : memref<4x64x128xf32, #tpu.memory_space<vmem>>, vector<1x1x16xf32>,
      %get3A_816 = arith.constant 1 : i32
      %get3A_817 = arith.index_cast %get3A_816 : i32 to index
      %get3A_818 = arith.index_cast %add3A_757 : i32 to index
      %get3A_819 = arith.constant 48 : index
      %get3A_820 = tpu.vector_load %arg9[%get3A_817, %get3A_818, %get3A_819] {strides = array<i32>} : memref<4x64x128xf32, #tpu.memory_space<vmem>>, vector<1x1x16xf32>,
      %get3A_821 = vector.shape_cast %get3A_820 : vector<1x1x16xf32> to vector<16xf32>
      %get3A_822 = arith.constant 1 : i32
      %get3A_823 = arith.index_cast %get3A_822 : i32 to index
      %get3A_824 = arith.index_cast %add3A_757 : i32 to index
      %get3A_825 = arith.constant 48 : index
      %get3A_826 = tpu.vector_load %arg10[%get3A_823, %get3A_824, %get3A_825] {strides = array<i32>} : memref<4x64x128xf32, #tpu.memory_space<vmem>>, vector<1x1x16xf32>,
      %get3A_827 = vector.shape_cast %get3A_826 : vector<1x1x16xf32> to vector<16xf32>
      %mul3A_828 = arith.mulf %get3A_821, %get3A_827 : vector<16xf32>
      %swap3A_829 = arith.constant 1 : i32
      %swap3A_830 = arith.index_cast %swap3A_829 : i32 to index
      %swap3A_831 = arith.index_cast %add3A_757 : i32 to index
      %swap3A_832 = arith.constant 48 : index
      %swap3A_833 = tpu.vector_load %arg11[%swap3A_830, %swap3A_831, %swap3A_832] {strides = array<i32>} : memref<4x64x128xf32, #tpu.memory_space<vmem>>, vector<1x1x16xf32>,
      %swap3A_834 = vector.shape_cast %swap3A_833 : vector<1x1x16xf32> to vector<16xf32>
      %swap3A_835 = vector.shape_cast %mul3A_828 : vector<16xf32> to vector<1x1x16xf32>
      tpu.vector_store %arg11[%swap3A_830, %swap3A_831, %swap3A_832], %swap3A_835 {strides = array<i32>} : memref<4x64x128xf32, #tpu.memory_space<vmem>>, vector<1x1x16xf32>,
      %get3A_836 = arith.constant 1 : i32
      %get3A_837 = arith.index_cast %get3A_836 : i32 to index
      %get3A_838 = arith.index_cast %add3A_757 : i32 to index
      %get3A_839 = arith.constant 64 : index
      %get3A_840 = tpu.vector_load %arg9[%get3A_837, %get3A_838, %get3A_839] {strides = array<i32>} : memref<4x64x128xf32, #tpu.memory_space<vmem>>, vector<1x1x16xf32>,
      %get3A_841 = vector.shape_cast %get3A_840 : vector<1x1x16xf32> to vector<16xf32>
      %get3A_842 = arith.constant 1 : i32
      %get3A_843 = arith.index_cast %get3A_842 : i32 to index
      %get3A_844 = arith.index_cast %add3A_757 : i32 to index
      %get3A_845 = arith.constant 64 : index
      %get3A_846 = tpu.vector_load %arg10[%get3A_843, %get3A_844, %get3A_845] {strides = array<i32>} : memref<4x64x128xf32, #tpu.memory_space<vmem>>, vector<1x1x16xf32>,
      %get3A_847 = vector.shape_cast %get3A_846 : vector<1x1x16xf32> to vector<16xf32>
      %mul3A_848 = arith.mulf %get3A_841, %get3A_847 : vector<16xf32>
      %swap3A_849 = arith.constant 1 : i32
      %swap3A_850 = arith.index_cast %swap3A_849 : i32 to index
      %swap3A_851 = arith.index_cast %add3A_757 : i32 to index
      %swap3A_852 = arith.constant 64 : index
      %swap3A_853 = tpu.vector_load %arg11[%swap3A_850, %swap3A_851, %swap3A_852] {strides = array<i32>} : memref<4x64x128xf32, #tpu.memory_space<vmem>>, vector<1x1x16xf32>,
      %swap3A_854 = vector.shape_cast %swap3A_853 : vector<1x1x16xf32> to vector<16xf32>
      %swap3A_855 = vector.shape_cast %mul3A_848 : vector<16xf32> to vector<1x1x16xf32>
      tpu.vector_store %arg11[%swap3A_850, %swap3A_851, %swap3A_852], %swap3A_855 {strides = array<i32>} : memref<4x64x128xf32, #tpu.memory_space<vmem>>, vector<1x1x16xf32>,
      %get3A_856 = arith.constant 1 : i32
      %get3A_857 = arith.index_cast %get3A_856 : i32 to index
      %get3A_858 = arith.index_cast %add3A_757 : i32 to index
      %get3A_859 = arith.constant 80 : index
      %get3A_860 = tpu.vector_load %arg9[%get3A_857, %get3A_858, %get3A_859] {strides = array<i32>} : memref<4x64x128xf32, #tpu.memory_space<vmem>>, vector<1x1x16xf32>,
      %get3A_861 = vector.shape_cast %get3A_860 : vector<1x1x16xf32> to vector<16xf32>
      %get3A_862 = arith.constant 1 : i32
      %get3A_863 = arith.index_cast %get3A_862 : i32 to index
      %get3A_864 = arith.index_cast %add3A_757 : i32 to index
      %get3A_865 = arith.constant 80 : index
      %get3A_866 = tpu.vector_load %arg10[%get3A_863, %get3A_864, %get3A_865] {strides = array<i32>} : memref<4x64x128xf32, #tpu.memory_space<vmem>>, vector<1x1x16xf32>,
      %get3A_867 = vector.shape_cast %get3A_866 : vector<1x1x16xf32> to vector<16xf32>
      %mul3A_868 = arith.mulf %get3A_861, %get3A_867 : vector<16xf32>
      %swap3A_869 = arith.constant 1 : i32
      %swap3A_870 = arith.index_cast %swap3A_869 : i32 to index
      %swap3A_871 = arith.index_cast %add3A_757 : i32 to index
      %swap3A_872 = arith.constant 80 : index
      %swap3A_873 = tpu.vector_load %arg11[%swap3A_870, %swap3A_871, %swap3A_872] {strides = array<i32>} : memref<4x64x128xf32, #tpu.memory_space<vmem>>, vector<1x1x16xf32>,
      %swap3A_874 = vector.shape_cast %swap3A_873 : vector<1x1x16xf32> to vector<16xf32>
      %swap3A_875 = vector.shape_cast %mul3A_868 : vector<16xf32> to vector<1x1x16xf32>
      tpu.vector_store %arg11[%swap3A_870, %swap3A_871, %swap3A_872], %swap3A_875 {strides = array<i32>} : memref<4x64x128xf32, #tpu.memory_space<vmem>>, vector<1x1x16xf32>,
      %get3A_876 = arith.constant 1 : i32
      %get3A_877 = arith.index_cast %get3A_876 : i32 to index
      %get3A_878 = arith.index_cast %add3A_757 : i32 to index
      %get3A_879 = arith.constant 96 : index
      %get3A_880 = tpu.vector_load %arg9[%get3A_877, %get3A_878, %get3A_879] {strides = array<i32>} : memref<4x64x128xf32, #tpu.memory_space<vmem>>, vector<1x1x16xf32>,
      %get3A_881 = vector.shape_cast %get3A_880 : vector<1x1x16xf32> to vector<16xf32>
      %get3A_882 = arith.constant 1 : i32
      %get3A_883 = arith.index_cast %get3A_882 : i32 to index
      %get3A_884 = arith.index_cast %add3A_757 : i32 to index
      %get3A_885 = arith.constant 96 : index
      %get3A_886 = tpu.vector_load %arg10[%get3A_883, %get3A_884, %get3A_885] {strides = array<i32>} : memref<4x64x128xf32, #tpu.memory_space<vmem>>, vector<1x1x16xf32>,
      %get3A_887 = vector.shape_cast %get3A_886 : vector<1x1x16xf32> to vector<16xf32>
      %mul3A_888 = arith.mulf %get3A_881, %get3A_887 : vector<16xf32>
      %swap3A_889 = arith.constant 1 : i32
      %swap3A_890 = arith.index_cast %swap3A_889 : i32 to index
      %swap3A_891 = arith.index_cast %add3A_757 : i32 to index
      %swap3A_892 = arith.constant 96 : index
      %swap3A_893 = tpu.vector_load %arg11[%swap3A_890, %swap3A_891, %swap3A_892] {strides = array<i32>} : memref<4x64x128xf32, #tpu.memory_space<vmem>>, vector<1x1x16xf32>,
      %swap3A_894 = vector.shape_cast %swap3A_893 : vector<1x1x16xf32> to vector<16xf32>
      %swap3A_895 = vector.shape_cast %mul3A_888 : vector<16xf32> to vector<1x1x16xf32>
      tpu.vector_store %arg11[%swap3A_890, %swap3A_891, %swap3A_892], %swap3A_895 {strides = array<i32>} : memref<4x64x128xf32, #tpu.memory_space<vmem>>, vector<1x1x16xf32>,
      %get3A_896 = arith.constant 1 : i32
      %get3A_897 = arith.index_cast %get3A_896 : i32 to index
      %get3A_898 = arith.index_cast %add3A_757 : i32 to index
      %get3A_899 = arith.constant 112 : index
      %get3A_900 = tpu.vector_load %arg9[%get3A_897, %get3A_898, %get3A_899] {strides = array<i32>} : memref<4x64x128xf32, #tpu.memory_space<vmem>>, vector<1x1x16xf32>,
      %get3A_901 = vector.shape_cast %get3A_900 : vector<1x1x16xf32> to vector<16xf32>
      %get3A_902 = arith.constant 1 : i32
      %get3A_903 = arith.index_cast %get3A_902 : i32 to index
      %get3A_904 = arith.index_cast %add3A_757 : i32 to index
      %get3A_905 = arith.constant 112 : index
      %get3A_906 = tpu.vector_load %arg10[%get3A_903, %get3A_904, %get3A_905] {strides = array<i32>} : memref<4x64x128xf32, #tpu.memory_space<vmem>>, vector<1x1x16xf32>,
      %get3A_907 = vector.shape_cast %get3A_906 : vector<1x1x16xf32> to vector<16xf32>
      %mul3A_908 = arith.mulf %get3A_901, %get3A_907 : vector<16xf32>
      %swap3A_909 = arith.constant 1 : i32
      %swap3A_910 = arith.index_cast %swap3A_909 : i32 to index
      %swap3A_911 = arith.index_cast %add3A_757 : i32 to index
      %swap3A_912 = arith.constant 112 : index
      %swap3A_913 = tpu.vector_load %arg11[%swap3A_910, %swap3A_911, %swap3A_912] {strides = array<i32>} : memref<4x64x128xf32, #tpu.memory_space<vmem>>, vector<1x1x16xf32>,
      %swap3A_914 = vector.shape_cast %swap3A_913 : vector<1x1x16xf32> to vector<16xf32>
      %swap3A_915 = vector.shape_cast %mul3A_908 : vector<16xf32> to vector<1x1x16xf32>
      tpu.vector_store %arg11[%swap3A_910, %swap3A_911, %swap3A_912], %swap3A_915 {strides = array<i32>} : memref<4x64x128xf32, #tpu.memory_space<vmem>>, vector<1x1x16xf32>,
      %mul3A_916 = arith.constant 2 : i32
      %mul3A_917 = arith.muli %scan3A_752, %mul3A_916 : i32
      %add3A_918 = arith.constant 1 : i32
      %add3A_919 = arith.addi %mul3A_917, %add3A_918 : i32
      %get3A_920 = arith.constant 1 : i32
      %get3A_921 = arith.index_cast %get3A_920 : i32 to index
      %get3A_922 = arith.index_cast %add3A_919 : i32 to index
      %get3A_923 = arith.constant 0 : index
      %get3A_924 = tpu.vector_load %arg9[%get3A_921, %get3A_922, %get3A_923] {strides = array<i32>} : memref<4x64x128xf32, #tpu.memory_space<vmem>>, vector<1x1x16xf32>,
      %get3A_925 = vector.shape_cast %get3A_924 : vector<1x1x16xf32> to vector<16xf32>
      %get3A_926 = arith.constant 1 : i32
      %get3A_927 = arith.index_cast %get3A_926 : i32 to index
      %get3A_928 = arith.index_cast %add3A_919 : i32 to index
      %get3A_929 = arith.constant 0 : index
      %get3A_930 = tpu.vector_load %arg10[%get3A_927, %get3A_928, %get3A_929] {strides = array<i32>} : memref<4x64x128xf32, #tpu.memory_space<vmem>>, vector<1x1x16xf32>,
      %get3A_931 = vector.shape_cast %get3A_930 : vector<1x1x16xf32> to vector<16xf32>
      %mul3A_932 = arith.mulf %get3A_925, %get3A_931 : vector<16xf32>
      %swap3A_933 = arith.constant 1 : i32
      %swap3A_934 = arith.index_cast %swap3A_933 : i32 to index
      %swap3A_935 = arith.index_cast %add3A_919 : i32 to index
      %swap3A_936 = arith.constant 0 : index
      %swap3A_937 = tpu.vector_load %arg11[%swap3A_934, %swap3A_935, %swap3A_936] {strides = array<i32>} : memref<4x64x128xf32, #tpu.memory_space<vmem>>, vector<1x1x16xf32>,
      %swap3A_938 = vector.shape_cast %swap3A_937 : vector<1x1x16xf32> to vector<16xf32>
      %swap3A_939 = vector.shape_cast %mul3A_932 : vector<16xf32> to vector<1x1x16xf32>
      tpu.vector_store %arg11[%swap3A_934, %swap3A_935, %swap3A_936], %swap3A_939 {strides = array<i32>} : memref<4x64x128xf32, #tpu.memory_space<vmem>>, vector<1x1x16xf32>,
      %get3A_940 = arith.constant 1 : i32
      %get3A_941 = arith.index_cast %get3A_940 : i32 to index
      %get3A_942 = arith.index_cast %add3A_919 : i32 to index
      %get3A_943 = arith.constant 16 : index
      %get3A_944 = tpu.vector_load %arg9[%get3A_941, %get3A_942, %get3A_943] {strides = array<i32>} : memref<4x64x128xf32, #tpu.memory_space<vmem>>, vector<1x1x16xf32>,
      %get3A_945 = vector.shape_cast %get3A_944 : vector<1x1x16xf32> to vector<16xf32>
      %get3A_946 = arith.constant 1 : i32
      %get3A_947 = arith.index_cast %get3A_946 : i32 to index
      %get3A_948 = arith.index_cast %add3A_919 : i32 to index
      %get3A_949 = arith.constant 16 : index
      %get3A_950 = tpu.vector_load %arg10[%get3A_947, %get3A_948, %get3A_949] {strides = array<i32>} : memref<4x64x128xf32, #tpu.memory_space<vmem>>, vector<1x1x16xf32>,
      %get3A_951 = vector.shape_cast %get3A_950 : vector<1x1x16xf32> to vector<16xf32>
      %mul3A_952 = arith.mulf %get3A_945, %get3A_951 : vector<16xf32>
      %swap3A_953 = arith.constant 1 : i32
      %swap3A_954 = arith.index_cast %swap3A_953 : i32 to index
      %swap3A_955 = arith.index_cast %add3A_919 : i32 to index
      %swap3A_956 = arith.constant 16 : index
      %swap3A_957 = tpu.vector_load %arg11[%swap3A_954, %swap3A_955, %swap3A_956] {strides = array<i32>} : memref<4x64x128xf32, #tpu.memory_space<vmem>>, vector<1x1x16xf32>,
      %swap3A_958 = vector.shape_cast %swap3A_957 : vector<1x1x16xf32> to vector<16xf32>
      %swap3A_959 = vector.shape_cast %mul3A_952 : vector<16xf32> to vector<1x1x16xf32>
      tpu.vector_store %arg11[%swap3A_954, %swap3A_955, %swap3A_956], %swap3A_959 {strides = array<i32>} : memref<4x64x128xf32, #tpu.memory_space<vmem>>, vector<1x1x16xf32>,
      %get3A_960 = arith.constant 1 : i32
      %get3A_961 = arith.index_cast %get3A_960 : i32 to index
      %get3A_962 = arith.index_cast %add3A_919 : i32 to index
      %get3A_963 = arith.constant 32 : index
      %get3A_964 = tpu.vector_load %arg9[%get3A_961, %get3A_962, %get3A_963] {strides = array<i32>} : memref<4x64x128xf32, #tpu.memory_space<vmem>>, vector<1x1x16xf32>,
      %get3A_965 = vector.shape_cast %get3A_964 : vector<1x1x16xf32> to vector<16xf32>
      %get3A_966 = arith.constant 1 : i32
      %get3A_967 = arith.index_cast %get3A_966 : i32 to index
      %get3A_968 = arith.index_cast %add3A_919 : i32 to index
      %get3A_969 = arith.constant 32 : index
      %get3A_970 = tpu.vector_load %arg10[%get3A_967, %get3A_968, %get3A_969] {strides = array<i32>} : memref<4x64x128xf32, #tpu.memory_space<vmem>>, vector<1x1x16xf32>,
      %get3A_971 = vector.shape_cast %get3A_970 : vector<1x1x16xf32> to vector<16xf32>
      %mul3A_972 = arith.mulf %get3A_965, %get3A_971 : vector<16xf32>
      %swap3A_973 = arith.constant 1 : i32
      %swap3A_974 = arith.index_cast %swap3A_973 : i32 to index
      %swap3A_975 = arith.index_cast %add3A_919 : i32 to index
      %swap3A_976 = arith.constant 32 : index
      %swap3A_977 = tpu.vector_load %arg11[%swap3A_974, %swap3A_975, %swap3A_976] {strides = array<i32>} : memref<4x64x128xf32, #tpu.memory_space<vmem>>, vector<1x1x16xf32>,
      %swap3A_978 = vector.shape_cast %swap3A_977 : vector<1x1x16xf32> to vector<16xf32>
      %swap3A_979 = vector.shape_cast %mul3A_972 : vector<16xf32> to vector<1x1x16xf32>
      tpu.vector_store %arg11[%swap3A_974, %swap3A_975, %swap3A_976], %swap3A_979 {strides = array<i32>} : memref<4x64x128xf32, #tpu.memory_space<vmem>>, vector<1x1x16xf32>,
      %get3A_980 = arith.constant 1 : i32
      %get3A_981 = arith.index_cast %get3A_980 : i32 to index
      %get3A_982 = arith.index_cast %add3A_919 : i32 to index
      %get3A_983 = arith.constant 48 : index
      %get3A_984 = tpu.vector_load %arg9[%get3A_981, %get3A_982, %get3A_983] {strides = array<i32>} : memref<4x64x128xf32, #tpu.memory_space<vmem>>, vector<1x1x16xf32>,
      %get3A_985 = vector.shape_cast %get3A_984 : vector<1x1x16xf32> to vector<16xf32>
      %get3A_986 = arith.constant 1 : i32
      %get3A_987 = arith.index_cast %get3A_986 : i32 to index
      %get3A_988 = arith.index_cast %add3A_919 : i32 to index
      %get3A_989 = arith.constant 48 : index
      %get3A_990 = tpu.vector_load %arg10[%get3A_987, %get3A_988, %get3A_989] {strides = array<i32>} : memref<4x64x128xf32, #tpu.memory_space<vmem>>, vector<1x1x16xf32>,
      %get3A_991 = vector.shape_cast %get3A_990 : vector<1x1x16xf32> to vector<16xf32>
      %mul3A_992 = arith.mulf %get3A_985, %get3A_991 : vector<16xf32>
      %swap3A_993 = arith.constant 1 : i32
      %swap3A_994 = arith.index_cast %swap3A_993 : i32 to index
      %swap3A_995 = arith.index_cast %add3A_919 : i32 to index
      %swap3A_996 = arith.constant 48 : index
      %swap3A_997 = tpu.vector_load %arg11[%swap3A_994, %swap3A_995, %swap3A_996] {strides = array<i32>} : memref<4x64x128xf32, #tpu.memory_space<vmem>>, vector<1x1x16xf32>,
      %swap3A_998 = vector.shape_cast %swap3A_997 : vector<1x1x16xf32> to vector<16xf32>
      %swap3A_999 = vector.shape_cast %mul3A_992 : vector<16xf32> to vector<1x1x16xf32>
      tpu.vector_store %arg11[%swap3A_994, %swap3A_995, %swap3A_996], %swap3A_999 {strides = array<i32>} : memref<4x64x128xf32, #tpu.memory_space<vmem>>, vector<1x1x16xf32>,
      %get3A_1000 = arith.constant 1 : i32
      %get3A_1001 = arith.index_cast %get3A_1000 : i32 to index
      %get3A_1002 = arith.index_cast %add3A_919 : i32 to index
      %get3A_1003 = arith.constant 64 : index
      %get3A_1004 = tpu.vector_load %arg9[%get3A_1001, %get3A_1002, %get3A_1003] {strides = array<i32>} : memref<4x64x128xf32, #tpu.memory_space<vmem>>, vector<1x1x16xf32>,
      %get3A_1005 = vector.shape_cast %get3A_1004 : vector<1x1x16xf32> to vector<16xf32>
      %get3A_1006 = arith.constant 1 : i32
      %get3A_1007 = arith.index_cast %get3A_1006 : i32 to index
      %get3A_1008 = arith.index_cast %add3A_919 : i32 to index
      %get3A_1009 = arith.constant 64 : index
      %get3A_1010 = tpu.vector_load %arg10[%get3A_1007, %get3A_1008, %get3A_1009] {strides = array<i32>} : memref<4x64x128xf32, #tpu.memory_space<vmem>>, vector<1x1x16xf32>,
      %get3A_1011 = vector.shape_cast %get3A_1010 : vector<1x1x16xf32> to vector<16xf32>
      %mul3A_1012 = arith.mulf %get3A_1005, %get3A_1011 : vector<16xf32>
      %swap3A_1013 = arith.constant 1 : i32
      %swap3A_1014 = arith.index_cast %swap3A_1013 : i32 to index
      %swap3A_1015 = arith.index_cast %add3A_919 : i32 to index
      %swap3A_1016 = arith.constant 64 : index
      %swap3A_1017 = tpu.vector_load %arg11[%swap3A_1014, %swap3A_1015, %swap3A_1016] {strides = array<i32>} : memref<4x64x128xf32, #tpu.memory_space<vmem>>, vector<1x1x16xf32>,
      %swap3A_1018 = vector.shape_cast %swap3A_1017 : vector<1x1x16xf32> to vector<16xf32>
      %swap3A_1019 = vector.shape_cast %mul3A_1012 : vector<16xf32> to vector<1x1x16xf32>
      tpu.vector_store %arg11[%swap3A_1014, %swap3A_1015, %swap3A_1016], %swap3A_1019 {strides = array<i32>} : memref<4x64x128xf32, #tpu.memory_space<vmem>>, vector<1x1x16xf32>,
      %get3A_1020 = arith.constant 1 : i32
      %get3A_1021 = arith.index_cast %get3A_1020 : i32 to index
      %get3A_1022 = arith.index_cast %add3A_919 : i32 to index
      %get3A_1023 = arith.constant 80 : index
      %get3A_1024 = tpu.vector_load %arg9[%get3A_1021, %get3A_1022, %get3A_1023] {strides = array<i32>} : memref<4x64x128xf32, #tpu.memory_space<vmem>>, vector<1x1x16xf32>,
      %get3A_1025 = vector.shape_cast %get3A_1024 : vector<1x1x16xf32> to vector<16xf32>
      %get3A_1026 = arith.constant 1 : i32
      %get3A_1027 = arith.index_cast %get3A_1026 : i32 to index
      %get3A_1028 = arith.index_cast %add3A_919 : i32 to index
      %get3A_1029 = arith.constant 80 : index
      %get3A_1030 = tpu.vector_load %arg10[%get3A_1027, %get3A_1028, %get3A_1029] {strides = array<i32>} : memref<4x64x128xf32, #tpu.memory_space<vmem>>, vector<1x1x16xf32>,
      %get3A_1031 = vector.shape_cast %get3A_1030 : vector<1x1x16xf32> to vector<16xf32>
      %mul3A_1032 = arith.mulf %get3A_1025, %get3A_1031 : vector<16xf32>
      %swap3A_1033 = arith.constant 1 : i32
      %swap3A_1034 = arith.index_cast %swap3A_1033 : i32 to index
      %swap3A_1035 = arith.index_cast %add3A_919 : i32 to index
      %swap3A_1036 = arith.constant 80 : index
      %swap3A_1037 = tpu.vector_load %arg11[%swap3A_1034, %swap3A_1035, %swap3A_1036] {strides = array<i32>} : memref<4x64x128xf32, #tpu.memory_space<vmem>>, vector<1x1x16xf32>,
      %swap3A_1038 = vector.shape_cast %swap3A_1037 : vector<1x1x16xf32> to vector<16xf32>
      %swap3A_1039 = vector.shape_cast %mul3A_1032 : vector<16xf32> to vector<1x1x16xf32>
      tpu.vector_store %arg11[%swap3A_1034, %swap3A_1035, %swap3A_1036], %swap3A_1039 {strides = array<i32>} : memref<4x64x128xf32, #tpu.memory_space<vmem>>, vector<1x1x16xf32>,
      %get3A_1040 = arith.constant 1 : i32
      %get3A_1041 = arith.index_cast %get3A_1040 : i32 to index
      %get3A_1042 = arith.index_cast %add3A_919 : i32 to index
      %get3A_1043 = arith.constant 96 : index
      %get3A_1044 = tpu.vector_load %arg9[%get3A_1041, %get3A_1042, %get3A_1043] {strides = array<i32>} : memref<4x64x128xf32, #tpu.memory_space<vmem>>, vector<1x1x16xf32>,
      %get3A_1045 = vector.shape_cast %get3A_1044 : vector<1x1x16xf32> to vector<16xf32>
      %get3A_1046 = arith.constant 1 : i32
      %get3A_1047 = arith.index_cast %get3A_1046 : i32 to index
      %get3A_1048 = arith.index_cast %add3A_919 : i32 to index
      %get3A_1049 = arith.constant 96 : index
      %get3A_1050 = tpu.vector_load %arg10[%get3A_1047, %get3A_1048, %get3A_1049] {strides = array<i32>} : memref<4x64x128xf32, #tpu.memory_space<vmem>>, vector<1x1x16xf32>,
      %get3A_1051 = vector.shape_cast %get3A_1050 : vector<1x1x16xf32> to vector<16xf32>
      %mul3A_1052 = arith.mulf %get3A_1045, %get3A_1051 : vector<16xf32>
      %swap3A_1053 = arith.constant 1 : i32
      %swap3A_1054 = arith.index_cast %swap3A_1053 : i32 to index
      %swap3A_1055 = arith.index_cast %add3A_919 : i32 to index
      %swap3A_1056 = arith.constant 96 : index
      %swap3A_1057 = tpu.vector_load %arg11[%swap3A_1054, %swap3A_1055, %swap3A_1056] {strides = array<i32>} : memref<4x64x128xf32, #tpu.memory_space<vmem>>, vector<1x1x16xf32>,
      %swap3A_1058 = vector.shape_cast %swap3A_1057 : vector<1x1x16xf32> to vector<16xf32>
      %swap3A_1059 = vector.shape_cast %mul3A_1052 : vector<16xf32> to vector<1x1x16xf32>
      tpu.vector_store %arg11[%swap3A_1054, %swap3A_1055, %swap3A_1056], %swap3A_1059 {strides = array<i32>} : memref<4x64x128xf32, #tpu.memory_space<vmem>>, vector<1x1x16xf32>,
      %get3A_1060 = arith.constant 1 : i32
      %get3A_1061 = arith.index_cast %get3A_1060 : i32 to index
      %get3A_1062 = arith.index_cast %add3A_919 : i32 to index
      %get3A_1063 = arith.constant 112 : index
      %get3A_1064 = tpu.vector_load %arg9[%get3A_1061, %get3A_1062, %get3A_1063] {strides = array<i32>} : memref<4x64x128xf32, #tpu.memory_space<vmem>>, vector<1x1x16xf32>,
      %get3A_1065 = vector.shape_cast %get3A_1064 : vector<1x1x16xf32> to vector<16xf32>
      %get3A_1066 = arith.constant 1 : i32
      %get3A_1067 = arith.index_cast %get3A_1066 : i32 to index
      %get3A_1068 = arith.index_cast %add3A_919 : i32 to index
      %get3A_1069 = arith.constant 112 : index
      %get3A_1070 = tpu.vector_load %arg10[%get3A_1067, %get3A_1068, %get3A_1069] {strides = array<i32>} : memref<4x64x128xf32, #tpu.memory_space<vmem>>, vector<1x1x16xf32>,
      %get3A_1071 = vector.shape_cast %get3A_1070 : vector<1x1x16xf32> to vector<16xf32>
      %mul3A_1072 = arith.mulf %get3A_1065, %get3A_1071 : vector<16xf32>
      %swap3A_1073 = arith.constant 1 : i32
      %swap3A_1074 = arith.index_cast %swap3A_1073 : i32 to index
      %swap3A_1075 = arith.index_cast %add3A_919 : i32 to index
      %swap3A_1076 = arith.constant 112 : index
      %swap3A_1077 = tpu.vector_load %arg11[%swap3A_1074, %swap3A_1075, %swap3A_1076] {strides = array<i32>} : memref<4x64x128xf32, #tpu.memory_space<vmem>>, vector<1x1x16xf32>,
      %swap3A_1078 = vector.shape_cast %swap3A_1077 : vector<1x1x16xf32> to vector<16xf32>
      %swap3A_1079 = vector.shape_cast %mul3A_1072 : vector<16xf32> to vector<1x1x16xf32>
      tpu.vector_store %arg11[%swap3A_1074, %swap3A_1075, %swap3A_1076], %swap3A_1079 {strides = array<i32>} : memref<4x64x128xf32, #tpu.memory_space<vmem>>, vector<1x1x16xf32>,
      %scan3A_1080 = arith.constant 0 : i32
      scf.yield %scan3A_1080 : i32
    }
    %scan3A_221 = arith.constant 32 : i32
    %dma_start3A_222 = arith.constant 1 : i32
    %dma_start3A_223 = arith.constant 1 : i32
    %dma_start3A_224 = arith.constant 0 : i32
    %dma_start3A_225 = arith.constant 0 : i32
    %dma_start3A_226 = tpu.memref_slice %arg9[%dma_start3A_222, %dma_start3A_224, %dma_start3A_225] : memref<4x64x128xf32, #tpu.memory_space<vmem>> -> memref<1x64x128xf32, #tpu.memory_space<vmem>>
    %dma_start3A_227 = tpu.memref_squeeze %dma_start3A_226 : memref<1x64x128xf32, #tpu.memory_space<vmem>> -> memref<64x128xf32, #tpu.memory_space<vmem>>
    %dma_start3A_228 = arith.constant 320 : i32
    %dma_start3A_229 = tpu.memref_slice %arg7[%dma_start3A_228] : memref<512xi32, #tpu.memory_space<vmem>> -> memref<64xi32, #tpu.memory_space<vmem>>
    %dma_start3A_230 = arith.constant 0 : i32
    %dma_start3A_231 = arith.constant 0 : i32
    %dma_start3A_232 = tpu.memref_slice %arg4[%dma_start3A_230, %dma_start3A_231] : memref<1000000x128xf32, #tpu.memory_space<hbm>> -> memref<1000000x128xf32, #tpu.memory_space<hbm>>
    %dma_start3A_233 = tpu.memref_slice %arg12[%dma_start3A_223] : memref<4x!tpu.dma_semaphore, #tpu.memory_space<semaphore_mem>> -> memref<1x!tpu.dma_semaphore, #tpu.memory_space<semaphore_mem>>
    %dma_start3A_234 = tpu.memref_squeeze %dma_start3A_233 : memref<1x!tpu.dma_semaphore, #tpu.memory_space<semaphore_mem>> -> memref<!tpu.dma_semaphore, #tpu.memory_space<semaphore_mem>>
    tpu.enqueue_indirect_dma source(%dma_start3A_232 : memref<1000000x128xf32, #tpu.memory_space<hbm>>) target(%dma_start3A_227 : memref<64x128xf32, #tpu.memory_space<vmem>>) offsets(%dma_start3A_229 : memref<64xi32, #tpu.memory_space<vmem>>) semaphore(%dma_start3A_234 : memref<!tpu.dma_semaphore, #tpu.memory_space<semaphore_mem>>)
    %dma_start3A_235 = arith.constant 1 : i32
    %dma_start3A_236 = arith.constant 1 : i32
    %dma_start3A_237 = arith.constant 0 : i32
    %dma_start3A_238 = arith.constant 0 : i32
    %dma_start3A_239 = tpu.memref_slice %arg10[%dma_start3A_235, %dma_start3A_237, %dma_start3A_238] : memref<4x64x128xf32, #tpu.memory_space<vmem>> -> memref<1x64x128xf32, #tpu.memory_space<vmem>>
    %dma_start3A_240 = tpu.memref_squeeze %dma_start3A_239 : memref<1x64x128xf32, #tpu.memory_space<vmem>> -> memref<64x128xf32, #tpu.memory_space<vmem>>
    %dma_start3A_241 = arith.constant 320 : i32
    %dma_start3A_242 = tpu.memref_slice %arg8[%dma_start3A_241] : memref<512xi32, #tpu.memory_space<vmem>> -> memref<64xi32, #tpu.memory_space<vmem>>
    %dma_start3A_243 = arith.constant 0 : i32
    %dma_start3A_244 = arith.constant 0 : i32
    %dma_start3A_245 = tpu.memref_slice %arg5[%dma_start3A_243, %dma_start3A_244] : memref<1000000x128xf32, #tpu.memory_space<hbm>> -> memref<1000000x128xf32, #tpu.memory_space<hbm>>
    %dma_start3A_246 = tpu.memref_slice %arg13[%dma_start3A_236] : memref<4x!tpu.dma_semaphore, #tpu.memory_space<semaphore_mem>> -> memref<1x!tpu.dma_semaphore, #tpu.memory_space<semaphore_mem>>
    %dma_start3A_247 = tpu.memref_squeeze %dma_start3A_246 : memref<1x!tpu.dma_semaphore, #tpu.memory_space<semaphore_mem>> -> memref<!tpu.dma_semaphore, #tpu.memory_space<semaphore_mem>>
    tpu.enqueue_indirect_dma source(%dma_start3A_245 : memref<1000000x128xf32, #tpu.memory_space<hbm>>) target(%dma_start3A_240 : memref<64x128xf32, #tpu.memory_space<vmem>>) offsets(%dma_start3A_242 : memref<64xi32, #tpu.memory_space<vmem>>) semaphore(%dma_start3A_247 : memref<!tpu.dma_semaphore, #tpu.memory_space<semaphore_mem>>)
    %add3A_248 = arith.constant 64 : i32
    %add3A_249 = arith.addi %mul3A_2, %add3A_248 : i32
    %dma_start3A_250 = arith.constant 1 : i32
    %dma_start3A_251 = arith.constant 1 : i32
    %dma_start3A_252 = arith.constant 0 : i32
    %dma_start3A_253 = arith.constant 0 : i32
    %dma_start3A_254 = tpu.memref_slice %arg11[%dma_start3A_250, %dma_start3A_252, %dma_start3A_253] : memref<4x64x128xf32, #tpu.memory_space<vmem>> -> memref<1x64x128xf32, #tpu.memory_space<vmem>>
    %dma_start3A_255 = tpu.memref_squeeze %dma_start3A_254 : memref<1x64x128xf32, #tpu.memory_space<vmem>> -> memref<64x128xf32, #tpu.memory_space<vmem>>
    %dma_start3A_256 = arith.constant 0 : i32
    %dma_start3A_257 = tpu.memref_slice %arg6[%add3A_249, %dma_start3A_256] : memref<16384x128xf32, #tpu.memory_space<hbm>> -> memref<64x128xf32, #tpu.memory_space<hbm>>
    %dma_start3A_258 = tpu.memref_slice %arg14[%dma_start3A_251] : memref<4x!tpu.dma_semaphore, #tpu.memory_space<semaphore_mem>> -> memref<1x!tpu.dma_semaphore, #tpu.memory_space<semaphore_mem>>
    %dma_start3A_259 = tpu.memref_squeeze %dma_start3A_258 : memref<1x!tpu.dma_semaphore, #tpu.memory_space<semaphore_mem>> -> memref<!tpu.dma_semaphore, #tpu.memory_space<semaphore_mem>>
    %dma_start3A_260 = arith.constant 0 : i32
    %dma_start3A_261 = tpu.memref_slice %arg6[%add3A_249, %dma_start3A_260] : memref<16384x128xf32, #tpu.memory_space<hbm>> -> memref<64x128xf32, #tpu.memory_space<hbm>>
    %dma_start3A_262 = arith.constant 0 : i32
    %dma_start3A_263 = arith.constant 0 : i32
    %dma_start3A_264 = tpu.memref_slice %arg11[%dma_start3A_250, %dma_start3A_262, %dma_start3A_263] : memref<4x64x128xf32, #tpu.memory_space<vmem>> -> memref<1x64x128xf32, #tpu.memory_space<vmem>>
    %dma_start3A_265 = tpu.memref_squeeze %dma_start3A_264 : memref<1x64x128xf32, #tpu.memory_space<vmem>> -> memref<64x128xf32, #tpu.memory_space<vmem>>
    tpu.enqueue_dma source(%dma_start3A_265 : memref<64x128xf32, #tpu.memory_space<vmem>>) target(%dma_start3A_261 : memref<64x128xf32, #tpu.memory_space<hbm>>) target_semaphore(%dma_start3A_259 : memref<!tpu.dma_semaphore, #tpu.memory_space<semaphore_mem>>)
    %dma_wait3A_266 = arith.constant 2 : i32
    %dma_wait3A_267 = arith.constant 2 : i32
    %dma_wait3A_268 = arith.constant 0 : i32
    %dma_wait3A_269 = arith.constant 0 : i32
    %dma_wait3A_270 = tpu.memref_slice %arg9[%dma_wait3A_266, %dma_wait3A_268, %dma_wait3A_269] : memref<4x64x128xf32, #tpu.memory_space<vmem>> -> memref<1x64x128xf32, #tpu.memory_space<vmem>>
    %dma_wait3A_271 = tpu.memref_squeeze %dma_wait3A_270 : memref<1x64x128xf32, #tpu.memory_space<vmem>> -> memref<64x128xf32, #tpu.memory_space<vmem>>
    %dma_wait3A_272 = arith.constant 128 : i32
    %dma_wait3A_273 = tpu.memref_slice %arg7[%dma_wait3A_272] : memref<512xi32, #tpu.memory_space<vmem>> -> memref<64xi32, #tpu.memory_space<vmem>>
    %dma_wait3A_274 = arith.constant 0 : i32
    %dma_wait3A_275 = arith.constant 0 : i32
    %dma_wait3A_276 = tpu.memref_slice %arg4[%dma_wait3A_274, %dma_wait3A_275] : memref<1000000x128xf32, #tpu.memory_space<hbm>> -> memref<1000000x128xf32, #tpu.memory_space<hbm>>
    %dma_wait3A_277 = tpu.memref_slice %arg12[%dma_wait3A_267] : memref<4x!tpu.dma_semaphore, #tpu.memory_space<semaphore_mem>> -> memref<1x!tpu.dma_semaphore, #tpu.memory_space<semaphore_mem>>
    %dma_wait3A_278 = tpu.memref_squeeze %dma_wait3A_277 : memref<1x!tpu.dma_semaphore, #tpu.memory_space<semaphore_mem>> -> memref<!tpu.dma_semaphore, #tpu.memory_space<semaphore_mem>>
    tpu.wait_indirect_dma semaphore(%dma_wait3A_278 : memref<!tpu.dma_semaphore, #tpu.memory_space<semaphore_mem>>) src(%dma_wait3A_276 : memref<1000000x128xf32, #tpu.memory_space<hbm>>) dst(%dma_wait3A_271 : memref<64x128xf32, #tpu.memory_space<vmem>>)
    %dma_wait3A_279 = arith.constant 2 : i32
    %dma_wait3A_280 = arith.constant 2 : i32
    %dma_wait3A_281 = arith.constant 0 : i32
    %dma_wait3A_282 = arith.constant 0 : i32
    %dma_wait3A_283 = tpu.memref_slice %arg10[%dma_wait3A_279, %dma_wait3A_281, %dma_wait3A_282] : memref<4x64x128xf32, #tpu.memory_space<vmem>> -> memref<1x64x128xf32, #tpu.memory_space<vmem>>
    %dma_wait3A_284 = tpu.memref_squeeze %dma_wait3A_283 : memref<1x64x128xf32, #tpu.memory_space<vmem>> -> memref<64x128xf32, #tpu.memory_space<vmem>>
    %dma_wait3A_285 = arith.constant 128 : i32
    %dma_wait3A_286 = tpu.memref_slice %arg8[%dma_wait3A_285] : memref<512xi32, #tpu.memory_space<vmem>> -> memref<64xi32, #tpu.memory_space<vmem>>
    %dma_wait3A_287 = arith.constant 0 : i32
    %dma_wait3A_288 = arith.constant 0 : i32
    %dma_wait3A_289 = tpu.memref_slice %arg5[%dma_wait3A_287, %dma_wait3A_288] : memref<1000000x128xf32, #tpu.memory_space<hbm>> -> memref<1000000x128xf32, #tpu.memory_space<hbm>>
    %dma_wait3A_290 = tpu.memref_slice %arg13[%dma_wait3A_280] : memref<4x!tpu.dma_semaphore, #tpu.memory_space<semaphore_mem>> -> memref<1x!tpu.dma_semaphore, #tpu.memory_space<semaphore_mem>>
    %dma_wait3A_291 = tpu.memref_squeeze %dma_wait3A_290 : memref<1x!tpu.dma_semaphore, #tpu.memory_space<semaphore_mem>> -> memref<!tpu.dma_semaphore, #tpu.memory_space<semaphore_mem>>
    tpu.wait_indirect_dma semaphore(%dma_wait3A_291 : memref<!tpu.dma_semaphore, #tpu.memory_space<semaphore_mem>>) src(%dma_wait3A_289 : memref<1000000x128xf32, #tpu.memory_space<hbm>>) dst(%dma_wait3A_284 : memref<64x128xf32, #tpu.memory_space<vmem>>)
    %scan3A_292 = arith.constant 0 : i32
    %scan3A_293 = arith.constant 0 : i32
    %scan3A_294 = arith.constant 32 : i32
    %scan3A_295 = arith.addi %scan3A_293, %scan3A_294 : i32
    %scan3A_296 = arith.constant 1 : i32
    %scan3A_297 = scf.for %scan3A_752 = %scan3A_293 to %scan3A_295 step %scan3A_296 iter_args(%scan3A_753 = %scan3A_292) -> (i32)  : i32 {
      %mul3A_754 = arith.constant 2 : i32
      %mul3A_755 = arith.muli %scan3A_752, %mul3A_754 : i32
      %add3A_756 = arith.constant 0 : i32
      %add3A_757 = arith.addi %mul3A_755, %add3A_756 : i32
      %get3A = arith.constant 2 : i32
      %get3A_758 = arith.index_cast %get3A : i32 to index
      %get3A_759 = arith.index_cast %add3A_757 : i32 to index
      %get3A_760 = arith.constant 0 : index
      %get3A_761 = tpu.vector_load %arg9[%get3A_758, %get3A_759, %get3A_760] {strides = array<i32>} : memref<4x64x128xf32, #tpu.memory_space<vmem>>, vector<1x1x16xf32>,
      %get3A_762 = vector.shape_cast %get3A_761 : vector<1x1x16xf32> to vector<16xf32>
      %get3A_763 = arith.constant 2 : i32
      %get3A_764 = arith.index_cast %get3A_763 : i32 to index
      %get3A_765 = arith.index_cast %add3A_757 : i32 to index
      %get3A_766 = arith.constant 0 : index
      %get3A_767 = tpu.vector_load %arg10[%get3A_764, %get3A_765, %get3A_766] {strides = array<i32>} : memref<4x64x128xf32, #tpu.memory_space<vmem>>, vector<1x1x16xf32>,
      %get3A_768 = vector.shape_cast %get3A_767 : vector<1x1x16xf32> to vector<16xf32>
      %mul3A_769 = arith.mulf %get3A_762, %get3A_768 : vector<16xf32>
      %swap3A = arith.constant 2 : i32
      %swap3A_770 = arith.index_cast %swap3A : i32 to index
      %swap3A_771 = arith.index_cast %add3A_757 : i32 to index
      %swap3A_772 = arith.constant 0 : index
      %swap3A_773 = tpu.vector_load %arg11[%swap3A_770, %swap3A_771, %swap3A_772] {strides = array<i32>} : memref<4x64x128xf32, #tpu.memory_space<vmem>>, vector<1x1x16xf32>,
      %swap3A_774 = vector.shape_cast %swap3A_773 : vector<1x1x16xf32> to vector<16xf32>
      %swap3A_775 = vector.shape_cast %mul3A_769 : vector<16xf32> to vector<1x1x16xf32>
      tpu.vector_store %arg11[%swap3A_770, %swap3A_771, %swap3A_772], %swap3A_775 {strides = array<i32>} : memref<4x64x128xf32, #tpu.memory_space<vmem>>, vector<1x1x16xf32>,
      %get3A_776 = arith.constant 2 : i32
      %get3A_777 = arith.index_cast %get3A_776 : i32 to index
      %get3A_778 = arith.index_cast %add3A_757 : i32 to index
      %get3A_779 = arith.constant 16 : index
      %get3A_780 = tpu.vector_load %arg9[%get3A_777, %get3A_778, %get3A_779] {strides = array<i32>} : memref<4x64x128xf32, #tpu.memory_space<vmem>>, vector<1x1x16xf32>,
      %get3A_781 = vector.shape_cast %get3A_780 : vector<1x1x16xf32> to vector<16xf32>
      %get3A_782 = arith.constant 2 : i32
      %get3A_783 = arith.index_cast %get3A_782 : i32 to index
      %get3A_784 = arith.index_cast %add3A_757 : i32 to index
      %get3A_785 = arith.constant 16 : index
      %get3A_786 = tpu.vector_load %arg10[%get3A_783, %get3A_784, %get3A_785] {strides = array<i32>} : memref<4x64x128xf32, #tpu.memory_space<vmem>>, vector<1x1x16xf32>,
      %get3A_787 = vector.shape_cast %get3A_786 : vector<1x1x16xf32> to vector<16xf32>
      %mul3A_788 = arith.mulf %get3A_781, %get3A_787 : vector<16xf32>
      %swap3A_789 = arith.constant 2 : i32
      %swap3A_790 = arith.index_cast %swap3A_789 : i32 to index
      %swap3A_791 = arith.index_cast %add3A_757 : i32 to index
      %swap3A_792 = arith.constant 16 : index
      %swap3A_793 = tpu.vector_load %arg11[%swap3A_790, %swap3A_791, %swap3A_792] {strides = array<i32>} : memref<4x64x128xf32, #tpu.memory_space<vmem>>, vector<1x1x16xf32>,
      %swap3A_794 = vector.shape_cast %swap3A_793 : vector<1x1x16xf32> to vector<16xf32>
      %swap3A_795 = vector.shape_cast %mul3A_788 : vector<16xf32> to vector<1x1x16xf32>
      tpu.vector_store %arg11[%swap3A_790, %swap3A_791, %swap3A_792], %swap3A_795 {strides = array<i32>} : memref<4x64x128xf32, #tpu.memory_space<vmem>>, vector<1x1x16xf32>,
      %get3A_796 = arith.constant 2 : i32
      %get3A_797 = arith.index_cast %get3A_796 : i32 to index
      %get3A_798 = arith.index_cast %add3A_757 : i32 to index
      %get3A_799 = arith.constant 32 : index
      %get3A_800 = tpu.vector_load %arg9[%get3A_797, %get3A_798, %get3A_799] {strides = array<i32>} : memref<4x64x128xf32, #tpu.memory_space<vmem>>, vector<1x1x16xf32>,
      %get3A_801 = vector.shape_cast %get3A_800 : vector<1x1x16xf32> to vector<16xf32>
      %get3A_802 = arith.constant 2 : i32
      %get3A_803 = arith.index_cast %get3A_802 : i32 to index
      %get3A_804 = arith.index_cast %add3A_757 : i32 to index
      %get3A_805 = arith.constant 32 : index
      %get3A_806 = tpu.vector_load %arg10[%get3A_803, %get3A_804, %get3A_805] {strides = array<i32>} : memref<4x64x128xf32, #tpu.memory_space<vmem>>, vector<1x1x16xf32>,
      %get3A_807 = vector.shape_cast %get3A_806 : vector<1x1x16xf32> to vector<16xf32>
      %mul3A_808 = arith.mulf %get3A_801, %get3A_807 : vector<16xf32>
      %swap3A_809 = arith.constant 2 : i32
      %swap3A_810 = arith.index_cast %swap3A_809 : i32 to index
      %swap3A_811 = arith.index_cast %add3A_757 : i32 to index
      %swap3A_812 = arith.constant 32 : index
      %swap3A_813 = tpu.vector_load %arg11[%swap3A_810, %swap3A_811, %swap3A_812] {strides = array<i32>} : memref<4x64x128xf32, #tpu.memory_space<vmem>>, vector<1x1x16xf32>,
      %swap3A_814 = vector.shape_cast %swap3A_813 : vector<1x1x16xf32> to vector<16xf32>
      %swap3A_815 = vector.shape_cast %mul3A_808 : vector<16xf32> to vector<1x1x16xf32>
      tpu.vector_store %arg11[%swap3A_810, %swap3A_811, %swap3A_812], %swap3A_815 {strides = array<i32>} : memref<4x64x128xf32, #tpu.memory_space<vmem>>, vector<1x1x16xf32>,
      %get3A_816 = arith.constant 2 : i32
      %get3A_817 = arith.index_cast %get3A_816 : i32 to index
      %get3A_818 = arith.index_cast %add3A_757 : i32 to index
      %get3A_819 = arith.constant 48 : index
      %get3A_820 = tpu.vector_load %arg9[%get3A_817, %get3A_818, %get3A_819] {strides = array<i32>} : memref<4x64x128xf32, #tpu.memory_space<vmem>>, vector<1x1x16xf32>,
      %get3A_821 = vector.shape_cast %get3A_820 : vector<1x1x16xf32> to vector<16xf32>
      %get3A_822 = arith.constant 2 : i32
      %get3A_823 = arith.index_cast %get3A_822 : i32 to index
      %get3A_824 = arith.index_cast %add3A_757 : i32 to index
      %get3A_825 = arith.constant 48 : index
      %get3A_826 = tpu.vector_load %arg10[%get3A_823, %get3A_824, %get3A_825] {strides = array<i32>} : memref<4x64x128xf32, #tpu.memory_space<vmem>>, vector<1x1x16xf32>,
      %get3A_827 = vector.shape_cast %get3A_826 : vector<1x1x16xf32> to vector<16xf32>
      %mul3A_828 = arith.mulf %get3A_821, %get3A_827 : vector<16xf32>
      %swap3A_829 = arith.constant 2 : i32
      %swap3A_830 = arith.index_cast %swap3A_829 : i32 to index
      %swap3A_831 = arith.index_cast %add3A_757 : i32 to index
      %swap3A_832 = arith.constant 48 : index
      %swap3A_833 = tpu.vector_load %arg11[%swap3A_830, %swap3A_831, %swap3A_832] {strides = array<i32>} : memref<4x64x128xf32, #tpu.memory_space<vmem>>, vector<1x1x16xf32>,
      %swap3A_834 = vector.shape_cast %swap3A_833 : vector<1x1x16xf32> to vector<16xf32>
      %swap3A_835 = vector.shape_cast %mul3A_828 : vector<16xf32> to vector<1x1x16xf32>
      tpu.vector_store %arg11[%swap3A_830, %swap3A_831, %swap3A_832], %swap3A_835 {strides = array<i32>} : memref<4x64x128xf32, #tpu.memory_space<vmem>>, vector<1x1x16xf32>,
      %get3A_836 = arith.constant 2 : i32
      %get3A_837 = arith.index_cast %get3A_836 : i32 to index
      %get3A_838 = arith.index_cast %add3A_757 : i32 to index
      %get3A_839 = arith.constant 64 : index
      %get3A_840 = tpu.vector_load %arg9[%get3A_837, %get3A_838, %get3A_839] {strides = array<i32>} : memref<4x64x128xf32, #tpu.memory_space<vmem>>, vector<1x1x16xf32>,
      %get3A_841 = vector.shape_cast %get3A_840 : vector<1x1x16xf32> to vector<16xf32>
      %get3A_842 = arith.constant 2 : i32
      %get3A_843 = arith.index_cast %get3A_842 : i32 to index
      %get3A_844 = arith.index_cast %add3A_757 : i32 to index
      %get3A_845 = arith.constant 64 : index
      %get3A_846 = tpu.vector_load %arg10[%get3A_843, %get3A_844, %get3A_845] {strides = array<i32>} : memref<4x64x128xf32, #tpu.memory_space<vmem>>, vector<1x1x16xf32>,
      %get3A_847 = vector.shape_cast %get3A_846 : vector<1x1x16xf32> to vector<16xf32>
      %mul3A_848 = arith.mulf %get3A_841, %get3A_847 : vector<16xf32>
      %swap3A_849 = arith.constant 2 : i32
      %swap3A_850 = arith.index_cast %swap3A_849 : i32 to index
      %swap3A_851 = arith.index_cast %add3A_757 : i32 to index
      %swap3A_852 = arith.constant 64 : index
      %swap3A_853 = tpu.vector_load %arg11[%swap3A_850, %swap3A_851, %swap3A_852] {strides = array<i32>} : memref<4x64x128xf32, #tpu.memory_space<vmem>>, vector<1x1x16xf32>,
      %swap3A_854 = vector.shape_cast %swap3A_853 : vector<1x1x16xf32> to vector<16xf32>
      %swap3A_855 = vector.shape_cast %mul3A_848 : vector<16xf32> to vector<1x1x16xf32>
      tpu.vector_store %arg11[%swap3A_850, %swap3A_851, %swap3A_852], %swap3A_855 {strides = array<i32>} : memref<4x64x128xf32, #tpu.memory_space<vmem>>, vector<1x1x16xf32>,
      %get3A_856 = arith.constant 2 : i32
      %get3A_857 = arith.index_cast %get3A_856 : i32 to index
      %get3A_858 = arith.index_cast %add3A_757 : i32 to index
      %get3A_859 = arith.constant 80 : index
      %get3A_860 = tpu.vector_load %arg9[%get3A_857, %get3A_858, %get3A_859] {strides = array<i32>} : memref<4x64x128xf32, #tpu.memory_space<vmem>>, vector<1x1x16xf32>,
      %get3A_861 = vector.shape_cast %get3A_860 : vector<1x1x16xf32> to vector<16xf32>
      %get3A_862 = arith.constant 2 : i32
      %get3A_863 = arith.index_cast %get3A_862 : i32 to index
      %get3A_864 = arith.index_cast %add3A_757 : i32 to index
      %get3A_865 = arith.constant 80 : index
      %get3A_866 = tpu.vector_load %arg10[%get3A_863, %get3A_864, %get3A_865] {strides = array<i32>} : memref<4x64x128xf32, #tpu.memory_space<vmem>>, vector<1x1x16xf32>,
      %get3A_867 = vector.shape_cast %get3A_866 : vector<1x1x16xf32> to vector<16xf32>
      %mul3A_868 = arith.mulf %get3A_861, %get3A_867 : vector<16xf32>
      %swap3A_869 = arith.constant 2 : i32
      %swap3A_870 = arith.index_cast %swap3A_869 : i32 to index
      %swap3A_871 = arith.index_cast %add3A_757 : i32 to index
      %swap3A_872 = arith.constant 80 : index
      %swap3A_873 = tpu.vector_load %arg11[%swap3A_870, %swap3A_871, %swap3A_872] {strides = array<i32>} : memref<4x64x128xf32, #tpu.memory_space<vmem>>, vector<1x1x16xf32>,
      %swap3A_874 = vector.shape_cast %swap3A_873 : vector<1x1x16xf32> to vector<16xf32>
      %swap3A_875 = vector.shape_cast %mul3A_868 : vector<16xf32> to vector<1x1x16xf32>
      tpu.vector_store %arg11[%swap3A_870, %swap3A_871, %swap3A_872], %swap3A_875 {strides = array<i32>} : memref<4x64x128xf32, #tpu.memory_space<vmem>>, vector<1x1x16xf32>,
      %get3A_876 = arith.constant 2 : i32
      %get3A_877 = arith.index_cast %get3A_876 : i32 to index
      %get3A_878 = arith.index_cast %add3A_757 : i32 to index
      %get3A_879 = arith.constant 96 : index
      %get3A_880 = tpu.vector_load %arg9[%get3A_877, %get3A_878, %get3A_879] {strides = array<i32>} : memref<4x64x128xf32, #tpu.memory_space<vmem>>, vector<1x1x16xf32>,
      %get3A_881 = vector.shape_cast %get3A_880 : vector<1x1x16xf32> to vector<16xf32>
      %get3A_882 = arith.constant 2 : i32
      %get3A_883 = arith.index_cast %get3A_882 : i32 to index
      %get3A_884 = arith.index_cast %add3A_757 : i32 to index
      %get3A_885 = arith.constant 96 : index
      %get3A_886 = tpu.vector_load %arg10[%get3A_883, %get3A_884, %get3A_885] {strides = array<i32>} : memref<4x64x128xf32, #tpu.memory_space<vmem>>, vector<1x1x16xf32>,
      %get3A_887 = vector.shape_cast %get3A_886 : vector<1x1x16xf32> to vector<16xf32>
      %mul3A_888 = arith.mulf %get3A_881, %get3A_887 : vector<16xf32>
      %swap3A_889 = arith.constant 2 : i32
      %swap3A_890 = arith.index_cast %swap3A_889 : i32 to index
      %swap3A_891 = arith.index_cast %add3A_757 : i32 to index
      %swap3A_892 = arith.constant 96 : index
      %swap3A_893 = tpu.vector_load %arg11[%swap3A_890, %swap3A_891, %swap3A_892] {strides = array<i32>} : memref<4x64x128xf32, #tpu.memory_space<vmem>>, vector<1x1x16xf32>,
      %swap3A_894 = vector.shape_cast %swap3A_893 : vector<1x1x16xf32> to vector<16xf32>
      %swap3A_895 = vector.shape_cast %mul3A_888 : vector<16xf32> to vector<1x1x16xf32>
      tpu.vector_store %arg11[%swap3A_890, %swap3A_891, %swap3A_892], %swap3A_895 {strides = array<i32>} : memref<4x64x128xf32, #tpu.memory_space<vmem>>, vector<1x1x16xf32>,
      %get3A_896 = arith.constant 2 : i32
      %get3A_897 = arith.index_cast %get3A_896 : i32 to index
      %get3A_898 = arith.index_cast %add3A_757 : i32 to index
      %get3A_899 = arith.constant 112 : index
      %get3A_900 = tpu.vector_load %arg9[%get3A_897, %get3A_898, %get3A_899] {strides = array<i32>} : memref<4x64x128xf32, #tpu.memory_space<vmem>>, vector<1x1x16xf32>,
      %get3A_901 = vector.shape_cast %get3A_900 : vector<1x1x16xf32> to vector<16xf32>
      %get3A_902 = arith.constant 2 : i32
      %get3A_903 = arith.index_cast %get3A_902 : i32 to index
      %get3A_904 = arith.index_cast %add3A_757 : i32 to index
      %get3A_905 = arith.constant 112 : index
      %get3A_906 = tpu.vector_load %arg10[%get3A_903, %get3A_904, %get3A_905] {strides = array<i32>} : memref<4x64x128xf32, #tpu.memory_space<vmem>>, vector<1x1x16xf32>,
      %get3A_907 = vector.shape_cast %get3A_906 : vector<1x1x16xf32> to vector<16xf32>
      %mul3A_908 = arith.mulf %get3A_901, %get3A_907 : vector<16xf32>
      %swap3A_909 = arith.constant 2 : i32
      %swap3A_910 = arith.index_cast %swap3A_909 : i32 to index
      %swap3A_911 = arith.index_cast %add3A_757 : i32 to index
      %swap3A_912 = arith.constant 112 : index
      %swap3A_913 = tpu.vector_load %arg11[%swap3A_910, %swap3A_911, %swap3A_912] {strides = array<i32>} : memref<4x64x128xf32, #tpu.memory_space<vmem>>, vector<1x1x16xf32>,
      %swap3A_914 = vector.shape_cast %swap3A_913 : vector<1x1x16xf32> to vector<16xf32>
      %swap3A_915 = vector.shape_cast %mul3A_908 : vector<16xf32> to vector<1x1x16xf32>
      tpu.vector_store %arg11[%swap3A_910, %swap3A_911, %swap3A_912], %swap3A_915 {strides = array<i32>} : memref<4x64x128xf32, #tpu.memory_space<vmem>>, vector<1x1x16xf32>,
      %mul3A_916 = arith.constant 2 : i32
      %mul3A_917 = arith.muli %scan3A_752, %mul3A_916 : i32
      %add3A_918 = arith.constant 1 : i32
      %add3A_919 = arith.addi %mul3A_917, %add3A_918 : i32
      %get3A_920 = arith.constant 2 : i32
      %get3A_921 = arith.index_cast %get3A_920 : i32 to index
      %get3A_922 = arith.index_cast %add3A_919 : i32 to index
      %get3A_923 = arith.constant 0 : index
      %get3A_924 = tpu.vector_load %arg9[%get3A_921, %get3A_922, %get3A_923] {strides = array<i32>} : memref<4x64x128xf32, #tpu.memory_space<vmem>>, vector<1x1x16xf32>,
      %get3A_925 = vector.shape_cast %get3A_924 : vector<1x1x16xf32> to vector<16xf32>
      %get3A_926 = arith.constant 2 : i32
      %get3A_927 = arith.index_cast %get3A_926 : i32 to index
      %get3A_928 = arith.index_cast %add3A_919 : i32 to index
      %get3A_929 = arith.constant 0 : index
      %get3A_930 = tpu.vector_load %arg10[%get3A_927, %get3A_928, %get3A_929] {strides = array<i32>} : memref<4x64x128xf32, #tpu.memory_space<vmem>>, vector<1x1x16xf32>,
      %get3A_931 = vector.shape_cast %get3A_930 : vector<1x1x16xf32> to vector<16xf32>
      %mul3A_932 = arith.mulf %get3A_925, %get3A_931 : vector<16xf32>
      %swap3A_933 = arith.constant 2 : i32
      %swap3A_934 = arith.index_cast %swap3A_933 : i32 to index
      %swap3A_935 = arith.index_cast %add3A_919 : i32 to index
      %swap3A_936 = arith.constant 0 : index
      %swap3A_937 = tpu.vector_load %arg11[%swap3A_934, %swap3A_935, %swap3A_936] {strides = array<i32>} : memref<4x64x128xf32, #tpu.memory_space<vmem>>, vector<1x1x16xf32>,
      %swap3A_938 = vector.shape_cast %swap3A_937 : vector<1x1x16xf32> to vector<16xf32>
      %swap3A_939 = vector.shape_cast %mul3A_932 : vector<16xf32> to vector<1x1x16xf32>
      tpu.vector_store %arg11[%swap3A_934, %swap3A_935, %swap3A_936], %swap3A_939 {strides = array<i32>} : memref<4x64x128xf32, #tpu.memory_space<vmem>>, vector<1x1x16xf32>,
      %get3A_940 = arith.constant 2 : i32
      %get3A_941 = arith.index_cast %get3A_940 : i32 to index
      %get3A_942 = arith.index_cast %add3A_919 : i32 to index
      %get3A_943 = arith.constant 16 : index
      %get3A_944 = tpu.vector_load %arg9[%get3A_941, %get3A_942, %get3A_943] {strides = array<i32>} : memref<4x64x128xf32, #tpu.memory_space<vmem>>, vector<1x1x16xf32>,
      %get3A_945 = vector.shape_cast %get3A_944 : vector<1x1x16xf32> to vector<16xf32>
      %get3A_946 = arith.constant 2 : i32
      %get3A_947 = arith.index_cast %get3A_946 : i32 to index
      %get3A_948 = arith.index_cast %add3A_919 : i32 to index
      %get3A_949 = arith.constant 16 : index
      %get3A_950 = tpu.vector_load %arg10[%get3A_947, %get3A_948, %get3A_949] {strides = array<i32>} : memref<4x64x128xf32, #tpu.memory_space<vmem>>, vector<1x1x16xf32>,
      %get3A_951 = vector.shape_cast %get3A_950 : vector<1x1x16xf32> to vector<16xf32>
      %mul3A_952 = arith.mulf %get3A_945, %get3A_951 : vector<16xf32>
      %swap3A_953 = arith.constant 2 : i32
      %swap3A_954 = arith.index_cast %swap3A_953 : i32 to index
      %swap3A_955 = arith.index_cast %add3A_919 : i32 to index
      %swap3A_956 = arith.constant 16 : index
      %swap3A_957 = tpu.vector_load %arg11[%swap3A_954, %swap3A_955, %swap3A_956] {strides = array<i32>} : memref<4x64x128xf32, #tpu.memory_space<vmem>>, vector<1x1x16xf32>,
      %swap3A_958 = vector.shape_cast %swap3A_957 : vector<1x1x16xf32> to vector<16xf32>
      %swap3A_959 = vector.shape_cast %mul3A_952 : vector<16xf32> to vector<1x1x16xf32>
      tpu.vector_store %arg11[%swap3A_954, %swap3A_955, %swap3A_956], %swap3A_959 {strides = array<i32>} : memref<4x64x128xf32, #tpu.memory_space<vmem>>, vector<1x1x16xf32>,
      %get3A_960 = arith.constant 2 : i32
      %get3A_961 = arith.index_cast %get3A_960 : i32 to index
      %get3A_962 = arith.index_cast %add3A_919 : i32 to index
      %get3A_963 = arith.constant 32 : index
      %get3A_964 = tpu.vector_load %arg9[%get3A_961, %get3A_962, %get3A_963] {strides = array<i32>} : memref<4x64x128xf32, #tpu.memory_space<vmem>>, vector<1x1x16xf32>,
      %get3A_965 = vector.shape_cast %get3A_964 : vector<1x1x16xf32> to vector<16xf32>
      %get3A_966 = arith.constant 2 : i32
      %get3A_967 = arith.index_cast %get3A_966 : i32 to index
      %get3A_968 = arith.index_cast %add3A_919 : i32 to index
      %get3A_969 = arith.constant 32 : index
      %get3A_970 = tpu.vector_load %arg10[%get3A_967, %get3A_968, %get3A_969] {strides = array<i32>} : memref<4x64x128xf32, #tpu.memory_space<vmem>>, vector<1x1x16xf32>,
      %get3A_971 = vector.shape_cast %get3A_970 : vector<1x1x16xf32> to vector<16xf32>
      %mul3A_972 = arith.mulf %get3A_965, %get3A_971 : vector<16xf32>
      %swap3A_973 = arith.constant 2 : i32
      %swap3A_974 = arith.index_cast %swap3A_973 : i32 to index
      %swap3A_975 = arith.index_cast %add3A_919 : i32 to index
      %swap3A_976 = arith.constant 32 : index
      %swap3A_977 = tpu.vector_load %arg11[%swap3A_974, %swap3A_975, %swap3A_976] {strides = array<i32>} : memref<4x64x128xf32, #tpu.memory_space<vmem>>, vector<1x1x16xf32>,
      %swap3A_978 = vector.shape_cast %swap3A_977 : vector<1x1x16xf32> to vector<16xf32>
      %swap3A_979 = vector.shape_cast %mul3A_972 : vector<16xf32> to vector<1x1x16xf32>
      tpu.vector_store %arg11[%swap3A_974, %swap3A_975, %swap3A_976], %swap3A_979 {strides = array<i32>} : memref<4x64x128xf32, #tpu.memory_space<vmem>>, vector<1x1x16xf32>,
      %get3A_980 = arith.constant 2 : i32
      %get3A_981 = arith.index_cast %get3A_980 : i32 to index
      %get3A_982 = arith.index_cast %add3A_919 : i32 to index
      %get3A_983 = arith.constant 48 : index
      %get3A_984 = tpu.vector_load %arg9[%get3A_981, %get3A_982, %get3A_983] {strides = array<i32>} : memref<4x64x128xf32, #tpu.memory_space<vmem>>, vector<1x1x16xf32>,
      %get3A_985 = vector.shape_cast %get3A_984 : vector<1x1x16xf32> to vector<16xf32>
      %get3A_986 = arith.constant 2 : i32
      %get3A_987 = arith.index_cast %get3A_986 : i32 to index
      %get3A_988 = arith.index_cast %add3A_919 : i32 to index
      %get3A_989 = arith.constant 48 : index
      %get3A_990 = tpu.vector_load %arg10[%get3A_987, %get3A_988, %get3A_989] {strides = array<i32>} : memref<4x64x128xf32, #tpu.memory_space<vmem>>, vector<1x1x16xf32>,
      %get3A_991 = vector.shape_cast %get3A_990 : vector<1x1x16xf32> to vector<16xf32>
      %mul3A_992 = arith.mulf %get3A_985, %get3A_991 : vector<16xf32>
      %swap3A_993 = arith.constant 2 : i32
      %swap3A_994 = arith.index_cast %swap3A_993 : i32 to index
      %swap3A_995 = arith.index_cast %add3A_919 : i32 to index
      %swap3A_996 = arith.constant 48 : index
      %swap3A_997 = tpu.vector_load %arg11[%swap3A_994, %swap3A_995, %swap3A_996] {strides = array<i32>} : memref<4x64x128xf32, #tpu.memory_space<vmem>>, vector<1x1x16xf32>,
      %swap3A_998 = vector.shape_cast %swap3A_997 : vector<1x1x16xf32> to vector<16xf32>
      %swap3A_999 = vector.shape_cast %mul3A_992 : vector<16xf32> to vector<1x1x16xf32>
      tpu.vector_store %arg11[%swap3A_994, %swap3A_995, %swap3A_996], %swap3A_999 {strides = array<i32>} : memref<4x64x128xf32, #tpu.memory_space<vmem>>, vector<1x1x16xf32>,
      %get3A_1000 = arith.constant 2 : i32
      %get3A_1001 = arith.index_cast %get3A_1000 : i32 to index
      %get3A_1002 = arith.index_cast %add3A_919 : i32 to index
      %get3A_1003 = arith.constant 64 : index
      %get3A_1004 = tpu.vector_load %arg9[%get3A_1001, %get3A_1002, %get3A_1003] {strides = array<i32>} : memref<4x64x128xf32, #tpu.memory_space<vmem>>, vector<1x1x16xf32>,
      %get3A_1005 = vector.shape_cast %get3A_1004 : vector<1x1x16xf32> to vector<16xf32>
      %get3A_1006 = arith.constant 2 : i32
      %get3A_1007 = arith.index_cast %get3A_1006 : i32 to index
      %get3A_1008 = arith.index_cast %add3A_919 : i32 to index
      %get3A_1009 = arith.constant 64 : index
      %get3A_1010 = tpu.vector_load %arg10[%get3A_1007, %get3A_1008, %get3A_1009] {strides = array<i32>} : memref<4x64x128xf32, #tpu.memory_space<vmem>>, vector<1x1x16xf32>,
      %get3A_1011 = vector.shape_cast %get3A_1010 : vector<1x1x16xf32> to vector<16xf32>
      %mul3A_1012 = arith.mulf %get3A_1005, %get3A_1011 : vector<16xf32>
      %swap3A_1013 = arith.constant 2 : i32
      %swap3A_1014 = arith.index_cast %swap3A_1013 : i32 to index
      %swap3A_1015 = arith.index_cast %add3A_919 : i32 to index
      %swap3A_1016 = arith.constant 64 : index
      %swap3A_1017 = tpu.vector_load %arg11[%swap3A_1014, %swap3A_1015, %swap3A_1016] {strides = array<i32>} : memref<4x64x128xf32, #tpu.memory_space<vmem>>, vector<1x1x16xf32>,
      %swap3A_1018 = vector.shape_cast %swap3A_1017 : vector<1x1x16xf32> to vector<16xf32>
      %swap3A_1019 = vector.shape_cast %mul3A_1012 : vector<16xf32> to vector<1x1x16xf32>
      tpu.vector_store %arg11[%swap3A_1014, %swap3A_1015, %swap3A_1016], %swap3A_1019 {strides = array<i32>} : memref<4x64x128xf32, #tpu.memory_space<vmem>>, vector<1x1x16xf32>,
      %get3A_1020 = arith.constant 2 : i32
      %get3A_1021 = arith.index_cast %get3A_1020 : i32 to index
      %get3A_1022 = arith.index_cast %add3A_919 : i32 to index
      %get3A_1023 = arith.constant 80 : index
      %get3A_1024 = tpu.vector_load %arg9[%get3A_1021, %get3A_1022, %get3A_1023] {strides = array<i32>} : memref<4x64x128xf32, #tpu.memory_space<vmem>>, vector<1x1x16xf32>,
      %get3A_1025 = vector.shape_cast %get3A_1024 : vector<1x1x16xf32> to vector<16xf32>
      %get3A_1026 = arith.constant 2 : i32
      %get3A_1027 = arith.index_cast %get3A_1026 : i32 to index
      %get3A_1028 = arith.index_cast %add3A_919 : i32 to index
      %get3A_1029 = arith.constant 80 : index
      %get3A_1030 = tpu.vector_load %arg10[%get3A_1027, %get3A_1028, %get3A_1029] {strides = array<i32>} : memref<4x64x128xf32, #tpu.memory_space<vmem>>, vector<1x1x16xf32>,
      %get3A_1031 = vector.shape_cast %get3A_1030 : vector<1x1x16xf32> to vector<16xf32>
      %mul3A_1032 = arith.mulf %get3A_1025, %get3A_1031 : vector<16xf32>
      %swap3A_1033 = arith.constant 2 : i32
      %swap3A_1034 = arith.index_cast %swap3A_1033 : i32 to index
      %swap3A_1035 = arith.index_cast %add3A_919 : i32 to index
      %swap3A_1036 = arith.constant 80 : index
      %swap3A_1037 = tpu.vector_load %arg11[%swap3A_1034, %swap3A_1035, %swap3A_1036] {strides = array<i32>} : memref<4x64x128xf32, #tpu.memory_space<vmem>>, vector<1x1x16xf32>,
      %swap3A_1038 = vector.shape_cast %swap3A_1037 : vector<1x1x16xf32> to vector<16xf32>
      %swap3A_1039 = vector.shape_cast %mul3A_1032 : vector<16xf32> to vector<1x1x16xf32>
      tpu.vector_store %arg11[%swap3A_1034, %swap3A_1035, %swap3A_1036], %swap3A_1039 {strides = array<i32>} : memref<4x64x128xf32, #tpu.memory_space<vmem>>, vector<1x1x16xf32>,
      %get3A_1040 = arith.constant 2 : i32
      %get3A_1041 = arith.index_cast %get3A_1040 : i32 to index
      %get3A_1042 = arith.index_cast %add3A_919 : i32 to index
      %get3A_1043 = arith.constant 96 : index
      %get3A_1044 = tpu.vector_load %arg9[%get3A_1041, %get3A_1042, %get3A_1043] {strides = array<i32>} : memref<4x64x128xf32, #tpu.memory_space<vmem>>, vector<1x1x16xf32>,
      %get3A_1045 = vector.shape_cast %get3A_1044 : vector<1x1x16xf32> to vector<16xf32>
      %get3A_1046 = arith.constant 2 : i32
      %get3A_1047 = arith.index_cast %get3A_1046 : i32 to index
      %get3A_1048 = arith.index_cast %add3A_919 : i32 to index
      %get3A_1049 = arith.constant 96 : index
      %get3A_1050 = tpu.vector_load %arg10[%get3A_1047, %get3A_1048, %get3A_1049] {strides = array<i32>} : memref<4x64x128xf32, #tpu.memory_space<vmem>>, vector<1x1x16xf32>,
      %get3A_1051 = vector.shape_cast %get3A_1050 : vector<1x1x16xf32> to vector<16xf32>
      %mul3A_1052 = arith.mulf %get3A_1045, %get3A_1051 : vector<16xf32>
      %swap3A_1053 = arith.constant 2 : i32
      %swap3A_1054 = arith.index_cast %swap3A_1053 : i32 to index
      %swap3A_1055 = arith.index_cast %add3A_919 : i32 to index
      %swap3A_1056 = arith.constant 96 : index
      %swap3A_1057 = tpu.vector_load %arg11[%swap3A_1054, %swap3A_1055, %swap3A_1056] {strides = array<i32>} : memref<4x64x128xf32, #tpu.memory_space<vmem>>, vector<1x1x16xf32>,
      %swap3A_1058 = vector.shape_cast %swap3A_1057 : vector<1x1x16xf32> to vector<16xf32>
      %swap3A_1059 = vector.shape_cast %mul3A_1052 : vector<16xf32> to vector<1x1x16xf32>
      tpu.vector_store %arg11[%swap3A_1054, %swap3A_1055, %swap3A_1056], %swap3A_1059 {strides = array<i32>} : memref<4x64x128xf32, #tpu.memory_space<vmem>>, vector<1x1x16xf32>,
      %get3A_1060 = arith.constant 2 : i32
      %get3A_1061 = arith.index_cast %get3A_1060 : i32 to index
      %get3A_1062 = arith.index_cast %add3A_919 : i32 to index
      %get3A_1063 = arith.constant 112 : index
      %get3A_1064 = tpu.vector_load %arg9[%get3A_1061, %get3A_1062, %get3A_1063] {strides = array<i32>} : memref<4x64x128xf32, #tpu.memory_space<vmem>>, vector<1x1x16xf32>,
      %get3A_1065 = vector.shape_cast %get3A_1064 : vector<1x1x16xf32> to vector<16xf32>
      %get3A_1066 = arith.constant 2 : i32
      %get3A_1067 = arith.index_cast %get3A_1066 : i32 to index
      %get3A_1068 = arith.index_cast %add3A_919 : i32 to index
      %get3A_1069 = arith.constant 112 : index
      %get3A_1070 = tpu.vector_load %arg10[%get3A_1067, %get3A_1068, %get3A_1069] {strides = array<i32>} : memref<4x64x128xf32, #tpu.memory_space<vmem>>, vector<1x1x16xf32>,
      %get3A_1071 = vector.shape_cast %get3A_1070 : vector<1x1x16xf32> to vector<16xf32>
      %mul3A_1072 = arith.mulf %get3A_1065, %get3A_1071 : vector<16xf32>
      %swap3A_1073 = arith.constant 2 : i32
      %swap3A_1074 = arith.index_cast %swap3A_1073 : i32 to index
      %swap3A_1075 = arith.index_cast %add3A_919 : i32 to index
      %swap3A_1076 = arith.constant 112 : index
      %swap3A_1077 = tpu.vector_load %arg11[%swap3A_1074, %swap3A_1075, %swap3A_1076] {strides = array<i32>} : memref<4x64x128xf32, #tpu.memory_space<vmem>>, vector<1x1x16xf32>,
      %swap3A_1078 = vector.shape_cast %swap3A_1077 : vector<1x1x16xf32> to vector<16xf32>
      %swap3A_1079 = vector.shape_cast %mul3A_1072 : vector<16xf32> to vector<1x1x16xf32>
      tpu.vector_store %arg11[%swap3A_1074, %swap3A_1075, %swap3A_1076], %swap3A_1079 {strides = array<i32>} : memref<4x64x128xf32, #tpu.memory_space<vmem>>, vector<1x1x16xf32>,
      %scan3A_1080 = arith.constant 0 : i32
      scf.yield %scan3A_1080 : i32
    }
    %scan3A_298 = arith.constant 32 : i32
    %dma_start3A_299 = arith.constant 2 : i32
    %dma_start3A_300 = arith.constant 2 : i32
    %dma_start3A_301 = arith.constant 0 : i32
    %dma_start3A_302 = arith.constant 0 : i32
    %dma_start3A_303 = tpu.memref_slice %arg9[%dma_start3A_299, %dma_start3A_301, %dma_start3A_302] : memref<4x64x128xf32, #tpu.memory_space<vmem>> -> memref<1x64x128xf32, #tpu.memory_space<vmem>>
    %dma_start3A_304 = tpu.memref_squeeze %dma_start3A_303 : memref<1x64x128xf32, #tpu.memory_space<vmem>> -> memref<64x128xf32, #tpu.memory_space<vmem>>
    %dma_start3A_305 = arith.constant 384 : i32
    %dma_start3A_306 = tpu.memref_slice %arg7[%dma_start3A_305] : memref<512xi32, #tpu.memory_space<vmem>> -> memref<64xi32, #tpu.memory_space<vmem>>
    %dma_start3A_307 = arith.constant 0 : i32
    %dma_start3A_308 = arith.constant 0 : i32
    %dma_start3A_309 = tpu.memref_slice %arg4[%dma_start3A_307, %dma_start3A_308] : memref<1000000x128xf32, #tpu.memory_space<hbm>> -> memref<1000000x128xf32, #tpu.memory_space<hbm>>
    %dma_start3A_310 = tpu.memref_slice %arg12[%dma_start3A_300] : memref<4x!tpu.dma_semaphore, #tpu.memory_space<semaphore_mem>> -> memref<1x!tpu.dma_semaphore, #tpu.memory_space<semaphore_mem>>
    %dma_start3A_311 = tpu.memref_squeeze %dma_start3A_310 : memref<1x!tpu.dma_semaphore, #tpu.memory_space<semaphore_mem>> -> memref<!tpu.dma_semaphore, #tpu.memory_space<semaphore_mem>>
    tpu.enqueue_indirect_dma source(%dma_start3A_309 : memref<1000000x128xf32, #tpu.memory_space<hbm>>) target(%dma_start3A_304 : memref<64x128xf32, #tpu.memory_space<vmem>>) offsets(%dma_start3A_306 : memref<64xi32, #tpu.memory_space<vmem>>) semaphore(%dma_start3A_311 : memref<!tpu.dma_semaphore, #tpu.memory_space<semaphore_mem>>)
    %dma_start3A_312 = arith.constant 2 : i32
    %dma_start3A_313 = arith.constant 2 : i32
    %dma_start3A_314 = arith.constant 0 : i32
    %dma_start3A_315 = arith.constant 0 : i32
    %dma_start3A_316 = tpu.memref_slice %arg10[%dma_start3A_312, %dma_start3A_314, %dma_start3A_315] : memref<4x64x128xf32, #tpu.memory_space<vmem>> -> memref<1x64x128xf32, #tpu.memory_space<vmem>>
    %dma_start3A_317 = tpu.memref_squeeze %dma_start3A_316 : memref<1x64x128xf32, #tpu.memory_space<vmem>> -> memref<64x128xf32, #tpu.memory_space<vmem>>
    %dma_start3A_318 = arith.constant 384 : i32
    %dma_start3A_319 = tpu.memref_slice %arg8[%dma_start3A_318] : memref<512xi32, #tpu.memory_space<vmem>> -> memref<64xi32, #tpu.memory_space<vmem>>
    %dma_start3A_320 = arith.constant 0 : i32
    %dma_start3A_321 = arith.constant 0 : i32
    %dma_start3A_322 = tpu.memref_slice %arg5[%dma_start3A_320, %dma_start3A_321] : memref<1000000x128xf32, #tpu.memory_space<hbm>> -> memref<1000000x128xf32, #tpu.memory_space<hbm>>
    %dma_start3A_323 = tpu.memref_slice %arg13[%dma_start3A_313] : memref<4x!tpu.dma_semaphore, #tpu.memory_space<semaphore_mem>> -> memref<1x!tpu.dma_semaphore, #tpu.memory_space<semaphore_mem>>
    %dma_start3A_324 = tpu.memref_squeeze %dma_start3A_323 : memref<1x!tpu.dma_semaphore, #tpu.memory_space<semaphore_mem>> -> memref<!tpu.dma_semaphore, #tpu.memory_space<semaphore_mem>>
    tpu.enqueue_indirect_dma source(%dma_start3A_322 : memref<1000000x128xf32, #tpu.memory_space<hbm>>) target(%dma_start3A_317 : memref<64x128xf32, #tpu.memory_space<vmem>>) offsets(%dma_start3A_319 : memref<64xi32, #tpu.memory_space<vmem>>) semaphore(%dma_start3A_324 : memref<!tpu.dma_semaphore, #tpu.memory_space<semaphore_mem>>)
    %add3A_325 = arith.constant 128 : i32
    %add3A_326 = arith.addi %mul3A_2, %add3A_325 : i32
    %dma_start3A_327 = arith.constant 2 : i32
    %dma_start3A_328 = arith.constant 2 : i32
    %dma_start3A_329 = arith.constant 0 : i32
    %dma_start3A_330 = arith.constant 0 : i32
    %dma_start3A_331 = tpu.memref_slice %arg11[%dma_start3A_327, %dma_start3A_329, %dma_start3A_330] : memref<4x64x128xf32, #tpu.memory_space<vmem>> -> memref<1x64x128xf32, #tpu.memory_space<vmem>>
    %dma_start3A_332 = tpu.memref_squeeze %dma_start3A_331 : memref<1x64x128xf32, #tpu.memory_space<vmem>> -> memref<64x128xf32, #tpu.memory_space<vmem>>
    %dma_start3A_333 = arith.constant 0 : i32
    %dma_start3A_334 = tpu.memref_slice %arg6[%add3A_326, %dma_start3A_333] : memref<16384x128xf32, #tpu.memory_space<hbm>> -> memref<64x128xf32, #tpu.memory_space<hbm>>
    %dma_start3A_335 = tpu.memref_slice %arg14[%dma_start3A_328] : memref<4x!tpu.dma_semaphore, #tpu.memory_space<semaphore_mem>> -> memref<1x!tpu.dma_semaphore, #tpu.memory_space<semaphore_mem>>
    %dma_start3A_336 = tpu.memref_squeeze %dma_start3A_335 : memref<1x!tpu.dma_semaphore, #tpu.memory_space<semaphore_mem>> -> memref<!tpu.dma_semaphore, #tpu.memory_space<semaphore_mem>>
    %dma_start3A_337 = arith.constant 0 : i32
    %dma_start3A_338 = tpu.memref_slice %arg6[%add3A_326, %dma_start3A_337] : memref<16384x128xf32, #tpu.memory_space<hbm>> -> memref<64x128xf32, #tpu.memory_space<hbm>>
    %dma_start3A_339 = arith.constant 0 : i32
    %dma_start3A_340 = arith.constant 0 : i32
    %dma_start3A_341 = tpu.memref_slice %arg11[%dma_start3A_327, %dma_start3A_339, %dma_start3A_340] : memref<4x64x128xf32, #tpu.memory_space<vmem>> -> memref<1x64x128xf32, #tpu.memory_space<vmem>>
    %dma_start3A_342 = tpu.memref_squeeze %dma_start3A_341 : memref<1x64x128xf32, #tpu.memory_space<vmem>> -> memref<64x128xf32, #tpu.memory_space<vmem>>
    tpu.enqueue_dma source(%dma_start3A_342 : memref<64x128xf32, #tpu.memory_space<vmem>>) target(%dma_start3A_338 : memref<64x128xf32, #tpu.memory_space<hbm>>) target_semaphore(%dma_start3A_336 : memref<!tpu.dma_semaphore, #tpu.memory_space<semaphore_mem>>)
    %dma_wait3A_343 = arith.constant 3 : i32
    %dma_wait3A_344 = arith.constant 3 : i32
    %dma_wait3A_345 = arith.constant 0 : i32
    %dma_wait3A_346 = arith.constant 0 : i32
    %dma_wait3A_347 = tpu.memref_slice %arg9[%dma_wait3A_343, %dma_wait3A_345, %dma_wait3A_346] : memref<4x64x128xf32, #tpu.memory_space<vmem>> -> memref<1x64x128xf32, #tpu.memory_space<vmem>>
    %dma_wait3A_348 = tpu.memref_squeeze %dma_wait3A_347 : memref<1x64x128xf32, #tpu.memory_space<vmem>> -> memref<64x128xf32, #tpu.memory_space<vmem>>
    %dma_wait3A_349 = arith.constant 192 : i32
    %dma_wait3A_350 = tpu.memref_slice %arg7[%dma_wait3A_349] : memref<512xi32, #tpu.memory_space<vmem>> -> memref<64xi32, #tpu.memory_space<vmem>>
    %dma_wait3A_351 = arith.constant 0 : i32
    %dma_wait3A_352 = arith.constant 0 : i32
    %dma_wait3A_353 = tpu.memref_slice %arg4[%dma_wait3A_351, %dma_wait3A_352] : memref<1000000x128xf32, #tpu.memory_space<hbm>> -> memref<1000000x128xf32, #tpu.memory_space<hbm>>
    %dma_wait3A_354 = tpu.memref_slice %arg12[%dma_wait3A_344] : memref<4x!tpu.dma_semaphore, #tpu.memory_space<semaphore_mem>> -> memref<1x!tpu.dma_semaphore, #tpu.memory_space<semaphore_mem>>
    %dma_wait3A_355 = tpu.memref_squeeze %dma_wait3A_354 : memref<1x!tpu.dma_semaphore, #tpu.memory_space<semaphore_mem>> -> memref<!tpu.dma_semaphore, #tpu.memory_space<semaphore_mem>>
    tpu.wait_indirect_dma semaphore(%dma_wait3A_355 : memref<!tpu.dma_semaphore, #tpu.memory_space<semaphore_mem>>) src(%dma_wait3A_353 : memref<1000000x128xf32, #tpu.memory_space<hbm>>) dst(%dma_wait3A_348 : memref<64x128xf32, #tpu.memory_space<vmem>>)
    %dma_wait3A_356 = arith.constant 3 : i32
    %dma_wait3A_357 = arith.constant 3 : i32
    %dma_wait3A_358 = arith.constant 0 : i32
    %dma_wait3A_359 = arith.constant 0 : i32
    %dma_wait3A_360 = tpu.memref_slice %arg10[%dma_wait3A_356, %dma_wait3A_358, %dma_wait3A_359] : memref<4x64x128xf32, #tpu.memory_space<vmem>> -> memref<1x64x128xf32, #tpu.memory_space<vmem>>
    %dma_wait3A_361 = tpu.memref_squeeze %dma_wait3A_360 : memref<1x64x128xf32, #tpu.memory_space<vmem>> -> memref<64x128xf32, #tpu.memory_space<vmem>>
    %dma_wait3A_362 = arith.constant 192 : i32
    %dma_wait3A_363 = tpu.memref_slice %arg8[%dma_wait3A_362] : memref<512xi32, #tpu.memory_space<vmem>> -> memref<64xi32, #tpu.memory_space<vmem>>
    %dma_wait3A_364 = arith.constant 0 : i32
    %dma_wait3A_365 = arith.constant 0 : i32
    %dma_wait3A_366 = tpu.memref_slice %arg5[%dma_wait3A_364, %dma_wait3A_365] : memref<1000000x128xf32, #tpu.memory_space<hbm>> -> memref<1000000x128xf32, #tpu.memory_space<hbm>>
    %dma_wait3A_367 = tpu.memref_slice %arg13[%dma_wait3A_357] : memref<4x!tpu.dma_semaphore, #tpu.memory_space<semaphore_mem>> -> memref<1x!tpu.dma_semaphore, #tpu.memory_space<semaphore_mem>>
    %dma_wait3A_368 = tpu.memref_squeeze %dma_wait3A_367 : memref<1x!tpu.dma_semaphore, #tpu.memory_space<semaphore_mem>> -> memref<!tpu.dma_semaphore, #tpu.memory_space<semaphore_mem>>
    tpu.wait_indirect_dma semaphore(%dma_wait3A_368 : memref<!tpu.dma_semaphore, #tpu.memory_space<semaphore_mem>>) src(%dma_wait3A_366 : memref<1000000x128xf32, #tpu.memory_space<hbm>>) dst(%dma_wait3A_361 : memref<64x128xf32, #tpu.memory_space<vmem>>)
    %scan3A_369 = arith.constant 0 : i32
    %scan3A_370 = arith.constant 0 : i32
    %scan3A_371 = arith.constant 32 : i32
    %scan3A_372 = arith.addi %scan3A_370, %scan3A_371 : i32
    %scan3A_373 = arith.constant 1 : i32
    %scan3A_374 = scf.for %scan3A_752 = %scan3A_370 to %scan3A_372 step %scan3A_373 iter_args(%scan3A_753 = %scan3A_369) -> (i32)  : i32 {
      %mul3A_754 = arith.constant 2 : i32
      %mul3A_755 = arith.muli %scan3A_752, %mul3A_754 : i32
      %add3A_756 = arith.constant 0 : i32
      %add3A_757 = arith.addi %mul3A_755, %add3A_756 : i32
      %get3A = arith.constant 3 : i32
      %get3A_758 = arith.index_cast %get3A : i32 to index
      %get3A_759 = arith.index_cast %add3A_757 : i32 to index
      %get3A_760 = arith.constant 0 : index
      %get3A_761 = tpu.vector_load %arg9[%get3A_758, %get3A_759, %get3A_760] {strides = array<i32>} : memref<4x64x128xf32, #tpu.memory_space<vmem>>, vector<1x1x16xf32>,
      %get3A_762 = vector.shape_cast %get3A_761 : vector<1x1x16xf32> to vector<16xf32>
      %get3A_763 = arith.constant 3 : i32
      %get3A_764 = arith.index_cast %get3A_763 : i32 to index
      %get3A_765 = arith.index_cast %add3A_757 : i32 to index
      %get3A_766 = arith.constant 0 : index
      %get3A_767 = tpu.vector_load %arg10[%get3A_764, %get3A_765, %get3A_766] {strides = array<i32>} : memref<4x64x128xf32, #tpu.memory_space<vmem>>, vector<1x1x16xf32>,
      %get3A_768 = vector.shape_cast %get3A_767 : vector<1x1x16xf32> to vector<16xf32>
      %mul3A_769 = arith.mulf %get3A_762, %get3A_768 : vector<16xf32>
      %swap3A = arith.constant 3 : i32
      %swap3A_770 = arith.index_cast %swap3A : i32 to index
      %swap3A_771 = arith.index_cast %add3A_757 : i32 to index
      %swap3A_772 = arith.constant 0 : index
      %swap3A_773 = tpu.vector_load %arg11[%swap3A_770, %swap3A_771, %swap3A_772] {strides = array<i32>} : memref<4x64x128xf32, #tpu.memory_space<vmem>>, vector<1x1x16xf32>,
      %swap3A_774 = vector.shape_cast %swap3A_773 : vector<1x1x16xf32> to vector<16xf32>
      %swap3A_775 = vector.shape_cast %mul3A_769 : vector<16xf32> to vector<1x1x16xf32>
      tpu.vector_store %arg11[%swap3A_770, %swap3A_771, %swap3A_772], %swap3A_775 {strides = array<i32>} : memref<4x64x128xf32, #tpu.memory_space<vmem>>, vector<1x1x16xf32>,
      %get3A_776 = arith.constant 3 : i32
      %get3A_777 = arith.index_cast %get3A_776 : i32 to index
      %get3A_778 = arith.index_cast %add3A_757 : i32 to index
      %get3A_779 = arith.constant 16 : index
      %get3A_780 = tpu.vector_load %arg9[%get3A_777, %get3A_778, %get3A_779] {strides = array<i32>} : memref<4x64x128xf32, #tpu.memory_space<vmem>>, vector<1x1x16xf32>,
      %get3A_781 = vector.shape_cast %get3A_780 : vector<1x1x16xf32> to vector<16xf32>
      %get3A_782 = arith.constant 3 : i32
      %get3A_783 = arith.index_cast %get3A_782 : i32 to index
      %get3A_784 = arith.index_cast %add3A_757 : i32 to index
      %get3A_785 = arith.constant 16 : index
      %get3A_786 = tpu.vector_load %arg10[%get3A_783, %get3A_784, %get3A_785] {strides = array<i32>} : memref<4x64x128xf32, #tpu.memory_space<vmem>>, vector<1x1x16xf32>,
      %get3A_787 = vector.shape_cast %get3A_786 : vector<1x1x16xf32> to vector<16xf32>
      %mul3A_788 = arith.mulf %get3A_781, %get3A_787 : vector<16xf32>
      %swap3A_789 = arith.constant 3 : i32
      %swap3A_790 = arith.index_cast %swap3A_789 : i32 to index
      %swap3A_791 = arith.index_cast %add3A_757 : i32 to index
      %swap3A_792 = arith.constant 16 : index
      %swap3A_793 = tpu.vector_load %arg11[%swap3A_790, %swap3A_791, %swap3A_792] {strides = array<i32>} : memref<4x64x128xf32, #tpu.memory_space<vmem>>, vector<1x1x16xf32>,
      %swap3A_794 = vector.shape_cast %swap3A_793 : vector<1x1x16xf32> to vector<16xf32>
      %swap3A_795 = vector.shape_cast %mul3A_788 : vector<16xf32> to vector<1x1x16xf32>
      tpu.vector_store %arg11[%swap3A_790, %swap3A_791, %swap3A_792], %swap3A_795 {strides = array<i32>} : memref<4x64x128xf32, #tpu.memory_space<vmem>>, vector<1x1x16xf32>,
      %get3A_796 = arith.constant 3 : i32
      %get3A_797 = arith.index_cast %get3A_796 : i32 to index
      %get3A_798 = arith.index_cast %add3A_757 : i32 to index
      %get3A_799 = arith.constant 32 : index
      %get3A_800 = tpu.vector_load %arg9[%get3A_797, %get3A_798, %get3A_799] {strides = array<i32>} : memref<4x64x128xf32, #tpu.memory_space<vmem>>, vector<1x1x16xf32>,
      %get3A_801 = vector.shape_cast %get3A_800 : vector<1x1x16xf32> to vector<16xf32>
      %get3A_802 = arith.constant 3 : i32
      %get3A_803 = arith.index_cast %get3A_802 : i32 to index
      %get3A_804 = arith.index_cast %add3A_757 : i32 to index
      %get3A_805 = arith.constant 32 : index
      %get3A_806 = tpu.vector_load %arg10[%get3A_803, %get3A_804, %get3A_805] {strides = array<i32>} : memref<4x64x128xf32, #tpu.memory_space<vmem>>, vector<1x1x16xf32>,
      %get3A_807 = vector.shape_cast %get3A_806 : vector<1x1x16xf32> to vector<16xf32>
      %mul3A_808 = arith.mulf %get3A_801, %get3A_807 : vector<16xf32>
      %swap3A_809 = arith.constant 3 : i32
      %swap3A_810 = arith.index_cast %swap3A_809 : i32 to index
      %swap3A_811 = arith.index_cast %add3A_757 : i32 to index
      %swap3A_812 = arith.constant 32 : index
      %swap3A_813 = tpu.vector_load %arg11[%swap3A_810, %swap3A_811, %swap3A_812] {strides = array<i32>} : memref<4x64x128xf32, #tpu.memory_space<vmem>>, vector<1x1x16xf32>,
      %swap3A_814 = vector.shape_cast %swap3A_813 : vector<1x1x16xf32> to vector<16xf32>
      %swap3A_815 = vector.shape_cast %mul3A_808 : vector<16xf32> to vector<1x1x16xf32>
      tpu.vector_store %arg11[%swap3A_810, %swap3A_811, %swap3A_812], %swap3A_815 {strides = array<i32>} : memref<4x64x128xf32, #tpu.memory_space<vmem>>, vector<1x1x16xf32>,
      %get3A_816 = arith.constant 3 : i32
      %get3A_817 = arith.index_cast %get3A_816 : i32 to index
      %get3A_818 = arith.index_cast %add3A_757 : i32 to index
      %get3A_819 = arith.constant 48 : index
      %get3A_820 = tpu.vector_load %arg9[%get3A_817, %get3A_818, %get3A_819] {strides = array<i32>} : memref<4x64x128xf32, #tpu.memory_space<vmem>>, vector<1x1x16xf32>,
      %get3A_821 = vector.shape_cast %get3A_820 : vector<1x1x16xf32> to vector<16xf32>
      %get3A_822 = arith.constant 3 : i32
      %get3A_823 = arith.index_cast %get3A_822 : i32 to index
      %get3A_824 = arith.index_cast %add3A_757 : i32 to index
      %get3A_825 = arith.constant 48 : index
      %get3A_826 = tpu.vector_load %arg10[%get3A_823, %get3A_824, %get3A_825] {strides = array<i32>} : memref<4x64x128xf32, #tpu.memory_space<vmem>>, vector<1x1x16xf32>,
      %get3A_827 = vector.shape_cast %get3A_826 : vector<1x1x16xf32> to vector<16xf32>
      %mul3A_828 = arith.mulf %get3A_821, %get3A_827 : vector<16xf32>
      %swap3A_829 = arith.constant 3 : i32
      %swap3A_830 = arith.index_cast %swap3A_829 : i32 to index
      %swap3A_831 = arith.index_cast %add3A_757 : i32 to index
      %swap3A_832 = arith.constant 48 : index
      %swap3A_833 = tpu.vector_load %arg11[%swap3A_830, %swap3A_831, %swap3A_832] {strides = array<i32>} : memref<4x64x128xf32, #tpu.memory_space<vmem>>, vector<1x1x16xf32>,
      %swap3A_834 = vector.shape_cast %swap3A_833 : vector<1x1x16xf32> to vector<16xf32>
      %swap3A_835 = vector.shape_cast %mul3A_828 : vector<16xf32> to vector<1x1x16xf32>
      tpu.vector_store %arg11[%swap3A_830, %swap3A_831, %swap3A_832], %swap3A_835 {strides = array<i32>} : memref<4x64x128xf32, #tpu.memory_space<vmem>>, vector<1x1x16xf32>,
      %get3A_836 = arith.constant 3 : i32
      %get3A_837 = arith.index_cast %get3A_836 : i32 to index
      %get3A_838 = arith.index_cast %add3A_757 : i32 to index
      %get3A_839 = arith.constant 64 : index
      %get3A_840 = tpu.vector_load %arg9[%get3A_837, %get3A_838, %get3A_839] {strides = array<i32>} : memref<4x64x128xf32, #tpu.memory_space<vmem>>, vector<1x1x16xf32>,
      %get3A_841 = vector.shape_cast %get3A_840 : vector<1x1x16xf32> to vector<16xf32>
      %get3A_842 = arith.constant 3 : i32
      %get3A_843 = arith.index_cast %get3A_842 : i32 to index
      %get3A_844 = arith.index_cast %add3A_757 : i32 to index
      %get3A_845 = arith.constant 64 : index
      %get3A_846 = tpu.vector_load %arg10[%get3A_843, %get3A_844, %get3A_845] {strides = array<i32>} : memref<4x64x128xf32, #tpu.memory_space<vmem>>, vector<1x1x16xf32>,
      %get3A_847 = vector.shape_cast %get3A_846 : vector<1x1x16xf32> to vector<16xf32>
      %mul3A_848 = arith.mulf %get3A_841, %get3A_847 : vector<16xf32>
      %swap3A_849 = arith.constant 3 : i32
      %swap3A_850 = arith.index_cast %swap3A_849 : i32 to index
      %swap3A_851 = arith.index_cast %add3A_757 : i32 to index
      %swap3A_852 = arith.constant 64 : index
      %swap3A_853 = tpu.vector_load %arg11[%swap3A_850, %swap3A_851, %swap3A_852] {strides = array<i32>} : memref<4x64x128xf32, #tpu.memory_space<vmem>>, vector<1x1x16xf32>,
      %swap3A_854 = vector.shape_cast %swap3A_853 : vector<1x1x16xf32> to vector<16xf32>
      %swap3A_855 = vector.shape_cast %mul3A_848 : vector<16xf32> to vector<1x1x16xf32>
      tpu.vector_store %arg11[%swap3A_850, %swap3A_851, %swap3A_852], %swap3A_855 {strides = array<i32>} : memref<4x64x128xf32, #tpu.memory_space<vmem>>, vector<1x1x16xf32>,
      %get3A_856 = arith.constant 3 : i32
      %get3A_857 = arith.index_cast %get3A_856 : i32 to index
      %get3A_858 = arith.index_cast %add3A_757 : i32 to index
      %get3A_859 = arith.constant 80 : index
      %get3A_860 = tpu.vector_load %arg9[%get3A_857, %get3A_858, %get3A_859] {strides = array<i32>} : memref<4x64x128xf32, #tpu.memory_space<vmem>>, vector<1x1x16xf32>,
      %get3A_861 = vector.shape_cast %get3A_860 : vector<1x1x16xf32> to vector<16xf32>
      %get3A_862 = arith.constant 3 : i32
      %get3A_863 = arith.index_cast %get3A_862 : i32 to index
      %get3A_864 = arith.index_cast %add3A_757 : i32 to index
      %get3A_865 = arith.constant 80 : index
      %get3A_866 = tpu.vector_load %arg10[%get3A_863, %get3A_864, %get3A_865] {strides = array<i32>} : memref<4x64x128xf32, #tpu.memory_space<vmem>>, vector<1x1x16xf32>,
      %get3A_867 = vector.shape_cast %get3A_866 : vector<1x1x16xf32> to vector<16xf32>
      %mul3A_868 = arith.mulf %get3A_861, %get3A_867 : vector<16xf32>
      %swap3A_869 = arith.constant 3 : i32
      %swap3A_870 = arith.index_cast %swap3A_869 : i32 to index
      %swap3A_871 = arith.index_cast %add3A_757 : i32 to index
      %swap3A_872 = arith.constant 80 : index
      %swap3A_873 = tpu.vector_load %arg11[%swap3A_870, %swap3A_871, %swap3A_872] {strides = array<i32>} : memref<4x64x128xf32, #tpu.memory_space<vmem>>, vector<1x1x16xf32>,
      %swap3A_874 = vector.shape_cast %swap3A_873 : vector<1x1x16xf32> to vector<16xf32>
      %swap3A_875 = vector.shape_cast %mul3A_868 : vector<16xf32> to vector<1x1x16xf32>
      tpu.vector_store %arg11[%swap3A_870, %swap3A_871, %swap3A_872], %swap3A_875 {strides = array<i32>} : memref<4x64x128xf32, #tpu.memory_space<vmem>>, vector<1x1x16xf32>,
      %get3A_876 = arith.constant 3 : i32
      %get3A_877 = arith.index_cast %get3A_876 : i32 to index
      %get3A_878 = arith.index_cast %add3A_757 : i32 to index
      %get3A_879 = arith.constant 96 : index
      %get3A_880 = tpu.vector_load %arg9[%get3A_877, %get3A_878, %get3A_879] {strides = array<i32>} : memref<4x64x128xf32, #tpu.memory_space<vmem>>, vector<1x1x16xf32>,
      %get3A_881 = vector.shape_cast %get3A_880 : vector<1x1x16xf32> to vector<16xf32>
      %get3A_882 = arith.constant 3 : i32
      %get3A_883 = arith.index_cast %get3A_882 : i32 to index
      %get3A_884 = arith.index_cast %add3A_757 : i32 to index
      %get3A_885 = arith.constant 96 : index
      %get3A_886 = tpu.vector_load %arg10[%get3A_883, %get3A_884, %get3A_885] {strides = array<i32>} : memref<4x64x128xf32, #tpu.memory_space<vmem>>, vector<1x1x16xf32>,
      %get3A_887 = vector.shape_cast %get3A_886 : vector<1x1x16xf32> to vector<16xf32>
      %mul3A_888 = arith.mulf %get3A_881, %get3A_887 : vector<16xf32>
      %swap3A_889 = arith.constant 3 : i32
      %swap3A_890 = arith.index_cast %swap3A_889 : i32 to index
      %swap3A_891 = arith.index_cast %add3A_757 : i32 to index
      %swap3A_892 = arith.constant 96 : index
      %swap3A_893 = tpu.vector_load %arg11[%swap3A_890, %swap3A_891, %swap3A_892] {strides = array<i32>} : memref<4x64x128xf32, #tpu.memory_space<vmem>>, vector<1x1x16xf32>,
      %swap3A_894 = vector.shape_cast %swap3A_893 : vector<1x1x16xf32> to vector<16xf32>
      %swap3A_895 = vector.shape_cast %mul3A_888 : vector<16xf32> to vector<1x1x16xf32>
      tpu.vector_store %arg11[%swap3A_890, %swap3A_891, %swap3A_892], %swap3A_895 {strides = array<i32>} : memref<4x64x128xf32, #tpu.memory_space<vmem>>, vector<1x1x16xf32>,
      %get3A_896 = arith.constant 3 : i32
      %get3A_897 = arith.index_cast %get3A_896 : i32 to index
      %get3A_898 = arith.index_cast %add3A_757 : i32 to index
      %get3A_899 = arith.constant 112 : index
      %get3A_900 = tpu.vector_load %arg9[%get3A_897, %get3A_898, %get3A_899] {strides = array<i32>} : memref<4x64x128xf32, #tpu.memory_space<vmem>>, vector<1x1x16xf32>,
      %get3A_901 = vector.shape_cast %get3A_900 : vector<1x1x16xf32> to vector<16xf32>
      %get3A_902 = arith.constant 3 : i32
      %get3A_903 = arith.index_cast %get3A_902 : i32 to index
      %get3A_904 = arith.index_cast %add3A_757 : i32 to index
      %get3A_905 = arith.constant 112 : index
      %get3A_906 = tpu.vector_load %arg10[%get3A_903, %get3A_904, %get3A_905] {strides = array<i32>} : memref<4x64x128xf32, #tpu.memory_space<vmem>>, vector<1x1x16xf32>,
      %get3A_907 = vector.shape_cast %get3A_906 : vector<1x1x16xf32> to vector<16xf32>
      %mul3A_908 = arith.mulf %get3A_901, %get3A_907 : vector<16xf32>
      %swap3A_909 = arith.constant 3 : i32
      %swap3A_910 = arith.index_cast %swap3A_909 : i32 to index
      %swap3A_911 = arith.index_cast %add3A_757 : i32 to index
      %swap3A_912 = arith.constant 112 : index
      %swap3A_913 = tpu.vector_load %arg11[%swap3A_910, %swap3A_911, %swap3A_912] {strides = array<i32>} : memref<4x64x128xf32, #tpu.memory_space<vmem>>, vector<1x1x16xf32>,
      %swap3A_914 = vector.shape_cast %swap3A_913 : vector<1x1x16xf32> to vector<16xf32>
      %swap3A_915 = vector.shape_cast %mul3A_908 : vector<16xf32> to vector<1x1x16xf32>
      tpu.vector_store %arg11[%swap3A_910, %swap3A_911, %swap3A_912], %swap3A_915 {strides = array<i32>} : memref<4x64x128xf32, #tpu.memory_space<vmem>>, vector<1x1x16xf32>,
      %mul3A_916 = arith.constant 2 : i32
      %mul3A_917 = arith.muli %scan3A_752, %mul3A_916 : i32
      %add3A_918 = arith.constant 1 : i32
      %add3A_919 = arith.addi %mul3A_917, %add3A_918 : i32
      %get3A_920 = arith.constant 3 : i32
      %get3A_921 = arith.index_cast %get3A_920 : i32 to index
      %get3A_922 = arith.index_cast %add3A_919 : i32 to index
      %get3A_923 = arith.constant 0 : index
      %get3A_924 = tpu.vector_load %arg9[%get3A_921, %get3A_922, %get3A_923] {strides = array<i32>} : memref<4x64x128xf32, #tpu.memory_space<vmem>>, vector<1x1x16xf32>,
      %get3A_925 = vector.shape_cast %get3A_924 : vector<1x1x16xf32> to vector<16xf32>
      %get3A_926 = arith.constant 3 : i32
      %get3A_927 = arith.index_cast %get3A_926 : i32 to index
      %get3A_928 = arith.index_cast %add3A_919 : i32 to index
      %get3A_929 = arith.constant 0 : index
      %get3A_930 = tpu.vector_load %arg10[%get3A_927, %get3A_928, %get3A_929] {strides = array<i32>} : memref<4x64x128xf32, #tpu.memory_space<vmem>>, vector<1x1x16xf32>,
      %get3A_931 = vector.shape_cast %get3A_930 : vector<1x1x16xf32> to vector<16xf32>
      %mul3A_932 = arith.mulf %get3A_925, %get3A_931 : vector<16xf32>
      %swap3A_933 = arith.constant 3 : i32
      %swap3A_934 = arith.index_cast %swap3A_933 : i32 to index
      %swap3A_935 = arith.index_cast %add3A_919 : i32 to index
      %swap3A_936 = arith.constant 0 : index
      %swap3A_937 = tpu.vector_load %arg11[%swap3A_934, %swap3A_935, %swap3A_936] {strides = array<i32>} : memref<4x64x128xf32, #tpu.memory_space<vmem>>, vector<1x1x16xf32>,
      %swap3A_938 = vector.shape_cast %swap3A_937 : vector<1x1x16xf32> to vector<16xf32>
      %swap3A_939 = vector.shape_cast %mul3A_932 : vector<16xf32> to vector<1x1x16xf32>
      tpu.vector_store %arg11[%swap3A_934, %swap3A_935, %swap3A_936], %swap3A_939 {strides = array<i32>} : memref<4x64x128xf32, #tpu.memory_space<vmem>>, vector<1x1x16xf32>,
      %get3A_940 = arith.constant 3 : i32
      %get3A_941 = arith.index_cast %get3A_940 : i32 to index
      %get3A_942 = arith.index_cast %add3A_919 : i32 to index
      %get3A_943 = arith.constant 16 : index
      %get3A_944 = tpu.vector_load %arg9[%get3A_941, %get3A_942, %get3A_943] {strides = array<i32>} : memref<4x64x128xf32, #tpu.memory_space<vmem>>, vector<1x1x16xf32>,
      %get3A_945 = vector.shape_cast %get3A_944 : vector<1x1x16xf32> to vector<16xf32>
      %get3A_946 = arith.constant 3 : i32
      %get3A_947 = arith.index_cast %get3A_946 : i32 to index
      %get3A_948 = arith.index_cast %add3A_919 : i32 to index
      %get3A_949 = arith.constant 16 : index
      %get3A_950 = tpu.vector_load %arg10[%get3A_947, %get3A_948, %get3A_949] {strides = array<i32>} : memref<4x64x128xf32, #tpu.memory_space<vmem>>, vector<1x1x16xf32>,
      %get3A_951 = vector.shape_cast %get3A_950 : vector<1x1x16xf32> to vector<16xf32>
      %mul3A_952 = arith.mulf %get3A_945, %get3A_951 : vector<16xf32>
      %swap3A_953 = arith.constant 3 : i32
      %swap3A_954 = arith.index_cast %swap3A_953 : i32 to index
      %swap3A_955 = arith.index_cast %add3A_919 : i32 to index
      %swap3A_956 = arith.constant 16 : index
      %swap3A_957 = tpu.vector_load %arg11[%swap3A_954, %swap3A_955, %swap3A_956] {strides = array<i32>} : memref<4x64x128xf32, #tpu.memory_space<vmem>>, vector<1x1x16xf32>,
      %swap3A_958 = vector.shape_cast %swap3A_957 : vector<1x1x16xf32> to vector<16xf32>
      %swap3A_959 = vector.shape_cast %mul3A_952 : vector<16xf32> to vector<1x1x16xf32>
      tpu.vector_store %arg11[%swap3A_954, %swap3A_955, %swap3A_956], %swap3A_959 {strides = array<i32>} : memref<4x64x128xf32, #tpu.memory_space<vmem>>, vector<1x1x16xf32>,
      %get3A_960 = arith.constant 3 : i32
      %get3A_961 = arith.index_cast %get3A_960 : i32 to index
      %get3A_962 = arith.index_cast %add3A_919 : i32 to index
      %get3A_963 = arith.constant 32 : index
      %get3A_964 = tpu.vector_load %arg9[%get3A_961, %get3A_962, %get3A_963] {strides = array<i32>} : memref<4x64x128xf32, #tpu.memory_space<vmem>>, vector<1x1x16xf32>,
      %get3A_965 = vector.shape_cast %get3A_964 : vector<1x1x16xf32> to vector<16xf32>
      %get3A_966 = arith.constant 3 : i32
      %get3A_967 = arith.index_cast %get3A_966 : i32 to index
      %get3A_968 = arith.index_cast %add3A_919 : i32 to index
      %get3A_969 = arith.constant 32 : index
      %get3A_970 = tpu.vector_load %arg10[%get3A_967, %get3A_968, %get3A_969] {strides = array<i32>} : memref<4x64x128xf32, #tpu.memory_space<vmem>>, vector<1x1x16xf32>,
      %get3A_971 = vector.shape_cast %get3A_970 : vector<1x1x16xf32> to vector<16xf32>
      %mul3A_972 = arith.mulf %get3A_965, %get3A_971 : vector<16xf32>
      %swap3A_973 = arith.constant 3 : i32
      %swap3A_974 = arith.index_cast %swap3A_973 : i32 to index
      %swap3A_975 = arith.index_cast %add3A_919 : i32 to index
      %swap3A_976 = arith.constant 32 : index
      %swap3A_977 = tpu.vector_load %arg11[%swap3A_974, %swap3A_975, %swap3A_976] {strides = array<i32>} : memref<4x64x128xf32, #tpu.memory_space<vmem>>, vector<1x1x16xf32>,
      %swap3A_978 = vector.shape_cast %swap3A_977 : vector<1x1x16xf32> to vector<16xf32>
      %swap3A_979 = vector.shape_cast %mul3A_972 : vector<16xf32> to vector<1x1x16xf32>
      tpu.vector_store %arg11[%swap3A_974, %swap3A_975, %swap3A_976], %swap3A_979 {strides = array<i32>} : memref<4x64x128xf32, #tpu.memory_space<vmem>>, vector<1x1x16xf32>,
      %get3A_980 = arith.constant 3 : i32
      %get3A_981 = arith.index_cast %get3A_980 : i32 to index
      %get3A_982 = arith.index_cast %add3A_919 : i32 to index
      %get3A_983 = arith.constant 48 : index
      %get3A_984 = tpu.vector_load %arg9[%get3A_981, %get3A_982, %get3A_983] {strides = array<i32>} : memref<4x64x128xf32, #tpu.memory_space<vmem>>, vector<1x1x16xf32>,
      %get3A_985 = vector.shape_cast %get3A_984 : vector<1x1x16xf32> to vector<16xf32>
      %get3A_986 = arith.constant 3 : i32
      %get3A_987 = arith.index_cast %get3A_986 : i32 to index
      %get3A_988 = arith.index_cast %add3A_919 : i32 to index
      %get3A_989 = arith.constant 48 : index
      %get3A_990 = tpu.vector_load %arg10[%get3A_987, %get3A_988, %get3A_989] {strides = array<i32>} : memref<4x64x128xf32, #tpu.memory_space<vmem>>, vector<1x1x16xf32>,
      %get3A_991 = vector.shape_cast %get3A_990 : vector<1x1x16xf32> to vector<16xf32>
      %mul3A_992 = arith.mulf %get3A_985, %get3A_991 : vector<16xf32>
      %swap3A_993 = arith.constant 3 : i32
      %swap3A_994 = arith.index_cast %swap3A_993 : i32 to index
      %swap3A_995 = arith.index_cast %add3A_919 : i32 to index
      %swap3A_996 = arith.constant 48 : index
      %swap3A_997 = tpu.vector_load %arg11[%swap3A_994, %swap3A_995, %swap3A_996] {strides = array<i32>} : memref<4x64x128xf32, #tpu.memory_space<vmem>>, vector<1x1x16xf32>,
      %swap3A_998 = vector.shape_cast %swap3A_997 : vector<1x1x16xf32> to vector<16xf32>
      %swap3A_999 = vector.shape_cast %mul3A_992 : vector<16xf32> to vector<1x1x16xf32>
      tpu.vector_store %arg11[%swap3A_994, %swap3A_995, %swap3A_996], %swap3A_999 {strides = array<i32>} : memref<4x64x128xf32, #tpu.memory_space<vmem>>, vector<1x1x16xf32>,
      %get3A_1000 = arith.constant 3 : i32
      %get3A_1001 = arith.index_cast %get3A_1000 : i32 to index
      %get3A_1002 = arith.index_cast %add3A_919 : i32 to index
      %get3A_1003 = arith.constant 64 : index
      %get3A_1004 = tpu.vector_load %arg9[%get3A_1001, %get3A_1002, %get3A_1003] {strides = array<i32>} : memref<4x64x128xf32, #tpu.memory_space<vmem>>, vector<1x1x16xf32>,
      %get3A_1005 = vector.shape_cast %get3A_1004 : vector<1x1x16xf32> to vector<16xf32>
      %get3A_1006 = arith.constant 3 : i32
      %get3A_1007 = arith.index_cast %get3A_1006 : i32 to index
      %get3A_1008 = arith.index_cast %add3A_919 : i32 to index
      %get3A_1009 = arith.constant 64 : index
      %get3A_1010 = tpu.vector_load %arg10[%get3A_1007, %get3A_1008, %get3A_1009] {strides = array<i32>} : memref<4x64x128xf32, #tpu.memory_space<vmem>>, vector<1x1x16xf32>,
      %get3A_1011 = vector.shape_cast %get3A_1010 : vector<1x1x16xf32> to vector<16xf32>
      %mul3A_1012 = arith.mulf %get3A_1005, %get3A_1011 : vector<16xf32>
      %swap3A_1013 = arith.constant 3 : i32
      %swap3A_1014 = arith.index_cast %swap3A_1013 : i32 to index
      %swap3A_1015 = arith.index_cast %add3A_919 : i32 to index
      %swap3A_1016 = arith.constant 64 : index
      %swap3A_1017 = tpu.vector_load %arg11[%swap3A_1014, %swap3A_1015, %swap3A_1016] {strides = array<i32>} : memref<4x64x128xf32, #tpu.memory_space<vmem>>, vector<1x1x16xf32>,
      %swap3A_1018 = vector.shape_cast %swap3A_1017 : vector<1x1x16xf32> to vector<16xf32>
      %swap3A_1019 = vector.shape_cast %mul3A_1012 : vector<16xf32> to vector<1x1x16xf32>
      tpu.vector_store %arg11[%swap3A_1014, %swap3A_1015, %swap3A_1016], %swap3A_1019 {strides = array<i32>} : memref<4x64x128xf32, #tpu.memory_space<vmem>>, vector<1x1x16xf32>,
      %get3A_1020 = arith.constant 3 : i32
      %get3A_1021 = arith.index_cast %get3A_1020 : i32 to index
      %get3A_1022 = arith.index_cast %add3A_919 : i32 to index
      %get3A_1023 = arith.constant 80 : index
      %get3A_1024 = tpu.vector_load %arg9[%get3A_1021, %get3A_1022, %get3A_1023] {strides = array<i32>} : memref<4x64x128xf32, #tpu.memory_space<vmem>>, vector<1x1x16xf32>,
      %get3A_1025 = vector.shape_cast %get3A_1024 : vector<1x1x16xf32> to vector<16xf32>
      %get3A_1026 = arith.constant 3 : i32
      %get3A_1027 = arith.index_cast %get3A_1026 : i32 to index
      %get3A_1028 = arith.index_cast %add3A_919 : i32 to index
      %get3A_1029 = arith.constant 80 : index
      %get3A_1030 = tpu.vector_load %arg10[%get3A_1027, %get3A_1028, %get3A_1029] {strides = array<i32>} : memref<4x64x128xf32, #tpu.memory_space<vmem>>, vector<1x1x16xf32>,
      %get3A_1031 = vector.shape_cast %get3A_1030 : vector<1x1x16xf32> to vector<16xf32>
      %mul3A_1032 = arith.mulf %get3A_1025, %get3A_1031 : vector<16xf32>
      %swap3A_1033 = arith.constant 3 : i32
      %swap3A_1034 = arith.index_cast %swap3A_1033 : i32 to index
      %swap3A_1035 = arith.index_cast %add3A_919 : i32 to index
      %swap3A_1036 = arith.constant 80 : index
      %swap3A_1037 = tpu.vector_load %arg11[%swap3A_1034, %swap3A_1035, %swap3A_1036] {strides = array<i32>} : memref<4x64x128xf32, #tpu.memory_space<vmem>>, vector<1x1x16xf32>,
      %swap3A_1038 = vector.shape_cast %swap3A_1037 : vector<1x1x16xf32> to vector<16xf32>
      %swap3A_1039 = vector.shape_cast %mul3A_1032 : vector<16xf32> to vector<1x1x16xf32>
      tpu.vector_store %arg11[%swap3A_1034, %swap3A_1035, %swap3A_1036], %swap3A_1039 {strides = array<i32>} : memref<4x64x128xf32, #tpu.memory_space<vmem>>, vector<1x1x16xf32>,
      %get3A_1040 = arith.constant 3 : i32
      %get3A_1041 = arith.index_cast %get3A_1040 : i32 to index
      %get3A_1042 = arith.index_cast %add3A_919 : i32 to index
      %get3A_1043 = arith.constant 96 : index
      %get3A_1044 = tpu.vector_load %arg9[%get3A_1041, %get3A_1042, %get3A_1043] {strides = array<i32>} : memref<4x64x128xf32, #tpu.memory_space<vmem>>, vector<1x1x16xf32>,
      %get3A_1045 = vector.shape_cast %get3A_1044 : vector<1x1x16xf32> to vector<16xf32>
      %get3A_1046 = arith.constant 3 : i32
      %get3A_1047 = arith.index_cast %get3A_1046 : i32 to index
      %get3A_1048 = arith.index_cast %add3A_919 : i32 to index
      %get3A_1049 = arith.constant 96 : index
      %get3A_1050 = tpu.vector_load %arg10[%get3A_1047, %get3A_1048, %get3A_1049] {strides = array<i32>} : memref<4x64x128xf32, #tpu.memory_space<vmem>>, vector<1x1x16xf32>,
      %get3A_1051 = vector.shape_cast %get3A_1050 : vector<1x1x16xf32> to vector<16xf32>
      %mul3A_1052 = arith.mulf %get3A_1045, %get3A_1051 : vector<16xf32>
      %swap3A_1053 = arith.constant 3 : i32
      %swap3A_1054 = arith.index_cast %swap3A_1053 : i32 to index
      %swap3A_1055 = arith.index_cast %add3A_919 : i32 to index
      %swap3A_1056 = arith.constant 96 : index
      %swap3A_1057 = tpu.vector_load %arg11[%swap3A_1054, %swap3A_1055, %swap3A_1056] {strides = array<i32>} : memref<4x64x128xf32, #tpu.memory_space<vmem>>, vector<1x1x16xf32>,
      %swap3A_1058 = vector.shape_cast %swap3A_1057 : vector<1x1x16xf32> to vector<16xf32>
      %swap3A_1059 = vector.shape_cast %mul3A_1052 : vector<16xf32> to vector<1x1x16xf32>
      tpu.vector_store %arg11[%swap3A_1054, %swap3A_1055, %swap3A_1056], %swap3A_1059 {strides = array<i32>} : memref<4x64x128xf32, #tpu.memory_space<vmem>>, vector<1x1x16xf32>,
      %get3A_1060 = arith.constant 3 : i32
      %get3A_1061 = arith.index_cast %get3A_1060 : i32 to index
      %get3A_1062 = arith.index_cast %add3A_919 : i32 to index
      %get3A_1063 = arith.constant 112 : index
      %get3A_1064 = tpu.vector_load %arg9[%get3A_1061, %get3A_1062, %get3A_1063] {strides = array<i32>} : memref<4x64x128xf32, #tpu.memory_space<vmem>>, vector<1x1x16xf32>,
      %get3A_1065 = vector.shape_cast %get3A_1064 : vector<1x1x16xf32> to vector<16xf32>
      %get3A_1066 = arith.constant 3 : i32
      %get3A_1067 = arith.index_cast %get3A_1066 : i32 to index
      %get3A_1068 = arith.index_cast %add3A_919 : i32 to index
      %get3A_1069 = arith.constant 112 : index
      %get3A_1070 = tpu.vector_load %arg10[%get3A_1067, %get3A_1068, %get3A_1069] {strides = array<i32>} : memref<4x64x128xf32, #tpu.memory_space<vmem>>, vector<1x1x16xf32>,
      %get3A_1071 = vector.shape_cast %get3A_1070 : vector<1x1x16xf32> to vector<16xf32>
      %mul3A_1072 = arith.mulf %get3A_1065, %get3A_1071 : vector<16xf32>
      %swap3A_1073 = arith.constant 3 : i32
      %swap3A_1074 = arith.index_cast %swap3A_1073 : i32 to index
      %swap3A_1075 = arith.index_cast %add3A_919 : i32 to index
      %swap3A_1076 = arith.constant 112 : index
      %swap3A_1077 = tpu.vector_load %arg11[%swap3A_1074, %swap3A_1075, %swap3A_1076] {strides = array<i32>} : memref<4x64x128xf32, #tpu.memory_space<vmem>>, vector<1x1x16xf32>,
      %swap3A_1078 = vector.shape_cast %swap3A_1077 : vector<1x1x16xf32> to vector<16xf32>
      %swap3A_1079 = vector.shape_cast %mul3A_1072 : vector<16xf32> to vector<1x1x16xf32>
      tpu.vector_store %arg11[%swap3A_1074, %swap3A_1075, %swap3A_1076], %swap3A_1079 {strides = array<i32>} : memref<4x64x128xf32, #tpu.memory_space<vmem>>, vector<1x1x16xf32>,
      %scan3A_1080 = arith.constant 0 : i32
      scf.yield %scan3A_1080 : i32
    }
    %scan3A_375 = arith.constant 32 : i32
    %dma_start3A_376 = arith.constant 3 : i32
    %dma_start3A_377 = arith.constant 3 : i32
    %dma_start3A_378 = arith.constant 0 : i32
    %dma_start3A_379 = arith.constant 0 : i32
    %dma_start3A_380 = tpu.memref_slice %arg9[%dma_start3A_376, %dma_start3A_378, %dma_start3A_379] : memref<4x64x128xf32, #tpu.memory_space<vmem>> -> memref<1x64x128xf32, #tpu.memory_space<vmem>>
    %dma_start3A_381 = tpu.memref_squeeze %dma_start3A_380 : memref<1x64x128xf32, #tpu.memory_space<vmem>> -> memref<64x128xf32, #tpu.memory_space<vmem>>
    %dma_start3A_382 = arith.constant 448 : i32
    %dma_start3A_383 = tpu.memref_slice %arg7[%dma_start3A_382] : memref<512xi32, #tpu.memory_space<vmem>> -> memref<64xi32, #tpu.memory_space<vmem>>
    %dma_start3A_384 = arith.constant 0 : i32
    %dma_start3A_385 = arith.constant 0 : i32
    %dma_start3A_386 = tpu.memref_slice %arg4[%dma_start3A_384, %dma_start3A_385] : memref<1000000x128xf32, #tpu.memory_space<hbm>> -> memref<1000000x128xf32, #tpu.memory_space<hbm>>
    %dma_start3A_387 = tpu.memref_slice %arg12[%dma_start3A_377] : memref<4x!tpu.dma_semaphore, #tpu.memory_space<semaphore_mem>> -> memref<1x!tpu.dma_semaphore, #tpu.memory_space<semaphore_mem>>
    %dma_start3A_388 = tpu.memref_squeeze %dma_start3A_387 : memref<1x!tpu.dma_semaphore, #tpu.memory_space<semaphore_mem>> -> memref<!tpu.dma_semaphore, #tpu.memory_space<semaphore_mem>>
    tpu.enqueue_indirect_dma source(%dma_start3A_386 : memref<1000000x128xf32, #tpu.memory_space<hbm>>) target(%dma_start3A_381 : memref<64x128xf32, #tpu.memory_space<vmem>>) offsets(%dma_start3A_383 : memref<64xi32, #tpu.memory_space<vmem>>) semaphore(%dma_start3A_388 : memref<!tpu.dma_semaphore, #tpu.memory_space<semaphore_mem>>)
    %dma_start3A_389 = arith.constant 3 : i32
    %dma_start3A_390 = arith.constant 3 : i32
    %dma_start3A_391 = arith.constant 0 : i32
    %dma_start3A_392 = arith.constant 0 : i32
    %dma_start3A_393 = tpu.memref_slice %arg10[%dma_start3A_389, %dma_start3A_391, %dma_start3A_392] : memref<4x64x128xf32, #tpu.memory_space<vmem>> -> memref<1x64x128xf32, #tpu.memory_space<vmem>>
    %dma_start3A_394 = tpu.memref_squeeze %dma_start3A_393 : memref<1x64x128xf32, #tpu.memory_space<vmem>> -> memref<64x128xf32, #tpu.memory_space<vmem>>
    %dma_start3A_395 = arith.constant 448 : i32
    %dma_start3A_396 = tpu.memref_slice %arg8[%dma_start3A_395] : memref<512xi32, #tpu.memory_space<vmem>> -> memref<64xi32, #tpu.memory_space<vmem>>
    %dma_start3A_397 = arith.constant 0 : i32
    %dma_start3A_398 = arith.constant 0 : i32
    %dma_start3A_399 = tpu.memref_slice %arg5[%dma_start3A_397, %dma_start3A_398] : memref<1000000x128xf32, #tpu.memory_space<hbm>> -> memref<1000000x128xf32, #tpu.memory_space<hbm>>
    %dma_start3A_400 = tpu.memref_slice %arg13[%dma_start3A_390] : memref<4x!tpu.dma_semaphore, #tpu.memory_space<semaphore_mem>> -> memref<1x!tpu.dma_semaphore, #tpu.memory_space<semaphore_mem>>
    %dma_start3A_401 = tpu.memref_squeeze %dma_start3A_400 : memref<1x!tpu.dma_semaphore, #tpu.memory_space<semaphore_mem>> -> memref<!tpu.dma_semaphore, #tpu.memory_space<semaphore_mem>>
    tpu.enqueue_indirect_dma source(%dma_start3A_399 : memref<1000000x128xf32, #tpu.memory_space<hbm>>) target(%dma_start3A_394 : memref<64x128xf32, #tpu.memory_space<vmem>>) offsets(%dma_start3A_396 : memref<64xi32, #tpu.memory_space<vmem>>) semaphore(%dma_start3A_401 : memref<!tpu.dma_semaphore, #tpu.memory_space<semaphore_mem>>)
    %add3A_402 = arith.constant 192 : i32
    %add3A_403 = arith.addi %mul3A_2, %add3A_402 : i32
    %dma_start3A_404 = arith.constant 3 : i32
    %dma_start3A_405 = arith.constant 3 : i32
    %dma_start3A_406 = arith.constant 0 : i32
    %dma_start3A_407 = arith.constant 0 : i32
    %dma_start3A_408 = tpu.memref_slice %arg11[%dma_start3A_404, %dma_start3A_406, %dma_start3A_407] : memref<4x64x128xf32, #tpu.memory_space<vmem>> -> memref<1x64x128xf32, #tpu.memory_space<vmem>>
    %dma_start3A_409 = tpu.memref_squeeze %dma_start3A_408 : memref<1x64x128xf32, #tpu.memory_space<vmem>> -> memref<64x128xf32, #tpu.memory_space<vmem>>
    %dma_start3A_410 = arith.constant 0 : i32
    %dma_start3A_411 = tpu.memref_slice %arg6[%add3A_403, %dma_start3A_410] : memref<16384x128xf32, #tpu.memory_space<hbm>> -> memref<64x128xf32, #tpu.memory_space<hbm>>
    %dma_start3A_412 = tpu.memref_slice %arg14[%dma_start3A_405] : memref<4x!tpu.dma_semaphore, #tpu.memory_space<semaphore_mem>> -> memref<1x!tpu.dma_semaphore, #tpu.memory_space<semaphore_mem>>
    %dma_start3A_413 = tpu.memref_squeeze %dma_start3A_412 : memref<1x!tpu.dma_semaphore, #tpu.memory_space<semaphore_mem>> -> memref<!tpu.dma_semaphore, #tpu.memory_space<semaphore_mem>>
    %dma_start3A_414 = arith.constant 0 : i32
    %dma_start3A_415 = tpu.memref_slice %arg6[%add3A_403, %dma_start3A_414] : memref<16384x128xf32, #tpu.memory_space<hbm>> -> memref<64x128xf32, #tpu.memory_space<hbm>>
    %dma_start3A_416 = arith.constant 0 : i32
    %dma_start3A_417 = arith.constant 0 : i32
    %dma_start3A_418 = tpu.memref_slice %arg11[%dma_start3A_404, %dma_start3A_416, %dma_start3A_417] : memref<4x64x128xf32, #tpu.memory_space<vmem>> -> memref<1x64x128xf32, #tpu.memory_space<vmem>>
    %dma_start3A_419 = tpu.memref_squeeze %dma_start3A_418 : memref<1x64x128xf32, #tpu.memory_space<vmem>> -> memref<64x128xf32, #tpu.memory_space<vmem>>
    tpu.enqueue_dma source(%dma_start3A_419 : memref<64x128xf32, #tpu.memory_space<vmem>>) target(%dma_start3A_415 : memref<64x128xf32, #tpu.memory_space<hbm>>) target_semaphore(%dma_start3A_413 : memref<!tpu.dma_semaphore, #tpu.memory_space<semaphore_mem>>)
    %dma_wait3A_420 = arith.constant 0 : i32
    %dma_wait3A_421 = arith.constant 0 : i32
    %dma_wait3A_422 = arith.constant 0 : i32
    %dma_wait3A_423 = arith.constant 0 : i32
    %dma_wait3A_424 = tpu.memref_slice %arg9[%dma_wait3A_420, %dma_wait3A_422, %dma_wait3A_423] : memref<4x64x128xf32, #tpu.memory_space<vmem>> -> memref<1x64x128xf32, #tpu.memory_space<vmem>>
    %dma_wait3A_425 = tpu.memref_squeeze %dma_wait3A_424 : memref<1x64x128xf32, #tpu.memory_space<vmem>> -> memref<64x128xf32, #tpu.memory_space<vmem>>
    %dma_wait3A_426 = arith.constant 256 : i32
    %dma_wait3A_427 = tpu.memref_slice %arg7[%dma_wait3A_426] : memref<512xi32, #tpu.memory_space<vmem>> -> memref<64xi32, #tpu.memory_space<vmem>>
    %dma_wait3A_428 = arith.constant 0 : i32
    %dma_wait3A_429 = arith.constant 0 : i32
    %dma_wait3A_430 = tpu.memref_slice %arg4[%dma_wait3A_428, %dma_wait3A_429] : memref<1000000x128xf32, #tpu.memory_space<hbm>> -> memref<1000000x128xf32, #tpu.memory_space<hbm>>
    %dma_wait3A_431 = tpu.memref_slice %arg12[%dma_wait3A_421] : memref<4x!tpu.dma_semaphore, #tpu.memory_space<semaphore_mem>> -> memref<1x!tpu.dma_semaphore, #tpu.memory_space<semaphore_mem>>
    %dma_wait3A_432 = tpu.memref_squeeze %dma_wait3A_431 : memref<1x!tpu.dma_semaphore, #tpu.memory_space<semaphore_mem>> -> memref<!tpu.dma_semaphore, #tpu.memory_space<semaphore_mem>>
    tpu.wait_indirect_dma semaphore(%dma_wait3A_432 : memref<!tpu.dma_semaphore, #tpu.memory_space<semaphore_mem>>) src(%dma_wait3A_430 : memref<1000000x128xf32, #tpu.memory_space<hbm>>) dst(%dma_wait3A_425 : memref<64x128xf32, #tpu.memory_space<vmem>>)
    %dma_wait3A_433 = arith.constant 0 : i32
    %dma_wait3A_434 = arith.constant 0 : i32
    %dma_wait3A_435 = arith.constant 0 : i32
    %dma_wait3A_436 = arith.constant 0 : i32
    %dma_wait3A_437 = tpu.memref_slice %arg10[%dma_wait3A_433, %dma_wait3A_435, %dma_wait3A_436] : memref<4x64x128xf32, #tpu.memory_space<vmem>> -> memref<1x64x128xf32, #tpu.memory_space<vmem>>
    %dma_wait3A_438 = tpu.memref_squeeze %dma_wait3A_437 : memref<1x64x128xf32, #tpu.memory_space<vmem>> -> memref<64x128xf32, #tpu.memory_space<vmem>>
    %dma_wait3A_439 = arith.constant 256 : i32
    %dma_wait3A_440 = tpu.memref_slice %arg8[%dma_wait3A_439] : memref<512xi32, #tpu.memory_space<vmem>> -> memref<64xi32, #tpu.memory_space<vmem>>
    %dma_wait3A_441 = arith.constant 0 : i32
    %dma_wait3A_442 = arith.constant 0 : i32
    %dma_wait3A_443 = tpu.memref_slice %arg5[%dma_wait3A_441, %dma_wait3A_442] : memref<1000000x128xf32, #tpu.memory_space<hbm>> -> memref<1000000x128xf32, #tpu.memory_space<hbm>>
    %dma_wait3A_444 = tpu.memref_slice %arg13[%dma_wait3A_434] : memref<4x!tpu.dma_semaphore, #tpu.memory_space<semaphore_mem>> -> memref<1x!tpu.dma_semaphore, #tpu.memory_space<semaphore_mem>>
    %dma_wait3A_445 = tpu.memref_squeeze %dma_wait3A_444 : memref<1x!tpu.dma_semaphore, #tpu.memory_space<semaphore_mem>> -> memref<!tpu.dma_semaphore, #tpu.memory_space<semaphore_mem>>
    tpu.wait_indirect_dma semaphore(%dma_wait3A_445 : memref<!tpu.dma_semaphore, #tpu.memory_space<semaphore_mem>>) src(%dma_wait3A_443 : memref<1000000x128xf32, #tpu.memory_space<hbm>>) dst(%dma_wait3A_438 : memref<64x128xf32, #tpu.memory_space<vmem>>)
    %dma_wait3A_446 = arith.constant 0 : i32
    %dma_wait3A_447 = arith.constant 0 : i32
    %dma_wait3A_448 = arith.constant 0 : i32
    %dma_wait3A_449 = arith.constant 0 : i32
    %dma_wait3A_450 = tpu.memref_slice %arg11[%dma_wait3A_446, %dma_wait3A_448, %dma_wait3A_449] : memref<4x64x128xf32, #tpu.memory_space<vmem>> -> memref<1x64x128xf32, #tpu.memory_space<vmem>>
    %dma_wait3A_451 = tpu.memref_squeeze %dma_wait3A_450 : memref<1x64x128xf32, #tpu.memory_space<vmem>> -> memref<64x128xf32, #tpu.memory_space<vmem>>
    %dma_wait3A_452 = arith.constant 0 : i32
    %dma_wait3A_453 = tpu.memref_slice %arg6[%add3A_172, %dma_wait3A_452] : memref<16384x128xf32, #tpu.memory_space<hbm>> -> memref<64x128xf32, #tpu.memory_space<hbm>>
    %dma_wait3A_454 = tpu.memref_slice %arg14[%dma_wait3A_447] : memref<4x!tpu.dma_semaphore, #tpu.memory_space<semaphore_mem>> -> memref<1x!tpu.dma_semaphore, #tpu.memory_space<semaphore_mem>>
    %dma_wait3A_455 = tpu.memref_squeeze %dma_wait3A_454 : memref<1x!tpu.dma_semaphore, #tpu.memory_space<semaphore_mem>> -> memref<!tpu.dma_semaphore, #tpu.memory_space<semaphore_mem>>
    %dma_wait3A_456 = arith.constant 0 : i32
    %dma_wait3A_457 = tpu.memref_slice %arg6[%add3A_172, %dma_wait3A_456] : memref<16384x128xf32, #tpu.memory_space<hbm>> -> memref<64x128xf32, #tpu.memory_space<hbm>>
    %dma_wait3A_458 = arith.constant 0 : i32
    %dma_wait3A_459 = arith.constant 0 : i32
    %dma_wait3A_460 = tpu.memref_slice %arg11[%dma_wait3A_446, %dma_wait3A_458, %dma_wait3A_459] : memref<4x64x128xf32, #tpu.memory_space<vmem>> -> memref<1x64x128xf32, #tpu.memory_space<vmem>>
    %dma_wait3A_461 = tpu.memref_squeeze %dma_wait3A_460 : memref<1x64x128xf32, #tpu.memory_space<vmem>> -> memref<64x128xf32, #tpu.memory_space<vmem>>
    tpu.wait_dma2 semaphore(%dma_wait3A_455 : memref<!tpu.dma_semaphore, #tpu.memory_space<semaphore_mem>>) src(%dma_wait3A_461 : memref<64x128xf32, #tpu.memory_space<vmem>>) dst(%dma_wait3A_457 : memref<64x128xf32, #tpu.memory_space<hbm>>)
    %scan3A_462 = arith.constant 0 : i32
    %scan3A_463 = arith.constant 0 : i32
    %scan3A_464 = arith.constant 32 : i32
    %scan3A_465 = arith.addi %scan3A_463, %scan3A_464 : i32
    %scan3A_466 = arith.constant 1 : i32
    %scan3A_467 = scf.for %scan3A_752 = %scan3A_463 to %scan3A_465 step %scan3A_466 iter_args(%scan3A_753 = %scan3A_462) -> (i32)  : i32 {
      %mul3A_754 = arith.constant 2 : i32
      %mul3A_755 = arith.muli %scan3A_752, %mul3A_754 : i32
      %add3A_756 = arith.constant 0 : i32
      %add3A_757 = arith.addi %mul3A_755, %add3A_756 : i32
      %get3A = arith.constant 0 : i32
      %get3A_758 = arith.index_cast %get3A : i32 to index
      %get3A_759 = arith.index_cast %add3A_757 : i32 to index
      %get3A_760 = arith.constant 0 : index
      %get3A_761 = tpu.vector_load %arg9[%get3A_758, %get3A_759, %get3A_760] {strides = array<i32>} : memref<4x64x128xf32, #tpu.memory_space<vmem>>, vector<1x1x16xf32>,
      %get3A_762 = vector.shape_cast %get3A_761 : vector<1x1x16xf32> to vector<16xf32>
      %get3A_763 = arith.constant 0 : i32
      %get3A_764 = arith.index_cast %get3A_763 : i32 to index
      %get3A_765 = arith.index_cast %add3A_757 : i32 to index
      %get3A_766 = arith.constant 0 : index
      %get3A_767 = tpu.vector_load %arg10[%get3A_764, %get3A_765, %get3A_766] {strides = array<i32>} : memref<4x64x128xf32, #tpu.memory_space<vmem>>, vector<1x1x16xf32>,
      %get3A_768 = vector.shape_cast %get3A_767 : vector<1x1x16xf32> to vector<16xf32>
      %mul3A_769 = arith.mulf %get3A_762, %get3A_768 : vector<16xf32>
      %swap3A = arith.constant 0 : i32
      %swap3A_770 = arith.index_cast %swap3A : i32 to index
      %swap3A_771 = arith.index_cast %add3A_757 : i32 to index
      %swap3A_772 = arith.constant 0 : index
      %swap3A_773 = tpu.vector_load %arg11[%swap3A_770, %swap3A_771, %swap3A_772] {strides = array<i32>} : memref<4x64x128xf32, #tpu.memory_space<vmem>>, vector<1x1x16xf32>,
      %swap3A_774 = vector.shape_cast %swap3A_773 : vector<1x1x16xf32> to vector<16xf32>
      %swap3A_775 = vector.shape_cast %mul3A_769 : vector<16xf32> to vector<1x1x16xf32>
      tpu.vector_store %arg11[%swap3A_770, %swap3A_771, %swap3A_772], %swap3A_775 {strides = array<i32>} : memref<4x64x128xf32, #tpu.memory_space<vmem>>, vector<1x1x16xf32>,
      %get3A_776 = arith.constant 0 : i32
      %get3A_777 = arith.index_cast %get3A_776 : i32 to index
      %get3A_778 = arith.index_cast %add3A_757 : i32 to index
      %get3A_779 = arith.constant 16 : index
      %get3A_780 = tpu.vector_load %arg9[%get3A_777, %get3A_778, %get3A_779] {strides = array<i32>} : memref<4x64x128xf32, #tpu.memory_space<vmem>>, vector<1x1x16xf32>,
      %get3A_781 = vector.shape_cast %get3A_780 : vector<1x1x16xf32> to vector<16xf32>
      %get3A_782 = arith.constant 0 : i32
      %get3A_783 = arith.index_cast %get3A_782 : i32 to index
      %get3A_784 = arith.index_cast %add3A_757 : i32 to index
      %get3A_785 = arith.constant 16 : index
      %get3A_786 = tpu.vector_load %arg10[%get3A_783, %get3A_784, %get3A_785] {strides = array<i32>} : memref<4x64x128xf32, #tpu.memory_space<vmem>>, vector<1x1x16xf32>,
      %get3A_787 = vector.shape_cast %get3A_786 : vector<1x1x16xf32> to vector<16xf32>
      %mul3A_788 = arith.mulf %get3A_781, %get3A_787 : vector<16xf32>
      %swap3A_789 = arith.constant 0 : i32
      %swap3A_790 = arith.index_cast %swap3A_789 : i32 to index
      %swap3A_791 = arith.index_cast %add3A_757 : i32 to index
      %swap3A_792 = arith.constant 16 : index
      %swap3A_793 = tpu.vector_load %arg11[%swap3A_790, %swap3A_791, %swap3A_792] {strides = array<i32>} : memref<4x64x128xf32, #tpu.memory_space<vmem>>, vector<1x1x16xf32>,
      %swap3A_794 = vector.shape_cast %swap3A_793 : vector<1x1x16xf32> to vector<16xf32>
      %swap3A_795 = vector.shape_cast %mul3A_788 : vector<16xf32> to vector<1x1x16xf32>
      tpu.vector_store %arg11[%swap3A_790, %swap3A_791, %swap3A_792], %swap3A_795 {strides = array<i32>} : memref<4x64x128xf32, #tpu.memory_space<vmem>>, vector<1x1x16xf32>,
      %get3A_796 = arith.constant 0 : i32
      %get3A_797 = arith.index_cast %get3A_796 : i32 to index
      %get3A_798 = arith.index_cast %add3A_757 : i32 to index
      %get3A_799 = arith.constant 32 : index
      %get3A_800 = tpu.vector_load %arg9[%get3A_797, %get3A_798, %get3A_799] {strides = array<i32>} : memref<4x64x128xf32, #tpu.memory_space<vmem>>, vector<1x1x16xf32>,
      %get3A_801 = vector.shape_cast %get3A_800 : vector<1x1x16xf32> to vector<16xf32>
      %get3A_802 = arith.constant 0 : i32
      %get3A_803 = arith.index_cast %get3A_802 : i32 to index
      %get3A_804 = arith.index_cast %add3A_757 : i32 to index
      %get3A_805 = arith.constant 32 : index
      %get3A_806 = tpu.vector_load %arg10[%get3A_803, %get3A_804, %get3A_805] {strides = array<i32>} : memref<4x64x128xf32, #tpu.memory_space<vmem>>, vector<1x1x16xf32>,
      %get3A_807 = vector.shape_cast %get3A_806 : vector<1x1x16xf32> to vector<16xf32>
      %mul3A_808 = arith.mulf %get3A_801, %get3A_807 : vector<16xf32>
      %swap3A_809 = arith.constant 0 : i32
      %swap3A_810 = arith.index_cast %swap3A_809 : i32 to index
      %swap3A_811 = arith.index_cast %add3A_757 : i32 to index
      %swap3A_812 = arith.constant 32 : index
      %swap3A_813 = tpu.vector_load %arg11[%swap3A_810, %swap3A_811, %swap3A_812] {strides = array<i32>} : memref<4x64x128xf32, #tpu.memory_space<vmem>>, vector<1x1x16xf32>,
      %swap3A_814 = vector.shape_cast %swap3A_813 : vector<1x1x16xf32> to vector<16xf32>
      %swap3A_815 = vector.shape_cast %mul3A_808 : vector<16xf32> to vector<1x1x16xf32>
      tpu.vector_store %arg11[%swap3A_810, %swap3A_811, %swap3A_812], %swap3A_815 {strides = array<i32>} : memref<4x64x128xf32, #tpu.memory_space<vmem>>, vector<1x1x16xf32>,
      %get3A_816 = arith.constant 0 : i32
      %get3A_817 = arith.index_cast %get3A_816 : i32 to index
      %get3A_818 = arith.index_cast %add3A_757 : i32 to index
      %get3A_819 = arith.constant 48 : index
      %get3A_820 = tpu.vector_load %arg9[%get3A_817, %get3A_818, %get3A_819] {strides = array<i32>} : memref<4x64x128xf32, #tpu.memory_space<vmem>>, vector<1x1x16xf32>,
      %get3A_821 = vector.shape_cast %get3A_820 : vector<1x1x16xf32> to vector<16xf32>
      %get3A_822 = arith.constant 0 : i32
      %get3A_823 = arith.index_cast %get3A_822 : i32 to index
      %get3A_824 = arith.index_cast %add3A_757 : i32 to index
      %get3A_825 = arith.constant 48 : index
      %get3A_826 = tpu.vector_load %arg10[%get3A_823, %get3A_824, %get3A_825] {strides = array<i32>} : memref<4x64x128xf32, #tpu.memory_space<vmem>>, vector<1x1x16xf32>,
      %get3A_827 = vector.shape_cast %get3A_826 : vector<1x1x16xf32> to vector<16xf32>
      %mul3A_828 = arith.mulf %get3A_821, %get3A_827 : vector<16xf32>
      %swap3A_829 = arith.constant 0 : i32
      %swap3A_830 = arith.index_cast %swap3A_829 : i32 to index
      %swap3A_831 = arith.index_cast %add3A_757 : i32 to index
      %swap3A_832 = arith.constant 48 : index
      %swap3A_833 = tpu.vector_load %arg11[%swap3A_830, %swap3A_831, %swap3A_832] {strides = array<i32>} : memref<4x64x128xf32, #tpu.memory_space<vmem>>, vector<1x1x16xf32>,
      %swap3A_834 = vector.shape_cast %swap3A_833 : vector<1x1x16xf32> to vector<16xf32>
      %swap3A_835 = vector.shape_cast %mul3A_828 : vector<16xf32> to vector<1x1x16xf32>
      tpu.vector_store %arg11[%swap3A_830, %swap3A_831, %swap3A_832], %swap3A_835 {strides = array<i32>} : memref<4x64x128xf32, #tpu.memory_space<vmem>>, vector<1x1x16xf32>,
      %get3A_836 = arith.constant 0 : i32
      %get3A_837 = arith.index_cast %get3A_836 : i32 to index
      %get3A_838 = arith.index_cast %add3A_757 : i32 to index
      %get3A_839 = arith.constant 64 : index
      %get3A_840 = tpu.vector_load %arg9[%get3A_837, %get3A_838, %get3A_839] {strides = array<i32>} : memref<4x64x128xf32, #tpu.memory_space<vmem>>, vector<1x1x16xf32>,
      %get3A_841 = vector.shape_cast %get3A_840 : vector<1x1x16xf32> to vector<16xf32>
      %get3A_842 = arith.constant 0 : i32
      %get3A_843 = arith.index_cast %get3A_842 : i32 to index
      %get3A_844 = arith.index_cast %add3A_757 : i32 to index
      %get3A_845 = arith.constant 64 : index
      %get3A_846 = tpu.vector_load %arg10[%get3A_843, %get3A_844, %get3A_845] {strides = array<i32>} : memref<4x64x128xf32, #tpu.memory_space<vmem>>, vector<1x1x16xf32>,
      %get3A_847 = vector.shape_cast %get3A_846 : vector<1x1x16xf32> to vector<16xf32>
      %mul3A_848 = arith.mulf %get3A_841, %get3A_847 : vector<16xf32>
      %swap3A_849 = arith.constant 0 : i32
      %swap3A_850 = arith.index_cast %swap3A_849 : i32 to index
      %swap3A_851 = arith.index_cast %add3A_757 : i32 to index
      %swap3A_852 = arith.constant 64 : index
      %swap3A_853 = tpu.vector_load %arg11[%swap3A_850, %swap3A_851, %swap3A_852] {strides = array<i32>} : memref<4x64x128xf32, #tpu.memory_space<vmem>>, vector<1x1x16xf32>,
      %swap3A_854 = vector.shape_cast %swap3A_853 : vector<1x1x16xf32> to vector<16xf32>
      %swap3A_855 = vector.shape_cast %mul3A_848 : vector<16xf32> to vector<1x1x16xf32>
      tpu.vector_store %arg11[%swap3A_850, %swap3A_851, %swap3A_852], %swap3A_855 {strides = array<i32>} : memref<4x64x128xf32, #tpu.memory_space<vmem>>, vector<1x1x16xf32>,
      %get3A_856 = arith.constant 0 : i32
      %get3A_857 = arith.index_cast %get3A_856 : i32 to index
      %get3A_858 = arith.index_cast %add3A_757 : i32 to index
      %get3A_859 = arith.constant 80 : index
      %get3A_860 = tpu.vector_load %arg9[%get3A_857, %get3A_858, %get3A_859] {strides = array<i32>} : memref<4x64x128xf32, #tpu.memory_space<vmem>>, vector<1x1x16xf32>,
      %get3A_861 = vector.shape_cast %get3A_860 : vector<1x1x16xf32> to vector<16xf32>
      %get3A_862 = arith.constant 0 : i32
      %get3A_863 = arith.index_cast %get3A_862 : i32 to index
      %get3A_864 = arith.index_cast %add3A_757 : i32 to index
      %get3A_865 = arith.constant 80 : index
      %get3A_866 = tpu.vector_load %arg10[%get3A_863, %get3A_864, %get3A_865] {strides = array<i32>} : memref<4x64x128xf32, #tpu.memory_space<vmem>>, vector<1x1x16xf32>,
      %get3A_867 = vector.shape_cast %get3A_866 : vector<1x1x16xf32> to vector<16xf32>
      %mul3A_868 = arith.mulf %get3A_861, %get3A_867 : vector<16xf32>
      %swap3A_869 = arith.constant 0 : i32
      %swap3A_870 = arith.index_cast %swap3A_869 : i32 to index
      %swap3A_871 = arith.index_cast %add3A_757 : i32 to index
      %swap3A_872 = arith.constant 80 : index
      %swap3A_873 = tpu.vector_load %arg11[%swap3A_870, %swap3A_871, %swap3A_872] {strides = array<i32>} : memref<4x64x128xf32, #tpu.memory_space<vmem>>, vector<1x1x16xf32>,
      %swap3A_874 = vector.shape_cast %swap3A_873 : vector<1x1x16xf32> to vector<16xf32>
      %swap3A_875 = vector.shape_cast %mul3A_868 : vector<16xf32> to vector<1x1x16xf32>
      tpu.vector_store %arg11[%swap3A_870, %swap3A_871, %swap3A_872], %swap3A_875 {strides = array<i32>} : memref<4x64x128xf32, #tpu.memory_space<vmem>>, vector<1x1x16xf32>,
      %get3A_876 = arith.constant 0 : i32
      %get3A_877 = arith.index_cast %get3A_876 : i32 to index
      %get3A_878 = arith.index_cast %add3A_757 : i32 to index
      %get3A_879 = arith.constant 96 : index
      %get3A_880 = tpu.vector_load %arg9[%get3A_877, %get3A_878, %get3A_879] {strides = array<i32>} : memref<4x64x128xf32, #tpu.memory_space<vmem>>, vector<1x1x16xf32>,
      %get3A_881 = vector.shape_cast %get3A_880 : vector<1x1x16xf32> to vector<16xf32>
      %get3A_882 = arith.constant 0 : i32
      %get3A_883 = arith.index_cast %get3A_882 : i32 to index
      %get3A_884 = arith.index_cast %add3A_757 : i32 to index
      %get3A_885 = arith.constant 96 : index
      %get3A_886 = tpu.vector_load %arg10[%get3A_883, %get3A_884, %get3A_885] {strides = array<i32>} : memref<4x64x128xf32, #tpu.memory_space<vmem>>, vector<1x1x16xf32>,
      %get3A_887 = vector.shape_cast %get3A_886 : vector<1x1x16xf32> to vector<16xf32>
      %mul3A_888 = arith.mulf %get3A_881, %get3A_887 : vector<16xf32>
      %swap3A_889 = arith.constant 0 : i32
      %swap3A_890 = arith.index_cast %swap3A_889 : i32 to index
      %swap3A_891 = arith.index_cast %add3A_757 : i32 to index
      %swap3A_892 = arith.constant 96 : index
      %swap3A_893 = tpu.vector_load %arg11[%swap3A_890, %swap3A_891, %swap3A_892] {strides = array<i32>} : memref<4x64x128xf32, #tpu.memory_space<vmem>>, vector<1x1x16xf32>,
      %swap3A_894 = vector.shape_cast %swap3A_893 : vector<1x1x16xf32> to vector<16xf32>
      %swap3A_895 = vector.shape_cast %mul3A_888 : vector<16xf32> to vector<1x1x16xf32>
      tpu.vector_store %arg11[%swap3A_890, %swap3A_891, %swap3A_892], %swap3A_895 {strides = array<i32>} : memref<4x64x128xf32, #tpu.memory_space<vmem>>, vector<1x1x16xf32>,
      %get3A_896 = arith.constant 0 : i32
      %get3A_897 = arith.index_cast %get3A_896 : i32 to index
      %get3A_898 = arith.index_cast %add3A_757 : i32 to index
      %get3A_899 = arith.constant 112 : index
      %get3A_900 = tpu.vector_load %arg9[%get3A_897, %get3A_898, %get3A_899] {strides = array<i32>} : memref<4x64x128xf32, #tpu.memory_space<vmem>>, vector<1x1x16xf32>,
      %get3A_901 = vector.shape_cast %get3A_900 : vector<1x1x16xf32> to vector<16xf32>
      %get3A_902 = arith.constant 0 : i32
      %get3A_903 = arith.index_cast %get3A_902 : i32 to index
      %get3A_904 = arith.index_cast %add3A_757 : i32 to index
      %get3A_905 = arith.constant 112 : index
      %get3A_906 = tpu.vector_load %arg10[%get3A_903, %get3A_904, %get3A_905] {strides = array<i32>} : memref<4x64x128xf32, #tpu.memory_space<vmem>>, vector<1x1x16xf32>,
      %get3A_907 = vector.shape_cast %get3A_906 : vector<1x1x16xf32> to vector<16xf32>
      %mul3A_908 = arith.mulf %get3A_901, %get3A_907 : vector<16xf32>
      %swap3A_909 = arith.constant 0 : i32
      %swap3A_910 = arith.index_cast %swap3A_909 : i32 to index
      %swap3A_911 = arith.index_cast %add3A_757 : i32 to index
      %swap3A_912 = arith.constant 112 : index
      %swap3A_913 = tpu.vector_load %arg11[%swap3A_910, %swap3A_911, %swap3A_912] {strides = array<i32>} : memref<4x64x128xf32, #tpu.memory_space<vmem>>, vector<1x1x16xf32>,
      %swap3A_914 = vector.shape_cast %swap3A_913 : vector<1x1x16xf32> to vector<16xf32>
      %swap3A_915 = vector.shape_cast %mul3A_908 : vector<16xf32> to vector<1x1x16xf32>
      tpu.vector_store %arg11[%swap3A_910, %swap3A_911, %swap3A_912], %swap3A_915 {strides = array<i32>} : memref<4x64x128xf32, #tpu.memory_space<vmem>>, vector<1x1x16xf32>,
      %mul3A_916 = arith.constant 2 : i32
      %mul3A_917 = arith.muli %scan3A_752, %mul3A_916 : i32
      %add3A_918 = arith.constant 1 : i32
      %add3A_919 = arith.addi %mul3A_917, %add3A_918 : i32
      %get3A_920 = arith.constant 0 : i32
      %get3A_921 = arith.index_cast %get3A_920 : i32 to index
      %get3A_922 = arith.index_cast %add3A_919 : i32 to index
      %get3A_923 = arith.constant 0 : index
      %get3A_924 = tpu.vector_load %arg9[%get3A_921, %get3A_922, %get3A_923] {strides = array<i32>} : memref<4x64x128xf32, #tpu.memory_space<vmem>>, vector<1x1x16xf32>,
      %get3A_925 = vector.shape_cast %get3A_924 : vector<1x1x16xf32> to vector<16xf32>
      %get3A_926 = arith.constant 0 : i32
      %get3A_927 = arith.index_cast %get3A_926 : i32 to index
      %get3A_928 = arith.index_cast %add3A_919 : i32 to index
      %get3A_929 = arith.constant 0 : index
      %get3A_930 = tpu.vector_load %arg10[%get3A_927, %get3A_928, %get3A_929] {strides = array<i32>} : memref<4x64x128xf32, #tpu.memory_space<vmem>>, vector<1x1x16xf32>,
      %get3A_931 = vector.shape_cast %get3A_930 : vector<1x1x16xf32> to vector<16xf32>
      %mul3A_932 = arith.mulf %get3A_925, %get3A_931 : vector<16xf32>
      %swap3A_933 = arith.constant 0 : i32
      %swap3A_934 = arith.index_cast %swap3A_933 : i32 to index
      %swap3A_935 = arith.index_cast %add3A_919 : i32 to index
      %swap3A_936 = arith.constant 0 : index
      %swap3A_937 = tpu.vector_load %arg11[%swap3A_934, %swap3A_935, %swap3A_936] {strides = array<i32>} : memref<4x64x128xf32, #tpu.memory_space<vmem>>, vector<1x1x16xf32>,
      %swap3A_938 = vector.shape_cast %swap3A_937 : vector<1x1x16xf32> to vector<16xf32>
      %swap3A_939 = vector.shape_cast %mul3A_932 : vector<16xf32> to vector<1x1x16xf32>
      tpu.vector_store %arg11[%swap3A_934, %swap3A_935, %swap3A_936], %swap3A_939 {strides = array<i32>} : memref<4x64x128xf32, #tpu.memory_space<vmem>>, vector<1x1x16xf32>,
      %get3A_940 = arith.constant 0 : i32
      %get3A_941 = arith.index_cast %get3A_940 : i32 to index
      %get3A_942 = arith.index_cast %add3A_919 : i32 to index
      %get3A_943 = arith.constant 16 : index
      %get3A_944 = tpu.vector_load %arg9[%get3A_941, %get3A_942, %get3A_943] {strides = array<i32>} : memref<4x64x128xf32, #tpu.memory_space<vmem>>, vector<1x1x16xf32>,
      %get3A_945 = vector.shape_cast %get3A_944 : vector<1x1x16xf32> to vector<16xf32>
      %get3A_946 = arith.constant 0 : i32
      %get3A_947 = arith.index_cast %get3A_946 : i32 to index
      %get3A_948 = arith.index_cast %add3A_919 : i32 to index
      %get3A_949 = arith.constant 16 : index
      %get3A_950 = tpu.vector_load %arg10[%get3A_947, %get3A_948, %get3A_949] {strides = array<i32>} : memref<4x64x128xf32, #tpu.memory_space<vmem>>, vector<1x1x16xf32>,
      %get3A_951 = vector.shape_cast %get3A_950 : vector<1x1x16xf32> to vector<16xf32>
      %mul3A_952 = arith.mulf %get3A_945, %get3A_951 : vector<16xf32>
      %swap3A_953 = arith.constant 0 : i32
      %swap3A_954 = arith.index_cast %swap3A_953 : i32 to index
      %swap3A_955 = arith.index_cast %add3A_919 : i32 to index
      %swap3A_956 = arith.constant 16 : index
      %swap3A_957 = tpu.vector_load %arg11[%swap3A_954, %swap3A_955, %swap3A_956] {strides = array<i32>} : memref<4x64x128xf32, #tpu.memory_space<vmem>>, vector<1x1x16xf32>,
      %swap3A_958 = vector.shape_cast %swap3A_957 : vector<1x1x16xf32> to vector<16xf32>
      %swap3A_959 = vector.shape_cast %mul3A_952 : vector<16xf32> to vector<1x1x16xf32>
      tpu.vector_store %arg11[%swap3A_954, %swap3A_955, %swap3A_956], %swap3A_959 {strides = array<i32>} : memref<4x64x128xf32, #tpu.memory_space<vmem>>, vector<1x1x16xf32>,
      %get3A_960 = arith.constant 0 : i32
      %get3A_961 = arith.index_cast %get3A_960 : i32 to index
      %get3A_962 = arith.index_cast %add3A_919 : i32 to index
      %get3A_963 = arith.constant 32 : index
      %get3A_964 = tpu.vector_load %arg9[%get3A_961, %get3A_962, %get3A_963] {strides = array<i32>} : memref<4x64x128xf32, #tpu.memory_space<vmem>>, vector<1x1x16xf32>,
      %get3A_965 = vector.shape_cast %get3A_964 : vector<1x1x16xf32> to vector<16xf32>
      %get3A_966 = arith.constant 0 : i32
      %get3A_967 = arith.index_cast %get3A_966 : i32 to index
      %get3A_968 = arith.index_cast %add3A_919 : i32 to index
      %get3A_969 = arith.constant 32 : index
      %get3A_970 = tpu.vector_load %arg10[%get3A_967, %get3A_968, %get3A_969] {strides = array<i32>} : memref<4x64x128xf32, #tpu.memory_space<vmem>>, vector<1x1x16xf32>,
      %get3A_971 = vector.shape_cast %get3A_970 : vector<1x1x16xf32> to vector<16xf32>
      %mul3A_972 = arith.mulf %get3A_965, %get3A_971 : vector<16xf32>
      %swap3A_973 = arith.constant 0 : i32
      %swap3A_974 = arith.index_cast %swap3A_973 : i32 to index
      %swap3A_975 = arith.index_cast %add3A_919 : i32 to index
      %swap3A_976 = arith.constant 32 : index
      %swap3A_977 = tpu.vector_load %arg11[%swap3A_974, %swap3A_975, %swap3A_976] {strides = array<i32>} : memref<4x64x128xf32, #tpu.memory_space<vmem>>, vector<1x1x16xf32>,
      %swap3A_978 = vector.shape_cast %swap3A_977 : vector<1x1x16xf32> to vector<16xf32>
      %swap3A_979 = vector.shape_cast %mul3A_972 : vector<16xf32> to vector<1x1x16xf32>
      tpu.vector_store %arg11[%swap3A_974, %swap3A_975, %swap3A_976], %swap3A_979 {strides = array<i32>} : memref<4x64x128xf32, #tpu.memory_space<vmem>>, vector<1x1x16xf32>,
      %get3A_980 = arith.constant 0 : i32
      %get3A_981 = arith.index_cast %get3A_980 : i32 to index
      %get3A_982 = arith.index_cast %add3A_919 : i32 to index
      %get3A_983 = arith.constant 48 : index
      %get3A_984 = tpu.vector_load %arg9[%get3A_981, %get3A_982, %get3A_983] {strides = array<i32>} : memref<4x64x128xf32, #tpu.memory_space<vmem>>, vector<1x1x16xf32>,
      %get3A_985 = vector.shape_cast %get3A_984 : vector<1x1x16xf32> to vector<16xf32>
      %get3A_986 = arith.constant 0 : i32
      %get3A_987 = arith.index_cast %get3A_986 : i32 to index
      %get3A_988 = arith.index_cast %add3A_919 : i32 to index
      %get3A_989 = arith.constant 48 : index
      %get3A_990 = tpu.vector_load %arg10[%get3A_987, %get3A_988, %get3A_989] {strides = array<i32>} : memref<4x64x128xf32, #tpu.memory_space<vmem>>, vector<1x1x16xf32>,
      %get3A_991 = vector.shape_cast %get3A_990 : vector<1x1x16xf32> to vector<16xf32>
      %mul3A_992 = arith.mulf %get3A_985, %get3A_991 : vector<16xf32>
      %swap3A_993 = arith.constant 0 : i32
      %swap3A_994 = arith.index_cast %swap3A_993 : i32 to index
      %swap3A_995 = arith.index_cast %add3A_919 : i32 to index
      %swap3A_996 = arith.constant 48 : index
      %swap3A_997 = tpu.vector_load %arg11[%swap3A_994, %swap3A_995, %swap3A_996] {strides = array<i32>} : memref<4x64x128xf32, #tpu.memory_space<vmem>>, vector<1x1x16xf32>,
      %swap3A_998 = vector.shape_cast %swap3A_997 : vector<1x1x16xf32> to vector<16xf32>
      %swap3A_999 = vector.shape_cast %mul3A_992 : vector<16xf32> to vector<1x1x16xf32>
      tpu.vector_store %arg11[%swap3A_994, %swap3A_995, %swap3A_996], %swap3A_999 {strides = array<i32>} : memref<4x64x128xf32, #tpu.memory_space<vmem>>, vector<1x1x16xf32>,
      %get3A_1000 = arith.constant 0 : i32
      %get3A_1001 = arith.index_cast %get3A_1000 : i32 to index
      %get3A_1002 = arith.index_cast %add3A_919 : i32 to index
      %get3A_1003 = arith.constant 64 : index
      %get3A_1004 = tpu.vector_load %arg9[%get3A_1001, %get3A_1002, %get3A_1003] {strides = array<i32>} : memref<4x64x128xf32, #tpu.memory_space<vmem>>, vector<1x1x16xf32>,
      %get3A_1005 = vector.shape_cast %get3A_1004 : vector<1x1x16xf32> to vector<16xf32>
      %get3A_1006 = arith.constant 0 : i32
      %get3A_1007 = arith.index_cast %get3A_1006 : i32 to index
      %get3A_1008 = arith.index_cast %add3A_919 : i32 to index
      %get3A_1009 = arith.constant 64 : index
      %get3A_1010 = tpu.vector_load %arg10[%get3A_1007, %get3A_1008, %get3A_1009] {strides = array<i32>} : memref<4x64x128xf32, #tpu.memory_space<vmem>>, vector<1x1x16xf32>,
      %get3A_1011 = vector.shape_cast %get3A_1010 : vector<1x1x16xf32> to vector<16xf32>
      %mul3A_1012 = arith.mulf %get3A_1005, %get3A_1011 : vector<16xf32>
      %swap3A_1013 = arith.constant 0 : i32
      %swap3A_1014 = arith.index_cast %swap3A_1013 : i32 to index
      %swap3A_1015 = arith.index_cast %add3A_919 : i32 to index
      %swap3A_1016 = arith.constant 64 : index
      %swap3A_1017 = tpu.vector_load %arg11[%swap3A_1014, %swap3A_1015, %swap3A_1016] {strides = array<i32>} : memref<4x64x128xf32, #tpu.memory_space<vmem>>, vector<1x1x16xf32>,
      %swap3A_1018 = vector.shape_cast %swap3A_1017 : vector<1x1x16xf32> to vector<16xf32>
      %swap3A_1019 = vector.shape_cast %mul3A_1012 : vector<16xf32> to vector<1x1x16xf32>
      tpu.vector_store %arg11[%swap3A_1014, %swap3A_1015, %swap3A_1016], %swap3A_1019 {strides = array<i32>} : memref<4x64x128xf32, #tpu.memory_space<vmem>>, vector<1x1x16xf32>,
      %get3A_1020 = arith.constant 0 : i32
      %get3A_1021 = arith.index_cast %get3A_1020 : i32 to index
      %get3A_1022 = arith.index_cast %add3A_919 : i32 to index
      %get3A_1023 = arith.constant 80 : index
      %get3A_1024 = tpu.vector_load %arg9[%get3A_1021, %get3A_1022, %get3A_1023] {strides = array<i32>} : memref<4x64x128xf32, #tpu.memory_space<vmem>>, vector<1x1x16xf32>,
      %get3A_1025 = vector.shape_cast %get3A_1024 : vector<1x1x16xf32> to vector<16xf32>
      %get3A_1026 = arith.constant 0 : i32
      %get3A_1027 = arith.index_cast %get3A_1026 : i32 to index
      %get3A_1028 = arith.index_cast %add3A_919 : i32 to index
      %get3A_1029 = arith.constant 80 : index
      %get3A_1030 = tpu.vector_load %arg10[%get3A_1027, %get3A_1028, %get3A_1029] {strides = array<i32>} : memref<4x64x128xf32, #tpu.memory_space<vmem>>, vector<1x1x16xf32>,
      %get3A_1031 = vector.shape_cast %get3A_1030 : vector<1x1x16xf32> to vector<16xf32>
      %mul3A_1032 = arith.mulf %get3A_1025, %get3A_1031 : vector<16xf32>
      %swap3A_1033 = arith.constant 0 : i32
      %swap3A_1034 = arith.index_cast %swap3A_1033 : i32 to index
      %swap3A_1035 = arith.index_cast %add3A_919 : i32 to index
      %swap3A_1036 = arith.constant 80 : index
      %swap3A_1037 = tpu.vector_load %arg11[%swap3A_1034, %swap3A_1035, %swap3A_1036] {strides = array<i32>} : memref<4x64x128xf32, #tpu.memory_space<vmem>>, vector<1x1x16xf32>,
      %swap3A_1038 = vector.shape_cast %swap3A_1037 : vector<1x1x16xf32> to vector<16xf32>
      %swap3A_1039 = vector.shape_cast %mul3A_1032 : vector<16xf32> to vector<1x1x16xf32>
      tpu.vector_store %arg11[%swap3A_1034, %swap3A_1035, %swap3A_1036], %swap3A_1039 {strides = array<i32>} : memref<4x64x128xf32, #tpu.memory_space<vmem>>, vector<1x1x16xf32>,
      %get3A_1040 = arith.constant 0 : i32
      %get3A_1041 = arith.index_cast %get3A_1040 : i32 to index
      %get3A_1042 = arith.index_cast %add3A_919 : i32 to index
      %get3A_1043 = arith.constant 96 : index
      %get3A_1044 = tpu.vector_load %arg9[%get3A_1041, %get3A_1042, %get3A_1043] {strides = array<i32>} : memref<4x64x128xf32, #tpu.memory_space<vmem>>, vector<1x1x16xf32>,
      %get3A_1045 = vector.shape_cast %get3A_1044 : vector<1x1x16xf32> to vector<16xf32>
      %get3A_1046 = arith.constant 0 : i32
      %get3A_1047 = arith.index_cast %get3A_1046 : i32 to index
      %get3A_1048 = arith.index_cast %add3A_919 : i32 to index
      %get3A_1049 = arith.constant 96 : index
      %get3A_1050 = tpu.vector_load %arg10[%get3A_1047, %get3A_1048, %get3A_1049] {strides = array<i32>} : memref<4x64x128xf32, #tpu.memory_space<vmem>>, vector<1x1x16xf32>,
      %get3A_1051 = vector.shape_cast %get3A_1050 : vector<1x1x16xf32> to vector<16xf32>
      %mul3A_1052 = arith.mulf %get3A_1045, %get3A_1051 : vector<16xf32>
      %swap3A_1053 = arith.constant 0 : i32
      %swap3A_1054 = arith.index_cast %swap3A_1053 : i32 to index
      %swap3A_1055 = arith.index_cast %add3A_919 : i32 to index
      %swap3A_1056 = arith.constant 96 : index
      %swap3A_1057 = tpu.vector_load %arg11[%swap3A_1054, %swap3A_1055, %swap3A_1056] {strides = array<i32>} : memref<4x64x128xf32, #tpu.memory_space<vmem>>, vector<1x1x16xf32>,
      %swap3A_1058 = vector.shape_cast %swap3A_1057 : vector<1x1x16xf32> to vector<16xf32>
      %swap3A_1059 = vector.shape_cast %mul3A_1052 : vector<16xf32> to vector<1x1x16xf32>
      tpu.vector_store %arg11[%swap3A_1054, %swap3A_1055, %swap3A_1056], %swap3A_1059 {strides = array<i32>} : memref<4x64x128xf32, #tpu.memory_space<vmem>>, vector<1x1x16xf32>,
      %get3A_1060 = arith.constant 0 : i32
      %get3A_1061 = arith.index_cast %get3A_1060 : i32 to index
      %get3A_1062 = arith.index_cast %add3A_919 : i32 to index
      %get3A_1063 = arith.constant 112 : index
      %get3A_1064 = tpu.vector_load %arg9[%get3A_1061, %get3A_1062, %get3A_1063] {strides = array<i32>} : memref<4x64x128xf32, #tpu.memory_space<vmem>>, vector<1x1x16xf32>,
      %get3A_1065 = vector.shape_cast %get3A_1064 : vector<1x1x16xf32> to vector<16xf32>
      %get3A_1066 = arith.constant 0 : i32
      %get3A_1067 = arith.index_cast %get3A_1066 : i32 to index
      %get3A_1068 = arith.index_cast %add3A_919 : i32 to index
      %get3A_1069 = arith.constant 112 : index
      %get3A_1070 = tpu.vector_load %arg10[%get3A_1067, %get3A_1068, %get3A_1069] {strides = array<i32>} : memref<4x64x128xf32, #tpu.memory_space<vmem>>, vector<1x1x16xf32>,
      %get3A_1071 = vector.shape_cast %get3A_1070 : vector<1x1x16xf32> to vector<16xf32>
      %mul3A_1072 = arith.mulf %get3A_1065, %get3A_1071 : vector<16xf32>
      %swap3A_1073 = arith.constant 0 : i32
      %swap3A_1074 = arith.index_cast %swap3A_1073 : i32 to index
      %swap3A_1075 = arith.index_cast %add3A_919 : i32 to index
      %swap3A_1076 = arith.constant 112 : index
      %swap3A_1077 = tpu.vector_load %arg11[%swap3A_1074, %swap3A_1075, %swap3A_1076] {strides = array<i32>} : memref<4x64x128xf32, #tpu.memory_space<vmem>>, vector<1x1x16xf32>,
      %swap3A_1078 = vector.shape_cast %swap3A_1077 : vector<1x1x16xf32> to vector<16xf32>
      %swap3A_1079 = vector.shape_cast %mul3A_1072 : vector<16xf32> to vector<1x1x16xf32>
      tpu.vector_store %arg11[%swap3A_1074, %swap3A_1075, %swap3A_1076], %swap3A_1079 {strides = array<i32>} : memref<4x64x128xf32, #tpu.memory_space<vmem>>, vector<1x1x16xf32>,
      %scan3A_1080 = arith.constant 0 : i32
      scf.yield %scan3A_1080 : i32
    }
    %scan3A_468 = arith.constant 32 : i32
    %add3A_469 = arith.constant 256 : i32
    %add3A_470 = arith.addi %mul3A_2, %add3A_469 : i32
    %dma_start3A_471 = arith.constant 0 : i32
    %dma_start3A_472 = arith.constant 0 : i32
    %dma_start3A_473 = arith.constant 0 : i32
    %dma_start3A_474 = arith.constant 0 : i32
    %dma_start3A_475 = tpu.memref_slice %arg11[%dma_start3A_471, %dma_start3A_473, %dma_start3A_474] : memref<4x64x128xf32, #tpu.memory_space<vmem>> -> memref<1x64x128xf32, #tpu.memory_space<vmem>>
    %dma_start3A_476 = tpu.memref_squeeze %dma_start3A_475 : memref<1x64x128xf32, #tpu.memory_space<vmem>> -> memref<64x128xf32, #tpu.memory_space<vmem>>
    %dma_start3A_477 = arith.constant 0 : i32
    %dma_start3A_478 = tpu.memref_slice %arg6[%add3A_470, %dma_start3A_477] : memref<16384x128xf32, #tpu.memory_space<hbm>> -> memref<64x128xf32, #tpu.memory_space<hbm>>
    %dma_start3A_479 = tpu.memref_slice %arg14[%dma_start3A_472] : memref<4x!tpu.dma_semaphore, #tpu.memory_space<semaphore_mem>> -> memref<1x!tpu.dma_semaphore, #tpu.memory_space<semaphore_mem>>
    %dma_start3A_480 = tpu.memref_squeeze %dma_start3A_479 : memref<1x!tpu.dma_semaphore, #tpu.memory_space<semaphore_mem>> -> memref<!tpu.dma_semaphore, #tpu.memory_space<semaphore_mem>>
    %dma_start3A_481 = arith.constant 0 : i32
    %dma_start3A_482 = tpu.memref_slice %arg6[%add3A_470, %dma_start3A_481] : memref<16384x128xf32, #tpu.memory_space<hbm>> -> memref<64x128xf32, #tpu.memory_space<hbm>>
    %dma_start3A_483 = arith.constant 0 : i32
    %dma_start3A_484 = arith.constant 0 : i32
    %dma_start3A_485 = tpu.memref_slice %arg11[%dma_start3A_471, %dma_start3A_483, %dma_start3A_484] : memref<4x64x128xf32, #tpu.memory_space<vmem>> -> memref<1x64x128xf32, #tpu.memory_space<vmem>>
    %dma_start3A_486 = tpu.memref_squeeze %dma_start3A_485 : memref<1x64x128xf32, #tpu.memory_space<vmem>> -> memref<64x128xf32, #tpu.memory_space<vmem>>
    tpu.enqueue_dma source(%dma_start3A_486 : memref<64x128xf32, #tpu.memory_space<vmem>>) target(%dma_start3A_482 : memref<64x128xf32, #tpu.memory_space<hbm>>) target_semaphore(%dma_start3A_480 : memref<!tpu.dma_semaphore, #tpu.memory_space<semaphore_mem>>)
    %dma_wait3A_487 = arith.constant 1 : i32
    %dma_wait3A_488 = arith.constant 1 : i32
    %dma_wait3A_489 = arith.constant 0 : i32
    %dma_wait3A_490 = arith.constant 0 : i32
    %dma_wait3A_491 = tpu.memref_slice %arg9[%dma_wait3A_487, %dma_wait3A_489, %dma_wait3A_490] : memref<4x64x128xf32, #tpu.memory_space<vmem>> -> memref<1x64x128xf32, #tpu.memory_space<vmem>>
    %dma_wait3A_492 = tpu.memref_squeeze %dma_wait3A_491 : memref<1x64x128xf32, #tpu.memory_space<vmem>> -> memref<64x128xf32, #tpu.memory_space<vmem>>
    %dma_wait3A_493 = arith.constant 320 : i32
    %dma_wait3A_494 = tpu.memref_slice %arg7[%dma_wait3A_493] : memref<512xi32, #tpu.memory_space<vmem>> -> memref<64xi32, #tpu.memory_space<vmem>>
    %dma_wait3A_495 = arith.constant 0 : i32
    %dma_wait3A_496 = arith.constant 0 : i32
    %dma_wait3A_497 = tpu.memref_slice %arg4[%dma_wait3A_495, %dma_wait3A_496] : memref<1000000x128xf32, #tpu.memory_space<hbm>> -> memref<1000000x128xf32, #tpu.memory_space<hbm>>
    %dma_wait3A_498 = tpu.memref_slice %arg12[%dma_wait3A_488] : memref<4x!tpu.dma_semaphore, #tpu.memory_space<semaphore_mem>> -> memref<1x!tpu.dma_semaphore, #tpu.memory_space<semaphore_mem>>
    %dma_wait3A_499 = tpu.memref_squeeze %dma_wait3A_498 : memref<1x!tpu.dma_semaphore, #tpu.memory_space<semaphore_mem>> -> memref<!tpu.dma_semaphore, #tpu.memory_space<semaphore_mem>>
    tpu.wait_indirect_dma semaphore(%dma_wait3A_499 : memref<!tpu.dma_semaphore, #tpu.memory_space<semaphore_mem>>) src(%dma_wait3A_497 : memref<1000000x128xf32, #tpu.memory_space<hbm>>) dst(%dma_wait3A_492 : memref<64x128xf32, #tpu.memory_space<vmem>>)
    %dma_wait3A_500 = arith.constant 1 : i32
    %dma_wait3A_501 = arith.constant 1 : i32
    %dma_wait3A_502 = arith.constant 0 : i32
    %dma_wait3A_503 = arith.constant 0 : i32
    %dma_wait3A_504 = tpu.memref_slice %arg10[%dma_wait3A_500, %dma_wait3A_502, %dma_wait3A_503] : memref<4x64x128xf32, #tpu.memory_space<vmem>> -> memref<1x64x128xf32, #tpu.memory_space<vmem>>
    %dma_wait3A_505 = tpu.memref_squeeze %dma_wait3A_504 : memref<1x64x128xf32, #tpu.memory_space<vmem>> -> memref<64x128xf32, #tpu.memory_space<vmem>>
    %dma_wait3A_506 = arith.constant 320 : i32
    %dma_wait3A_507 = tpu.memref_slice %arg8[%dma_wait3A_506] : memref<512xi32, #tpu.memory_space<vmem>> -> memref<64xi32, #tpu.memory_space<vmem>>
    %dma_wait3A_508 = arith.constant 0 : i32
    %dma_wait3A_509 = arith.constant 0 : i32
    %dma_wait3A_510 = tpu.memref_slice %arg5[%dma_wait3A_508, %dma_wait3A_509] : memref<1000000x128xf32, #tpu.memory_space<hbm>> -> memref<1000000x128xf32, #tpu.memory_space<hbm>>
    %dma_wait3A_511 = tpu.memref_slice %arg13[%dma_wait3A_501] : memref<4x!tpu.dma_semaphore, #tpu.memory_space<semaphore_mem>> -> memref<1x!tpu.dma_semaphore, #tpu.memory_space<semaphore_mem>>
    %dma_wait3A_512 = tpu.memref_squeeze %dma_wait3A_511 : memref<1x!tpu.dma_semaphore, #tpu.memory_space<semaphore_mem>> -> memref<!tpu.dma_semaphore, #tpu.memory_space<semaphore_mem>>
    tpu.wait_indirect_dma semaphore(%dma_wait3A_512 : memref<!tpu.dma_semaphore, #tpu.memory_space<semaphore_mem>>) src(%dma_wait3A_510 : memref<1000000x128xf32, #tpu.memory_space<hbm>>) dst(%dma_wait3A_505 : memref<64x128xf32, #tpu.memory_space<vmem>>)
    %dma_wait3A_513 = arith.constant 1 : i32
    %dma_wait3A_514 = arith.constant 1 : i32
    %dma_wait3A_515 = arith.constant 0 : i32
    %dma_wait3A_516 = arith.constant 0 : i32
    %dma_wait3A_517 = tpu.memref_slice %arg11[%dma_wait3A_513, %dma_wait3A_515, %dma_wait3A_516] : memref<4x64x128xf32, #tpu.memory_space<vmem>> -> memref<1x64x128xf32, #tpu.memory_space<vmem>>
    %dma_wait3A_518 = tpu.memref_squeeze %dma_wait3A_517 : memref<1x64x128xf32, #tpu.memory_space<vmem>> -> memref<64x128xf32, #tpu.memory_space<vmem>>
    %dma_wait3A_519 = arith.constant 0 : i32
    %dma_wait3A_520 = tpu.memref_slice %arg6[%add3A_249, %dma_wait3A_519] : memref<16384x128xf32, #tpu.memory_space<hbm>> -> memref<64x128xf32, #tpu.memory_space<hbm>>
    %dma_wait3A_521 = tpu.memref_slice %arg14[%dma_wait3A_514] : memref<4x!tpu.dma_semaphore, #tpu.memory_space<semaphore_mem>> -> memref<1x!tpu.dma_semaphore, #tpu.memory_space<semaphore_mem>>
    %dma_wait3A_522 = tpu.memref_squeeze %dma_wait3A_521 : memref<1x!tpu.dma_semaphore, #tpu.memory_space<semaphore_mem>> -> memref<!tpu.dma_semaphore, #tpu.memory_space<semaphore_mem>>
    %dma_wait3A_523 = arith.constant 0 : i32
    %dma_wait3A_524 = tpu.memref_slice %arg6[%add3A_249, %dma_wait3A_523] : memref<16384x128xf32, #tpu.memory_space<hbm>> -> memref<64x128xf32, #tpu.memory_space<hbm>>
    %dma_wait3A_525 = arith.constant 0 : i32
    %dma_wait3A_526 = arith.constant 0 : i32
    %dma_wait3A_527 = tpu.memref_slice %arg11[%dma_wait3A_513, %dma_wait3A_525, %dma_wait3A_526] : memref<4x64x128xf32, #tpu.memory_space<vmem>> -> memref<1x64x128xf32, #tpu.memory_space<vmem>>
    %dma_wait3A_528 = tpu.memref_squeeze %dma_wait3A_527 : memref<1x64x128xf32, #tpu.memory_space<vmem>> -> memref<64x128xf32, #tpu.memory_space<vmem>>
    tpu.wait_dma2 semaphore(%dma_wait3A_522 : memref<!tpu.dma_semaphore, #tpu.memory_space<semaphore_mem>>) src(%dma_wait3A_528 : memref<64x128xf32, #tpu.memory_space<vmem>>) dst(%dma_wait3A_524 : memref<64x128xf32, #tpu.memory_space<hbm>>)
    %scan3A_529 = arith.constant 0 : i32
    %scan3A_530 = arith.constant 0 : i32
    %scan3A_531 = arith.constant 32 : i32
    %scan3A_532 = arith.addi %scan3A_530, %scan3A_531 : i32
    %scan3A_533 = arith.constant 1 : i32
    %scan3A_534 = scf.for %scan3A_752 = %scan3A_530 to %scan3A_532 step %scan3A_533 iter_args(%scan3A_753 = %scan3A_529) -> (i32)  : i32 {
      %mul3A_754 = arith.constant 2 : i32
      %mul3A_755 = arith.muli %scan3A_752, %mul3A_754 : i32
      %add3A_756 = arith.constant 0 : i32
      %add3A_757 = arith.addi %mul3A_755, %add3A_756 : i32
      %get3A = arith.constant 1 : i32
      %get3A_758 = arith.index_cast %get3A : i32 to index
      %get3A_759 = arith.index_cast %add3A_757 : i32 to index
      %get3A_760 = arith.constant 0 : index
      %get3A_761 = tpu.vector_load %arg9[%get3A_758, %get3A_759, %get3A_760] {strides = array<i32>} : memref<4x64x128xf32, #tpu.memory_space<vmem>>, vector<1x1x16xf32>,
      %get3A_762 = vector.shape_cast %get3A_761 : vector<1x1x16xf32> to vector<16xf32>
      %get3A_763 = arith.constant 1 : i32
      %get3A_764 = arith.index_cast %get3A_763 : i32 to index
      %get3A_765 = arith.index_cast %add3A_757 : i32 to index
      %get3A_766 = arith.constant 0 : index
      %get3A_767 = tpu.vector_load %arg10[%get3A_764, %get3A_765, %get3A_766] {strides = array<i32>} : memref<4x64x128xf32, #tpu.memory_space<vmem>>, vector<1x1x16xf32>,
      %get3A_768 = vector.shape_cast %get3A_767 : vector<1x1x16xf32> to vector<16xf32>
      %mul3A_769 = arith.mulf %get3A_762, %get3A_768 : vector<16xf32>
      %swap3A = arith.constant 1 : i32
      %swap3A_770 = arith.index_cast %swap3A : i32 to index
      %swap3A_771 = arith.index_cast %add3A_757 : i32 to index
      %swap3A_772 = arith.constant 0 : index
      %swap3A_773 = tpu.vector_load %arg11[%swap3A_770, %swap3A_771, %swap3A_772] {strides = array<i32>} : memref<4x64x128xf32, #tpu.memory_space<vmem>>, vector<1x1x16xf32>,
      %swap3A_774 = vector.shape_cast %swap3A_773 : vector<1x1x16xf32> to vector<16xf32>
      %swap3A_775 = vector.shape_cast %mul3A_769 : vector<16xf32> to vector<1x1x16xf32>
      tpu.vector_store %arg11[%swap3A_770, %swap3A_771, %swap3A_772], %swap3A_775 {strides = array<i32>} : memref<4x64x128xf32, #tpu.memory_space<vmem>>, vector<1x1x16xf32>,
      %get3A_776 = arith.constant 1 : i32
      %get3A_777 = arith.index_cast %get3A_776 : i32 to index
      %get3A_778 = arith.index_cast %add3A_757 : i32 to index
      %get3A_779 = arith.constant 16 : index
      %get3A_780 = tpu.vector_load %arg9[%get3A_777, %get3A_778, %get3A_779] {strides = array<i32>} : memref<4x64x128xf32, #tpu.memory_space<vmem>>, vector<1x1x16xf32>,
      %get3A_781 = vector.shape_cast %get3A_780 : vector<1x1x16xf32> to vector<16xf32>
      %get3A_782 = arith.constant 1 : i32
      %get3A_783 = arith.index_cast %get3A_782 : i32 to index
      %get3A_784 = arith.index_cast %add3A_757 : i32 to index
      %get3A_785 = arith.constant 16 : index
      %get3A_786 = tpu.vector_load %arg10[%get3A_783, %get3A_784, %get3A_785] {strides = array<i32>} : memref<4x64x128xf32, #tpu.memory_space<vmem>>, vector<1x1x16xf32>,
      %get3A_787 = vector.shape_cast %get3A_786 : vector<1x1x16xf32> to vector<16xf32>
      %mul3A_788 = arith.mulf %get3A_781, %get3A_787 : vector<16xf32>
      %swap3A_789 = arith.constant 1 : i32
      %swap3A_790 = arith.index_cast %swap3A_789 : i32 to index
      %swap3A_791 = arith.index_cast %add3A_757 : i32 to index
      %swap3A_792 = arith.constant 16 : index
      %swap3A_793 = tpu.vector_load %arg11[%swap3A_790, %swap3A_791, %swap3A_792] {strides = array<i32>} : memref<4x64x128xf32, #tpu.memory_space<vmem>>, vector<1x1x16xf32>,
      %swap3A_794 = vector.shape_cast %swap3A_793 : vector<1x1x16xf32> to vector<16xf32>
      %swap3A_795 = vector.shape_cast %mul3A_788 : vector<16xf32> to vector<1x1x16xf32>
      tpu.vector_store %arg11[%swap3A_790, %swap3A_791, %swap3A_792], %swap3A_795 {strides = array<i32>} : memref<4x64x128xf32, #tpu.memory_space<vmem>>, vector<1x1x16xf32>,
      %get3A_796 = arith.constant 1 : i32
      %get3A_797 = arith.index_cast %get3A_796 : i32 to index
      %get3A_798 = arith.index_cast %add3A_757 : i32 to index
      %get3A_799 = arith.constant 32 : index
      %get3A_800 = tpu.vector_load %arg9[%get3A_797, %get3A_798, %get3A_799] {strides = array<i32>} : memref<4x64x128xf32, #tpu.memory_space<vmem>>, vector<1x1x16xf32>,
      %get3A_801 = vector.shape_cast %get3A_800 : vector<1x1x16xf32> to vector<16xf32>
      %get3A_802 = arith.constant 1 : i32
      %get3A_803 = arith.index_cast %get3A_802 : i32 to index
      %get3A_804 = arith.index_cast %add3A_757 : i32 to index
      %get3A_805 = arith.constant 32 : index
      %get3A_806 = tpu.vector_load %arg10[%get3A_803, %get3A_804, %get3A_805] {strides = array<i32>} : memref<4x64x128xf32, #tpu.memory_space<vmem>>, vector<1x1x16xf32>,
      %get3A_807 = vector.shape_cast %get3A_806 : vector<1x1x16xf32> to vector<16xf32>
      %mul3A_808 = arith.mulf %get3A_801, %get3A_807 : vector<16xf32>
      %swap3A_809 = arith.constant 1 : i32
      %swap3A_810 = arith.index_cast %swap3A_809 : i32 to index
      %swap3A_811 = arith.index_cast %add3A_757 : i32 to index
      %swap3A_812 = arith.constant 32 : index
      %swap3A_813 = tpu.vector_load %arg11[%swap3A_810, %swap3A_811, %swap3A_812] {strides = array<i32>} : memref<4x64x128xf32, #tpu.memory_space<vmem>>, vector<1x1x16xf32>,
      %swap3A_814 = vector.shape_cast %swap3A_813 : vector<1x1x16xf32> to vector<16xf32>
      %swap3A_815 = vector.shape_cast %mul3A_808 : vector<16xf32> to vector<1x1x16xf32>
      tpu.vector_store %arg11[%swap3A_810, %swap3A_811, %swap3A_812], %swap3A_815 {strides = array<i32>} : memref<4x64x128xf32, #tpu.memory_space<vmem>>, vector<1x1x16xf32>,
      %get3A_816 = arith.constant 1 : i32
      %get3A_817 = arith.index_cast %get3A_816 : i32 to index
      %get3A_818 = arith.index_cast %add3A_757 : i32 to index
      %get3A_819 = arith.constant 48 : index
      %get3A_820 = tpu.vector_load %arg9[%get3A_817, %get3A_818, %get3A_819] {strides = array<i32>} : memref<4x64x128xf32, #tpu.memory_space<vmem>>, vector<1x1x16xf32>,
      %get3A_821 = vector.shape_cast %get3A_820 : vector<1x1x16xf32> to vector<16xf32>
      %get3A_822 = arith.constant 1 : i32
      %get3A_823 = arith.index_cast %get3A_822 : i32 to index
      %get3A_824 = arith.index_cast %add3A_757 : i32 to index
      %get3A_825 = arith.constant 48 : index
      %get3A_826 = tpu.vector_load %arg10[%get3A_823, %get3A_824, %get3A_825] {strides = array<i32>} : memref<4x64x128xf32, #tpu.memory_space<vmem>>, vector<1x1x16xf32>,
      %get3A_827 = vector.shape_cast %get3A_826 : vector<1x1x16xf32> to vector<16xf32>
      %mul3A_828 = arith.mulf %get3A_821, %get3A_827 : vector<16xf32>
      %swap3A_829 = arith.constant 1 : i32
      %swap3A_830 = arith.index_cast %swap3A_829 : i32 to index
      %swap3A_831 = arith.index_cast %add3A_757 : i32 to index
      %swap3A_832 = arith.constant 48 : index
      %swap3A_833 = tpu.vector_load %arg11[%swap3A_830, %swap3A_831, %swap3A_832] {strides = array<i32>} : memref<4x64x128xf32, #tpu.memory_space<vmem>>, vector<1x1x16xf32>,
      %swap3A_834 = vector.shape_cast %swap3A_833 : vector<1x1x16xf32> to vector<16xf32>
      %swap3A_835 = vector.shape_cast %mul3A_828 : vector<16xf32> to vector<1x1x16xf32>
      tpu.vector_store %arg11[%swap3A_830, %swap3A_831, %swap3A_832], %swap3A_835 {strides = array<i32>} : memref<4x64x128xf32, #tpu.memory_space<vmem>>, vector<1x1x16xf32>,
      %get3A_836 = arith.constant 1 : i32
      %get3A_837 = arith.index_cast %get3A_836 : i32 to index
      %get3A_838 = arith.index_cast %add3A_757 : i32 to index
      %get3A_839 = arith.constant 64 : index
      %get3A_840 = tpu.vector_load %arg9[%get3A_837, %get3A_838, %get3A_839] {strides = array<i32>} : memref<4x64x128xf32, #tpu.memory_space<vmem>>, vector<1x1x16xf32>,
      %get3A_841 = vector.shape_cast %get3A_840 : vector<1x1x16xf32> to vector<16xf32>
      %get3A_842 = arith.constant 1 : i32
      %get3A_843 = arith.index_cast %get3A_842 : i32 to index
      %get3A_844 = arith.index_cast %add3A_757 : i32 to index
      %get3A_845 = arith.constant 64 : index
      %get3A_846 = tpu.vector_load %arg10[%get3A_843, %get3A_844, %get3A_845] {strides = array<i32>} : memref<4x64x128xf32, #tpu.memory_space<vmem>>, vector<1x1x16xf32>,
      %get3A_847 = vector.shape_cast %get3A_846 : vector<1x1x16xf32> to vector<16xf32>
      %mul3A_848 = arith.mulf %get3A_841, %get3A_847 : vector<16xf32>
      %swap3A_849 = arith.constant 1 : i32
      %swap3A_850 = arith.index_cast %swap3A_849 : i32 to index
      %swap3A_851 = arith.index_cast %add3A_757 : i32 to index
      %swap3A_852 = arith.constant 64 : index
      %swap3A_853 = tpu.vector_load %arg11[%swap3A_850, %swap3A_851, %swap3A_852] {strides = array<i32>} : memref<4x64x128xf32, #tpu.memory_space<vmem>>, vector<1x1x16xf32>,
      %swap3A_854 = vector.shape_cast %swap3A_853 : vector<1x1x16xf32> to vector<16xf32>
      %swap3A_855 = vector.shape_cast %mul3A_848 : vector<16xf32> to vector<1x1x16xf32>
      tpu.vector_store %arg11[%swap3A_850, %swap3A_851, %swap3A_852], %swap3A_855 {strides = array<i32>} : memref<4x64x128xf32, #tpu.memory_space<vmem>>, vector<1x1x16xf32>,
      %get3A_856 = arith.constant 1 : i32
      %get3A_857 = arith.index_cast %get3A_856 : i32 to index
      %get3A_858 = arith.index_cast %add3A_757 : i32 to index
      %get3A_859 = arith.constant 80 : index
      %get3A_860 = tpu.vector_load %arg9[%get3A_857, %get3A_858, %get3A_859] {strides = array<i32>} : memref<4x64x128xf32, #tpu.memory_space<vmem>>, vector<1x1x16xf32>,
      %get3A_861 = vector.shape_cast %get3A_860 : vector<1x1x16xf32> to vector<16xf32>
      %get3A_862 = arith.constant 1 : i32
      %get3A_863 = arith.index_cast %get3A_862 : i32 to index
      %get3A_864 = arith.index_cast %add3A_757 : i32 to index
      %get3A_865 = arith.constant 80 : index
      %get3A_866 = tpu.vector_load %arg10[%get3A_863, %get3A_864, %get3A_865] {strides = array<i32>} : memref<4x64x128xf32, #tpu.memory_space<vmem>>, vector<1x1x16xf32>,
      %get3A_867 = vector.shape_cast %get3A_866 : vector<1x1x16xf32> to vector<16xf32>
      %mul3A_868 = arith.mulf %get3A_861, %get3A_867 : vector<16xf32>
      %swap3A_869 = arith.constant 1 : i32
      %swap3A_870 = arith.index_cast %swap3A_869 : i32 to index
      %swap3A_871 = arith.index_cast %add3A_757 : i32 to index
      %swap3A_872 = arith.constant 80 : index
      %swap3A_873 = tpu.vector_load %arg11[%swap3A_870, %swap3A_871, %swap3A_872] {strides = array<i32>} : memref<4x64x128xf32, #tpu.memory_space<vmem>>, vector<1x1x16xf32>,
      %swap3A_874 = vector.shape_cast %swap3A_873 : vector<1x1x16xf32> to vector<16xf32>
      %swap3A_875 = vector.shape_cast %mul3A_868 : vector<16xf32> to vector<1x1x16xf32>
      tpu.vector_store %arg11[%swap3A_870, %swap3A_871, %swap3A_872], %swap3A_875 {strides = array<i32>} : memref<4x64x128xf32, #tpu.memory_space<vmem>>, vector<1x1x16xf32>,
      %get3A_876 = arith.constant 1 : i32
      %get3A_877 = arith.index_cast %get3A_876 : i32 to index
      %get3A_878 = arith.index_cast %add3A_757 : i32 to index
      %get3A_879 = arith.constant 96 : index
      %get3A_880 = tpu.vector_load %arg9[%get3A_877, %get3A_878, %get3A_879] {strides = array<i32>} : memref<4x64x128xf32, #tpu.memory_space<vmem>>, vector<1x1x16xf32>,
      %get3A_881 = vector.shape_cast %get3A_880 : vector<1x1x16xf32> to vector<16xf32>
      %get3A_882 = arith.constant 1 : i32
      %get3A_883 = arith.index_cast %get3A_882 : i32 to index
      %get3A_884 = arith.index_cast %add3A_757 : i32 to index
      %get3A_885 = arith.constant 96 : index
      %get3A_886 = tpu.vector_load %arg10[%get3A_883, %get3A_884, %get3A_885] {strides = array<i32>} : memref<4x64x128xf32, #tpu.memory_space<vmem>>, vector<1x1x16xf32>,
      %get3A_887 = vector.shape_cast %get3A_886 : vector<1x1x16xf32> to vector<16xf32>
      %mul3A_888 = arith.mulf %get3A_881, %get3A_887 : vector<16xf32>
      %swap3A_889 = arith.constant 1 : i32
      %swap3A_890 = arith.index_cast %swap3A_889 : i32 to index
      %swap3A_891 = arith.index_cast %add3A_757 : i32 to index
      %swap3A_892 = arith.constant 96 : index
      %swap3A_893 = tpu.vector_load %arg11[%swap3A_890, %swap3A_891, %swap3A_892] {strides = array<i32>} : memref<4x64x128xf32, #tpu.memory_space<vmem>>, vector<1x1x16xf32>,
      %swap3A_894 = vector.shape_cast %swap3A_893 : vector<1x1x16xf32> to vector<16xf32>
      %swap3A_895 = vector.shape_cast %mul3A_888 : vector<16xf32> to vector<1x1x16xf32>
      tpu.vector_store %arg11[%swap3A_890, %swap3A_891, %swap3A_892], %swap3A_895 {strides = array<i32>} : memref<4x64x128xf32, #tpu.memory_space<vmem>>, vector<1x1x16xf32>,
      %get3A_896 = arith.constant 1 : i32
      %get3A_897 = arith.index_cast %get3A_896 : i32 to index
      %get3A_898 = arith.index_cast %add3A_757 : i32 to index
      %get3A_899 = arith.constant 112 : index
      %get3A_900 = tpu.vector_load %arg9[%get3A_897, %get3A_898, %get3A_899] {strides = array<i32>} : memref<4x64x128xf32, #tpu.memory_space<vmem>>, vector<1x1x16xf32>,
      %get3A_901 = vector.shape_cast %get3A_900 : vector<1x1x16xf32> to vector<16xf32>
      %get3A_902 = arith.constant 1 : i32
      %get3A_903 = arith.index_cast %get3A_902 : i32 to index
      %get3A_904 = arith.index_cast %add3A_757 : i32 to index
      %get3A_905 = arith.constant 112 : index
      %get3A_906 = tpu.vector_load %arg10[%get3A_903, %get3A_904, %get3A_905] {strides = array<i32>} : memref<4x64x128xf32, #tpu.memory_space<vmem>>, vector<1x1x16xf32>,
      %get3A_907 = vector.shape_cast %get3A_906 : vector<1x1x16xf32> to vector<16xf32>
      %mul3A_908 = arith.mulf %get3A_901, %get3A_907 : vector<16xf32>
      %swap3A_909 = arith.constant 1 : i32
      %swap3A_910 = arith.index_cast %swap3A_909 : i32 to index
      %swap3A_911 = arith.index_cast %add3A_757 : i32 to index
      %swap3A_912 = arith.constant 112 : index
      %swap3A_913 = tpu.vector_load %arg11[%swap3A_910, %swap3A_911, %swap3A_912] {strides = array<i32>} : memref<4x64x128xf32, #tpu.memory_space<vmem>>, vector<1x1x16xf32>,
      %swap3A_914 = vector.shape_cast %swap3A_913 : vector<1x1x16xf32> to vector<16xf32>
      %swap3A_915 = vector.shape_cast %mul3A_908 : vector<16xf32> to vector<1x1x16xf32>
      tpu.vector_store %arg11[%swap3A_910, %swap3A_911, %swap3A_912], %swap3A_915 {strides = array<i32>} : memref<4x64x128xf32, #tpu.memory_space<vmem>>, vector<1x1x16xf32>,
      %mul3A_916 = arith.constant 2 : i32
      %mul3A_917 = arith.muli %scan3A_752, %mul3A_916 : i32
      %add3A_918 = arith.constant 1 : i32
      %add3A_919 = arith.addi %mul3A_917, %add3A_918 : i32
      %get3A_920 = arith.constant 1 : i32
      %get3A_921 = arith.index_cast %get3A_920 : i32 to index
      %get3A_922 = arith.index_cast %add3A_919 : i32 to index
      %get3A_923 = arith.constant 0 : index
      %get3A_924 = tpu.vector_load %arg9[%get3A_921, %get3A_922, %get3A_923] {strides = array<i32>} : memref<4x64x128xf32, #tpu.memory_space<vmem>>, vector<1x1x16xf32>,
      %get3A_925 = vector.shape_cast %get3A_924 : vector<1x1x16xf32> to vector<16xf32>
      %get3A_926 = arith.constant 1 : i32
      %get3A_927 = arith.index_cast %get3A_926 : i32 to index
      %get3A_928 = arith.index_cast %add3A_919 : i32 to index
      %get3A_929 = arith.constant 0 : index
      %get3A_930 = tpu.vector_load %arg10[%get3A_927, %get3A_928, %get3A_929] {strides = array<i32>} : memref<4x64x128xf32, #tpu.memory_space<vmem>>, vector<1x1x16xf32>,
      %get3A_931 = vector.shape_cast %get3A_930 : vector<1x1x16xf32> to vector<16xf32>
      %mul3A_932 = arith.mulf %get3A_925, %get3A_931 : vector<16xf32>
      %swap3A_933 = arith.constant 1 : i32
      %swap3A_934 = arith.index_cast %swap3A_933 : i32 to index
      %swap3A_935 = arith.index_cast %add3A_919 : i32 to index
      %swap3A_936 = arith.constant 0 : index
      %swap3A_937 = tpu.vector_load %arg11[%swap3A_934, %swap3A_935, %swap3A_936] {strides = array<i32>} : memref<4x64x128xf32, #tpu.memory_space<vmem>>, vector<1x1x16xf32>,
      %swap3A_938 = vector.shape_cast %swap3A_937 : vector<1x1x16xf32> to vector<16xf32>
      %swap3A_939 = vector.shape_cast %mul3A_932 : vector<16xf32> to vector<1x1x16xf32>
      tpu.vector_store %arg11[%swap3A_934, %swap3A_935, %swap3A_936], %swap3A_939 {strides = array<i32>} : memref<4x64x128xf32, #tpu.memory_space<vmem>>, vector<1x1x16xf32>,
      %get3A_940 = arith.constant 1 : i32
      %get3A_941 = arith.index_cast %get3A_940 : i32 to index
      %get3A_942 = arith.index_cast %add3A_919 : i32 to index
      %get3A_943 = arith.constant 16 : index
      %get3A_944 = tpu.vector_load %arg9[%get3A_941, %get3A_942, %get3A_943] {strides = array<i32>} : memref<4x64x128xf32, #tpu.memory_space<vmem>>, vector<1x1x16xf32>,
      %get3A_945 = vector.shape_cast %get3A_944 : vector<1x1x16xf32> to vector<16xf32>
      %get3A_946 = arith.constant 1 : i32
      %get3A_947 = arith.index_cast %get3A_946 : i32 to index
      %get3A_948 = arith.index_cast %add3A_919 : i32 to index
      %get3A_949 = arith.constant 16 : index
      %get3A_950 = tpu.vector_load %arg10[%get3A_947, %get3A_948, %get3A_949] {strides = array<i32>} : memref<4x64x128xf32, #tpu.memory_space<vmem>>, vector<1x1x16xf32>,
      %get3A_951 = vector.shape_cast %get3A_950 : vector<1x1x16xf32> to vector<16xf32>
      %mul3A_952 = arith.mulf %get3A_945, %get3A_951 : vector<16xf32>
      %swap3A_953 = arith.constant 1 : i32
      %swap3A_954 = arith.index_cast %swap3A_953 : i32 to index
      %swap3A_955 = arith.index_cast %add3A_919 : i32 to index
      %swap3A_956 = arith.constant 16 : index
      %swap3A_957 = tpu.vector_load %arg11[%swap3A_954, %swap3A_955, %swap3A_956] {strides = array<i32>} : memref<4x64x128xf32, #tpu.memory_space<vmem>>, vector<1x1x16xf32>,
      %swap3A_958 = vector.shape_cast %swap3A_957 : vector<1x1x16xf32> to vector<16xf32>
      %swap3A_959 = vector.shape_cast %mul3A_952 : vector<16xf32> to vector<1x1x16xf32>
      tpu.vector_store %arg11[%swap3A_954, %swap3A_955, %swap3A_956], %swap3A_959 {strides = array<i32>} : memref<4x64x128xf32, #tpu.memory_space<vmem>>, vector<1x1x16xf32>,
      %get3A_960 = arith.constant 1 : i32
      %get3A_961 = arith.index_cast %get3A_960 : i32 to index
      %get3A_962 = arith.index_cast %add3A_919 : i32 to index
      %get3A_963 = arith.constant 32 : index
      %get3A_964 = tpu.vector_load %arg9[%get3A_961, %get3A_962, %get3A_963] {strides = array<i32>} : memref<4x64x128xf32, #tpu.memory_space<vmem>>, vector<1x1x16xf32>,
      %get3A_965 = vector.shape_cast %get3A_964 : vector<1x1x16xf32> to vector<16xf32>
      %get3A_966 = arith.constant 1 : i32
      %get3A_967 = arith.index_cast %get3A_966 : i32 to index
      %get3A_968 = arith.index_cast %add3A_919 : i32 to index
      %get3A_969 = arith.constant 32 : index
      %get3A_970 = tpu.vector_load %arg10[%get3A_967, %get3A_968, %get3A_969] {strides = array<i32>} : memref<4x64x128xf32, #tpu.memory_space<vmem>>, vector<1x1x16xf32>,
      %get3A_971 = vector.shape_cast %get3A_970 : vector<1x1x16xf32> to vector<16xf32>
      %mul3A_972 = arith.mulf %get3A_965, %get3A_971 : vector<16xf32>
      %swap3A_973 = arith.constant 1 : i32
      %swap3A_974 = arith.index_cast %swap3A_973 : i32 to index
      %swap3A_975 = arith.index_cast %add3A_919 : i32 to index
      %swap3A_976 = arith.constant 32 : index
      %swap3A_977 = tpu.vector_load %arg11[%swap3A_974, %swap3A_975, %swap3A_976] {strides = array<i32>} : memref<4x64x128xf32, #tpu.memory_space<vmem>>, vector<1x1x16xf32>,
      %swap3A_978 = vector.shape_cast %swap3A_977 : vector<1x1x16xf32> to vector<16xf32>
      %swap3A_979 = vector.shape_cast %mul3A_972 : vector<16xf32> to vector<1x1x16xf32>
      tpu.vector_store %arg11[%swap3A_974, %swap3A_975, %swap3A_976], %swap3A_979 {strides = array<i32>} : memref<4x64x128xf32, #tpu.memory_space<vmem>>, vector<1x1x16xf32>,
      %get3A_980 = arith.constant 1 : i32
      %get3A_981 = arith.index_cast %get3A_980 : i32 to index
      %get3A_982 = arith.index_cast %add3A_919 : i32 to index
      %get3A_983 = arith.constant 48 : index
      %get3A_984 = tpu.vector_load %arg9[%get3A_981, %get3A_982, %get3A_983] {strides = array<i32>} : memref<4x64x128xf32, #tpu.memory_space<vmem>>, vector<1x1x16xf32>,
      %get3A_985 = vector.shape_cast %get3A_984 : vector<1x1x16xf32> to vector<16xf32>
      %get3A_986 = arith.constant 1 : i32
      %get3A_987 = arith.index_cast %get3A_986 : i32 to index
      %get3A_988 = arith.index_cast %add3A_919 : i32 to index
      %get3A_989 = arith.constant 48 : index
      %get3A_990 = tpu.vector_load %arg10[%get3A_987, %get3A_988, %get3A_989] {strides = array<i32>} : memref<4x64x128xf32, #tpu.memory_space<vmem>>, vector<1x1x16xf32>,
      %get3A_991 = vector.shape_cast %get3A_990 : vector<1x1x16xf32> to vector<16xf32>
      %mul3A_992 = arith.mulf %get3A_985, %get3A_991 : vector<16xf32>
      %swap3A_993 = arith.constant 1 : i32
      %swap3A_994 = arith.index_cast %swap3A_993 : i32 to index
      %swap3A_995 = arith.index_cast %add3A_919 : i32 to index
      %swap3A_996 = arith.constant 48 : index
      %swap3A_997 = tpu.vector_load %arg11[%swap3A_994, %swap3A_995, %swap3A_996] {strides = array<i32>} : memref<4x64x128xf32, #tpu.memory_space<vmem>>, vector<1x1x16xf32>,
      %swap3A_998 = vector.shape_cast %swap3A_997 : vector<1x1x16xf32> to vector<16xf32>
      %swap3A_999 = vector.shape_cast %mul3A_992 : vector<16xf32> to vector<1x1x16xf32>
      tpu.vector_store %arg11[%swap3A_994, %swap3A_995, %swap3A_996], %swap3A_999 {strides = array<i32>} : memref<4x64x128xf32, #tpu.memory_space<vmem>>, vector<1x1x16xf32>,
      %get3A_1000 = arith.constant 1 : i32
      %get3A_1001 = arith.index_cast %get3A_1000 : i32 to index
      %get3A_1002 = arith.index_cast %add3A_919 : i32 to index
      %get3A_1003 = arith.constant 64 : index
      %get3A_1004 = tpu.vector_load %arg9[%get3A_1001, %get3A_1002, %get3A_1003] {strides = array<i32>} : memref<4x64x128xf32, #tpu.memory_space<vmem>>, vector<1x1x16xf32>,
      %get3A_1005 = vector.shape_cast %get3A_1004 : vector<1x1x16xf32> to vector<16xf32>
      %get3A_1006 = arith.constant 1 : i32
      %get3A_1007 = arith.index_cast %get3A_1006 : i32 to index
      %get3A_1008 = arith.index_cast %add3A_919 : i32 to index
      %get3A_1009 = arith.constant 64 : index
      %get3A_1010 = tpu.vector_load %arg10[%get3A_1007, %get3A_1008, %get3A_1009] {strides = array<i32>} : memref<4x64x128xf32, #tpu.memory_space<vmem>>, vector<1x1x16xf32>,
      %get3A_1011 = vector.shape_cast %get3A_1010 : vector<1x1x16xf32> to vector<16xf32>
      %mul3A_1012 = arith.mulf %get3A_1005, %get3A_1011 : vector<16xf32>
      %swap3A_1013 = arith.constant 1 : i32
      %swap3A_1014 = arith.index_cast %swap3A_1013 : i32 to index
      %swap3A_1015 = arith.index_cast %add3A_919 : i32 to index
      %swap3A_1016 = arith.constant 64 : index
      %swap3A_1017 = tpu.vector_load %arg11[%swap3A_1014, %swap3A_1015, %swap3A_1016] {strides = array<i32>} : memref<4x64x128xf32, #tpu.memory_space<vmem>>, vector<1x1x16xf32>,
      %swap3A_1018 = vector.shape_cast %swap3A_1017 : vector<1x1x16xf32> to vector<16xf32>
      %swap3A_1019 = vector.shape_cast %mul3A_1012 : vector<16xf32> to vector<1x1x16xf32>
      tpu.vector_store %arg11[%swap3A_1014, %swap3A_1015, %swap3A_1016], %swap3A_1019 {strides = array<i32>} : memref<4x64x128xf32, #tpu.memory_space<vmem>>, vector<1x1x16xf32>,
      %get3A_1020 = arith.constant 1 : i32
      %get3A_1021 = arith.index_cast %get3A_1020 : i32 to index
      %get3A_1022 = arith.index_cast %add3A_919 : i32 to index
      %get3A_1023 = arith.constant 80 : index
      %get3A_1024 = tpu.vector_load %arg9[%get3A_1021, %get3A_1022, %get3A_1023] {strides = array<i32>} : memref<4x64x128xf32, #tpu.memory_space<vmem>>, vector<1x1x16xf32>,
      %get3A_1025 = vector.shape_cast %get3A_1024 : vector<1x1x16xf32> to vector<16xf32>
      %get3A_1026 = arith.constant 1 : i32
      %get3A_1027 = arith.index_cast %get3A_1026 : i32 to index
      %get3A_1028 = arith.index_cast %add3A_919 : i32 to index
      %get3A_1029 = arith.constant 80 : index
      %get3A_1030 = tpu.vector_load %arg10[%get3A_1027, %get3A_1028, %get3A_1029] {strides = array<i32>} : memref<4x64x128xf32, #tpu.memory_space<vmem>>, vector<1x1x16xf32>,
      %get3A_1031 = vector.shape_cast %get3A_1030 : vector<1x1x16xf32> to vector<16xf32>
      %mul3A_1032 = arith.mulf %get3A_1025, %get3A_1031 : vector<16xf32>
      %swap3A_1033 = arith.constant 1 : i32
      %swap3A_1034 = arith.index_cast %swap3A_1033 : i32 to index
      %swap3A_1035 = arith.index_cast %add3A_919 : i32 to index
      %swap3A_1036 = arith.constant 80 : index
      %swap3A_1037 = tpu.vector_load %arg11[%swap3A_1034, %swap3A_1035, %swap3A_1036] {strides = array<i32>} : memref<4x64x128xf32, #tpu.memory_space<vmem>>, vector<1x1x16xf32>,
      %swap3A_1038 = vector.shape_cast %swap3A_1037 : vector<1x1x16xf32> to vector<16xf32>
      %swap3A_1039 = vector.shape_cast %mul3A_1032 : vector<16xf32> to vector<1x1x16xf32>
      tpu.vector_store %arg11[%swap3A_1034, %swap3A_1035, %swap3A_1036], %swap3A_1039 {strides = array<i32>} : memref<4x64x128xf32, #tpu.memory_space<vmem>>, vector<1x1x16xf32>,
      %get3A_1040 = arith.constant 1 : i32
      %get3A_1041 = arith.index_cast %get3A_1040 : i32 to index
      %get3A_1042 = arith.index_cast %add3A_919 : i32 to index
      %get3A_1043 = arith.constant 96 : index
      %get3A_1044 = tpu.vector_load %arg9[%get3A_1041, %get3A_1042, %get3A_1043] {strides = array<i32>} : memref<4x64x128xf32, #tpu.memory_space<vmem>>, vector<1x1x16xf32>,
      %get3A_1045 = vector.shape_cast %get3A_1044 : vector<1x1x16xf32> to vector<16xf32>
      %get3A_1046 = arith.constant 1 : i32
      %get3A_1047 = arith.index_cast %get3A_1046 : i32 to index
      %get3A_1048 = arith.index_cast %add3A_919 : i32 to index
      %get3A_1049 = arith.constant 96 : index
      %get3A_1050 = tpu.vector_load %arg10[%get3A_1047, %get3A_1048, %get3A_1049] {strides = array<i32>} : memref<4x64x128xf32, #tpu.memory_space<vmem>>, vector<1x1x16xf32>,
      %get3A_1051 = vector.shape_cast %get3A_1050 : vector<1x1x16xf32> to vector<16xf32>
      %mul3A_1052 = arith.mulf %get3A_1045, %get3A_1051 : vector<16xf32>
      %swap3A_1053 = arith.constant 1 : i32
      %swap3A_1054 = arith.index_cast %swap3A_1053 : i32 to index
      %swap3A_1055 = arith.index_cast %add3A_919 : i32 to index
      %swap3A_1056 = arith.constant 96 : index
      %swap3A_1057 = tpu.vector_load %arg11[%swap3A_1054, %swap3A_1055, %swap3A_1056] {strides = array<i32>} : memref<4x64x128xf32, #tpu.memory_space<vmem>>, vector<1x1x16xf32>,
      %swap3A_1058 = vector.shape_cast %swap3A_1057 : vector<1x1x16xf32> to vector<16xf32>
      %swap3A_1059 = vector.shape_cast %mul3A_1052 : vector<16xf32> to vector<1x1x16xf32>
      tpu.vector_store %arg11[%swap3A_1054, %swap3A_1055, %swap3A_1056], %swap3A_1059 {strides = array<i32>} : memref<4x64x128xf32, #tpu.memory_space<vmem>>, vector<1x1x16xf32>,
      %get3A_1060 = arith.constant 1 : i32
      %get3A_1061 = arith.index_cast %get3A_1060 : i32 to index
      %get3A_1062 = arith.index_cast %add3A_919 : i32 to index
      %get3A_1063 = arith.constant 112 : index
      %get3A_1064 = tpu.vector_load %arg9[%get3A_1061, %get3A_1062, %get3A_1063] {strides = array<i32>} : memref<4x64x128xf32, #tpu.memory_space<vmem>>, vector<1x1x16xf32>,
      %get3A_1065 = vector.shape_cast %get3A_1064 : vector<1x1x16xf32> to vector<16xf32>
      %get3A_1066 = arith.constant 1 : i32
      %get3A_1067 = arith.index_cast %get3A_1066 : i32 to index
      %get3A_1068 = arith.index_cast %add3A_919 : i32 to index
      %get3A_1069 = arith.constant 112 : index
      %get3A_1070 = tpu.vector_load %arg10[%get3A_1067, %get3A_1068, %get3A_1069] {strides = array<i32>} : memref<4x64x128xf32, #tpu.memory_space<vmem>>, vector<1x1x16xf32>,
      %get3A_1071 = vector.shape_cast %get3A_1070 : vector<1x1x16xf32> to vector<16xf32>
      %mul3A_1072 = arith.mulf %get3A_1065, %get3A_1071 : vector<16xf32>
      %swap3A_1073 = arith.constant 1 : i32
      %swap3A_1074 = arith.index_cast %swap3A_1073 : i32 to index
      %swap3A_1075 = arith.index_cast %add3A_919 : i32 to index
      %swap3A_1076 = arith.constant 112 : index
      %swap3A_1077 = tpu.vector_load %arg11[%swap3A_1074, %swap3A_1075, %swap3A_1076] {strides = array<i32>} : memref<4x64x128xf32, #tpu.memory_space<vmem>>, vector<1x1x16xf32>,
      %swap3A_1078 = vector.shape_cast %swap3A_1077 : vector<1x1x16xf32> to vector<16xf32>
      %swap3A_1079 = vector.shape_cast %mul3A_1072 : vector<16xf32> to vector<1x1x16xf32>
      tpu.vector_store %arg11[%swap3A_1074, %swap3A_1075, %swap3A_1076], %swap3A_1079 {strides = array<i32>} : memref<4x64x128xf32, #tpu.memory_space<vmem>>, vector<1x1x16xf32>,
      %scan3A_1080 = arith.constant 0 : i32
      scf.yield %scan3A_1080 : i32
    }
    %scan3A_535 = arith.constant 32 : i32
    %add3A_536 = arith.constant 320 : i32
    %add3A_537 = arith.addi %mul3A_2, %add3A_536 : i32
    %dma_start3A_538 = arith.constant 1 : i32
    %dma_start3A_539 = arith.constant 1 : i32
    %dma_start3A_540 = arith.constant 0 : i32
    %dma_start3A_541 = arith.constant 0 : i32
    %dma_start3A_542 = tpu.memref_slice %arg11[%dma_start3A_538, %dma_start3A_540, %dma_start3A_541] : memref<4x64x128xf32, #tpu.memory_space<vmem>> -> memref<1x64x128xf32, #tpu.memory_space<vmem>>
    %dma_start3A_543 = tpu.memref_squeeze %dma_start3A_542 : memref<1x64x128xf32, #tpu.memory_space<vmem>> -> memref<64x128xf32, #tpu.memory_space<vmem>>
    %dma_start3A_544 = arith.constant 0 : i32
    %dma_start3A_545 = tpu.memref_slice %arg6[%add3A_537, %dma_start3A_544] : memref<16384x128xf32, #tpu.memory_space<hbm>> -> memref<64x128xf32, #tpu.memory_space<hbm>>
    %dma_start3A_546 = tpu.memref_slice %arg14[%dma_start3A_539] : memref<4x!tpu.dma_semaphore, #tpu.memory_space<semaphore_mem>> -> memref<1x!tpu.dma_semaphore, #tpu.memory_space<semaphore_mem>>
    %dma_start3A_547 = tpu.memref_squeeze %dma_start3A_546 : memref<1x!tpu.dma_semaphore, #tpu.memory_space<semaphore_mem>> -> memref<!tpu.dma_semaphore, #tpu.memory_space<semaphore_mem>>
    %dma_start3A_548 = arith.constant 0 : i32
    %dma_start3A_549 = tpu.memref_slice %arg6[%add3A_537, %dma_start3A_548] : memref<16384x128xf32, #tpu.memory_space<hbm>> -> memref<64x128xf32, #tpu.memory_space<hbm>>
    %dma_start3A_550 = arith.constant 0 : i32
    %dma_start3A_551 = arith.constant 0 : i32
    %dma_start3A_552 = tpu.memref_slice %arg11[%dma_start3A_538, %dma_start3A_550, %dma_start3A_551] : memref<4x64x128xf32, #tpu.memory_space<vmem>> -> memref<1x64x128xf32, #tpu.memory_space<vmem>>
    %dma_start3A_553 = tpu.memref_squeeze %dma_start3A_552 : memref<1x64x128xf32, #tpu.memory_space<vmem>> -> memref<64x128xf32, #tpu.memory_space<vmem>>
    tpu.enqueue_dma source(%dma_start3A_553 : memref<64x128xf32, #tpu.memory_space<vmem>>) target(%dma_start3A_549 : memref<64x128xf32, #tpu.memory_space<hbm>>) target_semaphore(%dma_start3A_547 : memref<!tpu.dma_semaphore, #tpu.memory_space<semaphore_mem>>)
    %dma_wait3A_554 = arith.constant 2 : i32
    %dma_wait3A_555 = arith.constant 2 : i32
    %dma_wait3A_556 = arith.constant 0 : i32
    %dma_wait3A_557 = arith.constant 0 : i32
    %dma_wait3A_558 = tpu.memref_slice %arg9[%dma_wait3A_554, %dma_wait3A_556, %dma_wait3A_557] : memref<4x64x128xf32, #tpu.memory_space<vmem>> -> memref<1x64x128xf32, #tpu.memory_space<vmem>>
    %dma_wait3A_559 = tpu.memref_squeeze %dma_wait3A_558 : memref<1x64x128xf32, #tpu.memory_space<vmem>> -> memref<64x128xf32, #tpu.memory_space<vmem>>
    %dma_wait3A_560 = arith.constant 384 : i32
    %dma_wait3A_561 = tpu.memref_slice %arg7[%dma_wait3A_560] : memref<512xi32, #tpu.memory_space<vmem>> -> memref<64xi32, #tpu.memory_space<vmem>>
    %dma_wait3A_562 = arith.constant 0 : i32
    %dma_wait3A_563 = arith.constant 0 : i32
    %dma_wait3A_564 = tpu.memref_slice %arg4[%dma_wait3A_562, %dma_wait3A_563] : memref<1000000x128xf32, #tpu.memory_space<hbm>> -> memref<1000000x128xf32, #tpu.memory_space<hbm>>
    %dma_wait3A_565 = tpu.memref_slice %arg12[%dma_wait3A_555] : memref<4x!tpu.dma_semaphore, #tpu.memory_space<semaphore_mem>> -> memref<1x!tpu.dma_semaphore, #tpu.memory_space<semaphore_mem>>
    %dma_wait3A_566 = tpu.memref_squeeze %dma_wait3A_565 : memref<1x!tpu.dma_semaphore, #tpu.memory_space<semaphore_mem>> -> memref<!tpu.dma_semaphore, #tpu.memory_space<semaphore_mem>>
    tpu.wait_indirect_dma semaphore(%dma_wait3A_566 : memref<!tpu.dma_semaphore, #tpu.memory_space<semaphore_mem>>) src(%dma_wait3A_564 : memref<1000000x128xf32, #tpu.memory_space<hbm>>) dst(%dma_wait3A_559 : memref<64x128xf32, #tpu.memory_space<vmem>>)
    %dma_wait3A_567 = arith.constant 2 : i32
    %dma_wait3A_568 = arith.constant 2 : i32
    %dma_wait3A_569 = arith.constant 0 : i32
    %dma_wait3A_570 = arith.constant 0 : i32
    %dma_wait3A_571 = tpu.memref_slice %arg10[%dma_wait3A_567, %dma_wait3A_569, %dma_wait3A_570] : memref<4x64x128xf32, #tpu.memory_space<vmem>> -> memref<1x64x128xf32, #tpu.memory_space<vmem>>
    %dma_wait3A_572 = tpu.memref_squeeze %dma_wait3A_571 : memref<1x64x128xf32, #tpu.memory_space<vmem>> -> memref<64x128xf32, #tpu.memory_space<vmem>>
    %dma_wait3A_573 = arith.constant 384 : i32
    %dma_wait3A_574 = tpu.memref_slice %arg8[%dma_wait3A_573] : memref<512xi32, #tpu.memory_space<vmem>> -> memref<64xi32, #tpu.memory_space<vmem>>
    %dma_wait3A_575 = arith.constant 0 : i32
    %dma_wait3A_576 = arith.constant 0 : i32
    %dma_wait3A_577 = tpu.memref_slice %arg5[%dma_wait3A_575, %dma_wait3A_576] : memref<1000000x128xf32, #tpu.memory_space<hbm>> -> memref<1000000x128xf32, #tpu.memory_space<hbm>>
    %dma_wait3A_578 = tpu.memref_slice %arg13[%dma_wait3A_568] : memref<4x!tpu.dma_semaphore, #tpu.memory_space<semaphore_mem>> -> memref<1x!tpu.dma_semaphore, #tpu.memory_space<semaphore_mem>>
    %dma_wait3A_579 = tpu.memref_squeeze %dma_wait3A_578 : memref<1x!tpu.dma_semaphore, #tpu.memory_space<semaphore_mem>> -> memref<!tpu.dma_semaphore, #tpu.memory_space<semaphore_mem>>
    tpu.wait_indirect_dma semaphore(%dma_wait3A_579 : memref<!tpu.dma_semaphore, #tpu.memory_space<semaphore_mem>>) src(%dma_wait3A_577 : memref<1000000x128xf32, #tpu.memory_space<hbm>>) dst(%dma_wait3A_572 : memref<64x128xf32, #tpu.memory_space<vmem>>)
    %dma_wait3A_580 = arith.constant 2 : i32
    %dma_wait3A_581 = arith.constant 2 : i32
    %dma_wait3A_582 = arith.constant 0 : i32
    %dma_wait3A_583 = arith.constant 0 : i32
    %dma_wait3A_584 = tpu.memref_slice %arg11[%dma_wait3A_580, %dma_wait3A_582, %dma_wait3A_583] : memref<4x64x128xf32, #tpu.memory_space<vmem>> -> memref<1x64x128xf32, #tpu.memory_space<vmem>>
    %dma_wait3A_585 = tpu.memref_squeeze %dma_wait3A_584 : memref<1x64x128xf32, #tpu.memory_space<vmem>> -> memref<64x128xf32, #tpu.memory_space<vmem>>
    %dma_wait3A_586 = arith.constant 0 : i32
    %dma_wait3A_587 = tpu.memref_slice %arg6[%add3A_326, %dma_wait3A_586] : memref<16384x128xf32, #tpu.memory_space<hbm>> -> memref<64x128xf32, #tpu.memory_space<hbm>>
    %dma_wait3A_588 = tpu.memref_slice %arg14[%dma_wait3A_581] : memref<4x!tpu.dma_semaphore, #tpu.memory_space<semaphore_mem>> -> memref<1x!tpu.dma_semaphore, #tpu.memory_space<semaphore_mem>>
    %dma_wait3A_589 = tpu.memref_squeeze %dma_wait3A_588 : memref<1x!tpu.dma_semaphore, #tpu.memory_space<semaphore_mem>> -> memref<!tpu.dma_semaphore, #tpu.memory_space<semaphore_mem>>
    %dma_wait3A_590 = arith.constant 0 : i32
    %dma_wait3A_591 = tpu.memref_slice %arg6[%add3A_326, %dma_wait3A_590] : memref<16384x128xf32, #tpu.memory_space<hbm>> -> memref<64x128xf32, #tpu.memory_space<hbm>>
    %dma_wait3A_592 = arith.constant 0 : i32
    %dma_wait3A_593 = arith.constant 0 : i32
    %dma_wait3A_594 = tpu.memref_slice %arg11[%dma_wait3A_580, %dma_wait3A_592, %dma_wait3A_593] : memref<4x64x128xf32, #tpu.memory_space<vmem>> -> memref<1x64x128xf32, #tpu.memory_space<vmem>>
    %dma_wait3A_595 = tpu.memref_squeeze %dma_wait3A_594 : memref<1x64x128xf32, #tpu.memory_space<vmem>> -> memref<64x128xf32, #tpu.memory_space<vmem>>
    tpu.wait_dma2 semaphore(%dma_wait3A_589 : memref<!tpu.dma_semaphore, #tpu.memory_space<semaphore_mem>>) src(%dma_wait3A_595 : memref<64x128xf32, #tpu.memory_space<vmem>>) dst(%dma_wait3A_591 : memref<64x128xf32, #tpu.memory_space<hbm>>)
    %scan3A_596 = arith.constant 0 : i32
    %scan3A_597 = arith.constant 0 : i32
    %scan3A_598 = arith.constant 32 : i32
    %scan3A_599 = arith.addi %scan3A_597, %scan3A_598 : i32
    %scan3A_600 = arith.constant 1 : i32
    %scan3A_601 = scf.for %scan3A_752 = %scan3A_597 to %scan3A_599 step %scan3A_600 iter_args(%scan3A_753 = %scan3A_596) -> (i32)  : i32 {
      %mul3A_754 = arith.constant 2 : i32
      %mul3A_755 = arith.muli %scan3A_752, %mul3A_754 : i32
      %add3A_756 = arith.constant 0 : i32
      %add3A_757 = arith.addi %mul3A_755, %add3A_756 : i32
      %get3A = arith.constant 2 : i32
      %get3A_758 = arith.index_cast %get3A : i32 to index
      %get3A_759 = arith.index_cast %add3A_757 : i32 to index
      %get3A_760 = arith.constant 0 : index
      %get3A_761 = tpu.vector_load %arg9[%get3A_758, %get3A_759, %get3A_760] {strides = array<i32>} : memref<4x64x128xf32, #tpu.memory_space<vmem>>, vector<1x1x16xf32>,
      %get3A_762 = vector.shape_cast %get3A_761 : vector<1x1x16xf32> to vector<16xf32>
      %get3A_763 = arith.constant 2 : i32
      %get3A_764 = arith.index_cast %get3A_763 : i32 to index
      %get3A_765 = arith.index_cast %add3A_757 : i32 to index
      %get3A_766 = arith.constant 0 : index
      %get3A_767 = tpu.vector_load %arg10[%get3A_764, %get3A_765, %get3A_766] {strides = array<i32>} : memref<4x64x128xf32, #tpu.memory_space<vmem>>, vector<1x1x16xf32>,
      %get3A_768 = vector.shape_cast %get3A_767 : vector<1x1x16xf32> to vector<16xf32>
      %mul3A_769 = arith.mulf %get3A_762, %get3A_768 : vector<16xf32>
      %swap3A = arith.constant 2 : i32
      %swap3A_770 = arith.index_cast %swap3A : i32 to index
      %swap3A_771 = arith.index_cast %add3A_757 : i32 to index
      %swap3A_772 = arith.constant 0 : index
      %swap3A_773 = tpu.vector_load %arg11[%swap3A_770, %swap3A_771, %swap3A_772] {strides = array<i32>} : memref<4x64x128xf32, #tpu.memory_space<vmem>>, vector<1x1x16xf32>,
      %swap3A_774 = vector.shape_cast %swap3A_773 : vector<1x1x16xf32> to vector<16xf32>
      %swap3A_775 = vector.shape_cast %mul3A_769 : vector<16xf32> to vector<1x1x16xf32>
      tpu.vector_store %arg11[%swap3A_770, %swap3A_771, %swap3A_772], %swap3A_775 {strides = array<i32>} : memref<4x64x128xf32, #tpu.memory_space<vmem>>, vector<1x1x16xf32>,
      %get3A_776 = arith.constant 2 : i32
      %get3A_777 = arith.index_cast %get3A_776 : i32 to index
      %get3A_778 = arith.index_cast %add3A_757 : i32 to index
      %get3A_779 = arith.constant 16 : index
      %get3A_780 = tpu.vector_load %arg9[%get3A_777, %get3A_778, %get3A_779] {strides = array<i32>} : memref<4x64x128xf32, #tpu.memory_space<vmem>>, vector<1x1x16xf32>,
      %get3A_781 = vector.shape_cast %get3A_780 : vector<1x1x16xf32> to vector<16xf32>
      %get3A_782 = arith.constant 2 : i32
      %get3A_783 = arith.index_cast %get3A_782 : i32 to index
      %get3A_784 = arith.index_cast %add3A_757 : i32 to index
      %get3A_785 = arith.constant 16 : index
      %get3A_786 = tpu.vector_load %arg10[%get3A_783, %get3A_784, %get3A_785] {strides = array<i32>} : memref<4x64x128xf32, #tpu.memory_space<vmem>>, vector<1x1x16xf32>,
      %get3A_787 = vector.shape_cast %get3A_786 : vector<1x1x16xf32> to vector<16xf32>
      %mul3A_788 = arith.mulf %get3A_781, %get3A_787 : vector<16xf32>
      %swap3A_789 = arith.constant 2 : i32
      %swap3A_790 = arith.index_cast %swap3A_789 : i32 to index
      %swap3A_791 = arith.index_cast %add3A_757 : i32 to index
      %swap3A_792 = arith.constant 16 : index
      %swap3A_793 = tpu.vector_load %arg11[%swap3A_790, %swap3A_791, %swap3A_792] {strides = array<i32>} : memref<4x64x128xf32, #tpu.memory_space<vmem>>, vector<1x1x16xf32>,
      %swap3A_794 = vector.shape_cast %swap3A_793 : vector<1x1x16xf32> to vector<16xf32>
      %swap3A_795 = vector.shape_cast %mul3A_788 : vector<16xf32> to vector<1x1x16xf32>
      tpu.vector_store %arg11[%swap3A_790, %swap3A_791, %swap3A_792], %swap3A_795 {strides = array<i32>} : memref<4x64x128xf32, #tpu.memory_space<vmem>>, vector<1x1x16xf32>,
      %get3A_796 = arith.constant 2 : i32
      %get3A_797 = arith.index_cast %get3A_796 : i32 to index
      %get3A_798 = arith.index_cast %add3A_757 : i32 to index
      %get3A_799 = arith.constant 32 : index
      %get3A_800 = tpu.vector_load %arg9[%get3A_797, %get3A_798, %get3A_799] {strides = array<i32>} : memref<4x64x128xf32, #tpu.memory_space<vmem>>, vector<1x1x16xf32>,
      %get3A_801 = vector.shape_cast %get3A_800 : vector<1x1x16xf32> to vector<16xf32>
      %get3A_802 = arith.constant 2 : i32
      %get3A_803 = arith.index_cast %get3A_802 : i32 to index
      %get3A_804 = arith.index_cast %add3A_757 : i32 to index
      %get3A_805 = arith.constant 32 : index
      %get3A_806 = tpu.vector_load %arg10[%get3A_803, %get3A_804, %get3A_805] {strides = array<i32>} : memref<4x64x128xf32, #tpu.memory_space<vmem>>, vector<1x1x16xf32>,
      %get3A_807 = vector.shape_cast %get3A_806 : vector<1x1x16xf32> to vector<16xf32>
      %mul3A_808 = arith.mulf %get3A_801, %get3A_807 : vector<16xf32>
      %swap3A_809 = arith.constant 2 : i32
      %swap3A_810 = arith.index_cast %swap3A_809 : i32 to index
      %swap3A_811 = arith.index_cast %add3A_757 : i32 to index
      %swap3A_812 = arith.constant 32 : index
      %swap3A_813 = tpu.vector_load %arg11[%swap3A_810, %swap3A_811, %swap3A_812] {strides = array<i32>} : memref<4x64x128xf32, #tpu.memory_space<vmem>>, vector<1x1x16xf32>,
      %swap3A_814 = vector.shape_cast %swap3A_813 : vector<1x1x16xf32> to vector<16xf32>
      %swap3A_815 = vector.shape_cast %mul3A_808 : vector<16xf32> to vector<1x1x16xf32>
      tpu.vector_store %arg11[%swap3A_810, %swap3A_811, %swap3A_812], %swap3A_815 {strides = array<i32>} : memref<4x64x128xf32, #tpu.memory_space<vmem>>, vector<1x1x16xf32>,
      %get3A_816 = arith.constant 2 : i32
      %get3A_817 = arith.index_cast %get3A_816 : i32 to index
      %get3A_818 = arith.index_cast %add3A_757 : i32 to index
      %get3A_819 = arith.constant 48 : index
      %get3A_820 = tpu.vector_load %arg9[%get3A_817, %get3A_818, %get3A_819] {strides = array<i32>} : memref<4x64x128xf32, #tpu.memory_space<vmem>>, vector<1x1x16xf32>,
      %get3A_821 = vector.shape_cast %get3A_820 : vector<1x1x16xf32> to vector<16xf32>
      %get3A_822 = arith.constant 2 : i32
      %get3A_823 = arith.index_cast %get3A_822 : i32 to index
      %get3A_824 = arith.index_cast %add3A_757 : i32 to index
      %get3A_825 = arith.constant 48 : index
      %get3A_826 = tpu.vector_load %arg10[%get3A_823, %get3A_824, %get3A_825] {strides = array<i32>} : memref<4x64x128xf32, #tpu.memory_space<vmem>>, vector<1x1x16xf32>,
      %get3A_827 = vector.shape_cast %get3A_826 : vector<1x1x16xf32> to vector<16xf32>
      %mul3A_828 = arith.mulf %get3A_821, %get3A_827 : vector<16xf32>
      %swap3A_829 = arith.constant 2 : i32
      %swap3A_830 = arith.index_cast %swap3A_829 : i32 to index
      %swap3A_831 = arith.index_cast %add3A_757 : i32 to index
      %swap3A_832 = arith.constant 48 : index
      %swap3A_833 = tpu.vector_load %arg11[%swap3A_830, %swap3A_831, %swap3A_832] {strides = array<i32>} : memref<4x64x128xf32, #tpu.memory_space<vmem>>, vector<1x1x16xf32>,
      %swap3A_834 = vector.shape_cast %swap3A_833 : vector<1x1x16xf32> to vector<16xf32>
      %swap3A_835 = vector.shape_cast %mul3A_828 : vector<16xf32> to vector<1x1x16xf32>
      tpu.vector_store %arg11[%swap3A_830, %swap3A_831, %swap3A_832], %swap3A_835 {strides = array<i32>} : memref<4x64x128xf32, #tpu.memory_space<vmem>>, vector<1x1x16xf32>,
      %get3A_836 = arith.constant 2 : i32
      %get3A_837 = arith.index_cast %get3A_836 : i32 to index
      %get3A_838 = arith.index_cast %add3A_757 : i32 to index
      %get3A_839 = arith.constant 64 : index
      %get3A_840 = tpu.vector_load %arg9[%get3A_837, %get3A_838, %get3A_839] {strides = array<i32>} : memref<4x64x128xf32, #tpu.memory_space<vmem>>, vector<1x1x16xf32>,
      %get3A_841 = vector.shape_cast %get3A_840 : vector<1x1x16xf32> to vector<16xf32>
      %get3A_842 = arith.constant 2 : i32
      %get3A_843 = arith.index_cast %get3A_842 : i32 to index
      %get3A_844 = arith.index_cast %add3A_757 : i32 to index
      %get3A_845 = arith.constant 64 : index
      %get3A_846 = tpu.vector_load %arg10[%get3A_843, %get3A_844, %get3A_845] {strides = array<i32>} : memref<4x64x128xf32, #tpu.memory_space<vmem>>, vector<1x1x16xf32>,
      %get3A_847 = vector.shape_cast %get3A_846 : vector<1x1x16xf32> to vector<16xf32>
      %mul3A_848 = arith.mulf %get3A_841, %get3A_847 : vector<16xf32>
      %swap3A_849 = arith.constant 2 : i32
      %swap3A_850 = arith.index_cast %swap3A_849 : i32 to index
      %swap3A_851 = arith.index_cast %add3A_757 : i32 to index
      %swap3A_852 = arith.constant 64 : index
      %swap3A_853 = tpu.vector_load %arg11[%swap3A_850, %swap3A_851, %swap3A_852] {strides = array<i32>} : memref<4x64x128xf32, #tpu.memory_space<vmem>>, vector<1x1x16xf32>,
      %swap3A_854 = vector.shape_cast %swap3A_853 : vector<1x1x16xf32> to vector<16xf32>
      %swap3A_855 = vector.shape_cast %mul3A_848 : vector<16xf32> to vector<1x1x16xf32>
      tpu.vector_store %arg11[%swap3A_850, %swap3A_851, %swap3A_852], %swap3A_855 {strides = array<i32>} : memref<4x64x128xf32, #tpu.memory_space<vmem>>, vector<1x1x16xf32>,
      %get3A_856 = arith.constant 2 : i32
      %get3A_857 = arith.index_cast %get3A_856 : i32 to index
      %get3A_858 = arith.index_cast %add3A_757 : i32 to index
      %get3A_859 = arith.constant 80 : index
      %get3A_860 = tpu.vector_load %arg9[%get3A_857, %get3A_858, %get3A_859] {strides = array<i32>} : memref<4x64x128xf32, #tpu.memory_space<vmem>>, vector<1x1x16xf32>,
      %get3A_861 = vector.shape_cast %get3A_860 : vector<1x1x16xf32> to vector<16xf32>
      %get3A_862 = arith.constant 2 : i32
      %get3A_863 = arith.index_cast %get3A_862 : i32 to index
      %get3A_864 = arith.index_cast %add3A_757 : i32 to index
      %get3A_865 = arith.constant 80 : index
      %get3A_866 = tpu.vector_load %arg10[%get3A_863, %get3A_864, %get3A_865] {strides = array<i32>} : memref<4x64x128xf32, #tpu.memory_space<vmem>>, vector<1x1x16xf32>,
      %get3A_867 = vector.shape_cast %get3A_866 : vector<1x1x16xf32> to vector<16xf32>
      %mul3A_868 = arith.mulf %get3A_861, %get3A_867 : vector<16xf32>
      %swap3A_869 = arith.constant 2 : i32
      %swap3A_870 = arith.index_cast %swap3A_869 : i32 to index
      %swap3A_871 = arith.index_cast %add3A_757 : i32 to index
      %swap3A_872 = arith.constant 80 : index
      %swap3A_873 = tpu.vector_load %arg11[%swap3A_870, %swap3A_871, %swap3A_872] {strides = array<i32>} : memref<4x64x128xf32, #tpu.memory_space<vmem>>, vector<1x1x16xf32>,
      %swap3A_874 = vector.shape_cast %swap3A_873 : vector<1x1x16xf32> to vector<16xf32>
      %swap3A_875 = vector.shape_cast %mul3A_868 : vector<16xf32> to vector<1x1x16xf32>
      tpu.vector_store %arg11[%swap3A_870, %swap3A_871, %swap3A_872], %swap3A_875 {strides = array<i32>} : memref<4x64x128xf32, #tpu.memory_space<vmem>>, vector<1x1x16xf32>,
      %get3A_876 = arith.constant 2 : i32
      %get3A_877 = arith.index_cast %get3A_876 : i32 to index
      %get3A_878 = arith.index_cast %add3A_757 : i32 to index
      %get3A_879 = arith.constant 96 : index
      %get3A_880 = tpu.vector_load %arg9[%get3A_877, %get3A_878, %get3A_879] {strides = array<i32>} : memref<4x64x128xf32, #tpu.memory_space<vmem>>, vector<1x1x16xf32>,
      %get3A_881 = vector.shape_cast %get3A_880 : vector<1x1x16xf32> to vector<16xf32>
      %get3A_882 = arith.constant 2 : i32
      %get3A_883 = arith.index_cast %get3A_882 : i32 to index
      %get3A_884 = arith.index_cast %add3A_757 : i32 to index
      %get3A_885 = arith.constant 96 : index
      %get3A_886 = tpu.vector_load %arg10[%get3A_883, %get3A_884, %get3A_885] {strides = array<i32>} : memref<4x64x128xf32, #tpu.memory_space<vmem>>, vector<1x1x16xf32>,
      %get3A_887 = vector.shape_cast %get3A_886 : vector<1x1x16xf32> to vector<16xf32>
      %mul3A_888 = arith.mulf %get3A_881, %get3A_887 : vector<16xf32>
      %swap3A_889 = arith.constant 2 : i32
      %swap3A_890 = arith.index_cast %swap3A_889 : i32 to index
      %swap3A_891 = arith.index_cast %add3A_757 : i32 to index
      %swap3A_892 = arith.constant 96 : index
      %swap3A_893 = tpu.vector_load %arg11[%swap3A_890, %swap3A_891, %swap3A_892] {strides = array<i32>} : memref<4x64x128xf32, #tpu.memory_space<vmem>>, vector<1x1x16xf32>,
      %swap3A_894 = vector.shape_cast %swap3A_893 : vector<1x1x16xf32> to vector<16xf32>
      %swap3A_895 = vector.shape_cast %mul3A_888 : vector<16xf32> to vector<1x1x16xf32>
      tpu.vector_store %arg11[%swap3A_890, %swap3A_891, %swap3A_892], %swap3A_895 {strides = array<i32>} : memref<4x64x128xf32, #tpu.memory_space<vmem>>, vector<1x1x16xf32>,
      %get3A_896 = arith.constant 2 : i32
      %get3A_897 = arith.index_cast %get3A_896 : i32 to index
      %get3A_898 = arith.index_cast %add3A_757 : i32 to index
      %get3A_899 = arith.constant 112 : index
      %get3A_900 = tpu.vector_load %arg9[%get3A_897, %get3A_898, %get3A_899] {strides = array<i32>} : memref<4x64x128xf32, #tpu.memory_space<vmem>>, vector<1x1x16xf32>,
      %get3A_901 = vector.shape_cast %get3A_900 : vector<1x1x16xf32> to vector<16xf32>
      %get3A_902 = arith.constant 2 : i32
      %get3A_903 = arith.index_cast %get3A_902 : i32 to index
      %get3A_904 = arith.index_cast %add3A_757 : i32 to index
      %get3A_905 = arith.constant 112 : index
      %get3A_906 = tpu.vector_load %arg10[%get3A_903, %get3A_904, %get3A_905] {strides = array<i32>} : memref<4x64x128xf32, #tpu.memory_space<vmem>>, vector<1x1x16xf32>,
      %get3A_907 = vector.shape_cast %get3A_906 : vector<1x1x16xf32> to vector<16xf32>
      %mul3A_908 = arith.mulf %get3A_901, %get3A_907 : vector<16xf32>
      %swap3A_909 = arith.constant 2 : i32
      %swap3A_910 = arith.index_cast %swap3A_909 : i32 to index
      %swap3A_911 = arith.index_cast %add3A_757 : i32 to index
      %swap3A_912 = arith.constant 112 : index
      %swap3A_913 = tpu.vector_load %arg11[%swap3A_910, %swap3A_911, %swap3A_912] {strides = array<i32>} : memref<4x64x128xf32, #tpu.memory_space<vmem>>, vector<1x1x16xf32>,
      %swap3A_914 = vector.shape_cast %swap3A_913 : vector<1x1x16xf32> to vector<16xf32>
      %swap3A_915 = vector.shape_cast %mul3A_908 : vector<16xf32> to vector<1x1x16xf32>
      tpu.vector_store %arg11[%swap3A_910, %swap3A_911, %swap3A_912], %swap3A_915 {strides = array<i32>} : memref<4x64x128xf32, #tpu.memory_space<vmem>>, vector<1x1x16xf32>,
      %mul3A_916 = arith.constant 2 : i32
      %mul3A_917 = arith.muli %scan3A_752, %mul3A_916 : i32
      %add3A_918 = arith.constant 1 : i32
      %add3A_919 = arith.addi %mul3A_917, %add3A_918 : i32
      %get3A_920 = arith.constant 2 : i32
      %get3A_921 = arith.index_cast %get3A_920 : i32 to index
      %get3A_922 = arith.index_cast %add3A_919 : i32 to index
      %get3A_923 = arith.constant 0 : index
      %get3A_924 = tpu.vector_load %arg9[%get3A_921, %get3A_922, %get3A_923] {strides = array<i32>} : memref<4x64x128xf32, #tpu.memory_space<vmem>>, vector<1x1x16xf32>,
      %get3A_925 = vector.shape_cast %get3A_924 : vector<1x1x16xf32> to vector<16xf32>
      %get3A_926 = arith.constant 2 : i32
      %get3A_927 = arith.index_cast %get3A_926 : i32 to index
      %get3A_928 = arith.index_cast %add3A_919 : i32 to index
      %get3A_929 = arith.constant 0 : index
      %get3A_930 = tpu.vector_load %arg10[%get3A_927, %get3A_928, %get3A_929] {strides = array<i32>} : memref<4x64x128xf32, #tpu.memory_space<vmem>>, vector<1x1x16xf32>,
      %get3A_931 = vector.shape_cast %get3A_930 : vector<1x1x16xf32> to vector<16xf32>
      %mul3A_932 = arith.mulf %get3A_925, %get3A_931 : vector<16xf32>
      %swap3A_933 = arith.constant 2 : i32
      %swap3A_934 = arith.index_cast %swap3A_933 : i32 to index
      %swap3A_935 = arith.index_cast %add3A_919 : i32 to index
      %swap3A_936 = arith.constant 0 : index
      %swap3A_937 = tpu.vector_load %arg11[%swap3A_934, %swap3A_935, %swap3A_936] {strides = array<i32>} : memref<4x64x128xf32, #tpu.memory_space<vmem>>, vector<1x1x16xf32>,
      %swap3A_938 = vector.shape_cast %swap3A_937 : vector<1x1x16xf32> to vector<16xf32>
      %swap3A_939 = vector.shape_cast %mul3A_932 : vector<16xf32> to vector<1x1x16xf32>
      tpu.vector_store %arg11[%swap3A_934, %swap3A_935, %swap3A_936], %swap3A_939 {strides = array<i32>} : memref<4x64x128xf32, #tpu.memory_space<vmem>>, vector<1x1x16xf32>,
      %get3A_940 = arith.constant 2 : i32
      %get3A_941 = arith.index_cast %get3A_940 : i32 to index
      %get3A_942 = arith.index_cast %add3A_919 : i32 to index
      %get3A_943 = arith.constant 16 : index
      %get3A_944 = tpu.vector_load %arg9[%get3A_941, %get3A_942, %get3A_943] {strides = array<i32>} : memref<4x64x128xf32, #tpu.memory_space<vmem>>, vector<1x1x16xf32>,
      %get3A_945 = vector.shape_cast %get3A_944 : vector<1x1x16xf32> to vector<16xf32>
      %get3A_946 = arith.constant 2 : i32
      %get3A_947 = arith.index_cast %get3A_946 : i32 to index
      %get3A_948 = arith.index_cast %add3A_919 : i32 to index
      %get3A_949 = arith.constant 16 : index
      %get3A_950 = tpu.vector_load %arg10[%get3A_947, %get3A_948, %get3A_949] {strides = array<i32>} : memref<4x64x128xf32, #tpu.memory_space<vmem>>, vector<1x1x16xf32>,
      %get3A_951 = vector.shape_cast %get3A_950 : vector<1x1x16xf32> to vector<16xf32>
      %mul3A_952 = arith.mulf %get3A_945, %get3A_951 : vector<16xf32>
      %swap3A_953 = arith.constant 2 : i32
      %swap3A_954 = arith.index_cast %swap3A_953 : i32 to index
      %swap3A_955 = arith.index_cast %add3A_919 : i32 to index
      %swap3A_956 = arith.constant 16 : index
      %swap3A_957 = tpu.vector_load %arg11[%swap3A_954, %swap3A_955, %swap3A_956] {strides = array<i32>} : memref<4x64x128xf32, #tpu.memory_space<vmem>>, vector<1x1x16xf32>,
      %swap3A_958 = vector.shape_cast %swap3A_957 : vector<1x1x16xf32> to vector<16xf32>
      %swap3A_959 = vector.shape_cast %mul3A_952 : vector<16xf32> to vector<1x1x16xf32>
      tpu.vector_store %arg11[%swap3A_954, %swap3A_955, %swap3A_956], %swap3A_959 {strides = array<i32>} : memref<4x64x128xf32, #tpu.memory_space<vmem>>, vector<1x1x16xf32>,
      %get3A_960 = arith.constant 2 : i32
      %get3A_961 = arith.index_cast %get3A_960 : i32 to index
      %get3A_962 = arith.index_cast %add3A_919 : i32 to index
      %get3A_963 = arith.constant 32 : index
      %get3A_964 = tpu.vector_load %arg9[%get3A_961, %get3A_962, %get3A_963] {strides = array<i32>} : memref<4x64x128xf32, #tpu.memory_space<vmem>>, vector<1x1x16xf32>,
      %get3A_965 = vector.shape_cast %get3A_964 : vector<1x1x16xf32> to vector<16xf32>
      %get3A_966 = arith.constant 2 : i32
      %get3A_967 = arith.index_cast %get3A_966 : i32 to index
      %get3A_968 = arith.index_cast %add3A_919 : i32 to index
      %get3A_969 = arith.constant 32 : index
      %get3A_970 = tpu.vector_load %arg10[%get3A_967, %get3A_968, %get3A_969] {strides = array<i32>} : memref<4x64x128xf32, #tpu.memory_space<vmem>>, vector<1x1x16xf32>,
      %get3A_971 = vector.shape_cast %get3A_970 : vector<1x1x16xf32> to vector<16xf32>
      %mul3A_972 = arith.mulf %get3A_965, %get3A_971 : vector<16xf32>
      %swap3A_973 = arith.constant 2 : i32
      %swap3A_974 = arith.index_cast %swap3A_973 : i32 to index
      %swap3A_975 = arith.index_cast %add3A_919 : i32 to index
      %swap3A_976 = arith.constant 32 : index
      %swap3A_977 = tpu.vector_load %arg11[%swap3A_974, %swap3A_975, %swap3A_976] {strides = array<i32>} : memref<4x64x128xf32, #tpu.memory_space<vmem>>, vector<1x1x16xf32>,
      %swap3A_978 = vector.shape_cast %swap3A_977 : vector<1x1x16xf32> to vector<16xf32>
      %swap3A_979 = vector.shape_cast %mul3A_972 : vector<16xf32> to vector<1x1x16xf32>
      tpu.vector_store %arg11[%swap3A_974, %swap3A_975, %swap3A_976], %swap3A_979 {strides = array<i32>} : memref<4x64x128xf32, #tpu.memory_space<vmem>>, vector<1x1x16xf32>,
      %get3A_980 = arith.constant 2 : i32
      %get3A_981 = arith.index_cast %get3A_980 : i32 to index
      %get3A_982 = arith.index_cast %add3A_919 : i32 to index
      %get3A_983 = arith.constant 48 : index
      %get3A_984 = tpu.vector_load %arg9[%get3A_981, %get3A_982, %get3A_983] {strides = array<i32>} : memref<4x64x128xf32, #tpu.memory_space<vmem>>, vector<1x1x16xf32>,
      %get3A_985 = vector.shape_cast %get3A_984 : vector<1x1x16xf32> to vector<16xf32>
      %get3A_986 = arith.constant 2 : i32
      %get3A_987 = arith.index_cast %get3A_986 : i32 to index
      %get3A_988 = arith.index_cast %add3A_919 : i32 to index
      %get3A_989 = arith.constant 48 : index
      %get3A_990 = tpu.vector_load %arg10[%get3A_987, %get3A_988, %get3A_989] {strides = array<i32>} : memref<4x64x128xf32, #tpu.memory_space<vmem>>, vector<1x1x16xf32>,
      %get3A_991 = vector.shape_cast %get3A_990 : vector<1x1x16xf32> to vector<16xf32>
      %mul3A_992 = arith.mulf %get3A_985, %get3A_991 : vector<16xf32>
      %swap3A_993 = arith.constant 2 : i32
      %swap3A_994 = arith.index_cast %swap3A_993 : i32 to index
      %swap3A_995 = arith.index_cast %add3A_919 : i32 to index
      %swap3A_996 = arith.constant 48 : index
      %swap3A_997 = tpu.vector_load %arg11[%swap3A_994, %swap3A_995, %swap3A_996] {strides = array<i32>} : memref<4x64x128xf32, #tpu.memory_space<vmem>>, vector<1x1x16xf32>,
      %swap3A_998 = vector.shape_cast %swap3A_997 : vector<1x1x16xf32> to vector<16xf32>
      %swap3A_999 = vector.shape_cast %mul3A_992 : vector<16xf32> to vector<1x1x16xf32>
      tpu.vector_store %arg11[%swap3A_994, %swap3A_995, %swap3A_996], %swap3A_999 {strides = array<i32>} : memref<4x64x128xf32, #tpu.memory_space<vmem>>, vector<1x1x16xf32>,
      %get3A_1000 = arith.constant 2 : i32
      %get3A_1001 = arith.index_cast %get3A_1000 : i32 to index
      %get3A_1002 = arith.index_cast %add3A_919 : i32 to index
      %get3A_1003 = arith.constant 64 : index
      %get3A_1004 = tpu.vector_load %arg9[%get3A_1001, %get3A_1002, %get3A_1003] {strides = array<i32>} : memref<4x64x128xf32, #tpu.memory_space<vmem>>, vector<1x1x16xf32>,
      %get3A_1005 = vector.shape_cast %get3A_1004 : vector<1x1x16xf32> to vector<16xf32>
      %get3A_1006 = arith.constant 2 : i32
      %get3A_1007 = arith.index_cast %get3A_1006 : i32 to index
      %get3A_1008 = arith.index_cast %add3A_919 : i32 to index
      %get3A_1009 = arith.constant 64 : index
      %get3A_1010 = tpu.vector_load %arg10[%get3A_1007, %get3A_1008, %get3A_1009] {strides = array<i32>} : memref<4x64x128xf32, #tpu.memory_space<vmem>>, vector<1x1x16xf32>,
      %get3A_1011 = vector.shape_cast %get3A_1010 : vector<1x1x16xf32> to vector<16xf32>
      %mul3A_1012 = arith.mulf %get3A_1005, %get3A_1011 : vector<16xf32>
      %swap3A_1013 = arith.constant 2 : i32
      %swap3A_1014 = arith.index_cast %swap3A_1013 : i32 to index
      %swap3A_1015 = arith.index_cast %add3A_919 : i32 to index
      %swap3A_1016 = arith.constant 64 : index
      %swap3A_1017 = tpu.vector_load %arg11[%swap3A_1014, %swap3A_1015, %swap3A_1016] {strides = array<i32>} : memref<4x64x128xf32, #tpu.memory_space<vmem>>, vector<1x1x16xf32>,
      %swap3A_1018 = vector.shape_cast %swap3A_1017 : vector<1x1x16xf32> to vector<16xf32>
      %swap3A_1019 = vector.shape_cast %mul3A_1012 : vector<16xf32> to vector<1x1x16xf32>
      tpu.vector_store %arg11[%swap3A_1014, %swap3A_1015, %swap3A_1016], %swap3A_1019 {strides = array<i32>} : memref<4x64x128xf32, #tpu.memory_space<vmem>>, vector<1x1x16xf32>,
      %get3A_1020 = arith.constant 2 : i32
      %get3A_1021 = arith.index_cast %get3A_1020 : i32 to index
      %get3A_1022 = arith.index_cast %add3A_919 : i32 to index
      %get3A_1023 = arith.constant 80 : index
      %get3A_1024 = tpu.vector_load %arg9[%get3A_1021, %get3A_1022, %get3A_1023] {strides = array<i32>} : memref<4x64x128xf32, #tpu.memory_space<vmem>>, vector<1x1x16xf32>,
      %get3A_1025 = vector.shape_cast %get3A_1024 : vector<1x1x16xf32> to vector<16xf32>
      %get3A_1026 = arith.constant 2 : i32
      %get3A_1027 = arith.index_cast %get3A_1026 : i32 to index
      %get3A_1028 = arith.index_cast %add3A_919 : i32 to index
      %get3A_1029 = arith.constant 80 : index
      %get3A_1030 = tpu.vector_load %arg10[%get3A_1027, %get3A_1028, %get3A_1029] {strides = array<i32>} : memref<4x64x128xf32, #tpu.memory_space<vmem>>, vector<1x1x16xf32>,
      %get3A_1031 = vector.shape_cast %get3A_1030 : vector<1x1x16xf32> to vector<16xf32>
      %mul3A_1032 = arith.mulf %get3A_1025, %get3A_1031 : vector<16xf32>
      %swap3A_1033 = arith.constant 2 : i32
      %swap3A_1034 = arith.index_cast %swap3A_1033 : i32 to index
      %swap3A_1035 = arith.index_cast %add3A_919 : i32 to index
      %swap3A_1036 = arith.constant 80 : index
      %swap3A_1037 = tpu.vector_load %arg11[%swap3A_1034, %swap3A_1035, %swap3A_1036] {strides = array<i32>} : memref<4x64x128xf32, #tpu.memory_space<vmem>>, vector<1x1x16xf32>,
      %swap3A_1038 = vector.shape_cast %swap3A_1037 : vector<1x1x16xf32> to vector<16xf32>
      %swap3A_1039 = vector.shape_cast %mul3A_1032 : vector<16xf32> to vector<1x1x16xf32>
      tpu.vector_store %arg11[%swap3A_1034, %swap3A_1035, %swap3A_1036], %swap3A_1039 {strides = array<i32>} : memref<4x64x128xf32, #tpu.memory_space<vmem>>, vector<1x1x16xf32>,
      %get3A_1040 = arith.constant 2 : i32
      %get3A_1041 = arith.index_cast %get3A_1040 : i32 to index
      %get3A_1042 = arith.index_cast %add3A_919 : i32 to index
      %get3A_1043 = arith.constant 96 : index
      %get3A_1044 = tpu.vector_load %arg9[%get3A_1041, %get3A_1042, %get3A_1043] {strides = array<i32>} : memref<4x64x128xf32, #tpu.memory_space<vmem>>, vector<1x1x16xf32>,
      %get3A_1045 = vector.shape_cast %get3A_1044 : vector<1x1x16xf32> to vector<16xf32>
      %get3A_1046 = arith.constant 2 : i32
      %get3A_1047 = arith.index_cast %get3A_1046 : i32 to index
      %get3A_1048 = arith.index_cast %add3A_919 : i32 to index
      %get3A_1049 = arith.constant 96 : index
      %get3A_1050 = tpu.vector_load %arg10[%get3A_1047, %get3A_1048, %get3A_1049] {strides = array<i32>} : memref<4x64x128xf32, #tpu.memory_space<vmem>>, vector<1x1x16xf32>,
      %get3A_1051 = vector.shape_cast %get3A_1050 : vector<1x1x16xf32> to vector<16xf32>
      %mul3A_1052 = arith.mulf %get3A_1045, %get3A_1051 : vector<16xf32>
      %swap3A_1053 = arith.constant 2 : i32
      %swap3A_1054 = arith.index_cast %swap3A_1053 : i32 to index
      %swap3A_1055 = arith.index_cast %add3A_919 : i32 to index
      %swap3A_1056 = arith.constant 96 : index
      %swap3A_1057 = tpu.vector_load %arg11[%swap3A_1054, %swap3A_1055, %swap3A_1056] {strides = array<i32>} : memref<4x64x128xf32, #tpu.memory_space<vmem>>, vector<1x1x16xf32>,
      %swap3A_1058 = vector.shape_cast %swap3A_1057 : vector<1x1x16xf32> to vector<16xf32>
      %swap3A_1059 = vector.shape_cast %mul3A_1052 : vector<16xf32> to vector<1x1x16xf32>
      tpu.vector_store %arg11[%swap3A_1054, %swap3A_1055, %swap3A_1056], %swap3A_1059 {strides = array<i32>} : memref<4x64x128xf32, #tpu.memory_space<vmem>>, vector<1x1x16xf32>,
      %get3A_1060 = arith.constant 2 : i32
      %get3A_1061 = arith.index_cast %get3A_1060 : i32 to index
      %get3A_1062 = arith.index_cast %add3A_919 : i32 to index
      %get3A_1063 = arith.constant 112 : index
      %get3A_1064 = tpu.vector_load %arg9[%get3A_1061, %get3A_1062, %get3A_1063] {strides = array<i32>} : memref<4x64x128xf32, #tpu.memory_space<vmem>>, vector<1x1x16xf32>,
      %get3A_1065 = vector.shape_cast %get3A_1064 : vector<1x1x16xf32> to vector<16xf32>
      %get3A_1066 = arith.constant 2 : i32
      %get3A_1067 = arith.index_cast %get3A_1066 : i32 to index
      %get3A_1068 = arith.index_cast %add3A_919 : i32 to index
      %get3A_1069 = arith.constant 112 : index
      %get3A_1070 = tpu.vector_load %arg10[%get3A_1067, %get3A_1068, %get3A_1069] {strides = array<i32>} : memref<4x64x128xf32, #tpu.memory_space<vmem>>, vector<1x1x16xf32>,
      %get3A_1071 = vector.shape_cast %get3A_1070 : vector<1x1x16xf32> to vector<16xf32>
      %mul3A_1072 = arith.mulf %get3A_1065, %get3A_1071 : vector<16xf32>
      %swap3A_1073 = arith.constant 2 : i32
      %swap3A_1074 = arith.index_cast %swap3A_1073 : i32 to index
      %swap3A_1075 = arith.index_cast %add3A_919 : i32 to index
      %swap3A_1076 = arith.constant 112 : index
      %swap3A_1077 = tpu.vector_load %arg11[%swap3A_1074, %swap3A_1075, %swap3A_1076] {strides = array<i32>} : memref<4x64x128xf32, #tpu.memory_space<vmem>>, vector<1x1x16xf32>,
      %swap3A_1078 = vector.shape_cast %swap3A_1077 : vector<1x1x16xf32> to vector<16xf32>
      %swap3A_1079 = vector.shape_cast %mul3A_1072 : vector<16xf32> to vector<1x1x16xf32>
      tpu.vector_store %arg11[%swap3A_1074, %swap3A_1075, %swap3A_1076], %swap3A_1079 {strides = array<i32>} : memref<4x64x128xf32, #tpu.memory_space<vmem>>, vector<1x1x16xf32>,
      %scan3A_1080 = arith.constant 0 : i32
      scf.yield %scan3A_1080 : i32
    }
    %scan3A_602 = arith.constant 32 : i32
    %add3A_603 = arith.constant 384 : i32
    %add3A_604 = arith.addi %mul3A_2, %add3A_603 : i32
    %dma_start3A_605 = arith.constant 2 : i32
    %dma_start3A_606 = arith.constant 2 : i32
    %dma_start3A_607 = arith.constant 0 : i32
    %dma_start3A_608 = arith.constant 0 : i32
    %dma_start3A_609 = tpu.memref_slice %arg11[%dma_start3A_605, %dma_start3A_607, %dma_start3A_608] : memref<4x64x128xf32, #tpu.memory_space<vmem>> -> memref<1x64x128xf32, #tpu.memory_space<vmem>>
    %dma_start3A_610 = tpu.memref_squeeze %dma_start3A_609 : memref<1x64x128xf32, #tpu.memory_space<vmem>> -> memref<64x128xf32, #tpu.memory_space<vmem>>
    %dma_start3A_611 = arith.constant 0 : i32
    %dma_start3A_612 = tpu.memref_slice %arg6[%add3A_604, %dma_start3A_611] : memref<16384x128xf32, #tpu.memory_space<hbm>> -> memref<64x128xf32, #tpu.memory_space<hbm>>
    %dma_start3A_613 = tpu.memref_slice %arg14[%dma_start3A_606] : memref<4x!tpu.dma_semaphore, #tpu.memory_space<semaphore_mem>> -> memref<1x!tpu.dma_semaphore, #tpu.memory_space<semaphore_mem>>
    %dma_start3A_614 = tpu.memref_squeeze %dma_start3A_613 : memref<1x!tpu.dma_semaphore, #tpu.memory_space<semaphore_mem>> -> memref<!tpu.dma_semaphore, #tpu.memory_space<semaphore_mem>>
    %dma_start3A_615 = arith.constant 0 : i32
    %dma_start3A_616 = tpu.memref_slice %arg6[%add3A_604, %dma_start3A_615] : memref<16384x128xf32, #tpu.memory_space<hbm>> -> memref<64x128xf32, #tpu.memory_space<hbm>>
    %dma_start3A_617 = arith.constant 0 : i32
    %dma_start3A_618 = arith.constant 0 : i32
    %dma_start3A_619 = tpu.memref_slice %arg11[%dma_start3A_605, %dma_start3A_617, %dma_start3A_618] : memref<4x64x128xf32, #tpu.memory_space<vmem>> -> memref<1x64x128xf32, #tpu.memory_space<vmem>>
    %dma_start3A_620 = tpu.memref_squeeze %dma_start3A_619 : memref<1x64x128xf32, #tpu.memory_space<vmem>> -> memref<64x128xf32, #tpu.memory_space<vmem>>
    tpu.enqueue_dma source(%dma_start3A_620 : memref<64x128xf32, #tpu.memory_space<vmem>>) target(%dma_start3A_616 : memref<64x128xf32, #tpu.memory_space<hbm>>) target_semaphore(%dma_start3A_614 : memref<!tpu.dma_semaphore, #tpu.memory_space<semaphore_mem>>)
    %dma_wait3A_621 = arith.constant 3 : i32
    %dma_wait3A_622 = arith.constant 3 : i32
    %dma_wait3A_623 = arith.constant 0 : i32
    %dma_wait3A_624 = arith.constant 0 : i32
    %dma_wait3A_625 = tpu.memref_slice %arg9[%dma_wait3A_621, %dma_wait3A_623, %dma_wait3A_624] : memref<4x64x128xf32, #tpu.memory_space<vmem>> -> memref<1x64x128xf32, #tpu.memory_space<vmem>>
    %dma_wait3A_626 = tpu.memref_squeeze %dma_wait3A_625 : memref<1x64x128xf32, #tpu.memory_space<vmem>> -> memref<64x128xf32, #tpu.memory_space<vmem>>
    %dma_wait3A_627 = arith.constant 448 : i32
    %dma_wait3A_628 = tpu.memref_slice %arg7[%dma_wait3A_627] : memref<512xi32, #tpu.memory_space<vmem>> -> memref<64xi32, #tpu.memory_space<vmem>>
    %dma_wait3A_629 = arith.constant 0 : i32
    %dma_wait3A_630 = arith.constant 0 : i32
    %dma_wait3A_631 = tpu.memref_slice %arg4[%dma_wait3A_629, %dma_wait3A_630] : memref<1000000x128xf32, #tpu.memory_space<hbm>> -> memref<1000000x128xf32, #tpu.memory_space<hbm>>
    %dma_wait3A_632 = tpu.memref_slice %arg12[%dma_wait3A_622] : memref<4x!tpu.dma_semaphore, #tpu.memory_space<semaphore_mem>> -> memref<1x!tpu.dma_semaphore, #tpu.memory_space<semaphore_mem>>
    %dma_wait3A_633 = tpu.memref_squeeze %dma_wait3A_632 : memref<1x!tpu.dma_semaphore, #tpu.memory_space<semaphore_mem>> -> memref<!tpu.dma_semaphore, #tpu.memory_space<semaphore_mem>>
    tpu.wait_indirect_dma semaphore(%dma_wait3A_633 : memref<!tpu.dma_semaphore, #tpu.memory_space<semaphore_mem>>) src(%dma_wait3A_631 : memref<1000000x128xf32, #tpu.memory_space<hbm>>) dst(%dma_wait3A_626 : memref<64x128xf32, #tpu.memory_space<vmem>>)
    %dma_wait3A_634 = arith.constant 3 : i32
    %dma_wait3A_635 = arith.constant 3 : i32
    %dma_wait3A_636 = arith.constant 0 : i32
    %dma_wait3A_637 = arith.constant 0 : i32
    %dma_wait3A_638 = tpu.memref_slice %arg10[%dma_wait3A_634, %dma_wait3A_636, %dma_wait3A_637] : memref<4x64x128xf32, #tpu.memory_space<vmem>> -> memref<1x64x128xf32, #tpu.memory_space<vmem>>
    %dma_wait3A_639 = tpu.memref_squeeze %dma_wait3A_638 : memref<1x64x128xf32, #tpu.memory_space<vmem>> -> memref<64x128xf32, #tpu.memory_space<vmem>>
    %dma_wait3A_640 = arith.constant 448 : i32
    %dma_wait3A_641 = tpu.memref_slice %arg8[%dma_wait3A_640] : memref<512xi32, #tpu.memory_space<vmem>> -> memref<64xi32, #tpu.memory_space<vmem>>
    %dma_wait3A_642 = arith.constant 0 : i32
    %dma_wait3A_643 = arith.constant 0 : i32
    %dma_wait3A_644 = tpu.memref_slice %arg5[%dma_wait3A_642, %dma_wait3A_643] : memref<1000000x128xf32, #tpu.memory_space<hbm>> -> memref<1000000x128xf32, #tpu.memory_space<hbm>>
    %dma_wait3A_645 = tpu.memref_slice %arg13[%dma_wait3A_635] : memref<4x!tpu.dma_semaphore, #tpu.memory_space<semaphore_mem>> -> memref<1x!tpu.dma_semaphore, #tpu.memory_space<semaphore_mem>>
    %dma_wait3A_646 = tpu.memref_squeeze %dma_wait3A_645 : memref<1x!tpu.dma_semaphore, #tpu.memory_space<semaphore_mem>> -> memref<!tpu.dma_semaphore, #tpu.memory_space<semaphore_mem>>
    tpu.wait_indirect_dma semaphore(%dma_wait3A_646 : memref<!tpu.dma_semaphore, #tpu.memory_space<semaphore_mem>>) src(%dma_wait3A_644 : memref<1000000x128xf32, #tpu.memory_space<hbm>>) dst(%dma_wait3A_639 : memref<64x128xf32, #tpu.memory_space<vmem>>)
    %dma_wait3A_647 = arith.constant 3 : i32
    %dma_wait3A_648 = arith.constant 3 : i32
    %dma_wait3A_649 = arith.constant 0 : i32
    %dma_wait3A_650 = arith.constant 0 : i32
    %dma_wait3A_651 = tpu.memref_slice %arg11[%dma_wait3A_647, %dma_wait3A_649, %dma_wait3A_650] : memref<4x64x128xf32, #tpu.memory_space<vmem>> -> memref<1x64x128xf32, #tpu.memory_space<vmem>>
    %dma_wait3A_652 = tpu.memref_squeeze %dma_wait3A_651 : memref<1x64x128xf32, #tpu.memory_space<vmem>> -> memref<64x128xf32, #tpu.memory_space<vmem>>
    %dma_wait3A_653 = arith.constant 0 : i32
    %dma_wait3A_654 = tpu.memref_slice %arg6[%add3A_403, %dma_wait3A_653] : memref<16384x128xf32, #tpu.memory_space<hbm>> -> memref<64x128xf32, #tpu.memory_space<hbm>>
    %dma_wait3A_655 = tpu.memref_slice %arg14[%dma_wait3A_648] : memref<4x!tpu.dma_semaphore, #tpu.memory_space<semaphore_mem>> -> memref<1x!tpu.dma_semaphore, #tpu.memory_space<semaphore_mem>>
    %dma_wait3A_656 = tpu.memref_squeeze %dma_wait3A_655 : memref<1x!tpu.dma_semaphore, #tpu.memory_space<semaphore_mem>> -> memref<!tpu.dma_semaphore, #tpu.memory_space<semaphore_mem>>
    %dma_wait3A_657 = arith.constant 0 : i32
    %dma_wait3A_658 = tpu.memref_slice %arg6[%add3A_403, %dma_wait3A_657] : memref<16384x128xf32, #tpu.memory_space<hbm>> -> memref<64x128xf32, #tpu.memory_space<hbm>>
    %dma_wait3A_659 = arith.constant 0 : i32
    %dma_wait3A_660 = arith.constant 0 : i32
    %dma_wait3A_661 = tpu.memref_slice %arg11[%dma_wait3A_647, %dma_wait3A_659, %dma_wait3A_660] : memref<4x64x128xf32, #tpu.memory_space<vmem>> -> memref<1x64x128xf32, #tpu.memory_space<vmem>>
    %dma_wait3A_662 = tpu.memref_squeeze %dma_wait3A_661 : memref<1x64x128xf32, #tpu.memory_space<vmem>> -> memref<64x128xf32, #tpu.memory_space<vmem>>
    tpu.wait_dma2 semaphore(%dma_wait3A_656 : memref<!tpu.dma_semaphore, #tpu.memory_space<semaphore_mem>>) src(%dma_wait3A_662 : memref<64x128xf32, #tpu.memory_space<vmem>>) dst(%dma_wait3A_658 : memref<64x128xf32, #tpu.memory_space<hbm>>)
    %scan3A_663 = arith.constant 0 : i32
    %scan3A_664 = arith.constant 0 : i32
    %scan3A_665 = arith.constant 32 : i32
    %scan3A_666 = arith.addi %scan3A_664, %scan3A_665 : i32
    %scan3A_667 = arith.constant 1 : i32
    %scan3A_668 = scf.for %scan3A_752 = %scan3A_664 to %scan3A_666 step %scan3A_667 iter_args(%scan3A_753 = %scan3A_663) -> (i32)  : i32 {
      %mul3A_754 = arith.constant 2 : i32
      %mul3A_755 = arith.muli %scan3A_752, %mul3A_754 : i32
      %add3A_756 = arith.constant 0 : i32
      %add3A_757 = arith.addi %mul3A_755, %add3A_756 : i32
      %get3A = arith.constant 3 : i32
      %get3A_758 = arith.index_cast %get3A : i32 to index
      %get3A_759 = arith.index_cast %add3A_757 : i32 to index
      %get3A_760 = arith.constant 0 : index
      %get3A_761 = tpu.vector_load %arg9[%get3A_758, %get3A_759, %get3A_760] {strides = array<i32>} : memref<4x64x128xf32, #tpu.memory_space<vmem>>, vector<1x1x16xf32>,
      %get3A_762 = vector.shape_cast %get3A_761 : vector<1x1x16xf32> to vector<16xf32>
      %get3A_763 = arith.constant 3 : i32
      %get3A_764 = arith.index_cast %get3A_763 : i32 to index
      %get3A_765 = arith.index_cast %add3A_757 : i32 to index
      %get3A_766 = arith.constant 0 : index
      %get3A_767 = tpu.vector_load %arg10[%get3A_764, %get3A_765, %get3A_766] {strides = array<i32>} : memref<4x64x128xf32, #tpu.memory_space<vmem>>, vector<1x1x16xf32>,
      %get3A_768 = vector.shape_cast %get3A_767 : vector<1x1x16xf32> to vector<16xf32>
      %mul3A_769 = arith.mulf %get3A_762, %get3A_768 : vector<16xf32>
      %swap3A = arith.constant 3 : i32
      %swap3A_770 = arith.index_cast %swap3A : i32 to index
      %swap3A_771 = arith.index_cast %add3A_757 : i32 to index
      %swap3A_772 = arith.constant 0 : index
      %swap3A_773 = tpu.vector_load %arg11[%swap3A_770, %swap3A_771, %swap3A_772] {strides = array<i32>} : memref<4x64x128xf32, #tpu.memory_space<vmem>>, vector<1x1x16xf32>,
      %swap3A_774 = vector.shape_cast %swap3A_773 : vector<1x1x16xf32> to vector<16xf32>
      %swap3A_775 = vector.shape_cast %mul3A_769 : vector<16xf32> to vector<1x1x16xf32>
      tpu.vector_store %arg11[%swap3A_770, %swap3A_771, %swap3A_772], %swap3A_775 {strides = array<i32>} : memref<4x64x128xf32, #tpu.memory_space<vmem>>, vector<1x1x16xf32>,
      %get3A_776 = arith.constant 3 : i32
      %get3A_777 = arith.index_cast %get3A_776 : i32 to index
      %get3A_778 = arith.index_cast %add3A_757 : i32 to index
      %get3A_779 = arith.constant 16 : index
      %get3A_780 = tpu.vector_load %arg9[%get3A_777, %get3A_778, %get3A_779] {strides = array<i32>} : memref<4x64x128xf32, #tpu.memory_space<vmem>>, vector<1x1x16xf32>,
      %get3A_781 = vector.shape_cast %get3A_780 : vector<1x1x16xf32> to vector<16xf32>
      %get3A_782 = arith.constant 3 : i32
      %get3A_783 = arith.index_cast %get3A_782 : i32 to index
      %get3A_784 = arith.index_cast %add3A_757 : i32 to index
      %get3A_785 = arith.constant 16 : index
      %get3A_786 = tpu.vector_load %arg10[%get3A_783, %get3A_784, %get3A_785] {strides = array<i32>} : memref<4x64x128xf32, #tpu.memory_space<vmem>>, vector<1x1x16xf32>,
      %get3A_787 = vector.shape_cast %get3A_786 : vector<1x1x16xf32> to vector<16xf32>
      %mul3A_788 = arith.mulf %get3A_781, %get3A_787 : vector<16xf32>
      %swap3A_789 = arith.constant 3 : i32
      %swap3A_790 = arith.index_cast %swap3A_789 : i32 to index
      %swap3A_791 = arith.index_cast %add3A_757 : i32 to index
      %swap3A_792 = arith.constant 16 : index
      %swap3A_793 = tpu.vector_load %arg11[%swap3A_790, %swap3A_791, %swap3A_792] {strides = array<i32>} : memref<4x64x128xf32, #tpu.memory_space<vmem>>, vector<1x1x16xf32>,
      %swap3A_794 = vector.shape_cast %swap3A_793 : vector<1x1x16xf32> to vector<16xf32>
      %swap3A_795 = vector.shape_cast %mul3A_788 : vector<16xf32> to vector<1x1x16xf32>
      tpu.vector_store %arg11[%swap3A_790, %swap3A_791, %swap3A_792], %swap3A_795 {strides = array<i32>} : memref<4x64x128xf32, #tpu.memory_space<vmem>>, vector<1x1x16xf32>,
      %get3A_796 = arith.constant 3 : i32
      %get3A_797 = arith.index_cast %get3A_796 : i32 to index
      %get3A_798 = arith.index_cast %add3A_757 : i32 to index
      %get3A_799 = arith.constant 32 : index
      %get3A_800 = tpu.vector_load %arg9[%get3A_797, %get3A_798, %get3A_799] {strides = array<i32>} : memref<4x64x128xf32, #tpu.memory_space<vmem>>, vector<1x1x16xf32>,
      %get3A_801 = vector.shape_cast %get3A_800 : vector<1x1x16xf32> to vector<16xf32>
      %get3A_802 = arith.constant 3 : i32
      %get3A_803 = arith.index_cast %get3A_802 : i32 to index
      %get3A_804 = arith.index_cast %add3A_757 : i32 to index
      %get3A_805 = arith.constant 32 : index
      %get3A_806 = tpu.vector_load %arg10[%get3A_803, %get3A_804, %get3A_805] {strides = array<i32>} : memref<4x64x128xf32, #tpu.memory_space<vmem>>, vector<1x1x16xf32>,
      %get3A_807 = vector.shape_cast %get3A_806 : vector<1x1x16xf32> to vector<16xf32>
      %mul3A_808 = arith.mulf %get3A_801, %get3A_807 : vector<16xf32>
      %swap3A_809 = arith.constant 3 : i32
      %swap3A_810 = arith.index_cast %swap3A_809 : i32 to index
      %swap3A_811 = arith.index_cast %add3A_757 : i32 to index
      %swap3A_812 = arith.constant 32 : index
      %swap3A_813 = tpu.vector_load %arg11[%swap3A_810, %swap3A_811, %swap3A_812] {strides = array<i32>} : memref<4x64x128xf32, #tpu.memory_space<vmem>>, vector<1x1x16xf32>,
      %swap3A_814 = vector.shape_cast %swap3A_813 : vector<1x1x16xf32> to vector<16xf32>
      %swap3A_815 = vector.shape_cast %mul3A_808 : vector<16xf32> to vector<1x1x16xf32>
      tpu.vector_store %arg11[%swap3A_810, %swap3A_811, %swap3A_812], %swap3A_815 {strides = array<i32>} : memref<4x64x128xf32, #tpu.memory_space<vmem>>, vector<1x1x16xf32>,
      %get3A_816 = arith.constant 3 : i32
      %get3A_817 = arith.index_cast %get3A_816 : i32 to index
      %get3A_818 = arith.index_cast %add3A_757 : i32 to index
      %get3A_819 = arith.constant 48 : index
      %get3A_820 = tpu.vector_load %arg9[%get3A_817, %get3A_818, %get3A_819] {strides = array<i32>} : memref<4x64x128xf32, #tpu.memory_space<vmem>>, vector<1x1x16xf32>,
      %get3A_821 = vector.shape_cast %get3A_820 : vector<1x1x16xf32> to vector<16xf32>
      %get3A_822 = arith.constant 3 : i32
      %get3A_823 = arith.index_cast %get3A_822 : i32 to index
      %get3A_824 = arith.index_cast %add3A_757 : i32 to index
      %get3A_825 = arith.constant 48 : index
      %get3A_826 = tpu.vector_load %arg10[%get3A_823, %get3A_824, %get3A_825] {strides = array<i32>} : memref<4x64x128xf32, #tpu.memory_space<vmem>>, vector<1x1x16xf32>,
      %get3A_827 = vector.shape_cast %get3A_826 : vector<1x1x16xf32> to vector<16xf32>
      %mul3A_828 = arith.mulf %get3A_821, %get3A_827 : vector<16xf32>
      %swap3A_829 = arith.constant 3 : i32
      %swap3A_830 = arith.index_cast %swap3A_829 : i32 to index
      %swap3A_831 = arith.index_cast %add3A_757 : i32 to index
      %swap3A_832 = arith.constant 48 : index
      %swap3A_833 = tpu.vector_load %arg11[%swap3A_830, %swap3A_831, %swap3A_832] {strides = array<i32>} : memref<4x64x128xf32, #tpu.memory_space<vmem>>, vector<1x1x16xf32>,
      %swap3A_834 = vector.shape_cast %swap3A_833 : vector<1x1x16xf32> to vector<16xf32>
      %swap3A_835 = vector.shape_cast %mul3A_828 : vector<16xf32> to vector<1x1x16xf32>
      tpu.vector_store %arg11[%swap3A_830, %swap3A_831, %swap3A_832], %swap3A_835 {strides = array<i32>} : memref<4x64x128xf32, #tpu.memory_space<vmem>>, vector<1x1x16xf32>,
      %get3A_836 = arith.constant 3 : i32
      %get3A_837 = arith.index_cast %get3A_836 : i32 to index
      %get3A_838 = arith.index_cast %add3A_757 : i32 to index
      %get3A_839 = arith.constant 64 : index
      %get3A_840 = tpu.vector_load %arg9[%get3A_837, %get3A_838, %get3A_839] {strides = array<i32>} : memref<4x64x128xf32, #tpu.memory_space<vmem>>, vector<1x1x16xf32>,
      %get3A_841 = vector.shape_cast %get3A_840 : vector<1x1x16xf32> to vector<16xf32>
      %get3A_842 = arith.constant 3 : i32
      %get3A_843 = arith.index_cast %get3A_842 : i32 to index
      %get3A_844 = arith.index_cast %add3A_757 : i32 to index
      %get3A_845 = arith.constant 64 : index
      %get3A_846 = tpu.vector_load %arg10[%get3A_843, %get3A_844, %get3A_845] {strides = array<i32>} : memref<4x64x128xf32, #tpu.memory_space<vmem>>, vector<1x1x16xf32>,
      %get3A_847 = vector.shape_cast %get3A_846 : vector<1x1x16xf32> to vector<16xf32>
      %mul3A_848 = arith.mulf %get3A_841, %get3A_847 : vector<16xf32>
      %swap3A_849 = arith.constant 3 : i32
      %swap3A_850 = arith.index_cast %swap3A_849 : i32 to index
      %swap3A_851 = arith.index_cast %add3A_757 : i32 to index
      %swap3A_852 = arith.constant 64 : index
      %swap3A_853 = tpu.vector_load %arg11[%swap3A_850, %swap3A_851, %swap3A_852] {strides = array<i32>} : memref<4x64x128xf32, #tpu.memory_space<vmem>>, vector<1x1x16xf32>,
      %swap3A_854 = vector.shape_cast %swap3A_853 : vector<1x1x16xf32> to vector<16xf32>
      %swap3A_855 = vector.shape_cast %mul3A_848 : vector<16xf32> to vector<1x1x16xf32>
      tpu.vector_store %arg11[%swap3A_850, %swap3A_851, %swap3A_852], %swap3A_855 {strides = array<i32>} : memref<4x64x128xf32, #tpu.memory_space<vmem>>, vector<1x1x16xf32>,
      %get3A_856 = arith.constant 3 : i32
      %get3A_857 = arith.index_cast %get3A_856 : i32 to index
      %get3A_858 = arith.index_cast %add3A_757 : i32 to index
      %get3A_859 = arith.constant 80 : index
      %get3A_860 = tpu.vector_load %arg9[%get3A_857, %get3A_858, %get3A_859] {strides = array<i32>} : memref<4x64x128xf32, #tpu.memory_space<vmem>>, vector<1x1x16xf32>,
      %get3A_861 = vector.shape_cast %get3A_860 : vector<1x1x16xf32> to vector<16xf32>
      %get3A_862 = arith.constant 3 : i32
      %get3A_863 = arith.index_cast %get3A_862 : i32 to index
      %get3A_864 = arith.index_cast %add3A_757 : i32 to index
      %get3A_865 = arith.constant 80 : index
      %get3A_866 = tpu.vector_load %arg10[%get3A_863, %get3A_864, %get3A_865] {strides = array<i32>} : memref<4x64x128xf32, #tpu.memory_space<vmem>>, vector<1x1x16xf32>,
      %get3A_867 = vector.shape_cast %get3A_866 : vector<1x1x16xf32> to vector<16xf32>
      %mul3A_868 = arith.mulf %get3A_861, %get3A_867 : vector<16xf32>
      %swap3A_869 = arith.constant 3 : i32
      %swap3A_870 = arith.index_cast %swap3A_869 : i32 to index
      %swap3A_871 = arith.index_cast %add3A_757 : i32 to index
      %swap3A_872 = arith.constant 80 : index
      %swap3A_873 = tpu.vector_load %arg11[%swap3A_870, %swap3A_871, %swap3A_872] {strides = array<i32>} : memref<4x64x128xf32, #tpu.memory_space<vmem>>, vector<1x1x16xf32>,
      %swap3A_874 = vector.shape_cast %swap3A_873 : vector<1x1x16xf32> to vector<16xf32>
      %swap3A_875 = vector.shape_cast %mul3A_868 : vector<16xf32> to vector<1x1x16xf32>
      tpu.vector_store %arg11[%swap3A_870, %swap3A_871, %swap3A_872], %swap3A_875 {strides = array<i32>} : memref<4x64x128xf32, #tpu.memory_space<vmem>>, vector<1x1x16xf32>,
      %get3A_876 = arith.constant 3 : i32
      %get3A_877 = arith.index_cast %get3A_876 : i32 to index
      %get3A_878 = arith.index_cast %add3A_757 : i32 to index
      %get3A_879 = arith.constant 96 : index
      %get3A_880 = tpu.vector_load %arg9[%get3A_877, %get3A_878, %get3A_879] {strides = array<i32>} : memref<4x64x128xf32, #tpu.memory_space<vmem>>, vector<1x1x16xf32>,
      %get3A_881 = vector.shape_cast %get3A_880 : vector<1x1x16xf32> to vector<16xf32>
      %get3A_882 = arith.constant 3 : i32
      %get3A_883 = arith.index_cast %get3A_882 : i32 to index
      %get3A_884 = arith.index_cast %add3A_757 : i32 to index
      %get3A_885 = arith.constant 96 : index
      %get3A_886 = tpu.vector_load %arg10[%get3A_883, %get3A_884, %get3A_885] {strides = array<i32>} : memref<4x64x128xf32, #tpu.memory_space<vmem>>, vector<1x1x16xf32>,
      %get3A_887 = vector.shape_cast %get3A_886 : vector<1x1x16xf32> to vector<16xf32>
      %mul3A_888 = arith.mulf %get3A_881, %get3A_887 : vector<16xf32>
      %swap3A_889 = arith.constant 3 : i32
      %swap3A_890 = arith.index_cast %swap3A_889 : i32 to index
      %swap3A_891 = arith.index_cast %add3A_757 : i32 to index
      %swap3A_892 = arith.constant 96 : index
      %swap3A_893 = tpu.vector_load %arg11[%swap3A_890, %swap3A_891, %swap3A_892] {strides = array<i32>} : memref<4x64x128xf32, #tpu.memory_space<vmem>>, vector<1x1x16xf32>,
      %swap3A_894 = vector.shape_cast %swap3A_893 : vector<1x1x16xf32> to vector<16xf32>
      %swap3A_895 = vector.shape_cast %mul3A_888 : vector<16xf32> to vector<1x1x16xf32>
      tpu.vector_store %arg11[%swap3A_890, %swap3A_891, %swap3A_892], %swap3A_895 {strides = array<i32>} : memref<4x64x128xf32, #tpu.memory_space<vmem>>, vector<1x1x16xf32>,
      %get3A_896 = arith.constant 3 : i32
      %get3A_897 = arith.index_cast %get3A_896 : i32 to index
      %get3A_898 = arith.index_cast %add3A_757 : i32 to index
      %get3A_899 = arith.constant 112 : index
      %get3A_900 = tpu.vector_load %arg9[%get3A_897, %get3A_898, %get3A_899] {strides = array<i32>} : memref<4x64x128xf32, #tpu.memory_space<vmem>>, vector<1x1x16xf32>,
      %get3A_901 = vector.shape_cast %get3A_900 : vector<1x1x16xf32> to vector<16xf32>
      %get3A_902 = arith.constant 3 : i32
      %get3A_903 = arith.index_cast %get3A_902 : i32 to index
      %get3A_904 = arith.index_cast %add3A_757 : i32 to index
      %get3A_905 = arith.constant 112 : index
      %get3A_906 = tpu.vector_load %arg10[%get3A_903, %get3A_904, %get3A_905] {strides = array<i32>} : memref<4x64x128xf32, #tpu.memory_space<vmem>>, vector<1x1x16xf32>,
      %get3A_907 = vector.shape_cast %get3A_906 : vector<1x1x16xf32> to vector<16xf32>
      %mul3A_908 = arith.mulf %get3A_901, %get3A_907 : vector<16xf32>
      %swap3A_909 = arith.constant 3 : i32
      %swap3A_910 = arith.index_cast %swap3A_909 : i32 to index
      %swap3A_911 = arith.index_cast %add3A_757 : i32 to index
      %swap3A_912 = arith.constant 112 : index
      %swap3A_913 = tpu.vector_load %arg11[%swap3A_910, %swap3A_911, %swap3A_912] {strides = array<i32>} : memref<4x64x128xf32, #tpu.memory_space<vmem>>, vector<1x1x16xf32>,
      %swap3A_914 = vector.shape_cast %swap3A_913 : vector<1x1x16xf32> to vector<16xf32>
      %swap3A_915 = vector.shape_cast %mul3A_908 : vector<16xf32> to vector<1x1x16xf32>
      tpu.vector_store %arg11[%swap3A_910, %swap3A_911, %swap3A_912], %swap3A_915 {strides = array<i32>} : memref<4x64x128xf32, #tpu.memory_space<vmem>>, vector<1x1x16xf32>,
      %mul3A_916 = arith.constant 2 : i32
      %mul3A_917 = arith.muli %scan3A_752, %mul3A_916 : i32
      %add3A_918 = arith.constant 1 : i32
      %add3A_919 = arith.addi %mul3A_917, %add3A_918 : i32
      %get3A_920 = arith.constant 3 : i32
      %get3A_921 = arith.index_cast %get3A_920 : i32 to index
      %get3A_922 = arith.index_cast %add3A_919 : i32 to index
      %get3A_923 = arith.constant 0 : index
      %get3A_924 = tpu.vector_load %arg9[%get3A_921, %get3A_922, %get3A_923] {strides = array<i32>} : memref<4x64x128xf32, #tpu.memory_space<vmem>>, vector<1x1x16xf32>,
      %get3A_925 = vector.shape_cast %get3A_924 : vector<1x1x16xf32> to vector<16xf32>
      %get3A_926 = arith.constant 3 : i32
      %get3A_927 = arith.index_cast %get3A_926 : i32 to index
      %get3A_928 = arith.index_cast %add3A_919 : i32 to index
      %get3A_929 = arith.constant 0 : index
      %get3A_930 = tpu.vector_load %arg10[%get3A_927, %get3A_928, %get3A_929] {strides = array<i32>} : memref<4x64x128xf32, #tpu.memory_space<vmem>>, vector<1x1x16xf32>,
      %get3A_931 = vector.shape_cast %get3A_930 : vector<1x1x16xf32> to vector<16xf32>
      %mul3A_932 = arith.mulf %get3A_925, %get3A_931 : vector<16xf32>
      %swap3A_933 = arith.constant 3 : i32
      %swap3A_934 = arith.index_cast %swap3A_933 : i32 to index
      %swap3A_935 = arith.index_cast %add3A_919 : i32 to index
      %swap3A_936 = arith.constant 0 : index
      %swap3A_937 = tpu.vector_load %arg11[%swap3A_934, %swap3A_935, %swap3A_936] {strides = array<i32>} : memref<4x64x128xf32, #tpu.memory_space<vmem>>, vector<1x1x16xf32>,
      %swap3A_938 = vector.shape_cast %swap3A_937 : vector<1x1x16xf32> to vector<16xf32>
      %swap3A_939 = vector.shape_cast %mul3A_932 : vector<16xf32> to vector<1x1x16xf32>
      tpu.vector_store %arg11[%swap3A_934, %swap3A_935, %swap3A_936], %swap3A_939 {strides = array<i32>} : memref<4x64x128xf32, #tpu.memory_space<vmem>>, vector<1x1x16xf32>,
      %get3A_940 = arith.constant 3 : i32
      %get3A_941 = arith.index_cast %get3A_940 : i32 to index
      %get3A_942 = arith.index_cast %add3A_919 : i32 to index
      %get3A_943 = arith.constant 16 : index
      %get3A_944 = tpu.vector_load %arg9[%get3A_941, %get3A_942, %get3A_943] {strides = array<i32>} : memref<4x64x128xf32, #tpu.memory_space<vmem>>, vector<1x1x16xf32>,
      %get3A_945 = vector.shape_cast %get3A_944 : vector<1x1x16xf32> to vector<16xf32>
      %get3A_946 = arith.constant 3 : i32
      %get3A_947 = arith.index_cast %get3A_946 : i32 to index
      %get3A_948 = arith.index_cast %add3A_919 : i32 to index
      %get3A_949 = arith.constant 16 : index
      %get3A_950 = tpu.vector_load %arg10[%get3A_947, %get3A_948, %get3A_949] {strides = array<i32>} : memref<4x64x128xf32, #tpu.memory_space<vmem>>, vector<1x1x16xf32>,
      %get3A_951 = vector.shape_cast %get3A_950 : vector<1x1x16xf32> to vector<16xf32>
      %mul3A_952 = arith.mulf %get3A_945, %get3A_951 : vector<16xf32>
      %swap3A_953 = arith.constant 3 : i32
      %swap3A_954 = arith.index_cast %swap3A_953 : i32 to index
      %swap3A_955 = arith.index_cast %add3A_919 : i32 to index
      %swap3A_956 = arith.constant 16 : index
      %swap3A_957 = tpu.vector_load %arg11[%swap3A_954, %swap3A_955, %swap3A_956] {strides = array<i32>} : memref<4x64x128xf32, #tpu.memory_space<vmem>>, vector<1x1x16xf32>,
      %swap3A_958 = vector.shape_cast %swap3A_957 : vector<1x1x16xf32> to vector<16xf32>
      %swap3A_959 = vector.shape_cast %mul3A_952 : vector<16xf32> to vector<1x1x16xf32>
      tpu.vector_store %arg11[%swap3A_954, %swap3A_955, %swap3A_956], %swap3A_959 {strides = array<i32>} : memref<4x64x128xf32, #tpu.memory_space<vmem>>, vector<1x1x16xf32>,
      %get3A_960 = arith.constant 3 : i32
      %get3A_961 = arith.index_cast %get3A_960 : i32 to index
      %get3A_962 = arith.index_cast %add3A_919 : i32 to index
      %get3A_963 = arith.constant 32 : index
      %get3A_964 = tpu.vector_load %arg9[%get3A_961, %get3A_962, %get3A_963] {strides = array<i32>} : memref<4x64x128xf32, #tpu.memory_space<vmem>>, vector<1x1x16xf32>,
      %get3A_965 = vector.shape_cast %get3A_964 : vector<1x1x16xf32> to vector<16xf32>
      %get3A_966 = arith.constant 3 : i32
      %get3A_967 = arith.index_cast %get3A_966 : i32 to index
      %get3A_968 = arith.index_cast %add3A_919 : i32 to index
      %get3A_969 = arith.constant 32 : index
      %get3A_970 = tpu.vector_load %arg10[%get3A_967, %get3A_968, %get3A_969] {strides = array<i32>} : memref<4x64x128xf32, #tpu.memory_space<vmem>>, vector<1x1x16xf32>,
      %get3A_971 = vector.shape_cast %get3A_970 : vector<1x1x16xf32> to vector<16xf32>
      %mul3A_972 = arith.mulf %get3A_965, %get3A_971 : vector<16xf32>
      %swap3A_973 = arith.constant 3 : i32
      %swap3A_974 = arith.index_cast %swap3A_973 : i32 to index
      %swap3A_975 = arith.index_cast %add3A_919 : i32 to index
      %swap3A_976 = arith.constant 32 : index
      %swap3A_977 = tpu.vector_load %arg11[%swap3A_974, %swap3A_975, %swap3A_976] {strides = array<i32>} : memref<4x64x128xf32, #tpu.memory_space<vmem>>, vector<1x1x16xf32>,
      %swap3A_978 = vector.shape_cast %swap3A_977 : vector<1x1x16xf32> to vector<16xf32>
      %swap3A_979 = vector.shape_cast %mul3A_972 : vector<16xf32> to vector<1x1x16xf32>
      tpu.vector_store %arg11[%swap3A_974, %swap3A_975, %swap3A_976], %swap3A_979 {strides = array<i32>} : memref<4x64x128xf32, #tpu.memory_space<vmem>>, vector<1x1x16xf32>,
      %get3A_980 = arith.constant 3 : i32
      %get3A_981 = arith.index_cast %get3A_980 : i32 to index
      %get3A_982 = arith.index_cast %add3A_919 : i32 to index
      %get3A_983 = arith.constant 48 : index
      %get3A_984 = tpu.vector_load %arg9[%get3A_981, %get3A_982, %get3A_983] {strides = array<i32>} : memref<4x64x128xf32, #tpu.memory_space<vmem>>, vector<1x1x16xf32>,
      %get3A_985 = vector.shape_cast %get3A_984 : vector<1x1x16xf32> to vector<16xf32>
      %get3A_986 = arith.constant 3 : i32
      %get3A_987 = arith.index_cast %get3A_986 : i32 to index
      %get3A_988 = arith.index_cast %add3A_919 : i32 to index
      %get3A_989 = arith.constant 48 : index
      %get3A_990 = tpu.vector_load %arg10[%get3A_987, %get3A_988, %get3A_989] {strides = array<i32>} : memref<4x64x128xf32, #tpu.memory_space<vmem>>, vector<1x1x16xf32>,
      %get3A_991 = vector.shape_cast %get3A_990 : vector<1x1x16xf32> to vector<16xf32>
      %mul3A_992 = arith.mulf %get3A_985, %get3A_991 : vector<16xf32>
      %swap3A_993 = arith.constant 3 : i32
      %swap3A_994 = arith.index_cast %swap3A_993 : i32 to index
      %swap3A_995 = arith.index_cast %add3A_919 : i32 to index
      %swap3A_996 = arith.constant 48 : index
      %swap3A_997 = tpu.vector_load %arg11[%swap3A_994, %swap3A_995, %swap3A_996] {strides = array<i32>} : memref<4x64x128xf32, #tpu.memory_space<vmem>>, vector<1x1x16xf32>,
      %swap3A_998 = vector.shape_cast %swap3A_997 : vector<1x1x16xf32> to vector<16xf32>
      %swap3A_999 = vector.shape_cast %mul3A_992 : vector<16xf32> to vector<1x1x16xf32>
      tpu.vector_store %arg11[%swap3A_994, %swap3A_995, %swap3A_996], %swap3A_999 {strides = array<i32>} : memref<4x64x128xf32, #tpu.memory_space<vmem>>, vector<1x1x16xf32>,
      %get3A_1000 = arith.constant 3 : i32
      %get3A_1001 = arith.index_cast %get3A_1000 : i32 to index
      %get3A_1002 = arith.index_cast %add3A_919 : i32 to index
      %get3A_1003 = arith.constant 64 : index
      %get3A_1004 = tpu.vector_load %arg9[%get3A_1001, %get3A_1002, %get3A_1003] {strides = array<i32>} : memref<4x64x128xf32, #tpu.memory_space<vmem>>, vector<1x1x16xf32>,
      %get3A_1005 = vector.shape_cast %get3A_1004 : vector<1x1x16xf32> to vector<16xf32>
      %get3A_1006 = arith.constant 3 : i32
      %get3A_1007 = arith.index_cast %get3A_1006 : i32 to index
      %get3A_1008 = arith.index_cast %add3A_919 : i32 to index
      %get3A_1009 = arith.constant 64 : index
      %get3A_1010 = tpu.vector_load %arg10[%get3A_1007, %get3A_1008, %get3A_1009] {strides = array<i32>} : memref<4x64x128xf32, #tpu.memory_space<vmem>>, vector<1x1x16xf32>,
      %get3A_1011 = vector.shape_cast %get3A_1010 : vector<1x1x16xf32> to vector<16xf32>
      %mul3A_1012 = arith.mulf %get3A_1005, %get3A_1011 : vector<16xf32>
      %swap3A_1013 = arith.constant 3 : i32
      %swap3A_1014 = arith.index_cast %swap3A_1013 : i32 to index
      %swap3A_1015 = arith.index_cast %add3A_919 : i32 to index
      %swap3A_1016 = arith.constant 64 : index
      %swap3A_1017 = tpu.vector_load %arg11[%swap3A_1014, %swap3A_1015, %swap3A_1016] {strides = array<i32>} : memref<4x64x128xf32, #tpu.memory_space<vmem>>, vector<1x1x16xf32>,
      %swap3A_1018 = vector.shape_cast %swap3A_1017 : vector<1x1x16xf32> to vector<16xf32>
      %swap3A_1019 = vector.shape_cast %mul3A_1012 : vector<16xf32> to vector<1x1x16xf32>
      tpu.vector_store %arg11[%swap3A_1014, %swap3A_1015, %swap3A_1016], %swap3A_1019 {strides = array<i32>} : memref<4x64x128xf32, #tpu.memory_space<vmem>>, vector<1x1x16xf32>,
      %get3A_1020 = arith.constant 3 : i32
      %get3A_1021 = arith.index_cast %get3A_1020 : i32 to index
      %get3A_1022 = arith.index_cast %add3A_919 : i32 to index
      %get3A_1023 = arith.constant 80 : index
      %get3A_1024 = tpu.vector_load %arg9[%get3A_1021, %get3A_1022, %get3A_1023] {strides = array<i32>} : memref<4x64x128xf32, #tpu.memory_space<vmem>>, vector<1x1x16xf32>,
      %get3A_1025 = vector.shape_cast %get3A_1024 : vector<1x1x16xf32> to vector<16xf32>
      %get3A_1026 = arith.constant 3 : i32
      %get3A_1027 = arith.index_cast %get3A_1026 : i32 to index
      %get3A_1028 = arith.index_cast %add3A_919 : i32 to index
      %get3A_1029 = arith.constant 80 : index
      %get3A_1030 = tpu.vector_load %arg10[%get3A_1027, %get3A_1028, %get3A_1029] {strides = array<i32>} : memref<4x64x128xf32, #tpu.memory_space<vmem>>, vector<1x1x16xf32>,
      %get3A_1031 = vector.shape_cast %get3A_1030 : vector<1x1x16xf32> to vector<16xf32>
      %mul3A_1032 = arith.mulf %get3A_1025, %get3A_1031 : vector<16xf32>
      %swap3A_1033 = arith.constant 3 : i32
      %swap3A_1034 = arith.index_cast %swap3A_1033 : i32 to index
      %swap3A_1035 = arith.index_cast %add3A_919 : i32 to index
      %swap3A_1036 = arith.constant 80 : index
      %swap3A_1037 = tpu.vector_load %arg11[%swap3A_1034, %swap3A_1035, %swap3A_1036] {strides = array<i32>} : memref<4x64x128xf32, #tpu.memory_space<vmem>>, vector<1x1x16xf32>,
      %swap3A_1038 = vector.shape_cast %swap3A_1037 : vector<1x1x16xf32> to vector<16xf32>
      %swap3A_1039 = vector.shape_cast %mul3A_1032 : vector<16xf32> to vector<1x1x16xf32>
      tpu.vector_store %arg11[%swap3A_1034, %swap3A_1035, %swap3A_1036], %swap3A_1039 {strides = array<i32>} : memref<4x64x128xf32, #tpu.memory_space<vmem>>, vector<1x1x16xf32>,
      %get3A_1040 = arith.constant 3 : i32
      %get3A_1041 = arith.index_cast %get3A_1040 : i32 to index
      %get3A_1042 = arith.index_cast %add3A_919 : i32 to index
      %get3A_1043 = arith.constant 96 : index
      %get3A_1044 = tpu.vector_load %arg9[%get3A_1041, %get3A_1042, %get3A_1043] {strides = array<i32>} : memref<4x64x128xf32, #tpu.memory_space<vmem>>, vector<1x1x16xf32>,
      %get3A_1045 = vector.shape_cast %get3A_1044 : vector<1x1x16xf32> to vector<16xf32>
      %get3A_1046 = arith.constant 3 : i32
      %get3A_1047 = arith.index_cast %get3A_1046 : i32 to index
      %get3A_1048 = arith.index_cast %add3A_919 : i32 to index
      %get3A_1049 = arith.constant 96 : index
      %get3A_1050 = tpu.vector_load %arg10[%get3A_1047, %get3A_1048, %get3A_1049] {strides = array<i32>} : memref<4x64x128xf32, #tpu.memory_space<vmem>>, vector<1x1x16xf32>,
      %get3A_1051 = vector.shape_cast %get3A_1050 : vector<1x1x16xf32> to vector<16xf32>
      %mul3A_1052 = arith.mulf %get3A_1045, %get3A_1051 : vector<16xf32>
      %swap3A_1053 = arith.constant 3 : i32
      %swap3A_1054 = arith.index_cast %swap3A_1053 : i32 to index
      %swap3A_1055 = arith.index_cast %add3A_919 : i32 to index
      %swap3A_1056 = arith.constant 96 : index
      %swap3A_1057 = tpu.vector_load %arg11[%swap3A_1054, %swap3A_1055, %swap3A_1056] {strides = array<i32>} : memref<4x64x128xf32, #tpu.memory_space<vmem>>, vector<1x1x16xf32>,
      %swap3A_1058 = vector.shape_cast %swap3A_1057 : vector<1x1x16xf32> to vector<16xf32>
      %swap3A_1059 = vector.shape_cast %mul3A_1052 : vector<16xf32> to vector<1x1x16xf32>
      tpu.vector_store %arg11[%swap3A_1054, %swap3A_1055, %swap3A_1056], %swap3A_1059 {strides = array<i32>} : memref<4x64x128xf32, #tpu.memory_space<vmem>>, vector<1x1x16xf32>,
      %get3A_1060 = arith.constant 3 : i32
      %get3A_1061 = arith.index_cast %get3A_1060 : i32 to index
      %get3A_1062 = arith.index_cast %add3A_919 : i32 to index
      %get3A_1063 = arith.constant 112 : index
      %get3A_1064 = tpu.vector_load %arg9[%get3A_1061, %get3A_1062, %get3A_1063] {strides = array<i32>} : memref<4x64x128xf32, #tpu.memory_space<vmem>>, vector<1x1x16xf32>,
      %get3A_1065 = vector.shape_cast %get3A_1064 : vector<1x1x16xf32> to vector<16xf32>
      %get3A_1066 = arith.constant 3 : i32
      %get3A_1067 = arith.index_cast %get3A_1066 : i32 to index
      %get3A_1068 = arith.index_cast %add3A_919 : i32 to index
      %get3A_1069 = arith.constant 112 : index
      %get3A_1070 = tpu.vector_load %arg10[%get3A_1067, %get3A_1068, %get3A_1069] {strides = array<i32>} : memref<4x64x128xf32, #tpu.memory_space<vmem>>, vector<1x1x16xf32>,
      %get3A_1071 = vector.shape_cast %get3A_1070 : vector<1x1x16xf32> to vector<16xf32>
      %mul3A_1072 = arith.mulf %get3A_1065, %get3A_1071 : vector<16xf32>
      %swap3A_1073 = arith.constant 3 : i32
      %swap3A_1074 = arith.index_cast %swap3A_1073 : i32 to index
      %swap3A_1075 = arith.index_cast %add3A_919 : i32 to index
      %swap3A_1076 = arith.constant 112 : index
      %swap3A_1077 = tpu.vector_load %arg11[%swap3A_1074, %swap3A_1075, %swap3A_1076] {strides = array<i32>} : memref<4x64x128xf32, #tpu.memory_space<vmem>>, vector<1x1x16xf32>,
      %swap3A_1078 = vector.shape_cast %swap3A_1077 : vector<1x1x16xf32> to vector<16xf32>
      %swap3A_1079 = vector.shape_cast %mul3A_1072 : vector<16xf32> to vector<1x1x16xf32>
      tpu.vector_store %arg11[%swap3A_1074, %swap3A_1075, %swap3A_1076], %swap3A_1079 {strides = array<i32>} : memref<4x64x128xf32, #tpu.memory_space<vmem>>, vector<1x1x16xf32>,
      %scan3A_1080 = arith.constant 0 : i32
      scf.yield %scan3A_1080 : i32
    }
    %scan3A_669 = arith.constant 32 : i32
    %add3A_670 = arith.constant 448 : i32
    %add3A_671 = arith.addi %mul3A_2, %add3A_670 : i32
    %dma_start3A_672 = arith.constant 3 : i32
    %dma_start3A_673 = arith.constant 3 : i32
    %dma_start3A_674 = arith.constant 0 : i32
    %dma_start3A_675 = arith.constant 0 : i32
    %dma_start3A_676 = tpu.memref_slice %arg11[%dma_start3A_672, %dma_start3A_674, %dma_start3A_675] : memref<4x64x128xf32, #tpu.memory_space<vmem>> -> memref<1x64x128xf32, #tpu.memory_space<vmem>>
    %dma_start3A_677 = tpu.memref_squeeze %dma_start3A_676 : memref<1x64x128xf32, #tpu.memory_space<vmem>> -> memref<64x128xf32, #tpu.memory_space<vmem>>
    %dma_start3A_678 = arith.constant 0 : i32
    %dma_start3A_679 = tpu.memref_slice %arg6[%add3A_671, %dma_start3A_678] : memref<16384x128xf32, #tpu.memory_space<hbm>> -> memref<64x128xf32, #tpu.memory_space<hbm>>
    %dma_start3A_680 = tpu.memref_slice %arg14[%dma_start3A_673] : memref<4x!tpu.dma_semaphore, #tpu.memory_space<semaphore_mem>> -> memref<1x!tpu.dma_semaphore, #tpu.memory_space<semaphore_mem>>
    %dma_start3A_681 = tpu.memref_squeeze %dma_start3A_680 : memref<1x!tpu.dma_semaphore, #tpu.memory_space<semaphore_mem>> -> memref<!tpu.dma_semaphore, #tpu.memory_space<semaphore_mem>>
    %dma_start3A_682 = arith.constant 0 : i32
    %dma_start3A_683 = tpu.memref_slice %arg6[%add3A_671, %dma_start3A_682] : memref<16384x128xf32, #tpu.memory_space<hbm>> -> memref<64x128xf32, #tpu.memory_space<hbm>>
    %dma_start3A_684 = arith.constant 0 : i32
    %dma_start3A_685 = arith.constant 0 : i32
    %dma_start3A_686 = tpu.memref_slice %arg11[%dma_start3A_672, %dma_start3A_684, %dma_start3A_685] : memref<4x64x128xf32, #tpu.memory_space<vmem>> -> memref<1x64x128xf32, #tpu.memory_space<vmem>>
    %dma_start3A_687 = tpu.memref_squeeze %dma_start3A_686 : memref<1x64x128xf32, #tpu.memory_space<vmem>> -> memref<64x128xf32, #tpu.memory_space<vmem>>
    tpu.enqueue_dma source(%dma_start3A_687 : memref<64x128xf32, #tpu.memory_space<vmem>>) target(%dma_start3A_683 : memref<64x128xf32, #tpu.memory_space<hbm>>) target_semaphore(%dma_start3A_681 : memref<!tpu.dma_semaphore, #tpu.memory_space<semaphore_mem>>)
    %dma_wait3A_688 = arith.constant 0 : i32
    %dma_wait3A_689 = arith.constant 0 : i32
    %dma_wait3A_690 = arith.constant 0 : i32
    %dma_wait3A_691 = arith.constant 0 : i32
    %dma_wait3A_692 = tpu.memref_slice %arg11[%dma_wait3A_688, %dma_wait3A_690, %dma_wait3A_691] : memref<4x64x128xf32, #tpu.memory_space<vmem>> -> memref<1x64x128xf32, #tpu.memory_space<vmem>>
    %dma_wait3A_693 = tpu.memref_squeeze %dma_wait3A_692 : memref<1x64x128xf32, #tpu.memory_space<vmem>> -> memref<64x128xf32, #tpu.memory_space<vmem>>
    %dma_wait3A_694 = arith.constant 0 : i32
    %dma_wait3A_695 = tpu.memref_slice %arg6[%add3A_470, %dma_wait3A_694] : memref<16384x128xf32, #tpu.memory_space<hbm>> -> memref<64x128xf32, #tpu.memory_space<hbm>>
    %dma_wait3A_696 = tpu.memref_slice %arg14[%dma_wait3A_689] : memref<4x!tpu.dma_semaphore, #tpu.memory_space<semaphore_mem>> -> memref<1x!tpu.dma_semaphore, #tpu.memory_space<semaphore_mem>>
    %dma_wait3A_697 = tpu.memref_squeeze %dma_wait3A_696 : memref<1x!tpu.dma_semaphore, #tpu.memory_space<semaphore_mem>> -> memref<!tpu.dma_semaphore, #tpu.memory_space<semaphore_mem>>
    %dma_wait3A_698 = arith.constant 0 : i32
    %dma_wait3A_699 = tpu.memref_slice %arg6[%add3A_470, %dma_wait3A_698] : memref<16384x128xf32, #tpu.memory_space<hbm>> -> memref<64x128xf32, #tpu.memory_space<hbm>>
    %dma_wait3A_700 = arith.constant 0 : i32
    %dma_wait3A_701 = arith.constant 0 : i32
    %dma_wait3A_702 = tpu.memref_slice %arg11[%dma_wait3A_688, %dma_wait3A_700, %dma_wait3A_701] : memref<4x64x128xf32, #tpu.memory_space<vmem>> -> memref<1x64x128xf32, #tpu.memory_space<vmem>>
    %dma_wait3A_703 = tpu.memref_squeeze %dma_wait3A_702 : memref<1x64x128xf32, #tpu.memory_space<vmem>> -> memref<64x128xf32, #tpu.memory_space<vmem>>
    tpu.wait_dma2 semaphore(%dma_wait3A_697 : memref<!tpu.dma_semaphore, #tpu.memory_space<semaphore_mem>>) src(%dma_wait3A_703 : memref<64x128xf32, #tpu.memory_space<vmem>>) dst(%dma_wait3A_699 : memref<64x128xf32, #tpu.memory_space<hbm>>)
    %dma_wait3A_704 = arith.constant 1 : i32
    %dma_wait3A_705 = arith.constant 1 : i32
    %dma_wait3A_706 = arith.constant 0 : i32
    %dma_wait3A_707 = arith.constant 0 : i32
    %dma_wait3A_708 = tpu.memref_slice %arg11[%dma_wait3A_704, %dma_wait3A_706, %dma_wait3A_707] : memref<4x64x128xf32, #tpu.memory_space<vmem>> -> memref<1x64x128xf32, #tpu.memory_space<vmem>>
    %dma_wait3A_709 = tpu.memref_squeeze %dma_wait3A_708 : memref<1x64x128xf32, #tpu.memory_space<vmem>> -> memref<64x128xf32, #tpu.memory_space<vmem>>
    %dma_wait3A_710 = arith.constant 0 : i32
    %dma_wait3A_711 = tpu.memref_slice %arg6[%add3A_537, %dma_wait3A_710] : memref<16384x128xf32, #tpu.memory_space<hbm>> -> memref<64x128xf32, #tpu.memory_space<hbm>>
    %dma_wait3A_712 = tpu.memref_slice %arg14[%dma_wait3A_705] : memref<4x!tpu.dma_semaphore, #tpu.memory_space<semaphore_mem>> -> memref<1x!tpu.dma_semaphore, #tpu.memory_space<semaphore_mem>>
    %dma_wait3A_713 = tpu.memref_squeeze %dma_wait3A_712 : memref<1x!tpu.dma_semaphore, #tpu.memory_space<semaphore_mem>> -> memref<!tpu.dma_semaphore, #tpu.memory_space<semaphore_mem>>
    %dma_wait3A_714 = arith.constant 0 : i32
    %dma_wait3A_715 = tpu.memref_slice %arg6[%add3A_537, %dma_wait3A_714] : memref<16384x128xf32, #tpu.memory_space<hbm>> -> memref<64x128xf32, #tpu.memory_space<hbm>>
    %dma_wait3A_716 = arith.constant 0 : i32
    %dma_wait3A_717 = arith.constant 0 : i32
    %dma_wait3A_718 = tpu.memref_slice %arg11[%dma_wait3A_704, %dma_wait3A_716, %dma_wait3A_717] : memref<4x64x128xf32, #tpu.memory_space<vmem>> -> memref<1x64x128xf32, #tpu.memory_space<vmem>>
    %dma_wait3A_719 = tpu.memref_squeeze %dma_wait3A_718 : memref<1x64x128xf32, #tpu.memory_space<vmem>> -> memref<64x128xf32, #tpu.memory_space<vmem>>
    tpu.wait_dma2 semaphore(%dma_wait3A_713 : memref<!tpu.dma_semaphore, #tpu.memory_space<semaphore_mem>>) src(%dma_wait3A_719 : memref<64x128xf32, #tpu.memory_space<vmem>>) dst(%dma_wait3A_715 : memref<64x128xf32, #tpu.memory_space<hbm>>)
    %dma_wait3A_720 = arith.constant 2 : i32
    %dma_wait3A_721 = arith.constant 2 : i32
    %dma_wait3A_722 = arith.constant 0 : i32
    %dma_wait3A_723 = arith.constant 0 : i32
    %dma_wait3A_724 = tpu.memref_slice %arg11[%dma_wait3A_720, %dma_wait3A_722, %dma_wait3A_723] : memref<4x64x128xf32, #tpu.memory_space<vmem>> -> memref<1x64x128xf32, #tpu.memory_space<vmem>>
    %dma_wait3A_725 = tpu.memref_squeeze %dma_wait3A_724 : memref<1x64x128xf32, #tpu.memory_space<vmem>> -> memref<64x128xf32, #tpu.memory_space<vmem>>
    %dma_wait3A_726 = arith.constant 0 : i32
    %dma_wait3A_727 = tpu.memref_slice %arg6[%add3A_604, %dma_wait3A_726] : memref<16384x128xf32, #tpu.memory_space<hbm>> -> memref<64x128xf32, #tpu.memory_space<hbm>>
    %dma_wait3A_728 = tpu.memref_slice %arg14[%dma_wait3A_721] : memref<4x!tpu.dma_semaphore, #tpu.memory_space<semaphore_mem>> -> memref<1x!tpu.dma_semaphore, #tpu.memory_space<semaphore_mem>>
    %dma_wait3A_729 = tpu.memref_squeeze %dma_wait3A_728 : memref<1x!tpu.dma_semaphore, #tpu.memory_space<semaphore_mem>> -> memref<!tpu.dma_semaphore, #tpu.memory_space<semaphore_mem>>
    %dma_wait3A_730 = arith.constant 0 : i32
    %dma_wait3A_731 = tpu.memref_slice %arg6[%add3A_604, %dma_wait3A_730] : memref<16384x128xf32, #tpu.memory_space<hbm>> -> memref<64x128xf32, #tpu.memory_space<hbm>>
    %dma_wait3A_732 = arith.constant 0 : i32
    %dma_wait3A_733 = arith.constant 0 : i32
    %dma_wait3A_734 = tpu.memref_slice %arg11[%dma_wait3A_720, %dma_wait3A_732, %dma_wait3A_733] : memref<4x64x128xf32, #tpu.memory_space<vmem>> -> memref<1x64x128xf32, #tpu.memory_space<vmem>>
    %dma_wait3A_735 = tpu.memref_squeeze %dma_wait3A_734 : memref<1x64x128xf32, #tpu.memory_space<vmem>> -> memref<64x128xf32, #tpu.memory_space<vmem>>
    tpu.wait_dma2 semaphore(%dma_wait3A_729 : memref<!tpu.dma_semaphore, #tpu.memory_space<semaphore_mem>>) src(%dma_wait3A_735 : memref<64x128xf32, #tpu.memory_space<vmem>>) dst(%dma_wait3A_731 : memref<64x128xf32, #tpu.memory_space<hbm>>)
    %dma_wait3A_736 = arith.constant 3 : i32
    %dma_wait3A_737 = arith.constant 3 : i32
    %dma_wait3A_738 = arith.constant 0 : i32
    %dma_wait3A_739 = arith.constant 0 : i32
    %dma_wait3A_740 = tpu.memref_slice %arg11[%dma_wait3A_736, %dma_wait3A_738, %dma_wait3A_739] : memref<4x64x128xf32, #tpu.memory_space<vmem>> -> memref<1x64x128xf32, #tpu.memory_space<vmem>>
    %dma_wait3A_741 = tpu.memref_squeeze %dma_wait3A_740 : memref<1x64x128xf32, #tpu.memory_space<vmem>> -> memref<64x128xf32, #tpu.memory_space<vmem>>
    %dma_wait3A_742 = arith.constant 0 : i32
    %dma_wait3A_743 = tpu.memref_slice %arg6[%add3A_671, %dma_wait3A_742] : memref<16384x128xf32, #tpu.memory_space<hbm>> -> memref<64x128xf32, #tpu.memory_space<hbm>>
    %dma_wait3A_744 = tpu.memref_slice %arg14[%dma_wait3A_737] : memref<4x!tpu.dma_semaphore, #tpu.memory_space<semaphore_mem>> -> memref<1x!tpu.dma_semaphore, #tpu.memory_space<semaphore_mem>>
    %dma_wait3A_745 = tpu.memref_squeeze %dma_wait3A_744 : memref<1x!tpu.dma_semaphore, #tpu.memory_space<semaphore_mem>> -> memref<!tpu.dma_semaphore, #tpu.memory_space<semaphore_mem>>
    %dma_wait3A_746 = arith.constant 0 : i32
    %dma_wait3A_747 = tpu.memref_slice %arg6[%add3A_671, %dma_wait3A_746] : memref<16384x128xf32, #tpu.memory_space<hbm>> -> memref<64x128xf32, #tpu.memory_space<hbm>>
    %dma_wait3A_748 = arith.constant 0 : i32
    %dma_wait3A_749 = arith.constant 0 : i32
    %dma_wait3A_750 = tpu.memref_slice %arg11[%dma_wait3A_736, %dma_wait3A_748, %dma_wait3A_749] : memref<4x64x128xf32, #tpu.memory_space<vmem>> -> memref<1x64x128xf32, #tpu.memory_space<vmem>>
    %dma_wait3A_751 = tpu.memref_squeeze %dma_wait3A_750 : memref<1x64x128xf32, #tpu.memory_space<vmem>> -> memref<64x128xf32, #tpu.memory_space<vmem>>
    tpu.wait_dma2 semaphore(%dma_wait3A_745 : memref<!tpu.dma_semaphore, #tpu.memory_space<semaphore_mem>>) src(%dma_wait3A_751 : memref<64x128xf32, #tpu.memory_space<vmem>>) dst(%dma_wait3A_747 : memref<64x128xf32, #tpu.memory_space<hbm>>)
    return
  }
}

</mosaic_0001>

<sc_bundles>
// kernel: kernel.3.cloned.1.call-start
scs
__scs_entry_jumppad:
0x0: {  	(pc) =	sbr.rel $0x88, $3  }
0x1: {  	(tag) =	ssettag $0x0;
	lr =	simm.s32 $0x1  }
0x2: {  	[smem:$0x3F9D] =	sst lr;
	_ =	strace $0xD0000000  }
0x3: {  	_ = 	snop  }
0x4: {  	_ = 	snop  }
0x5: {  	_ = 	snop  }
0x6: {  	_ = 	snop  }
0x7: {  	_ = 	snop  }
__scs_overlays_trampoline_lowered:
0x8: {  	[smem:$0x3FAC] =	sst s0  }
0x9: {  	[smem:$0x3FAD] =	sst s1  }
0xa: {  	[smem:$0x3FAE] =	sst s2  }
0xb: {  	[smem:$0x3FAF] =	sst s3  }
0xc: {  	[smem:$0x3FB0] =	sst s4  }
0xd: {  	[smem:$0x3FB1] =	sst s5  }
0xe: {  	[smem:$0x3FB2] =	sst s6  }
0xf: {  	[smem:$0x3FB3] =	sst s7  }
0x10: {  	[smem:$0x3FB4] =	sst s8  }
0x11: {  	[smem:$0x3FB5] =	sst s9;
	s0 =	simm.s32 @!p0 $0x0  }
0x12: {  	s1 =	sld [smem:$0x3F9B];
	s0 =	simm.s32 @p0 $0x1  }
0x13: {  	[smem:$0x3FB6] =	sst s0;
	s0 =	simm.s32 @!p1 $0x0  }
0x14: {  	s2 =	sld [smem:$0x3F9A];
	s0 =	simm.s32 @p1 $0x1  }
0x15: {  	[smem:$0x3FB7] =	sst s0;
	s0 =	simm.s32 @!p2 $0x0  }
0x16: {  	s3 =	sld [smem:$0x3FDB];
	s0 =	simm.s32 @p2 $0x1  }
0x17: {  	s4 =	simm.s32 $0x1BF5;
	[smem:$0x3FB9] =	sst s0  }
0x18: {  	s0 =	sld [smem:$0x3F9C];
	_ =	swait.ge [sflag:s4], $0x0  }
0x19: {  	s7 =	sld [smem:$0x3F9D]  }
0x1a: {  	s8 =	sadd.s32 $0xFFFFE003, lr  }
0x1b: {  	s9 =	sadd.s32 $0xFFFFFEF7, lr;
	s5 =	simm.s32 $0xFFFFFFFF;
	p2 =	slt.u32 s8, $0xFFFFF086  }
0x1c: {  	p1 =	slt.u32 s9, $0xF7A;
	s5 =	simm.s32 @!p2 $0x0  }
0x1d: {  	s5 =	simm.s32 @p1 $0x1;
	p0 =	seq.s32 s7, s2  }
0x1e: {  	s7 =	smul.u32 @!p0 $0xF7A, s2;
	p2 =	seq.s32 @!p0 s5, $0x0  }
0x1f: {  	s9 =	smul.u32 $0xF7A, s1;
	s8 =	simm.s32 @!p0 $0x1BF5;
	p2 =	por !p2, p0  }
0x20: {  	[sflag:s8] =	ssyncset.s32 @!p0 $0xFFFFF086;
	s6 =	sadd.s32 @!p0 s3, s7;
	s7 =	simm.s32 @!p0 $0x108  }
0x21: {  	s3 =	sadd.s32 s3, s9;
	s6 =	sadd.s32 @!p0 $0x88, s6;
	s7 =	simm.s32 @p2 $0x1082  }
0x22: {  	[simem:s7], [sflag:s8] =	dma.local @!p0 [hbm:s6], $0xF7A  }
0x23: {  	s9 =	sor.u32 $0xD0000000, s2;
	s6 =	simm.s32 $0x108;
	_ =	swait.ge @!p0 [sflag:s8], $0x0  }
0x24: {  	s3 =	sadd.s32 $0x88, s3;
	s6 =	simm.s32 @!p1 $0x1082;
	[sflag:s4] =	ssyncset.s32 $0xFFFFF086  }
0x25: {  	[simem:s6], [sflag:s4] =	dma.local [hbm:s3], $0xF7A  }
0x26: {  	[smem:$0x3F9D] =	sst s1;
	(tag) =	ssettag s2;
	_ =	strace s9  }
0x27: {  	s1 =	sld [smem:$0x3FAD]  }
0x28: {  	s2 =	sld [smem:$0x3FAE]  }
0x29: {  	s4 =	sld [smem:$0x3FB0]  }
0x2a: {  	p0 =	seq.s32 s5, $0x0;
	s5 =	sld [smem:$0x3FB1]  }
0x2b: {  	s6 =	sld [smem:$0x3FB2]  }
0x2c: {  	s7 =	sld [smem:$0x3FB3]  }
0x2d: {  	s3 =	simm.s32 $0x108;
	s8 =	sld [smem:$0x3FB4]  }
0x2e: {  	s3 =	simm.s32 @!p0 $0x1082;
	s9 =	sld [smem:$0x3FB5]  }
0x2f: {  	lr =	sadd.s32 s0, s3;
	s0 =	sld [smem:$0x3FAC]  }
0x30: {  	s3 =	sld [smem:$0x3FAF]  }
0x31: {  	[smem:$0x3FB8] =	sst s10  }
0x32: {  	s10 =	sld [smem:$0x3FB6];
	_ =	sdelay $0x3  }
0x33: {  	p0 =	seq.s32 s10, $0x1;
	s10 =	sld [smem:$0x3FB8];
	_ =	sdelay $0x3  }
0x34: {  	[smem:$0x3FB8] =	sst s10  }
0x35: {  	s10 =	sld [smem:$0x3FB7];
	_ =	sdelay $0x3  }
0x36: {  	p1 =	seq.s32 s10, $0x1;
	s10 =	sld [smem:$0x3FB8];
	_ =	sdelay $0x3  }
0x37: {  	[smem:$0x3FB8] =	sst s10  }
0x38: {  	s10 =	sld [smem:$0x3FB9]  }
0x39: {  	_ = 	snop;
	(pc) =	sbr.ind lr, $3  }
0x3a: {  	_ = 	snop  }
0x3b: {  	_ = 	snop  }
0x3c: {  	p2 =	seq.s32 s10, $0x1;
	s10 =	sld [smem:$0x3FB8]  }
0x3d: {  	_ =	shalt  }
0x3e: {  	_ =	shalt  }
0x3f: {  	_ =	shalt  }
0x40: {  	_ =	shalt  }
0x41: {  	_ =	shalt  }
0x42: {  	_ =	shalt  }
0x43: {  	_ =	shalt  }
0x44: {  	_ =	shalt  }
0x45: {  	_ =	shalt  }
0x46: {  	_ =	shalt  }
0x47: {  	_ =	shalt  }
0x48: {  	_ =	shalt  }
0x49: {  	_ =	shalt  }
0x4a: {  	_ =	shalt  }
0x4b: {  	_ =	shalt  }
0x4c: {  	_ =	shalt  }
0x4d: {  	_ =	shalt  }
0x4e: {  	_ =	shalt  }
0x4f: {  	_ =	shalt  }
0x50: {  	_ =	shalt  }
0x51: {  	_ =	shalt  }
0x52: {  	_ =	shalt  }
0x53: {  	_ =	shalt  }
0x54: {  	_ =	shalt  }
0x55: {  	_ =	shalt  }
0x56: {  	_ =	shalt  }
0x57: {  	_ =	shalt  }
0x58: {  	_ =	shalt  }
0x59: {  	_ =	shalt  }
0x5a: {  	_ =	shalt  }
0x5b: {  	_ =	shalt  }
0x5c: {  	_ =	shalt  }
0x5d: {  	_ =	shalt  }
0x5e: {  	_ =	shalt  }
0x5f: {  	_ =	shalt  }
0x60: {  	_ =	shalt  }
0x61: {  	_ =	shalt  }
0x62: {  	_ =	shalt  }
0x63: {  	_ =	shalt  }
0x64: {  	_ =	shalt  }
0x65: {  	_ =	shalt  }
0x66: {  	_ =	shalt  }
0x67: {  	_ =	shalt  }
0x68: {  	_ =	shalt  }
0x69: {  	_ =	shalt  }
0x6a: {  	_ =	shalt  }
0x6b: {  	_ =	shalt  }
0x6c: {  	_ =	shalt  }
0x6d: {  	_ =	shalt  }
0x6e: {  	_ =	shalt  }
0x6f: {  	_ =	shalt  }
0x70: {  	_ =	shalt  }
0x71: {  	_ =	shalt  }
0x72: {  	_ =	shalt  }
0x73: {  	_ =	shalt  }
0x74: {  	_ =	shalt  }
0x75: {  	_ =	shalt  }
0x76: {  	_ =	shalt  }
0x77: {  	_ =	shalt  }
0x78: {  	_ =	shalt  }
0x79: {  	_ =	shalt  }
0x7a: {  	_ =	shalt  }
0x7b: {  	_ =	shalt  }
0x7c: {  	_ =	shalt  }
0x7d: {  	_ =	shalt  }
0x7e: {  	_ =	shalt  }
0x7f: {  	_ =	shalt  }
0x80: {  	_ =	shalt  }
0x81: {  	_ =	shalt  }
0x82: {  	_ =	shalt  }
0x83: {  	_ =	shalt  }
0x84: {  	_ =	shalt  }
0x85: {  	_ =	shalt  }
0x86: {  	_ =	shalt  }
0x87: {  	_ =	shalt  }
.Lfunc_end0:
.L_simem_size_0:
called_computation_lowered:
.L_overlay_start_0:
0x88: {  	s2 =	sld [smem:$0x3FD9]  }
0x89: {  	s3 =	sld [smem:$0x3FFE];
	_ =	sdelay $0x1  }
0x8a: {  	s1 =	srdreg.scid  }
0x8b: {  	s0 =	sand.u32 $0x1, s1  }
0x8c: {  	s18 =	sshll.u32 s0, $0xA;
	s2 =	sadd.s32 s3, s2  }
0x8d: {  	s2 =	sadd.s32 s2, s18  }
0x8e: {  	[smem:$0x3FC4] =	sst s2  }
0x8f: {  	_ = 	snop  }
0x90: {  	s2 =	sld [smem:$0x3FC9]  }
0x91: {  	s19 =	sld [smem:$0x3FC8]  }
0x92: {  	s4 =	sld [smem:$0x3FC7]  }
0x93: {  	s5 =	sld [smem:$0x3FC6]  }
0x94: {  	s6 =	sld [smem:$0x3FD0];
	(tm) =	ssettm $0x1  }
0x95: {  	s7 =	sld [smem:$0x3FFB];
	_ =	sdelay $0x3  }
0x96: {  	_ =	strace s7  }
0x97: {  	s7 =	sld [smem:$0x3FFC];
	_ =	sdelay $0x3  }
0x98: {  	_ =	strace s7  }
0x99: {  	s7 =	sld [smem:$0x3FFD];
	_ =	sdelay $0x3  }
0x9a: {  	_ =	strace s7  }
0x9b: {  	_ =	strace $0x8FFFFFFF  }
0x9c: {  	s20 =	sld [smem:$0x3FDB];
	_ =	sdelay $0x1  }
0x9d: {  	s8 =	simm.s32 $_scs_section_size  }
0x9e: {  	s9 =	simm.s32 $_size__tile_overlayer_lowered;
	s10 =	simm.s32 $_tile_overlayer_lowered  }
0x9f: {  	s23 =	simm.s32 $0x1BFF;
	s22 =	sshll.u32 s10, $0x1;
	s7 =	sadd.s32 s8, s20  }
0xa0: {  	s11 =	simm.s32 $0x0;
	s21 =	sshll.u32 s9, $0x1;
	s9 =	sadd.s32 s22, s7  }
0xa1: {  	[timem:s11], [sflag:s23] =	dma.local [hbm:s9], s21  }
0xa2: {  	_ =	swait.ge [sflag:s23], s21  }
0xa3: {  	s8 =	ssub.s32 $0x0, s21;
	[sflag:s23] =	ssyncset.done $0x0  }
0xa4: {  	[sflag:s23] =	ssyncadd.s32 s8;
	_ =	sdelay $0x1  }
0xa5: {  	s24 =	simm.s32 $0x1B8B  }
0xa6: {  	_ =	swait.ge [sflag:s24], $0x1  }
0xa7: {  	[sflag:s24] =	ssyncset.done $0x0  }
0xa8: {  	s25 =	simm.s32 $0x1B8E;
	[sflag:s24] =	ssyncadd.s32 $0xFFFFFFFF  }
0xa9: {  	s26 =	simm.s32 $execute0_lowered;
	[smem:$0x3FD2] =	sst s25  }
0xaa: {  	s8 =	sshll.u32 s26, $0x1;
	_ =	strace $0x80000046;
	[dreg:$0x1] =	wrdreg $0xFFFFFFFF  }
0xab: {  	s28 =	simm.s32 $_size_execute0_lowered;
	s7 =	sadd.s32 s7, s8;
	[dreg:$0x0] =	wrdreg $0x0  }
0xac: {  	s8 =	sshll.u32 s28, $0x1;
	[dreg:$0x2] =	wrdreg s7  }
0xad: {  	[dreg:$0x3] =	wrdreg s8  }
0xae: {  	[dreg:$0x4] =	wrdreg $0xC0  }
0xaf: {  	_ =	task [dreg:s11], $0x5FFFF  }
0xb0: {  	[dreg:$0x1] =	wrdreg $0xFFFFFFFF  }
0xb1: {  	[dreg:$0x0] =	wrdreg $0x60  }
0xb2: {  	[dreg:$0x2] =	wrdreg s2  }
0xb3: {  	[dreg:$0x3] =	wrdreg s19  }
0xb4: {  	[dreg:$0x4] =	wrdreg s4  }
0xb5: {  	[dreg:$0x5] =	wrdreg s5  }
0xb6: {  	[dreg:$0x6] =	wrdreg s6  }
0xb7: {  	[dreg:$0x7] =	wrdreg $0x9  }
0xb8: {  	_ =	task.clear_ibuf [dreg:s11], $0x8FFFF;
	_ =	strace $0x90000046  }
0xb9: {  	s29 =	simm.s32 $0x9;
	_ =	strace $0x80000048  }
0xba: {  	_ =	swait.ge [sflag:s29], $0x1  }
0xbb: {  	[sflag:s29] =	ssyncadd.s32 $0xFFFFFFFF  }
0xbc: {  	_ =	strace $0x90000048  }
0xbd: {  	_ =	sfence  }
0xbe: {  	s30 =	sld [smem:$0x0];
	_ =	sdelay $0x2  }
0xbf: {  	s31 =	sshll.u32 s1, $0xD;
	s1 =	sshrl.u32 s1, $0x2  }
0xc0: {  	s3 =	sand.u32 $0x4000, s31;
	s1 =	sadd.s32 s1, s30  }
0xc1: {  	s0 =	sor.u32 s3, s0;
	s1 =	sshll.u32 s1, $0x11  }
0xc2: {  	s0 =	sor.u32 s1, s0  }
0xc3: {  	s0 =	sadd.s32 $0x8F2B, s0  }
0xc4: {  	[sflag:s0] =	ssyncadd.remote.s32 $0x1  }
0xc5: {  	_ =	sfence.sel $0xFFFF  }
0xc6: {  	[dreg:$0x0] =	wrdreg $0xFFFFFFFF;
	(pc) =	sbr.abs _section_cstart, $3  }
0xc7: {  	[dreg:$0x1] =	wrdreg $0xFFFFFFFF  }
0xc8: {  	_ =	task.clear_ibuf [dreg:s11], $0x2FFFF;
	_ =	strace $0x9FFFFFFF  }
0xc9: {  	(tm) =	ssettm $0x7FFFFFFF  }
tec
execute0_lowered:
.L_overlay_start_1:
0x0: {  	(tag) =	ssettag $0x1  }
0x1: {  	s0 =	rddreg [dreg:$0x0]  }
0x2: {  	s2 =	rddreg [dreg:$0x1]  }
0x3: {  	s1 =	rddreg [dreg:$0x2]  }
0x4: {  	s3 =	rddreg [dreg:$0x3]  }
0x5: {  	s5 =	rddreg [dreg:$0x4]  }
0x6: {  	s4 =	srdreg.scid;
	s7 =	stileid.u32  }
0x7: {  	s17 =	simm.s32 $0xD;
	s18 =	simm.s32 $0x40;
	s22 =	simm.s32 $0x5  }
0x8: {  	s31 =	simm.s32 $0x2;
	s16 =	simm.s32 $0x3;
	s19 =	simm.s32 $0x7  }
0x9: {  	s20 =	simm.s32 $0x14400;
	s21 =	simm.s32 $0x4;
	s28 =	simm.s32 $0x9  }
0xa: {  	s30 =	simm.s32 $0xA;
	s29 =	simm.s32 $0xC;
	s6 =	sand.u32 $0x1, s4  }
0xb: {  	s4 =	simm.s32 $0x0;
	s7 =	sshll.u32 s7, $0xA;
	s8 =	sshll.u32 s6, $0x9  }
0xc: {  	[smem:$0x7FF] =	sst s4;
	s6 =	ssub.s32 $0x2, s6;
	s7 =	sor.u32 s8, s7  }
0xd: {  	_ =	strace $0x80000047;
	s23 =	sshrl.u32 s6, $0x1;
	s9 =	sshll.u32 s7, $0x4  }
0xe: {  	s6 =	ssub.s32 s6, s23;
	s7 =	sshrl.u32 s7, $0x3;
	s23 =	simm.s32 $0x8  }
0xf: {  	s5 =	sadd.s32 s5, s9;
	s0 =	sadd.s32 s0, s7;
	s24 =	sadd.s32 s2, s7  }
0x10: {  	s15 =	smax.u32 s6, $0x1;
	s2 =	simm.s32 $0x1;
	[dreg:$0x6] =	wrdreg s0  }
0x11: {  	s6 =	simm.s32 $0x0;
	[dreg:$0x7] =	wrdreg s24;
	s25 =	sadd.s32 $0x400, s5  }
0x12: {  	s26 =	sadd.s32 $0x800, s5;
	s10 =	sadd.s32 $0xC00, s5;
	s11 =	sadd.s32 $0x1000, s5  }
0x13: {  	s12 =	sadd.s32 $0x1400, s5;
	s13 =	sadd.s32 $0x1800, s5;
	s14 =	sadd.s32 $0x1C00, s5  }
0x14: {  	s24 =	simm.s32 $0x6;
	s0 =	simm.s32 $0xB;
	[dreg:$0x8] =	wrdreg s25  }
0x15: {  	[dreg:$0x9] =	wrdreg s26;
	s26 =	simm.s32 $0x12400;
	s25 =	simm.s32 $0x16400  }
.LBB2_1:
0x16: {  	s7 =	rddreg [dreg:$0x6]  }
0x17: {  	[tilespmem:s4], [sflag:$0xD] =	stream.linear.gather [hbm4b:s7+s4], $0x200, $0x38;
	[tilespmem:$0x18400] =	vst v63  }
0x18: {  	s9 =	rddreg [dreg:$0x7];
	s8 =	simm.s32 $0x200  }
0x19: {  	[tilespmem:s8], [sflag:$0xD] =	stream.linear.gather [hbm4b:s9+s4], $0x200, $0x38;
	[tilespmem:$0x18400] =	vst v63  }
0x1a: {  	_ =	swait.ge [sflag:s17], $0x200  }
0x1b: {  	[sflag:s17] =	ssyncset.done $0x0  }
0x1c: {  	[sflag:s17] =	ssyncadd.s32 $0xFFFFFE00  }
0x1d: {  	_ =	swait.ge [sflag:s17], $0x200  }
0x1e: {  	[sflag:s17] =	ssyncset.done $0x0  }
0x1f: {  	s9 =	simm.s32 $0x400;
	[sflag:s17] =	ssyncadd.s32 $0xFFFFFE00  }
0x20: {  	[tilespmem:s9], [sflag:$0x1] =	stream.indirect.gather [hbm4b:s1+s18], $0x80, s4, s18, $0xb8;
	[tilespmem:$0x18400] =	vst v63  }
0x21: {  	s9 =	simm.s32 $0x8400  }
0x22: {  	[tilespmem:s9], [sflag:$0x5] =	stream.indirect.gather [hbm4b:s3+s18], $0x80, s8, s18, $0xb8;
	[tilespmem:$0x18400] =	vst v63  }
0x23: {  	s9 =	simm.s32 $0x2400  }
0x24: {  	[tilespmem:s9], [sflag:$0x2] =	stream.indirect.gather [hbm4b:s1+s18], $0x80, s18, s18, $0xb8;
	[tilespmem:$0x18400] =	vst v63  }
0x25: {  	s8 =	simm.s32 $0x240;
	s9 =	simm.s32 $0xA400  }
0x26: {  	[tilespmem:s9], [sflag:$0x6] =	stream.indirect.gather [hbm4b:s3+s18], $0x80, s8, s18, $0xb8;
	[tilespmem:$0x18400] =	vst v63  }
0x27: {  	s8 =	simm.s32 $0x80;
	s9 =	simm.s32 $0x4400  }
0x28: {  	[tilespmem:s9], [sflag:$0x3] =	stream.indirect.gather [hbm4b:s1+s18], $0x80, s8, s18, $0xb8;
	[tilespmem:$0x18400] =	vst v63  }
0x29: {  	s8 =	simm.s32 $0x280;
	s9 =	simm.s32 $0xC400  }
0x2a: {  	[tilespmem:s9], [sflag:$0x7] =	stream.indirect.gather [hbm4b:s3+s18], $0x80, s8, s18, $0xb8;
	[tilespmem:$0x18400] =	vst v63  }
0x2b: {  	s8 =	simm.s32 $0xC0;
	s9 =	simm.s32 $0x6400  }
0x2c: {  	[tilespmem:s9], [sflag:$0x4] =	stream.indirect.gather [hbm4b:s1+s18], $0x80, s8, s18, $0xb8;
	[tilespmem:$0x18400] =	vst v63  }
0x2d: {  	s8 =	simm.s32 $0x2C0;
	s9 =	simm.s32 $0xE400  }
0x2e: {  	[tilespmem:s9], [sflag:$0x8] =	stream.indirect.gather [hbm4b:s3+s18], $0x80, s8, s18, $0xb8;
	[tilespmem:$0x18400] =	vst v63  }
0x2f: {  	_ =	swait.ge [sflag:s2], $0x2000  }
0x30: {  	[sflag:s2] =	ssyncset.done $0x0  }
0x31: {  	[sflag:s2] =	ssyncadd.s32 $0xFFFFE000  }
0x32: {  	_ =	swait.ge [sflag:s22], $0x2000  }
0x33: {  	[sflag:s22] =	ssyncset.done $0x0  }
0x34: {  	s7 =	simm.s32 $0x0;
	[sflag:s22] =	ssyncadd.s32 $0xFFFFE000  }
0x35: {  	v0 =	vld [tilespmem:s7+$0x4F0]  }
0x36: {  	v1 =	vld [tilespmem:s7+$0x84F0]  }
0x37: {  	v2 =	vld [tilespmem:s7+$0x400]  }
0x38: {  	v3 =	vld [tilespmem:s7+$0x8400]  }
0x39: {  	v4 =	vld [tilespmem:s7+$0x410]  }
0x3a: {  	v5 =	vld [tilespmem:s7+$0x8410]  }
0x3b: {  	v6 =	vld [tilespmem:s7+$0x420]  }
0x3c: {  	v7 =	vld [tilespmem:s7+$0x430]  }
0x3d: {  	v0 =	vmul.f32 v1, v0;
	v1 =	vld [tilespmem:s7+$0x8420]  }
0x3e: {  	v2 =	vmul.f32 v3, v2;
	v3 =	vld [tilespmem:s7+$0x440]  }
0x3f: {  	[tilespmem:s7+$0x104F0] =	vst v0;
	v0 =	vld [tilespmem:s7+$0x8430]  }
0x40: {  	[tilespmem:s7+$0x10400] =	vst v2;
	v2 =	vmul.f32 v5, v4;
	v4 =	vld [tilespmem:s7+$0x8440]  }
0x41: {  	v5 =	vld [tilespmem:s7+$0x8450]  }
0x42: {  	[tilespmem:s7+$0x10410] =	vst v2;
	v2 =	vld [tilespmem:s7+$0x450];
	v1 =	vmul.f32 v1, v6  }
0x43: {  	v6 =	vld [tilespmem:s7+$0x8460]  }
0x44: {  	[tilespmem:s7+$0x10420] =	vst v1;
	v0 =	vmul.f32 v0, v7;
	v1 =	vld [tilespmem:s7+$0x460]  }
0x45: {  	v7 =	vld [tilespmem:s7+$0x84B0]  }
0x46: {  	[tilespmem:s7+$0x10430] =	vst v0;
	v0 =	vmul.f32 v4, v3;
	v3 =	vld [tilespmem:s7+$0x470]  }
0x47: {  	v4 =	vld [tilespmem:s7+$0x8470]  }
0x48: {  	[tilespmem:s7+$0x10440] =	vst v0;
	v0 =	vmul.f32 v5, v2;
	v2 =	vld [tilespmem:s7+$0x480]  }
0x49: {  	v5 =	vld [tilespmem:s7+$0x8480]  }
0x4a: {  	[tilespmem:s7+$0x10450] =	vst v0;
	v0 =	vmul.f32 v6, v1;
	v1 =	vld [tilespmem:s7+$0x490]  }
0x4b: {  	v6 =	vld [tilespmem:s7+$0x8490]  }
0x4c: {  	[tilespmem:s7+$0x10460] =	vst v0;
	v0 =	vmul.f32 v4, v3;
	v3 =	vld [tilespmem:s7+$0x4A0]  }
0x4d: {  	v4 =	vld [tilespmem:s7+$0x84A0]  }
0x4e: {  	[tilespmem:s7+$0x10470] =	vst v0;
	v0 =	vmul.f32 v5, v2;
	v5 =	vld [tilespmem:s7+$0x4B0]  }
0x4f: {  	v8 =	vld [tilespmem:s7+$0x84C0]  }
0x50: {  	[tilespmem:s7+$0x10480] =	vst v0;
	v0 =	vmul.f32 v6, v1;
	v6 =	vld [tilespmem:s7+$0x4C0]  }
0x51: {  	v2 =	vld [tilespmem:s7+$0x4D0]  }
0x52: {  	[tilespmem:s7+$0x10490] =	vst v0;
	v0 =	vmul.f32 v4, v3;
	v3 =	vld [tilespmem:s7+$0x84D0]  }
0x53: {  	v4 =	vld [tilespmem:s7+$0x84E0];
	v5 =	vmul.f32 v7, v5  }
0x54: {  	s9 =	simm.s32 $0x100;
	[tilespmem:s7+$0x104A0] =	vst v0;
	v0 =	vld [tilespmem:s7+$0x4E0]  }
0x55: {  	s8 =	simm.s32 $0x800;
	v1 =	vld [tilespmem:s9+$0x4F0];
	[tilespmem:s7+$0x104B0] =	vst v5;
	v5 =	vmul.f32 v8, v6  }
.LBB2_2:
0x56: {  	p0 =	sne.s32 s8, $0x7C00;
	v6 =	vld [tilespmem:s9+$0x84F0]  }
0x57: {  	v7 =	vld [tilespmem:s9+$0x400];
	[tilespmem:s7+$0x104C0] =	vst v5;
	v2 =	vmul.f32 v3, v2  }
0x58: {  	v3 =	vld [tilespmem:s9+$0x8400]  }
0x59: {  	v5 =	vld [tilespmem:s9+$0x410];
	[tilespmem:s7+$0x104D0] =	vst v2;
	v0 =	vmul.f32 v4, v0  }
0x5a: {  	v2 =	vld [tilespmem:s9+$0x8410]  }
0x5b: {  	v4 =	vld [tilespmem:s9+$0x420];
	v1 =	vmul.f32 v6, v1;
	[tilespmem:s7+$0x104E0] =	vst v0;
	s7 =	smov.u32 s9  }
0x5c: {  	v0 =	vld [tilespmem:s7+$0x8420]  }
0x5d: {  	v3 =	vmul.f32 v3, v7;
	v6 =	vld [tilespmem:s7+$0x430];
	[tilespmem:s7+$0x104F0] =	vst v1  }
0x5e: {  	v1 =	vld [tilespmem:s7+$0x8430]  }
0x5f: {  	[tilespmem:s7+$0x10400] =	vst v3;
	v2 =	vmul.f32 v2, v5;
	v3 =	vld [tilespmem:s7+$0x440]  }
0x60: {  	v5 =	vld [tilespmem:s7+$0x8440]  }
0x61: {  	[tilespmem:s7+$0x10410] =	vst v2;
	v0 =	vmul.f32 v0, v4;
	v2 =	vld [tilespmem:s7+$0x450]  }
0x62: {  	v4 =	vld [tilespmem:s7+$0x8450]  }
0x63: {  	[tilespmem:s7+$0x10420] =	vst v0;
	v0 =	vmul.f32 v1, v6;
	v1 =	vld [tilespmem:s7+$0x460]  }
0x64: {  	v6 =	vld [tilespmem:s7+$0x8460]  }
0x65: {  	[tilespmem:s7+$0x10430] =	vst v0;
	v0 =	vmul.f32 v5, v3;
	v3 =	vld [tilespmem:s7+$0x470]  }
0x66: {  	v5 =	vld [tilespmem:s7+$0x8470]  }
0x67: {  	[tilespmem:s7+$0x10440] =	vst v0;
	v0 =	vmul.f32 v4, v2;
	v2 =	vld [tilespmem:s7+$0x480]  }
0x68: {  	v4 =	vld [tilespmem:s7+$0x8480]  }
0x69: {  	[tilespmem:s7+$0x10450] =	vst v0;
	v0 =	vmul.f32 v6, v1;
	v1 =	vld [tilespmem:s7+$0x490]  }
0x6a: {  	v6 =	vld [tilespmem:s7+$0x8490]  }
0x6b: {  	[tilespmem:s7+$0x10460] =	vst v0;
	v0 =	vmul.f32 v5, v3;
	v3 =	vld [tilespmem:s7+$0x4A0]  }
0x6c: {  	v5 =	vld [tilespmem:s7+$0x84A0]  }
0x6d: {  	[tilespmem:s7+$0x10470] =	vst v0;
	v0 =	vmul.f32 v4, v2;
	v4 =	vld [tilespmem:s7+$0x4B0]  }
0x6e: {  	v7 =	vld [tilespmem:s7+$0x84B0]  }
0x6f: {  	[tilespmem:s7+$0x10480] =	vst v0;
	v0 =	vmul.f32 v6, v1;
	v6 =	vld [tilespmem:s7+$0x4C0]  }
0x70: {  	v8 =	vld [tilespmem:s7+$0x84C0]  }
.Ltmp0:
0x71: {  	[tilespmem:s7+$0x10490] =	vst v0;
	v0 =	vmul.f32 v5, v3;
	v2 =	vld [tilespmem:s7+$0x4D0];
	(pc) =	sbr.rel @p0 .LBB2_2-.Ltmp0, $4  }
0x72: {  	v3 =	vld [tilespmem:s7+$0x84D0]  }
0x73: {  	[tilespmem:s7+$0x104A0] =	vst v0;
	v5 =	vmul.f32 v7, v4;
	v0 =	vld [tilespmem:s7+$0x4E0]  }
0x74: {  	s9 =	sshra.s32 s8, $0x2;
	v4 =	vld [tilespmem:s7+$0x84E0]  }
0x75: {  	s8 =	sadd.s32 $0x400, s8;
	v1 =	vld [tilespmem:s9+$0x4F0];
	[tilespmem:s7+$0x104B0] =	vst v5;
	v5 =	vmul.f32 v8, v6  }
0x76: {  	v6 =	vld [tilespmem:s9+$0x84F0]  }
0x77: {  	v7 =	vld [tilespmem:s9+$0x400];
	[tilespmem:s7+$0x104C0] =	vst v5;
	v2 =	vmul.f32 v3, v2  }
0x78: {  	v3 =	vld [tilespmem:s9+$0x8400]  }
0x79: {  	v5 =	vld [tilespmem:s9+$0x410];
	[tilespmem:s7+$0x104D0] =	vst v2;
	v0 =	vmul.f32 v4, v0  }
0x7a: {  	v2 =	vld [tilespmem:s9+$0x8410]  }
0x7b: {  	v4 =	vld [tilespmem:s9+$0x420];
	[tilespmem:s7+$0x104E0] =	vst v0  }
0x7c: {  	v0 =	vmul.f32 v6, v1;
	v1 =	vld [tilespmem:s9+$0x8420]  }
0x7d: {  	v6 =	vld [tilespmem:s9+$0x430]  }
0x7e: {  	v3 =	vmul.f32 v3, v7;
	[tilespmem:s9+$0x104F0] =	vst v0;
	v0 =	vld [tilespmem:s9+$0x8430]  }
0x7f: {  	v7 =	vld [tilespmem:s9+$0x84E0]  }
0x80: {  	[tilespmem:s9+$0x10400] =	vst v3;
	v2 =	vmul.f32 v2, v5;
	v3 =	vld [tilespmem:s9+$0x440]  }
0x81: {  	v5 =	vld [tilespmem:s9+$0x8440]  }
0x82: {  	[tilespmem:s9+$0x10410] =	vst v2;
	v2 =	vld [tilespmem:s9+$0x450]  }
0x83: {  	v1 =	vmul.f32 v1, v4;
	v4 =	vld [tilespmem:s9+$0x8450]  }
0x84: {  	v0 =	vmul.f32 v0, v6;
	v6 =	vld [tilespmem:s9+$0x8460]  }
0x85: {  	[tilespmem:s9+$0x10420] =	vst v1;
	v1 =	vld [tilespmem:s9+$0x460]  }
0x86: {  	[tilespmem:s9+$0x10430] =	vst v0;
	v0 =	vmul.f32 v5, v3;
	v3 =	vld [tilespmem:s9+$0x470]  }
0x87: {  	v5 =	vld [tilespmem:s9+$0x8470]  }
0x88: {  	[tilespmem:s9+$0x10440] =	vst v0;
	v0 =	vmul.f32 v4, v2;
	v2 =	vld [tilespmem:s9+$0x480]  }
0x89: {  	v4 =	vld [tilespmem:s9+$0x8480]  }
0x8a: {  	[tilespmem:s9+$0x10450] =	vst v0;
	v0 =	vmul.f32 v6, v1;
	v1 =	vld [tilespmem:s9+$0x490]  }
0x8b: {  	v6 =	vld [tilespmem:s9+$0x8490]  }
0x8c: {  	[tilespmem:s9+$0x10460] =	vst v0;
	v0 =	vmul.f32 v5, v3;
	v3 =	vld [tilespmem:s9+$0x4A0]  }
0x8d: {  	v5 =	vld [tilespmem:s9+$0x84A0]  }
0x8e: {  	[tilespmem:s9+$0x10470] =	vst v0;
	v0 =	vmul.f32 v4, v2;
	v2 =	vld [tilespmem:s9+$0x4B0]  }
0x8f: {  	v4 =	vld [tilespmem:s9+$0x84B0]  }
0x90: {  	[tilespmem:s9+$0x10480] =	vst v0;
	v0 =	vmul.f32 v6, v1;
	v1 =	vld [tilespmem:s9+$0x4C0]  }
0x91: {  	v6 =	vld [tilespmem:s9+$0x84C0]  }
0x92: {  	[tilespmem:s9+$0x10490] =	vst v0;
	v0 =	vmul.f32 v5, v3;
	v3 =	vld [tilespmem:s9+$0x4D0]  }
0x93: {  	v5 =	vld [tilespmem:s9+$0x84D0]  }
0x94: {  	[tilespmem:s9+$0x104A0] =	vst v0;
	v0 =	vld [tilespmem:s9+$0x4E0];
	_ =	sdelay $0x1  }
0x95: {  	v2 =	vmul.f32 v4, v2  }
0x96: {  	v1 =	vmul.f32 v6, v1  }
0x97: {  	[tilespmem:s9+$0x104B0] =	vst v2;
	v2 =	vmul.f32 v5, v3  }
0x98: {  	[tilespmem:s9+$0x104C0] =	vst v1;
	v0 =	vmul.f32 v7, v0  }
0x99: {  	[tilespmem:s9+$0x104D0] =	vst v2  }
0x9a: {  	s8 =	simm.s32 $0x100;
	[tilespmem:s9+$0x104E0] =	vst v0;
	s9 =	simm.s32 $0x400  }
0x9b: {  	[tilespmem:s9], [sflag:$0x1] =	stream.indirect.gather [hbm4b:s1+s18], $0x80, s8, s18, $0xb8;
	[tilespmem:$0x18400] =	vst v63  }
0x9c: {  	s8 =	simm.s32 $0x8400;
	s9 =	simm.s32 $0x300  }
0x9d: {  	[tilespmem:s8], [sflag:$0x5] =	stream.indirect.gather [hbm4b:s3+s18], $0x80, s9, s18, $0xb8;
	[tilespmem:$0x18400] =	vst v63  }
0x9e: {  	s8 =	simm.s32 $0x0;
	s9 =	simm.s32 $0x10400  }
0x9f: {  	[hbm4b:s5+s8] =	stream.linear.scatter [tilespmem:s9], [sflag:$0x9], $0x2000, $0x38;
	[tilespmem:$0x18400] =	vst v63  }
0xa0: {  	_ =	swait.ge [sflag:s31], $0x2000  }
0xa1: {  	[sflag:s31] =	ssyncset.done $0x0  }
0xa2: {  	[sflag:s31] =	ssyncadd.s32 $0xFFFFE000  }
0xa3: {  	_ =	swait.ge [sflag:s24], $0x2000  }
0xa4: {  	[sflag:s24] =	ssyncset.done $0x0  }
0xa5: {  	s7 =	simm.s32 $0x0;
	[sflag:s24] =	ssyncadd.s32 $0xFFFFE000  }
0xa6: {  	v0 =	vld [tilespmem:s7+$0x24F0]  }
0xa7: {  	v1 =	vld [tilespmem:s7+$0xA4F0]  }
0xa8: {  	v2 =	vld [tilespmem:s7+$0x2400]  }
0xa9: {  	v3 =	vld [tilespmem:s7+$0xA400]  }
0xaa: {  	v4 =	vld [tilespmem:s7+$0x2410]  }
0xab: {  	v5 =	vld [tilespmem:s7+$0xA410]  }
0xac: {  	v6 =	vld [tilespmem:s7+$0x2420]  }
0xad: {  	v7 =	vld [tilespmem:s7+$0x2430]  }
0xae: {  	v0 =	vmul.f32 v1, v0;
	v1 =	vld [tilespmem:s7+$0xA420]  }
0xaf: {  	v2 =	vmul.f32 v3, v2;
	v3 =	vld [tilespmem:s7+$0x2440]  }
0xb0: {  	[tilespmem:s7+$0x124F0] =	vst v0;
	v0 =	vld [tilespmem:s7+$0xA430]  }
0xb1: {  	[tilespmem:s7+$0x12400] =	vst v2;
	v2 =	vmul.f32 v5, v4;
	v4 =	vld [tilespmem:s7+$0xA440]  }
0xb2: {  	v5 =	vld [tilespmem:s7+$0xA450]  }
0xb3: {  	[tilespmem:s7+$0x12410] =	vst v2;
	v2 =	vld [tilespmem:s7+$0x2450];
	v1 =	vmul.f32 v1, v6  }
0xb4: {  	v6 =	vld [tilespmem:s7+$0xA460]  }
0xb5: {  	[tilespmem:s7+$0x12420] =	vst v1;
	v0 =	vmul.f32 v0, v7;
	v1 =	vld [tilespmem:s7+$0x2460]  }
0xb6: {  	v7 =	vld [tilespmem:s7+$0xA4B0]  }
0xb7: {  	[tilespmem:s7+$0x12430] =	vst v0;
	v0 =	vmul.f32 v4, v3;
	v3 =	vld [tilespmem:s7+$0x2470]  }
0xb8: {  	v4 =	vld [tilespmem:s7+$0xA470]  }
0xb9: {  	[tilespmem:s7+$0x12440] =	vst v0;
	v0 =	vmul.f32 v5, v2;
	v2 =	vld [tilespmem:s7+$0x2480]  }
0xba: {  	v5 =	vld [tilespmem:s7+$0xA480]  }
0xbb: {  	[tilespmem:s7+$0x12450] =	vst v0;
	v0 =	vmul.f32 v6, v1;
	v1 =	vld [tilespmem:s7+$0x2490]  }
0xbc: {  	v6 =	vld [tilespmem:s7+$0xA490]  }
0xbd: {  	[tilespmem:s7+$0x12460] =	vst v0;
	v0 =	vmul.f32 v4, v3;
	v3 =	vld [tilespmem:s7+$0x24A0]  }
0xbe: {  	v4 =	vld [tilespmem:s7+$0xA4A0]  }
0xbf: {  	[tilespmem:s7+$0x12470] =	vst v0;
	v0 =	vmul.f32 v5, v2;
	v5 =	vld [tilespmem:s7+$0x24B0]  }
0xc0: {  	v8 =	vld [tilespmem:s7+$0xA4C0]  }
0xc1: {  	[tilespmem:s7+$0x12480] =	vst v0;
	v0 =	vmul.f32 v6, v1;
	v6 =	vld [tilespmem:s7+$0x24C0]  }
0xc2: {  	v2 =	vld [tilespmem:s7+$0x24D0]  }
0xc3: {  	[tilespmem:s7+$0x12490] =	vst v0;
	v0 =	vmul.f32 v4, v3;
	v3 =	vld [tilespmem:s7+$0xA4D0]  }
0xc4: {  	v4 =	vld [tilespmem:s7+$0xA4E0];
	v5 =	vmul.f32 v7, v5  }
0xc5: {  	s9 =	simm.s32 $0x100;
	[tilespmem:s7+$0x124A0] =	vst v0;
	v0 =	vld [tilespmem:s7+$0x24E0]  }
0xc6: {  	s8 =	simm.s32 $0x800;
	v1 =	vld [tilespmem:s9+$0x24F0];
	[tilespmem:s7+$0x124B0] =	vst v5;
	v5 =	vmul.f32 v8, v6  }
.LBB2_4:
0xc7: {  	p0 =	sne.s32 s8, $0x7C00;
	v6 =	vld [tilespmem:s9+$0xA4F0]  }
0xc8: {  	v7 =	vld [tilespmem:s9+$0x2400];
	[tilespmem:s7+$0x124C0] =	vst v5;
	v2 =	vmul.f32 v3, v2  }
0xc9: {  	v3 =	vld [tilespmem:s9+$0xA400]  }
0xca: {  	v5 =	vld [tilespmem:s9+$0x2410];
	[tilespmem:s7+$0x124D0] =	vst v2;
	v0 =	vmul.f32 v4, v0  }
0xcb: {  	v2 =	vld [tilespmem:s9+$0xA410]  }
0xcc: {  	v4 =	vld [tilespmem:s9+$0x2420];
	v1 =	vmul.f32 v6, v1;
	[tilespmem:s7+$0x124E0] =	vst v0;
	s7 =	smov.u32 s9  }
0xcd: {  	v0 =	vld [tilespmem:s7+$0xA420]  }
0xce: {  	v3 =	vmul.f32 v3, v7;
	v6 =	vld [tilespmem:s7+$0x2430];
	[tilespmem:s7+$0x124F0] =	vst v1  }
0xcf: {  	v1 =	vld [tilespmem:s7+$0xA430]  }
0xd0: {  	[tilespmem:s7+$0x12400] =	vst v3;
	v2 =	vmul.f32 v2, v5;
	v3 =	vld [tilespmem:s7+$0x2440]  }
0xd1: {  	v5 =	vld [tilespmem:s7+$0xA440]  }
0xd2: {  	[tilespmem:s7+$0x12410] =	vst v2;
	v0 =	vmul.f32 v0, v4;
	v2 =	vld [tilespmem:s7+$0x2450]  }
0xd3: {  	v4 =	vld [tilespmem:s7+$0xA450]  }
0xd4: {  	[tilespmem:s7+$0x12420] =	vst v0;
	v0 =	vmul.f32 v1, v6;
	v1 =	vld [tilespmem:s7+$0x2460]  }
0xd5: {  	v6 =	vld [tilespmem:s7+$0xA460]  }
0xd6: {  	[tilespmem:s7+$0x12430] =	vst v0;
	v0 =	vmul.f32 v5, v3;
	v3 =	vld [tilespmem:s7+$0x2470]  }
0xd7: {  	v5 =	vld [tilespmem:s7+$0xA470]  }
0xd8: {  	[tilespmem:s7+$0x12440] =	vst v0;
	v0 =	vmul.f32 v4, v2;
	v2 =	vld [tilespmem:s7+$0x2480]  }
0xd9: {  	v4 =	vld [tilespmem:s7+$0xA480]  }
0xda: {  	[tilespmem:s7+$0x12450] =	vst v0;
	v0 =	vmul.f32 v6, v1;
	v1 =	vld [tilespmem:s7+$0x2490]  }
0xdb: {  	v6 =	vld [tilespmem:s7+$0xA490]  }
0xdc: {  	[tilespmem:s7+$0x12460] =	vst v0;
	v0 =	vmul.f32 v5, v3;
	v3 =	vld [tilespmem:s7+$0x24A0]  }
0xdd: {  	v5 =	vld [tilespmem:s7+$0xA4A0]  }
0xde: {  	[tilespmem:s7+$0x12470] =	vst v0;
	v0 =	vmul.f32 v4, v2;
	v4 =	vld [tilespmem:s7+$0x24B0]  }
0xdf: {  	v7 =	vld [tilespmem:s7+$0xA4B0]  }
0xe0: {  	[tilespmem:s7+$0x12480] =	vst v0;
	v0 =	vmul.f32 v6, v1;
	v6 =	vld [tilespmem:s7+$0x24C0]  }
0xe1: {  	v8 =	vld [tilespmem:s7+$0xA4C0]  }
.Ltmp1:
0xe2: {  	[tilespmem:s7+$0x12490] =	vst v0;
	v0 =	vmul.f32 v5, v3;
	v2 =	vld [tilespmem:s7+$0x24D0];
	(pc) =	sbr.rel @p0 .LBB2_4-.Ltmp1, $4  }
0xe3: {  	v3 =	vld [tilespmem:s7+$0xA4D0]  }
0xe4: {  	[tilespmem:s7+$0x124A0] =	vst v0;
	v5 =	vmul.f32 v7, v4;
	v0 =	vld [tilespmem:s7+$0x24E0]  }
0xe5: {  	s9 =	sshra.s32 s8, $0x2;
	v4 =	vld [tilespmem:s7+$0xA4E0]  }
0xe6: {  	s8 =	sadd.s32 $0x400, s8;
	v1 =	vld [tilespmem:s9+$0x24F0];
	[tilespmem:s7+$0x124B0] =	vst v5;
	v5 =	vmul.f32 v8, v6  }
0xe7: {  	v6 =	vld [tilespmem:s9+$0xA4F0]  }
0xe8: {  	v7 =	vld [tilespmem:s9+$0x2400];
	[tilespmem:s7+$0x124C0] =	vst v5;
	v2 =	vmul.f32 v3, v2  }
0xe9: {  	v3 =	vld [tilespmem:s9+$0xA400]  }
0xea: {  	v5 =	vld [tilespmem:s9+$0x2410];
	[tilespmem:s7+$0x124D0] =	vst v2;
	v0 =	vmul.f32 v4, v0  }
0xeb: {  	v2 =	vld [tilespmem:s9+$0xA410]  }
0xec: {  	v4 =	vld [tilespmem:s9+$0x2420];
	[tilespmem:s7+$0x124E0] =	vst v0  }
0xed: {  	v0 =	vmul.f32 v6, v1;
	v1 =	vld [tilespmem:s9+$0xA420]  }
0xee: {  	v6 =	vld [tilespmem:s9+$0x2430]  }
0xef: {  	v3 =	vmul.f32 v3, v7;
	[tilespmem:s9+$0x124F0] =	vst v0;
	v0 =	vld [tilespmem:s9+$0xA430]  }
0xf0: {  	v7 =	vld [tilespmem:s9+$0xA4E0]  }
0xf1: {  	[tilespmem:s9+$0x12400] =	vst v3;
	v2 =	vmul.f32 v2, v5;
	v3 =	vld [tilespmem:s9+$0x2440]  }
0xf2: {  	v5 =	vld [tilespmem:s9+$0xA440]  }
0xf3: {  	[tilespmem:s9+$0x12410] =	vst v2;
	v2 =	vld [tilespmem:s9+$0x2450]  }
0xf4: {  	v1 =	vmul.f32 v1, v4;
	v4 =	vld [tilespmem:s9+$0xA450]  }
0xf5: {  	v0 =	vmul.f32 v0, v6;
	v6 =	vld [tilespmem:s9+$0xA460]  }
0xf6: {  	[tilespmem:s9+$0x12420] =	vst v1;
	v1 =	vld [tilespmem:s9+$0x2460]  }
0xf7: {  	[tilespmem:s9+$0x12430] =	vst v0;
	v0 =	vmul.f32 v5, v3;
	v3 =	vld [tilespmem:s9+$0x2470]  }
0xf8: {  	v5 =	vld [tilespmem:s9+$0xA470]  }
0xf9: {  	[tilespmem:s9+$0x12440] =	vst v0;
	v0 =	vmul.f32 v4, v2;
	v2 =	vld [tilespmem:s9+$0x2480]  }
0xfa: {  	v4 =	vld [tilespmem:s9+$0xA480]  }
0xfb: {  	[tilespmem:s9+$0x12450] =	vst v0;
	v0 =	vmul.f32 v6, v1;
	v1 =	vld [tilespmem:s9+$0x2490]  }
0xfc: {  	v6 =	vld [tilespmem:s9+$0xA490]  }
0xfd: {  	[tilespmem:s9+$0x12460] =	vst v0;
	v0 =	vmul.f32 v5, v3;
	v3 =	vld [tilespmem:s9+$0x24A0]  }
0xfe: {  	v5 =	vld [tilespmem:s9+$0xA4A0]  }
0xff: {  	[tilespmem:s9+$0x12470] =	vst v0;
	v0 =	vmul.f32 v4, v2;
	v2 =	vld [tilespmem:s9+$0x24B0]  }
0x100: {  	v4 =	vld [tilespmem:s9+$0xA4B0]  }
0x101: {  	[tilespmem:s9+$0x12480] =	vst v0;
	v0 =	vmul.f32 v6, v1;
	v1 =	vld [tilespmem:s9+$0x24C0]  }
0x102: {  	v6 =	vld [tilespmem:s9+$0xA4C0]  }
0x103: {  	[tilespmem:s9+$0x12490] =	vst v0;
	v0 =	vmul.f32 v5, v3;
	v3 =	vld [tilespmem:s9+$0x24D0]  }
0x104: {  	v5 =	vld [tilespmem:s9+$0xA4D0]  }
0x105: {  	[tilespmem:s9+$0x124A0] =	vst v0;
	v0 =	vld [tilespmem:s9+$0x24E0];
	_ =	sdelay $0x1  }
0x106: {  	v2 =	vmul.f32 v4, v2  }
0x107: {  	v1 =	vmul.f32 v6, v1  }
0x108: {  	[tilespmem:s9+$0x124B0] =	vst v2;
	v2 =	vmul.f32 v5, v3  }
0x109: {  	[tilespmem:s9+$0x124C0] =	vst v1;
	v0 =	vmul.f32 v7, v0  }
0x10a: {  	[tilespmem:s9+$0x124D0] =	vst v2  }
0x10b: {  	s8 =	simm.s32 $0x140;
	[tilespmem:s9+$0x124E0] =	vst v0;
	s9 =	simm.s32 $0x2400  }
0x10c: {  	[tilespmem:s9], [sflag:$0x2] =	stream.indirect.gather [hbm4b:s1+s18], $0x80, s8, s18, $0xb8;
	[tilespmem:$0x18400] =	vst v63  }
0x10d: {  	s8 =	simm.s32 $0xA400;
	s9 =	simm.s32 $0x340  }
0x10e: {  	[tilespmem:s8], [sflag:$0x6] =	stream.indirect.gather [hbm4b:s3+s18], $0x80, s9, s18, $0xb8;
	[tilespmem:$0x18400] =	vst v63  }
0x10f: {  	s8 =	simm.s32 $0x0;
	s9 =	rddreg [dreg:$0x8]  }
0x110: {  	[hbm4b:s9+s8] =	stream.linear.scatter [tilespmem:s26], [sflag:$0xA], $0x2000, $0x38;
	[tilespmem:$0x18400] =	vst v63  }
0x111: {  	_ =	swait.ge [sflag:s16], $0x2000  }
0x112: {  	[sflag:s16] =	ssyncset.done $0x0  }
0x113: {  	[sflag:s16] =	ssyncadd.s32 $0xFFFFE000  }
0x114: {  	_ =	swait.ge [sflag:s19], $0x2000  }
0x115: {  	[sflag:s19] =	ssyncset.done $0x0  }
0x116: {  	s7 =	simm.s32 $0x0;
	[sflag:s19] =	ssyncadd.s32 $0xFFFFE000  }
0x117: {  	v0 =	vld [tilespmem:s7+$0x44F0]  }
0x118: {  	v1 =	vld [tilespmem:s7+$0xC4F0]  }
0x119: {  	v2 =	vld [tilespmem:s7+$0x4400]  }
0x11a: {  	v3 =	vld [tilespmem:s7+$0xC400]  }
0x11b: {  	v4 =	vld [tilespmem:s7+$0x4410]  }
0x11c: {  	v5 =	vld [tilespmem:s7+$0xC410]  }
0x11d: {  	v6 =	vld [tilespmem:s7+$0x4420]  }
0x11e: {  	v7 =	vld [tilespmem:s7+$0x4430]  }
0x11f: {  	v0 =	vmul.f32 v1, v0;
	v1 =	vld [tilespmem:s7+$0xC420]  }
0x120: {  	v2 =	vmul.f32 v3, v2;
	v3 =	vld [tilespmem:s7+$0x4440]  }
0x121: {  	[tilespmem:s7+$0x144F0] =	vst v0;
	v0 =	vld [tilespmem:s7+$0xC430]  }
0x122: {  	[tilespmem:s7+$0x14400] =	vst v2;
	v2 =	vmul.f32 v5, v4;
	v4 =	vld [tilespmem:s7+$0xC440]  }
0x123: {  	v5 =	vld [tilespmem:s7+$0xC450]  }
0x124: {  	[tilespmem:s7+$0x14410] =	vst v2;
	v2 =	vld [tilespmem:s7+$0x4450];
	v1 =	vmul.f32 v1, v6  }
0x125: {  	v6 =	vld [tilespmem:s7+$0xC460]  }
0x126: {  	[tilespmem:s7+$0x14420] =	vst v1;
	v0 =	vmul.f32 v0, v7;
	v1 =	vld [tilespmem:s7+$0x4460]  }
0x127: {  	v7 =	vld [tilespmem:s7+$0xC4B0]  }
0x128: {  	[tilespmem:s7+$0x14430] =	vst v0;
	v0 =	vmul.f32 v4, v3;
	v3 =	vld [tilespmem:s7+$0x4470]  }
0x129: {  	v4 =	vld [tilespmem:s7+$0xC470]  }
0x12a: {  	[tilespmem:s7+$0x14440] =	vst v0;
	v0 =	vmul.f32 v5, v2;
	v2 =	vld [tilespmem:s7+$0x4480]  }
0x12b: {  	v5 =	vld [tilespmem:s7+$0xC480]  }
0x12c: {  	[tilespmem:s7+$0x14450] =	vst v0;
	v0 =	vmul.f32 v6, v1;
	v1 =	vld [tilespmem:s7+$0x4490]  }
0x12d: {  	v6 =	vld [tilespmem:s7+$0xC490]  }
0x12e: {  	[tilespmem:s7+$0x14460] =	vst v0;
	v0 =	vmul.f32 v4, v3;
	v3 =	vld [tilespmem:s7+$0x44A0]  }
0x12f: {  	v4 =	vld [tilespmem:s7+$0xC4A0]  }
0x130: {  	[tilespmem:s7+$0x14470] =	vst v0;
	v0 =	vmul.f32 v5, v2;
	v5 =	vld [tilespmem:s7+$0x44B0]  }
0x131: {  	v8 =	vld [tilespmem:s7+$0xC4C0]  }
0x132: {  	[tilespmem:s7+$0x14480] =	vst v0;
	v0 =	vmul.f32 v6, v1;
	v6 =	vld [tilespmem:s7+$0x44C0]  }
0x133: {  	v2 =	vld [tilespmem:s7+$0x44D0]  }
0x134: {  	[tilespmem:s7+$0x14490] =	vst v0;
	v0 =	vmul.f32 v4, v3;
	v3 =	vld [tilespmem:s7+$0xC4D0]  }
0x135: {  	v4 =	vld [tilespmem:s7+$0xC4E0];
	v5 =	vmul.f32 v7, v5  }
0x136: {  	s9 =	simm.s32 $0x100;
	[tilespmem:s7+$0x144A0] =	vst v0;
	v0 =	vld [tilespmem:s7+$0x44E0]  }
0x137: {  	s8 =	simm.s32 $0x800;
	v1 =	vld [tilespmem:s9+$0x44F0];
	[tilespmem:s7+$0x144B0] =	vst v5;
	v5 =	vmul.f32 v8, v6  }
.LBB2_6:
0x138: {  	p0 =	sne.s32 s8, $0x7C00;
	v6 =	vld [tilespmem:s9+$0xC4F0]  }
0x139: {  	v7 =	vld [tilespmem:s9+$0x4400];
	[tilespmem:s7+$0x144C0] =	vst v5;
	v2 =	vmul.f32 v3, v2  }
0x13a: {  	v3 =	vld [tilespmem:s9+$0xC400]  }
0x13b: {  	v5 =	vld [tilespmem:s9+$0x4410];
	[tilespmem:s7+$0x144D0] =	vst v2;
	v0 =	vmul.f32 v4, v0  }
0x13c: {  	v2 =	vld [tilespmem:s9+$0xC410]  }
0x13d: {  	v4 =	vld [tilespmem:s9+$0x4420];
	v1 =	vmul.f32 v6, v1;
	[tilespmem:s7+$0x144E0] =	vst v0;
	s7 =	smov.u32 s9  }
0x13e: {  	v0 =	vld [tilespmem:s7+$0xC420]  }
0x13f: {  	v3 =	vmul.f32 v3, v7;
	v6 =	vld [tilespmem:s7+$0x4430];
	[tilespmem:s7+$0x144F0] =	vst v1  }
0x140: {  	v1 =	vld [tilespmem:s7+$0xC430]  }
0x141: {  	[tilespmem:s7+$0x14400] =	vst v3;
	v2 =	vmul.f32 v2, v5;
	v3 =	vld [tilespmem:s7+$0x4440]  }
0x142: {  	v5 =	vld [tilespmem:s7+$0xC440]  }
0x143: {  	[tilespmem:s7+$0x14410] =	vst v2;
	v0 =	vmul.f32 v0, v4;
	v2 =	vld [tilespmem:s7+$0x4450]  }
0x144: {  	v4 =	vld [tilespmem:s7+$0xC450]  }
0x145: {  	[tilespmem:s7+$0x14420] =	vst v0;
	v0 =	vmul.f32 v1, v6;
	v1 =	vld [tilespmem:s7+$0x4460]  }
0x146: {  	v6 =	vld [tilespmem:s7+$0xC460]  }
0x147: {  	[tilespmem:s7+$0x14430] =	vst v0;
	v0 =	vmul.f32 v5, v3;
	v3 =	vld [tilespmem:s7+$0x4470]  }
0x148: {  	v5 =	vld [tilespmem:s7+$0xC470]  }
0x149: {  	[tilespmem:s7+$0x14440] =	vst v0;
	v0 =	vmul.f32 v4, v2;
	v2 =	vld [tilespmem:s7+$0x4480]  }
0x14a: {  	v4 =	vld [tilespmem:s7+$0xC480]  }
0x14b: {  	[tilespmem:s7+$0x14450] =	vst v0;
	v0 =	vmul.f32 v6, v1;
	v1 =	vld [tilespmem:s7+$0x4490]  }
0x14c: {  	v6 =	vld [tilespmem:s7+$0xC490]  }
0x14d: {  	[tilespmem:s7+$0x14460] =	vst v0;
	v0 =	vmul.f32 v5, v3;
	v3 =	vld [tilespmem:s7+$0x44A0]  }
0x14e: {  	v5 =	vld [tilespmem:s7+$0xC4A0]  }
0x14f: {  	[tilespmem:s7+$0x14470] =	vst v0;
	v0 =	vmul.f32 v4, v2;
	v4 =	vld [tilespmem:s7+$0x44B0]  }
0x150: {  	v7 =	vld [tilespmem:s7+$0xC4B0]  }
0x151: {  	[tilespmem:s7+$0x14480] =	vst v0;
	v0 =	vmul.f32 v6, v1;
	v6 =	vld [tilespmem:s7+$0x44C0]  }
0x152: {  	v8 =	vld [tilespmem:s7+$0xC4C0]  }
.Ltmp2:
0x153: {  	[tilespmem:s7+$0x14490] =	vst v0;
	v0 =	vmul.f32 v5, v3;
	v2 =	vld [tilespmem:s7+$0x44D0];
	(pc) =	sbr.rel @p0 .LBB2_6-.Ltmp2, $4  }
0x154: {  	v3 =	vld [tilespmem:s7+$0xC4D0]  }
0x155: {  	[tilespmem:s7+$0x144A0] =	vst v0;
	v5 =	vmul.f32 v7, v4;
	v0 =	vld [tilespmem:s7+$0x44E0]  }
0x156: {  	s9 =	sshra.s32 s8, $0x2;
	v4 =	vld [tilespmem:s7+$0xC4E0]  }
0x157: {  	s8 =	sadd.s32 $0x400, s8;
	v1 =	vld [tilespmem:s9+$0x44F0];
	[tilespmem:s7+$0x144B0] =	vst v5;
	v5 =	vmul.f32 v8, v6  }
0x158: {  	v6 =	vld [tilespmem:s9+$0xC4F0]  }
0x159: {  	v7 =	vld [tilespmem:s9+$0x4400];
	[tilespmem:s7+$0x144C0] =	vst v5;
	v2 =	vmul.f32 v3, v2  }
0x15a: {  	v3 =	vld [tilespmem:s9+$0xC400]  }
0x15b: {  	v5 =	vld [tilespmem:s9+$0x4410];
	[tilespmem:s7+$0x144D0] =	vst v2;
	v0 =	vmul.f32 v4, v0  }
0x15c: {  	v2 =	vld [tilespmem:s9+$0xC410]  }
0x15d: {  	v4 =	vld [tilespmem:s9+$0x4420];
	[tilespmem:s7+$0x144E0] =	vst v0  }
0x15e: {  	v0 =	vmul.f32 v6, v1;
	v1 =	vld [tilespmem:s9+$0xC420]  }
0x15f: {  	v6 =	vld [tilespmem:s9+$0x4430]  }
0x160: {  	v3 =	vmul.f32 v3, v7;
	[tilespmem:s9+$0x144F0] =	vst v0;
	v0 =	vld [tilespmem:s9+$0xC430]  }
0x161: {  	v7 =	vld [tilespmem:s9+$0xC4E0]  }
0x162: {  	[tilespmem:s9+$0x14400] =	vst v3;
	v2 =	vmul.f32 v2, v5;
	v3 =	vld [tilespmem:s9+$0x4440]  }
0x163: {  	v5 =	vld [tilespmem:s9+$0xC440]  }
0x164: {  	[tilespmem:s9+$0x14410] =	vst v2;
	v2 =	vld [tilespmem:s9+$0x4450]  }
0x165: {  	v1 =	vmul.f32 v1, v4;
	v4 =	vld [tilespmem:s9+$0xC450]  }
0x166: {  	v0 =	vmul.f32 v0, v6;
	v6 =	vld [tilespmem:s9+$0xC460]  }
0x167: {  	[tilespmem:s9+$0x14420] =	vst v1;
	v1 =	vld [tilespmem:s9+$0x4460]  }
0x168: {  	[tilespmem:s9+$0x14430] =	vst v0;
	v0 =	vmul.f32 v5, v3;
	v3 =	vld [tilespmem:s9+$0x4470]  }
0x169: {  	v5 =	vld [tilespmem:s9+$0xC470]  }
0x16a: {  	[tilespmem:s9+$0x14440] =	vst v0;
	v0 =	vmul.f32 v4, v2;
	v2 =	vld [tilespmem:s9+$0x4480]  }
0x16b: {  	v4 =	vld [tilespmem:s9+$0xC480]  }
0x16c: {  	[tilespmem:s9+$0x14450] =	vst v0;
	v0 =	vmul.f32 v6, v1;
	v1 =	vld [tilespmem:s9+$0x4490]  }
0x16d: {  	v6 =	vld [tilespmem:s9+$0xC490]  }
0x16e: {  	[tilespmem:s9+$0x14460] =	vst v0;
	v0 =	vmul.f32 v5, v3;
	v3 =	vld [tilespmem:s9+$0x44A0]  }
0x16f: {  	v5 =	vld [tilespmem:s9+$0xC4A0]  }
0x170: {  	[tilespmem:s9+$0x14470] =	vst v0;
	v0 =	vmul.f32 v4, v2;
	v2 =	vld [tilespmem:s9+$0x44B0]  }
0x171: {  	v4 =	vld [tilespmem:s9+$0xC4B0]  }
0x172: {  	[tilespmem:s9+$0x14480] =	vst v0;
	v0 =	vmul.f32 v6, v1;
	v1 =	vld [tilespmem:s9+$0x44C0]  }
0x173: {  	v6 =	vld [tilespmem:s9+$0xC4C0]  }
0x174: {  	[tilespmem:s9+$0x14490] =	vst v0;
	v0 =	vmul.f32 v5, v3;
	v3 =	vld [tilespmem:s9+$0x44D0]  }
0x175: {  	v5 =	vld [tilespmem:s9+$0xC4D0]  }
0x176: {  	[tilespmem:s9+$0x144A0] =	vst v0;
	v0 =	vld [tilespmem:s9+$0x44E0];
	_ =	sdelay $0x1  }
0x177: {  	v2 =	vmul.f32 v4, v2  }
0x178: {  	v1 =	vmul.f32 v6, v1  }
0x179: {  	[tilespmem:s9+$0x144B0] =	vst v2;
	v2 =	vmul.f32 v5, v3  }
0x17a: {  	[tilespmem:s9+$0x144C0] =	vst v1;
	v0 =	vmul.f32 v7, v0  }
0x17b: {  	[tilespmem:s9+$0x144D0] =	vst v2  }
0x17c: {  	s8 =	simm.s32 $0x180;
	[tilespmem:s9+$0x144E0] =	vst v0;
	s9 =	simm.s32 $0x4400  }
0x17d: {  	[tilespmem:s9], [sflag:$0x3] =	stream.indirect.gather [hbm4b:s1+s18], $0x80, s8, s18, $0xb8;
	[tilespmem:$0x18400] =	vst v63  }
0x17e: {  	s8 =	simm.s32 $0xC400;
	s9 =	simm.s32 $0x380  }
0x17f: {  	[tilespmem:s8], [sflag:$0x7] =	stream.indirect.gather [hbm4b:s3+s18], $0x80, s9, s18, $0xb8;
	[tilespmem:$0x18400] =	vst v63  }
0x180: {  	s8 =	simm.s32 $0x0;
	s9 =	rddreg [dreg:$0x9]  }
0x181: {  	[hbm4b:s9+s8] =	stream.linear.scatter [tilespmem:s20], [sflag:$0xB], $0x2000, $0x38;
	[tilespmem:$0x18400] =	vst v63  }
0x182: {  	_ =	swait.ge [sflag:s21], $0x2000  }
0x183: {  	[sflag:s21] =	ssyncset.done $0x0  }
0x184: {  	[sflag:s21] =	ssyncadd.s32 $0xFFFFE000  }
0x185: {  	_ =	swait.ge [sflag:s23], $0x2000  }
0x186: {  	[sflag:s23] =	ssyncset.done $0x0  }
0x187: {  	s7 =	simm.s32 $0x0;
	[sflag:s23] =	ssyncadd.s32 $0xFFFFE000  }
0x188: {  	v0 =	vld [tilespmem:s7+$0x64F0]  }
0x189: {  	v1 =	vld [tilespmem:s7+$0xE4F0]  }
0x18a: {  	v2 =	vld [tilespmem:s7+$0x6400]  }
0x18b: {  	v3 =	vld [tilespmem:s7+$0xE400]  }
0x18c: {  	v4 =	vld [tilespmem:s7+$0x6410]  }
0x18d: {  	v5 =	vld [tilespmem:s7+$0xE410]  }
0x18e: {  	v6 =	vld [tilespmem:s7+$0x6420]  }
0x18f: {  	v7 =	vld [tilespmem:s7+$0x6430]  }
0x190: {  	v0 =	vmul.f32 v1, v0;
	v1 =	vld [tilespmem:s7+$0xE420]  }
0x191: {  	v2 =	vmul.f32 v3, v2;
	v3 =	vld [tilespmem:s7+$0x6440]  }
0x192: {  	[tilespmem:s7+$0x164F0] =	vst v0;
	v0 =	vld [tilespmem:s7+$0xE430]  }
0x193: {  	[tilespmem:s7+$0x16400] =	vst v2;
	v2 =	vmul.f32 v5, v4;
	v4 =	vld [tilespmem:s7+$0xE440]  }
0x194: {  	v5 =	vld [tilespmem:s7+$0xE450]  }
0x195: {  	[tilespmem:s7+$0x16410] =	vst v2;
	v2 =	vld [tilespmem:s7+$0x6450];
	v1 =	vmul.f32 v1, v6  }
0x196: {  	v6 =	vld [tilespmem:s7+$0xE460]  }
0x197: {  	[tilespmem:s7+$0x16420] =	vst v1;
	v0 =	vmul.f32 v0, v7;
	v1 =	vld [tilespmem:s7+$0x6460]  }
0x198: {  	v7 =	vld [tilespmem:s7+$0xE4B0]  }
0x199: {  	[tilespmem:s7+$0x16430] =	vst v0;
	v0 =	vmul.f32 v4, v3;
	v3 =	vld [tilespmem:s7+$0x6470]  }
0x19a: {  	v4 =	vld [tilespmem:s7+$0xE470]  }
0x19b: {  	[tilespmem:s7+$0x16440] =	vst v0;
	v0 =	vmul.f32 v5, v2;
	v2 =	vld [tilespmem:s7+$0x6480]  }
0x19c: {  	v5 =	vld [tilespmem:s7+$0xE480]  }
0x19d: {  	[tilespmem:s7+$0x16450] =	vst v0;
	v0 =	vmul.f32 v6, v1;
	v1 =	vld [tilespmem:s7+$0x6490]  }
0x19e: {  	v6 =	vld [tilespmem:s7+$0xE490]  }
0x19f: {  	[tilespmem:s7+$0x16460] =	vst v0;
	v0 =	vmul.f32 v4, v3;
	v3 =	vld [tilespmem:s7+$0x64A0]  }
0x1a0: {  	v4 =	vld [tilespmem:s7+$0xE4A0]  }
0x1a1: {  	[tilespmem:s7+$0x16470] =	vst v0;
	v0 =	vmul.f32 v5, v2;
	v5 =	vld [tilespmem:s7+$0x64B0]  }
0x1a2: {  	v8 =	vld [tilespmem:s7+$0xE4C0]  }
0x1a3: {  	[tilespmem:s7+$0x16480] =	vst v0;
	v0 =	vmul.f32 v6, v1;
	v6 =	vld [tilespmem:s7+$0x64C0]  }
0x1a4: {  	v2 =	vld [tilespmem:s7+$0x64D0]  }
0x1a5: {  	[tilespmem:s7+$0x16490] =	vst v0;
	v0 =	vmul.f32 v4, v3;
	v3 =	vld [tilespmem:s7+$0xE4D0]  }
0x1a6: {  	v4 =	vld [tilespmem:s7+$0xE4E0];
	v5 =	vmul.f32 v7, v5  }
0x1a7: {  	s9 =	simm.s32 $0x100;
	[tilespmem:s7+$0x164A0] =	vst v0;
	v0 =	vld [tilespmem:s7+$0x64E0]  }
0x1a8: {  	s8 =	simm.s32 $0x800;
	v1 =	vld [tilespmem:s9+$0x64F0];
	[tilespmem:s7+$0x164B0] =	vst v5;
	v5 =	vmul.f32 v8, v6  }
.LBB2_8:
0x1a9: {  	p0 =	sne.s32 s8, $0x7C00;
	v6 =	vld [tilespmem:s9+$0xE4F0]  }
0x1aa: {  	v7 =	vld [tilespmem:s9+$0x6400];
	[tilespmem:s7+$0x164C0] =	vst v5;
	v2 =	vmul.f32 v3, v2  }
0x1ab: {  	v3 =	vld [tilespmem:s9+$0xE400]  }
0x1ac: {  	v5 =	vld [tilespmem:s9+$0x6410];
	[tilespmem:s7+$0x164D0] =	vst v2;
	v0 =	vmul.f32 v4, v0  }
0x1ad: {  	v2 =	vld [tilespmem:s9+$0xE410]  }
0x1ae: {  	v4 =	vld [tilespmem:s9+$0x6420];
	v1 =	vmul.f32 v6, v1;
	[tilespmem:s7+$0x164E0] =	vst v0;
	s7 =	smov.u32 s9  }
0x1af: {  	v0 =	vld [tilespmem:s7+$0xE420]  }
0x1b0: {  	v3 =	vmul.f32 v3, v7;
	v6 =	vld [tilespmem:s7+$0x6430];
	[tilespmem:s7+$0x164F0] =	vst v1  }
0x1b1: {  	v1 =	vld [tilespmem:s7+$0xE430]  }
0x1b2: {  	[tilespmem:s7+$0x16400] =	vst v3;
	v2 =	vmul.f32 v2, v5;
	v3 =	vld [tilespmem:s7+$0x6440]  }
0x1b3: {  	v5 =	vld [tilespmem:s7+$0xE440]  }
0x1b4: {  	[tilespmem:s7+$0x16410] =	vst v2;
	v0 =	vmul.f32 v0, v4;
	v2 =	vld [tilespmem:s7+$0x6450]  }
0x1b5: {  	v4 =	vld [tilespmem:s7+$0xE450]  }
0x1b6: {  	[tilespmem:s7+$0x16420] =	vst v0;
	v0 =	vmul.f32 v1, v6;
	v1 =	vld [tilespmem:s7+$0x6460]  }
0x1b7: {  	v6 =	vld [tilespmem:s7+$0xE460]  }
0x1b8: {  	[tilespmem:s7+$0x16430] =	vst v0;
	v0 =	vmul.f32 v5, v3;
	v3 =	vld [tilespmem:s7+$0x6470]  }
0x1b9: {  	v5 =	vld [tilespmem:s7+$0xE470]  }
0x1ba: {  	[tilespmem:s7+$0x16440] =	vst v0;
	v0 =	vmul.f32 v4, v2;
	v2 =	vld [tilespmem:s7+$0x6480]  }
0x1bb: {  	v4 =	vld [tilespmem:s7+$0xE480]  }
0x1bc: {  	[tilespmem:s7+$0x16450] =	vst v0;
	v0 =	vmul.f32 v6, v1;
	v1 =	vld [tilespmem:s7+$0x6490]  }
0x1bd: {  	v6 =	vld [tilespmem:s7+$0xE490]  }
0x1be: {  	[tilespmem:s7+$0x16460] =	vst v0;
	v0 =	vmul.f32 v5, v3;
	v3 =	vld [tilespmem:s7+$0x64A0]  }
0x1bf: {  	v5 =	vld [tilespmem:s7+$0xE4A0]  }
0x1c0: {  	[tilespmem:s7+$0x16470] =	vst v0;
	v0 =	vmul.f32 v4, v2;
	v4 =	vld [tilespmem:s7+$0x64B0]  }
0x1c1: {  	v7 =	vld [tilespmem:s7+$0xE4B0]  }
0x1c2: {  	[tilespmem:s7+$0x16480] =	vst v0;
	v0 =	vmul.f32 v6, v1;
	v6 =	vld [tilespmem:s7+$0x64C0]  }
0x1c3: {  	v8 =	vld [tilespmem:s7+$0xE4C0]  }
.Ltmp3:
0x1c4: {  	[tilespmem:s7+$0x16490] =	vst v0;
	v0 =	vmul.f32 v5, v3;
	v2 =	vld [tilespmem:s7+$0x64D0];
	(pc) =	sbr.rel @p0 .LBB2_8-.Ltmp3, $4  }
0x1c5: {  	v3 =	vld [tilespmem:s7+$0xE4D0]  }
0x1c6: {  	[tilespmem:s7+$0x164A0] =	vst v0;
	v5 =	vmul.f32 v7, v4;
	v0 =	vld [tilespmem:s7+$0x64E0]  }
0x1c7: {  	s9 =	sshra.s32 s8, $0x2;
	v4 =	vld [tilespmem:s7+$0xE4E0]  }
0x1c8: {  	s8 =	sadd.s32 $0x400, s8;
	v1 =	vld [tilespmem:s9+$0x64F0];
	[tilespmem:s7+$0x164B0] =	vst v5;
	v5 =	vmul.f32 v8, v6  }
0x1c9: {  	v6 =	vld [tilespmem:s9+$0xE4F0]  }
0x1ca: {  	v7 =	vld [tilespmem:s9+$0x6400];
	[tilespmem:s7+$0x164C0] =	vst v5;
	v2 =	vmul.f32 v3, v2  }
0x1cb: {  	v3 =	vld [tilespmem:s9+$0xE400]  }
0x1cc: {  	v5 =	vld [tilespmem:s9+$0x6410];
	[tilespmem:s7+$0x164D0] =	vst v2;
	v0 =	vmul.f32 v4, v0  }
0x1cd: {  	v2 =	vld [tilespmem:s9+$0xE410]  }
0x1ce: {  	v4 =	vld [tilespmem:s9+$0x6420];
	[tilespmem:s7+$0x164E0] =	vst v0  }
0x1cf: {  	v0 =	vmul.f32 v6, v1;
	v1 =	vld [tilespmem:s9+$0xE420]  }
0x1d0: {  	v6 =	vld [tilespmem:s9+$0x6430]  }
0x1d1: {  	v3 =	vmul.f32 v3, v7;
	[tilespmem:s9+$0x164F0] =	vst v0;
	v0 =	vld [tilespmem:s9+$0xE430]  }
0x1d2: {  	v7 =	vld [tilespmem:s9+$0xE4E0]  }
0x1d3: {  	[tilespmem:s9+$0x16400] =	vst v3;
	v2 =	vmul.f32 v2, v5;
	v3 =	vld [tilespmem:s9+$0x6440]  }
0x1d4: {  	v5 =	vld [tilespmem:s9+$0xE440]  }
0x1d5: {  	[tilespmem:s9+$0x16410] =	vst v2;
	v2 =	vld [tilespmem:s9+$0x6450]  }
0x1d6: {  	v1 =	vmul.f32 v1, v4;
	v4 =	vld [tilespmem:s9+$0xE450]  }
0x1d7: {  	v0 =	vmul.f32 v0, v6;
	v6 =	vld [tilespmem:s9+$0xE460]  }
0x1d8: {  	[tilespmem:s9+$0x16420] =	vst v1;
	v1 =	vld [tilespmem:s9+$0x6460]  }
0x1d9: {  	[tilespmem:s9+$0x16430] =	vst v0;
	v0 =	vmul.f32 v5, v3;
	v3 =	vld [tilespmem:s9+$0x6470]  }
0x1da: {  	v5 =	vld [tilespmem:s9+$0xE470]  }
0x1db: {  	[tilespmem:s9+$0x16440] =	vst v0;
	v0 =	vmul.f32 v4, v2;
	v2 =	vld [tilespmem:s9+$0x6480]  }
0x1dc: {  	v4 =	vld [tilespmem:s9+$0xE480]  }
0x1dd: {  	[tilespmem:s9+$0x16450] =	vst v0;
	v0 =	vmul.f32 v6, v1;
	v1 =	vld [tilespmem:s9+$0x6490]  }
0x1de: {  	v6 =	vld [tilespmem:s9+$0xE490]  }
0x1df: {  	[tilespmem:s9+$0x16460] =	vst v0;
	v0 =	vmul.f32 v5, v3;
	v3 =	vld [tilespmem:s9+$0x64A0]  }
0x1e0: {  	v5 =	vld [tilespmem:s9+$0xE4A0]  }
0x1e1: {  	[tilespmem:s9+$0x16470] =	vst v0;
	v0 =	vmul.f32 v4, v2;
	v2 =	vld [tilespmem:s9+$0x64B0]  }
0x1e2: {  	v4 =	vld [tilespmem:s9+$0xE4B0]  }
0x1e3: {  	[tilespmem:s9+$0x16480] =	vst v0;
	v0 =	vmul.f32 v6, v1;
	v1 =	vld [tilespmem:s9+$0x64C0]  }
0x1e4: {  	v6 =	vld [tilespmem:s9+$0xE4C0]  }
0x1e5: {  	[tilespmem:s9+$0x16490] =	vst v0;
	v0 =	vmul.f32 v5, v3;
	v3 =	vld [tilespmem:s9+$0x64D0]  }
0x1e6: {  	v5 =	vld [tilespmem:s9+$0xE4D0]  }
0x1e7: {  	[tilespmem:s9+$0x164A0] =	vst v0;
	v0 =	vld [tilespmem:s9+$0x64E0];
	_ =	sdelay $0x1  }
0x1e8: {  	v2 =	vmul.f32 v4, v2  }
0x1e9: {  	v1 =	vmul.f32 v6, v1  }
0x1ea: {  	[tilespmem:s9+$0x164B0] =	vst v2;
	v2 =	vmul.f32 v5, v3  }
0x1eb: {  	[tilespmem:s9+$0x164C0] =	vst v1;
	v0 =	vmul.f32 v7, v0  }
0x1ec: {  	[tilespmem:s9+$0x164D0] =	vst v2  }
0x1ed: {  	s8 =	simm.s32 $0x1C0;
	[tilespmem:s9+$0x164E0] =	vst v0;
	s9 =	simm.s32 $0x6400  }
0x1ee: {  	[tilespmem:s9], [sflag:$0x4] =	stream.indirect.gather [hbm4b:s1+s18], $0x80, s8, s18, $0xb8;
	[tilespmem:$0x18400] =	vst v63  }
0x1ef: {  	s8 =	simm.s32 $0xE400;
	s9 =	simm.s32 $0x3C0  }
0x1f0: {  	[tilespmem:s8], [sflag:$0x8] =	stream.indirect.gather [hbm4b:s3+s18], $0x80, s9, s18, $0xb8;
	[tilespmem:$0x18400] =	vst v63  }
0x1f1: {  	s9 =	simm.s32 $0x0  }
0x1f2: {  	[hbm4b:s10+s9] =	stream.linear.scatter [tilespmem:s25], [sflag:$0xC], $0x2000, $0x38;
	[tilespmem:$0x18400] =	vst v63  }
0x1f3: {  	_ =	swait.ge [sflag:s2], $0x2000  }
0x1f4: {  	[sflag:s2] =	ssyncset.done $0x0  }
0x1f5: {  	[sflag:s2] =	ssyncadd.s32 $0xFFFFE000  }
0x1f6: {  	_ =	swait.ge [sflag:s22], $0x2000  }
0x1f7: {  	[sflag:s22] =	ssyncset.done $0x0  }
0x1f8: {  	[sflag:s22] =	ssyncadd.s32 $0xFFFFE000  }
0x1f9: {  	_ =	swait.ge [sflag:s28], $0x2000  }
0x1fa: {  	[sflag:s28] =	ssyncset.done $0x0  }
0x1fb: {  	s7 =	simm.s32 $0x0;
	[sflag:s28] =	ssyncadd.s32 $0xFFFFE000  }
0x1fc: {  	v0 =	vld [tilespmem:s7+$0x4F0]  }
0x1fd: {  	v1 =	vld [tilespmem:s7+$0x84F0]  }
0x1fe: {  	v2 =	vld [tilespmem:s7+$0x400]  }
0x1ff: {  	v3 =	vld [tilespmem:s7+$0x8400]  }
0x200: {  	v4 =	vld [tilespmem:s7+$0x410]  }
0x201: {  	v5 =	vld [tilespmem:s7+$0x8410]  }
0x202: {  	v6 =	vld [tilespmem:s7+$0x420]  }
0x203: {  	v7 =	vld [tilespmem:s7+$0x430]  }
0x204: {  	v0 =	vmul.f32 v1, v0;
	v1 =	vld [tilespmem:s7+$0x8420]  }
0x205: {  	v2 =	vmul.f32 v3, v2;
	v3 =	vld [tilespmem:s7+$0x440]  }
0x206: {  	[tilespmem:s7+$0x104F0] =	vst v0;
	v0 =	vld [tilespmem:s7+$0x8430]  }
0x207: {  	[tilespmem:s7+$0x10400] =	vst v2;
	v2 =	vmul.f32 v5, v4;
	v4 =	vld [tilespmem:s7+$0x8440]  }
0x208: {  	v5 =	vld [tilespmem:s7+$0x8450]  }
0x209: {  	[tilespmem:s7+$0x10410] =	vst v2;
	v2 =	vld [tilespmem:s7+$0x450];
	v1 =	vmul.f32 v1, v6  }
0x20a: {  	v6 =	vld [tilespmem:s7+$0x8460]  }
0x20b: {  	[tilespmem:s7+$0x10420] =	vst v1;
	v0 =	vmul.f32 v0, v7;
	v1 =	vld [tilespmem:s7+$0x460]  }
0x20c: {  	v7 =	vld [tilespmem:s7+$0x84B0]  }
0x20d: {  	[tilespmem:s7+$0x10430] =	vst v0;
	v0 =	vmul.f32 v4, v3;
	v3 =	vld [tilespmem:s7+$0x470]  }
0x20e: {  	v4 =	vld [tilespmem:s7+$0x8470]  }
0x20f: {  	[tilespmem:s7+$0x10440] =	vst v0;
	v0 =	vmul.f32 v5, v2;
	v2 =	vld [tilespmem:s7+$0x480]  }
0x210: {  	v5 =	vld [tilespmem:s7+$0x8480]  }
0x211: {  	[tilespmem:s7+$0x10450] =	vst v0;
	v0 =	vmul.f32 v6, v1;
	v1 =	vld [tilespmem:s7+$0x490]  }
0x212: {  	v6 =	vld [tilespmem:s7+$0x8490]  }
0x213: {  	[tilespmem:s7+$0x10460] =	vst v0;
	v0 =	vmul.f32 v4, v3;
	v3 =	vld [tilespmem:s7+$0x4A0]  }
0x214: {  	v4 =	vld [tilespmem:s7+$0x84A0]  }
0x215: {  	[tilespmem:s7+$0x10470] =	vst v0;
	v0 =	vmul.f32 v5, v2;
	v5 =	vld [tilespmem:s7+$0x4B0]  }
0x216: {  	v8 =	vld [tilespmem:s7+$0x84C0]  }
0x217: {  	[tilespmem:s7+$0x10480] =	vst v0;
	v0 =	vmul.f32 v6, v1;
	v6 =	vld [tilespmem:s7+$0x4C0]  }
0x218: {  	v2 =	vld [tilespmem:s7+$0x4D0]  }
0x219: {  	[tilespmem:s7+$0x10490] =	vst v0;
	v0 =	vmul.f32 v4, v3;
	v3 =	vld [tilespmem:s7+$0x84D0]  }
0x21a: {  	v4 =	vld [tilespmem:s7+$0x84E0];
	v5 =	vmul.f32 v7, v5  }
0x21b: {  	s9 =	simm.s32 $0x100;
	[tilespmem:s7+$0x104A0] =	vst v0;
	v0 =	vld [tilespmem:s7+$0x4E0]  }
0x21c: {  	s8 =	simm.s32 $0x800;
	v1 =	vld [tilespmem:s9+$0x4F0];
	[tilespmem:s7+$0x104B0] =	vst v5;
	v5 =	vmul.f32 v8, v6  }
.LBB2_10:
0x21d: {  	p0 =	sne.s32 s8, $0x7C00;
	v6 =	vld [tilespmem:s9+$0x84F0]  }
0x21e: {  	v7 =	vld [tilespmem:s9+$0x400];
	[tilespmem:s7+$0x104C0] =	vst v5;
	v2 =	vmul.f32 v3, v2  }
0x21f: {  	v3 =	vld [tilespmem:s9+$0x8400]  }
0x220: {  	v5 =	vld [tilespmem:s9+$0x410];
	[tilespmem:s7+$0x104D0] =	vst v2;
	v0 =	vmul.f32 v4, v0  }
0x221: {  	v2 =	vld [tilespmem:s9+$0x8410]  }
0x222: {  	v4 =	vld [tilespmem:s9+$0x420];
	v1 =	vmul.f32 v6, v1;
	[tilespmem:s7+$0x104E0] =	vst v0;
	s7 =	smov.u32 s9  }
0x223: {  	v0 =	vld [tilespmem:s7+$0x8420]  }
0x224: {  	v3 =	vmul.f32 v3, v7;
	v6 =	vld [tilespmem:s7+$0x430];
	[tilespmem:s7+$0x104F0] =	vst v1  }
0x225: {  	v1 =	vld [tilespmem:s7+$0x8430]  }
0x226: {  	[tilespmem:s7+$0x10400] =	vst v3;
	v2 =	vmul.f32 v2, v5;
	v3 =	vld [tilespmem:s7+$0x440]  }
0x227: {  	v5 =	vld [tilespmem:s7+$0x8440]  }
0x228: {  	[tilespmem:s7+$0x10410] =	vst v2;
	v0 =	vmul.f32 v0, v4;
	v2 =	vld [tilespmem:s7+$0x450]  }
0x229: {  	v4 =	vld [tilespmem:s7+$0x8450]  }
0x22a: {  	[tilespmem:s7+$0x10420] =	vst v0;
	v0 =	vmul.f32 v1, v6;
	v1 =	vld [tilespmem:s7+$0x460]  }
0x22b: {  	v6 =	vld [tilespmem:s7+$0x8460]  }
0x22c: {  	[tilespmem:s7+$0x10430] =	vst v0;
	v0 =	vmul.f32 v5, v3;
	v3 =	vld [tilespmem:s7+$0x470]  }
0x22d: {  	v5 =	vld [tilespmem:s7+$0x8470]  }
0x22e: {  	[tilespmem:s7+$0x10440] =	vst v0;
	v0 =	vmul.f32 v4, v2;
	v2 =	vld [tilespmem:s7+$0x480]  }
0x22f: {  	v4 =	vld [tilespmem:s7+$0x8480]  }
0x230: {  	[tilespmem:s7+$0x10450] =	vst v0;
	v0 =	vmul.f32 v6, v1;
	v1 =	vld [tilespmem:s7+$0x490]  }
0x231: {  	v6 =	vld [tilespmem:s7+$0x8490]  }
0x232: {  	[tilespmem:s7+$0x10460] =	vst v0;
	v0 =	vmul.f32 v5, v3;
	v3 =	vld [tilespmem:s7+$0x4A0]  }
0x233: {  	v5 =	vld [tilespmem:s7+$0x84A0]  }
0x234: {  	[tilespmem:s7+$0x10470] =	vst v0;
	v0 =	vmul.f32 v4, v2;
	v4 =	vld [tilespmem:s7+$0x4B0]  }
0x235: {  	v7 =	vld [tilespmem:s7+$0x84B0]  }
0x236: {  	[tilespmem:s7+$0x10480] =	vst v0;
	v0 =	vmul.f32 v6, v1;
	v6 =	vld [tilespmem:s7+$0x4C0]  }
0x237: {  	v8 =	vld [tilespmem:s7+$0x84C0]  }
.Ltmp4:
0x238: {  	[tilespmem:s7+$0x10490] =	vst v0;
	v0 =	vmul.f32 v5, v3;
	v2 =	vld [tilespmem:s7+$0x4D0];
	(pc) =	sbr.rel @p0 .LBB2_10-.Ltmp4, $4  }
0x239: {  	v3 =	vld [tilespmem:s7+$0x84D0]  }
0x23a: {  	[tilespmem:s7+$0x104A0] =	vst v0;
	v5 =	vmul.f32 v7, v4;
	v0 =	vld [tilespmem:s7+$0x4E0]  }
0x23b: {  	s9 =	sshra.s32 s8, $0x2;
	v4 =	vld [tilespmem:s7+$0x84E0]  }
0x23c: {  	s8 =	sadd.s32 $0x400, s8;
	v1 =	vld [tilespmem:s9+$0x4F0];
	[tilespmem:s7+$0x104B0] =	vst v5;
	v5 =	vmul.f32 v8, v6  }
0x23d: {  	v6 =	vld [tilespmem:s9+$0x84F0]  }
0x23e: {  	v7 =	vld [tilespmem:s9+$0x400];
	[tilespmem:s7+$0x104C0] =	vst v5;
	v2 =	vmul.f32 v3, v2  }
0x23f: {  	v3 =	vld [tilespmem:s9+$0x8400]  }
0x240: {  	v5 =	vld [tilespmem:s9+$0x410];
	[tilespmem:s7+$0x104D0] =	vst v2;
	v0 =	vmul.f32 v4, v0  }
0x241: {  	v2 =	vld [tilespmem:s9+$0x8410]  }
0x242: {  	v4 =	vld [tilespmem:s9+$0x420];
	[tilespmem:s7+$0x104E0] =	vst v0  }
0x243: {  	v0 =	vmul.f32 v6, v1;
	v1 =	vld [tilespmem:s9+$0x8420]  }
0x244: {  	v6 =	vld [tilespmem:s9+$0x430]  }
0x245: {  	v3 =	vmul.f32 v3, v7;
	[tilespmem:s9+$0x104F0] =	vst v0;
	v0 =	vld [tilespmem:s9+$0x8430]  }
0x246: {  	v7 =	vld [tilespmem:s9+$0x84E0]  }
0x247: {  	[tilespmem:s9+$0x10400] =	vst v3;
	v2 =	vmul.f32 v2, v5;
	v3 =	vld [tilespmem:s9+$0x440]  }
0x248: {  	v5 =	vld [tilespmem:s9+$0x8440]  }
0x249: {  	[tilespmem:s9+$0x10410] =	vst v2;
	v2 =	vld [tilespmem:s9+$0x450]  }
0x24a: {  	v1 =	vmul.f32 v1, v4;
	v4 =	vld [tilespmem:s9+$0x8450]  }
0x24b: {  	v0 =	vmul.f32 v0, v6;
	v6 =	vld [tilespmem:s9+$0x8460]  }
0x24c: {  	[tilespmem:s9+$0x10420] =	vst v1;
	v1 =	vld [tilespmem:s9+$0x460]  }
0x24d: {  	[tilespmem:s9+$0x10430] =	vst v0;
	v0 =	vmul.f32 v5, v3;
	v3 =	vld [tilespmem:s9+$0x470]  }
0x24e: {  	v5 =	vld [tilespmem:s9+$0x8470]  }
0x24f: {  	[tilespmem:s9+$0x10440] =	vst v0;
	v0 =	vmul.f32 v4, v2;
	v2 =	vld [tilespmem:s9+$0x480]  }
0x250: {  	v4 =	vld [tilespmem:s9+$0x8480]  }
0x251: {  	[tilespmem:s9+$0x10450] =	vst v0;
	v0 =	vmul.f32 v6, v1;
	v1 =	vld [tilespmem:s9+$0x490]  }
0x252: {  	v6 =	vld [tilespmem:s9+$0x8490]  }
0x253: {  	[tilespmem:s9+$0x10460] =	vst v0;
	v0 =	vmul.f32 v5, v3;
	v3 =	vld [tilespmem:s9+$0x4A0]  }
0x254: {  	v5 =	vld [tilespmem:s9+$0x84A0]  }
0x255: {  	[tilespmem:s9+$0x10470] =	vst v0;
	v0 =	vmul.f32 v4, v2;
	v2 =	vld [tilespmem:s9+$0x4B0]  }
0x256: {  	v4 =	vld [tilespmem:s9+$0x84B0]  }
0x257: {  	[tilespmem:s9+$0x10480] =	vst v0;
	v0 =	vmul.f32 v6, v1;
	v1 =	vld [tilespmem:s9+$0x4C0]  }
0x258: {  	v6 =	vld [tilespmem:s9+$0x84C0]  }
0x259: {  	[tilespmem:s9+$0x10490] =	vst v0;
	v0 =	vmul.f32 v5, v3;
	v3 =	vld [tilespmem:s9+$0x4D0]  }
0x25a: {  	v5 =	vld [tilespmem:s9+$0x84D0]  }
0x25b: {  	[tilespmem:s9+$0x104A0] =	vst v0;
	v0 =	vld [tilespmem:s9+$0x4E0];
	_ =	sdelay $0x1  }
0x25c: {  	v2 =	vmul.f32 v4, v2  }
0x25d: {  	v1 =	vmul.f32 v6, v1  }
0x25e: {  	[tilespmem:s9+$0x104B0] =	vst v2;
	v2 =	vmul.f32 v5, v3  }
0x25f: {  	[tilespmem:s9+$0x104C0] =	vst v1;
	v0 =	vmul.f32 v7, v0  }
0x260: {  	[tilespmem:s9+$0x104D0] =	vst v2  }
0x261: {  	s8 =	simm.s32 $0x10400;
	[tilespmem:s9+$0x104E0] =	vst v0;
	s9 =	simm.s32 $0x0  }
0x262: {  	[hbm4b:s11+s9] =	stream.linear.scatter [tilespmem:s8], [sflag:$0x9], $0x2000, $0x38;
	[tilespmem:$0x18400] =	vst v63  }
0x263: {  	_ =	swait.ge [sflag:s31], $0x2000  }
0x264: {  	[sflag:s31] =	ssyncset.done $0x0  }
0x265: {  	[sflag:s31] =	ssyncadd.s32 $0xFFFFE000  }
0x266: {  	_ =	swait.ge [sflag:s24], $0x2000  }
0x267: {  	[sflag:s24] =	ssyncset.done $0x0  }
0x268: {  	[sflag:s24] =	ssyncadd.s32 $0xFFFFE000  }
0x269: {  	_ =	swait.ge [sflag:s30], $0x2000  }
0x26a: {  	[sflag:s30] =	ssyncset.done $0x0  }
0x26b: {  	s7 =	simm.s32 $0x0;
	[sflag:s30] =	ssyncadd.s32 $0xFFFFE000  }
0x26c: {  	v0 =	vld [tilespmem:s7+$0x24F0]  }
0x26d: {  	v1 =	vld [tilespmem:s7+$0xA4F0]  }
0x26e: {  	v2 =	vld [tilespmem:s7+$0x2400]  }
0x26f: {  	v3 =	vld [tilespmem:s7+$0xA400]  }
0x270: {  	v4 =	vld [tilespmem:s7+$0x2410]  }
0x271: {  	v5 =	vld [tilespmem:s7+$0xA410]  }
0x272: {  	v6 =	vld [tilespmem:s7+$0x2420]  }
0x273: {  	v7 =	vld [tilespmem:s7+$0x2430]  }
0x274: {  	v0 =	vmul.f32 v1, v0;
	v1 =	vld [tilespmem:s7+$0xA420]  }
0x275: {  	v2 =	vmul.f32 v3, v2;
	v3 =	vld [tilespmem:s7+$0x2440]  }
0x276: {  	[tilespmem:s7+$0x124F0] =	vst v0;
	v0 =	vld [tilespmem:s7+$0xA430]  }
0x277: {  	[tilespmem:s7+$0x12400] =	vst v2;
	v2 =	vmul.f32 v5, v4;
	v4 =	vld [tilespmem:s7+$0xA440]  }
0x278: {  	v5 =	vld [tilespmem:s7+$0xA450]  }
0x279: {  	[tilespmem:s7+$0x12410] =	vst v2;
	v2 =	vld [tilespmem:s7+$0x2450];
	v1 =	vmul.f32 v1, v6  }
0x27a: {  	v6 =	vld [tilespmem:s7+$0xA460]  }
0x27b: {  	[tilespmem:s7+$0x12420] =	vst v1;
	v0 =	vmul.f32 v0, v7;
	v1 =	vld [tilespmem:s7+$0x2460]  }
0x27c: {  	v7 =	vld [tilespmem:s7+$0xA4B0]  }
0x27d: {  	[tilespmem:s7+$0x12430] =	vst v0;
	v0 =	vmul.f32 v4, v3;
	v3 =	vld [tilespmem:s7+$0x2470]  }
0x27e: {  	v4 =	vld [tilespmem:s7+$0xA470]  }
0x27f: {  	[tilespmem:s7+$0x12440] =	vst v0;
	v0 =	vmul.f32 v5, v2;
	v2 =	vld [tilespmem:s7+$0x2480]  }
0x280: {  	v5 =	vld [tilespmem:s7+$0xA480]  }
0x281: {  	[tilespmem:s7+$0x12450] =	vst v0;
	v0 =	vmul.f32 v6, v1;
	v1 =	vld [tilespmem:s7+$0x2490]  }
0x282: {  	v6 =	vld [tilespmem:s7+$0xA490]  }
0x283: {  	[tilespmem:s7+$0x12460] =	vst v0;
	v0 =	vmul.f32 v4, v3;
	v3 =	vld [tilespmem:s7+$0x24A0]  }
0x284: {  	v4 =	vld [tilespmem:s7+$0xA4A0]  }
0x285: {  	[tilespmem:s7+$0x12470] =	vst v0;
	v0 =	vmul.f32 v5, v2;
	v5 =	vld [tilespmem:s7+$0x24B0]  }
0x286: {  	v8 =	vld [tilespmem:s7+$0xA4C0]  }
0x287: {  	[tilespmem:s7+$0x12480] =	vst v0;
	v0 =	vmul.f32 v6, v1;
	v6 =	vld [tilespmem:s7+$0x24C0]  }
0x288: {  	v2 =	vld [tilespmem:s7+$0x24D0]  }
0x289: {  	[tilespmem:s7+$0x12490] =	vst v0;
	v0 =	vmul.f32 v4, v3;
	v3 =	vld [tilespmem:s7+$0xA4D0]  }
0x28a: {  	v4 =	vld [tilespmem:s7+$0xA4E0];
	v5 =	vmul.f32 v7, v5  }
0x28b: {  	s9 =	simm.s32 $0x100;
	[tilespmem:s7+$0x124A0] =	vst v0;
	v0 =	vld [tilespmem:s7+$0x24E0]  }
0x28c: {  	s8 =	simm.s32 $0x800;
	v1 =	vld [tilespmem:s9+$0x24F0];
	[tilespmem:s7+$0x124B0] =	vst v5;
	v5 =	vmul.f32 v8, v6  }
.LBB2_12:
0x28d: {  	p0 =	sne.s32 s8, $0x7C00;
	v6 =	vld [tilespmem:s9+$0xA4F0]  }
0x28e: {  	v7 =	vld [tilespmem:s9+$0x2400];
	[tilespmem:s7+$0x124C0] =	vst v5;
	v2 =	vmul.f32 v3, v2  }
0x28f: {  	v3 =	vld [tilespmem:s9+$0xA400]  }
0x290: {  	v5 =	vld [tilespmem:s9+$0x2410];
	[tilespmem:s7+$0x124D0] =	vst v2;
	v0 =	vmul.f32 v4, v0  }
0x291: {  	v2 =	vld [tilespmem:s9+$0xA410]  }
0x292: {  	v4 =	vld [tilespmem:s9+$0x2420];
	v1 =	vmul.f32 v6, v1;
	[tilespmem:s7+$0x124E0] =	vst v0;
	s7 =	smov.u32 s9  }
0x293: {  	v0 =	vld [tilespmem:s7+$0xA420]  }
0x294: {  	v3 =	vmul.f32 v3, v7;
	v6 =	vld [tilespmem:s7+$0x2430];
	[tilespmem:s7+$0x124F0] =	vst v1  }
0x295: {  	v1 =	vld [tilespmem:s7+$0xA430]  }
0x296: {  	[tilespmem:s7+$0x12400] =	vst v3;
	v2 =	vmul.f32 v2, v5;
	v3 =	vld [tilespmem:s7+$0x2440]  }
0x297: {  	v5 =	vld [tilespmem:s7+$0xA440]  }
0x298: {  	[tilespmem:s7+$0x12410] =	vst v2;
	v0 =	vmul.f32 v0, v4;
	v2 =	vld [tilespmem:s7+$0x2450]  }
0x299: {  	v4 =	vld [tilespmem:s7+$0xA450]  }
0x29a: {  	[tilespmem:s7+$0x12420] =	vst v0;
	v0 =	vmul.f32 v1, v6;
	v1 =	vld [tilespmem:s7+$0x2460]  }
0x29b: {  	v6 =	vld [tilespmem:s7+$0xA460]  }
0x29c: {  	[tilespmem:s7+$0x12430] =	vst v0;
	v0 =	vmul.f32 v5, v3;
	v3 =	vld [tilespmem:s7+$0x2470]  }
0x29d: {  	v5 =	vld [tilespmem:s7+$0xA470]  }
0x29e: {  	[tilespmem:s7+$0x12440] =	vst v0;
	v0 =	vmul.f32 v4, v2;
	v2 =	vld [tilespmem:s7+$0x2480]  }
0x29f: {  	v4 =	vld [tilespmem:s7+$0xA480]  }
0x2a0: {  	[tilespmem:s7+$0x12450] =	vst v0;
	v0 =	vmul.f32 v6, v1;
	v1 =	vld [tilespmem:s7+$0x2490]  }
0x2a1: {  	v6 =	vld [tilespmem:s7+$0xA490]  }
0x2a2: {  	[tilespmem:s7+$0x12460] =	vst v0;
	v0 =	vmul.f32 v5, v3;
	v3 =	vld [tilespmem:s7+$0x24A0]  }
0x2a3: {  	v5 =	vld [tilespmem:s7+$0xA4A0]  }
0x2a4: {  	[tilespmem:s7+$0x12470] =	vst v0;
	v0 =	vmul.f32 v4, v2;
	v4 =	vld [tilespmem:s7+$0x24B0]  }
0x2a5: {  	v7 =	vld [tilespmem:s7+$0xA4B0]  }
0x2a6: {  	[tilespmem:s7+$0x12480] =	vst v0;
	v0 =	vmul.f32 v6, v1;
	v6 =	vld [tilespmem:s7+$0x24C0]  }
0x2a7: {  	v8 =	vld [tilespmem:s7+$0xA4C0]  }
.Ltmp5:
0x2a8: {  	[tilespmem:s7+$0x12490] =	vst v0;
	v0 =	vmul.f32 v5, v3;
	v2 =	vld [tilespmem:s7+$0x24D0];
	(pc) =	sbr.rel @p0 .LBB2_12-.Ltmp5, $4  }
0x2a9: {  	v3 =	vld [tilespmem:s7+$0xA4D0]  }
0x2aa: {  	[tilespmem:s7+$0x124A0] =	vst v0;
	v5 =	vmul.f32 v7, v4;
	v0 =	vld [tilespmem:s7+$0x24E0]  }
0x2ab: {  	s9 =	sshra.s32 s8, $0x2;
	v4 =	vld [tilespmem:s7+$0xA4E0]  }
0x2ac: {  	s8 =	sadd.s32 $0x400, s8;
	v1 =	vld [tilespmem:s9+$0x24F0];
	[tilespmem:s7+$0x124B0] =	vst v5;
	v5 =	vmul.f32 v8, v6  }
0x2ad: {  	v6 =	vld [tilespmem:s9+$0xA4F0]  }
0x2ae: {  	v7 =	vld [tilespmem:s9+$0x2400];
	[tilespmem:s7+$0x124C0] =	vst v5;
	v2 =	vmul.f32 v3, v2  }
0x2af: {  	v3 =	vld [tilespmem:s9+$0xA400]  }
0x2b0: {  	v5 =	vld [tilespmem:s9+$0x2410];
	[tilespmem:s7+$0x124D0] =	vst v2;
	v0 =	vmul.f32 v4, v0  }
0x2b1: {  	v2 =	vld [tilespmem:s9+$0xA410]  }
0x2b2: {  	v4 =	vld [tilespmem:s9+$0x2420];
	[tilespmem:s7+$0x124E0] =	vst v0  }
0x2b3: {  	v0 =	vmul.f32 v6, v1;
	v1 =	vld [tilespmem:s9+$0xA420]  }
0x2b4: {  	v6 =	vld [tilespmem:s9+$0x2430]  }
0x2b5: {  	v3 =	vmul.f32 v3, v7;
	[tilespmem:s9+$0x124F0] =	vst v0;
	v0 =	vld [tilespmem:s9+$0xA430]  }
0x2b6: {  	v7 =	vld [tilespmem:s9+$0xA4E0]  }
0x2b7: {  	[tilespmem:s9+$0x12400] =	vst v3;
	v2 =	vmul.f32 v2, v5;
	v3 =	vld [tilespmem:s9+$0x2440]  }
0x2b8: {  	v5 =	vld [tilespmem:s9+$0xA440]  }
0x2b9: {  	[tilespmem:s9+$0x12410] =	vst v2;
	v2 =	vld [tilespmem:s9+$0x2450]  }
0x2ba: {  	v1 =	vmul.f32 v1, v4;
	v4 =	vld [tilespmem:s9+$0xA450]  }
0x2bb: {  	v0 =	vmul.f32 v0, v6;
	v6 =	vld [tilespmem:s9+$0xA460]  }
0x2bc: {  	[tilespmem:s9+$0x12420] =	vst v1;
	v1 =	vld [tilespmem:s9+$0x2460]  }
0x2bd: {  	[tilespmem:s9+$0x12430] =	vst v0;
	v0 =	vmul.f32 v5, v3;
	v3 =	vld [tilespmem:s9+$0x2470]  }
0x2be: {  	v5 =	vld [tilespmem:s9+$0xA470]  }
0x2bf: {  	[tilespmem:s9+$0x12440] =	vst v0;
	v0 =	vmul.f32 v4, v2;
	v2 =	vld [tilespmem:s9+$0x2480]  }
0x2c0: {  	v4 =	vld [tilespmem:s9+$0xA480]  }
0x2c1: {  	[tilespmem:s9+$0x12450] =	vst v0;
	v0 =	vmul.f32 v6, v1;
	v1 =	vld [tilespmem:s9+$0x2490]  }
0x2c2: {  	v6 =	vld [tilespmem:s9+$0xA490]  }
0x2c3: {  	[tilespmem:s9+$0x12460] =	vst v0;
	v0 =	vmul.f32 v5, v3;
	v3 =	vld [tilespmem:s9+$0x24A0]  }
0x2c4: {  	v5 =	vld [tilespmem:s9+$0xA4A0]  }
0x2c5: {  	[tilespmem:s9+$0x12470] =	vst v0;
	v0 =	vmul.f32 v4, v2;
	v2 =	vld [tilespmem:s9+$0x24B0]  }
0x2c6: {  	v4 =	vld [tilespmem:s9+$0xA4B0]  }
0x2c7: {  	[tilespmem:s9+$0x12480] =	vst v0;
	v0 =	vmul.f32 v6, v1;
	v1 =	vld [tilespmem:s9+$0x24C0]  }
0x2c8: {  	v6 =	vld [tilespmem:s9+$0xA4C0]  }
0x2c9: {  	[tilespmem:s9+$0x12490] =	vst v0;
	v0 =	vmul.f32 v5, v3;
	v3 =	vld [tilespmem:s9+$0x24D0]  }
0x2ca: {  	v5 =	vld [tilespmem:s9+$0xA4D0]  }
0x2cb: {  	[tilespmem:s9+$0x124A0] =	vst v0;
	v0 =	vld [tilespmem:s9+$0x24E0];
	_ =	sdelay $0x1  }
0x2cc: {  	v2 =	vmul.f32 v4, v2  }
0x2cd: {  	v1 =	vmul.f32 v6, v1  }
0x2ce: {  	[tilespmem:s9+$0x124B0] =	vst v2;
	v2 =	vmul.f32 v5, v3  }
0x2cf: {  	[tilespmem:s9+$0x124C0] =	vst v1;
	v0 =	vmul.f32 v7, v0  }
0x2d0: {  	[tilespmem:s9+$0x124D0] =	vst v2  }
0x2d1: {  	[tilespmem:s9+$0x124E0] =	vst v0;
	s9 =	simm.s32 $0x0  }
0x2d2: {  	[hbm4b:s12+s9] =	stream.linear.scatter [tilespmem:s26], [sflag:$0xA], $0x2000, $0x38;
	[tilespmem:$0x18400] =	vst v63  }
0x2d3: {  	_ =	swait.ge [sflag:s16], $0x2000  }
0x2d4: {  	[sflag:s16] =	ssyncset.done $0x0  }
0x2d5: {  	[sflag:s16] =	ssyncadd.s32 $0xFFFFE000  }
0x2d6: {  	_ =	swait.ge [sflag:s19], $0x2000  }
0x2d7: {  	[sflag:s19] =	ssyncset.done $0x0  }
0x2d8: {  	[sflag:s19] =	ssyncadd.s32 $0xFFFFE000  }
0x2d9: {  	_ =	swait.ge [sflag:s0], $0x2000  }
0x2da: {  	[sflag:s0] =	ssyncset.done $0x0  }
0x2db: {  	s7 =	simm.s32 $0x0;
	[sflag:s0] =	ssyncadd.s32 $0xFFFFE000  }
0x2dc: {  	v0 =	vld [tilespmem:s7+$0x44F0]  }
0x2dd: {  	v1 =	vld [tilespmem:s7+$0xC4F0]  }
0x2de: {  	v2 =	vld [tilespmem:s7+$0x4400]  }
0x2df: {  	v3 =	vld [tilespmem:s7+$0xC400]  }
0x2e0: {  	v4 =	vld [tilespmem:s7+$0x4410]  }
0x2e1: {  	v5 =	vld [tilespmem:s7+$0xC410]  }
0x2e2: {  	v6 =	vld [tilespmem:s7+$0x4420]  }
0x2e3: {  	v7 =	vld [tilespmem:s7+$0x4430]  }
0x2e4: {  	v0 =	vmul.f32 v1, v0;
	v1 =	vld [tilespmem:s7+$0xC420]  }
0x2e5: {  	v2 =	vmul.f32 v3, v2;
	v3 =	vld [tilespmem:s7+$0x4440]  }
0x2e6: {  	[tilespmem:s7+$0x144F0] =	vst v0;
	v0 =	vld [tilespmem:s7+$0xC430]  }
0x2e7: {  	[tilespmem:s7+$0x14400] =	vst v2;
	v2 =	vmul.f32 v5, v4;
	v4 =	vld [tilespmem:s7+$0xC440]  }
0x2e8: {  	v5 =	vld [tilespmem:s7+$0xC450]  }
0x2e9: {  	[tilespmem:s7+$0x14410] =	vst v2;
	v2 =	vld [tilespmem:s7+$0x4450];
	v1 =	vmul.f32 v1, v6  }
0x2ea: {  	v6 =	vld [tilespmem:s7+$0xC460]  }
0x2eb: {  	[tilespmem:s7+$0x14420] =	vst v1;
	v0 =	vmul.f32 v0, v7;
	v1 =	vld [tilespmem:s7+$0x4460]  }
0x2ec: {  	v7 =	vld [tilespmem:s7+$0xC4B0]  }
0x2ed: {  	[tilespmem:s7+$0x14430] =	vst v0;
	v0 =	vmul.f32 v4, v3;
	v3 =	vld [tilespmem:s7+$0x4470]  }
0x2ee: {  	v4 =	vld [tilespmem:s7+$0xC470]  }
0x2ef: {  	[tilespmem:s7+$0x14440] =	vst v0;
	v0 =	vmul.f32 v5, v2;
	v2 =	vld [tilespmem:s7+$0x4480]  }
0x2f0: {  	v5 =	vld [tilespmem:s7+$0xC480]  }
0x2f1: {  	[tilespmem:s7+$0x14450] =	vst v0;
	v0 =	vmul.f32 v6, v1;
	v1 =	vld [tilespmem:s7+$0x4490]  }
0x2f2: {  	v6 =	vld [tilespmem:s7+$0xC490]  }
0x2f3: {  	[tilespmem:s7+$0x14460] =	vst v0;
	v0 =	vmul.f32 v4, v3;
	v3 =	vld [tilespmem:s7+$0x44A0]  }
0x2f4: {  	v4 =	vld [tilespmem:s7+$0xC4A0]  }
0x2f5: {  	[tilespmem:s7+$0x14470] =	vst v0;
	v0 =	vmul.f32 v5, v2;
	v5 =	vld [tilespmem:s7+$0x44B0]  }
0x2f6: {  	v8 =	vld [tilespmem:s7+$0xC4C0]  }
0x2f7: {  	[tilespmem:s7+$0x14480] =	vst v0;
	v0 =	vmul.f32 v6, v1;
	v6 =	vld [tilespmem:s7+$0x44C0]  }
0x2f8: {  	v2 =	vld [tilespmem:s7+$0x44D0]  }
0x2f9: {  	[tilespmem:s7+$0x14490] =	vst v0;
	v0 =	vmul.f32 v4, v3;
	v3 =	vld [tilespmem:s7+$0xC4D0]  }
0x2fa: {  	v4 =	vld [tilespmem:s7+$0xC4E0];
	v5 =	vmul.f32 v7, v5  }
0x2fb: {  	s9 =	simm.s32 $0x100;
	[tilespmem:s7+$0x144A0] =	vst v0;
	v0 =	vld [tilespmem:s7+$0x44E0]  }
0x2fc: {  	s8 =	simm.s32 $0x800;
	v1 =	vld [tilespmem:s9+$0x44F0];
	[tilespmem:s7+$0x144B0] =	vst v5;
	v5 =	vmul.f32 v8, v6  }
.LBB2_14:
0x2fd: {  	p0 =	sne.s32 s8, $0x7C00;
	v6 =	vld [tilespmem:s9+$0xC4F0]  }
0x2fe: {  	v7 =	vld [tilespmem:s9+$0x4400];
	[tilespmem:s7+$0x144C0] =	vst v5;
	v2 =	vmul.f32 v3, v2  }
0x2ff: {  	v3 =	vld [tilespmem:s9+$0xC400]  }
0x300: {  	v5 =	vld [tilespmem:s9+$0x4410];
	[tilespmem:s7+$0x144D0] =	vst v2;
	v0 =	vmul.f32 v4, v0  }
0x301: {  	v2 =	vld [tilespmem:s9+$0xC410]  }
0x302: {  	v4 =	vld [tilespmem:s9+$0x4420];
	v1 =	vmul.f32 v6, v1;
	[tilespmem:s7+$0x144E0] =	vst v0;
	s7 =	smov.u32 s9  }
0x303: {  	v0 =	vld [tilespmem:s7+$0xC420]  }
0x304: {  	v3 =	vmul.f32 v3, v7;
	v6 =	vld [tilespmem:s7+$0x4430];
	[tilespmem:s7+$0x144F0] =	vst v1  }
0x305: {  	v1 =	vld [tilespmem:s7+$0xC430]  }
0x306: {  	[tilespmem:s7+$0x14400] =	vst v3;
	v2 =	vmul.f32 v2, v5;
	v3 =	vld [tilespmem:s7+$0x4440]  }
0x307: {  	v5 =	vld [tilespmem:s7+$0xC440]  }
0x308: {  	[tilespmem:s7+$0x14410] =	vst v2;
	v0 =	vmul.f32 v0, v4;
	v2 =	vld [tilespmem:s7+$0x4450]  }
0x309: {  	v4 =	vld [tilespmem:s7+$0xC450]  }
0x30a: {  	[tilespmem:s7+$0x14420] =	vst v0;
	v0 =	vmul.f32 v1, v6;
	v1 =	vld [tilespmem:s7+$0x4460]  }
0x30b: {  	v6 =	vld [tilespmem:s7+$0xC460]  }
0x30c: {  	[tilespmem:s7+$0x14430] =	vst v0;
	v0 =	vmul.f32 v5, v3;
	v3 =	vld [tilespmem:s7+$0x4470]  }
0x30d: {  	v5 =	vld [tilespmem:s7+$0xC470]  }
0x30e: {  	[tilespmem:s7+$0x14440] =	vst v0;
	v0 =	vmul.f32 v4, v2;
	v2 =	vld [tilespmem:s7+$0x4480]  }
0x30f: {  	v4 =	vld [tilespmem:s7+$0xC480]  }
0x310: {  	[tilespmem:s7+$0x14450] =	vst v0;
	v0 =	vmul.f32 v6, v1;
	v1 =	vld [tilespmem:s7+$0x4490]  }
0x311: {  	v6 =	vld [tilespmem:s7+$0xC490]  }
0x312: {  	[tilespmem:s7+$0x14460] =	vst v0;
	v0 =	vmul.f32 v5, v3;
	v3 =	vld [tilespmem:s7+$0x44A0]  }
0x313: {  	v5 =	vld [tilespmem:s7+$0xC4A0]  }
0x314: {  	[tilespmem:s7+$0x14470] =	vst v0;
	v0 =	vmul.f32 v4, v2;
	v4 =	vld [tilespmem:s7+$0x44B0]  }
0x315: {  	v7 =	vld [tilespmem:s7+$0xC4B0]  }
0x316: {  	[tilespmem:s7+$0x14480] =	vst v0;
	v0 =	vmul.f32 v6, v1;
	v6 =	vld [tilespmem:s7+$0x44C0]  }
0x317: {  	v8 =	vld [tilespmem:s7+$0xC4C0]  }
.Ltmp6:
0x318: {  	[tilespmem:s7+$0x14490] =	vst v0;
	v0 =	vmul.f32 v5, v3;
	v2 =	vld [tilespmem:s7+$0x44D0];
	(pc) =	sbr.rel @p0 .LBB2_14-.Ltmp6, $4  }
0x319: {  	v3 =	vld [tilespmem:s7+$0xC4D0]  }
0x31a: {  	[tilespmem:s7+$0x144A0] =	vst v0;
	v5 =	vmul.f32 v7, v4;
	v0 =	vld [tilespmem:s7+$0x44E0]  }
0x31b: {  	s9 =	sshra.s32 s8, $0x2;
	v4 =	vld [tilespmem:s7+$0xC4E0]  }
0x31c: {  	s8 =	sadd.s32 $0x400, s8;
	v1 =	vld [tilespmem:s9+$0x44F0];
	[tilespmem:s7+$0x144B0] =	vst v5;
	v5 =	vmul.f32 v8, v6  }
0x31d: {  	v6 =	vld [tilespmem:s9+$0xC4F0]  }
0x31e: {  	v7 =	vld [tilespmem:s9+$0x4400];
	[tilespmem:s7+$0x144C0] =	vst v5;
	v2 =	vmul.f32 v3, v2  }
0x31f: {  	v3 =	vld [tilespmem:s9+$0xC400]  }
0x320: {  	v5 =	vld [tilespmem:s9+$0x4410];
	[tilespmem:s7+$0x144D0] =	vst v2;
	v0 =	vmul.f32 v4, v0  }
0x321: {  	v2 =	vld [tilespmem:s9+$0xC410]  }
0x322: {  	v4 =	vld [tilespmem:s9+$0x4420];
	[tilespmem:s7+$0x144E0] =	vst v0  }
0x323: {  	v0 =	vmul.f32 v6, v1;
	v1 =	vld [tilespmem:s9+$0xC420]  }
0x324: {  	v6 =	vld [tilespmem:s9+$0x4430]  }
0x325: {  	v3 =	vmul.f32 v3, v7;
	[tilespmem:s9+$0x144F0] =	vst v0;
	v0 =	vld [tilespmem:s9+$0xC430]  }
0x326: {  	v7 =	vld [tilespmem:s9+$0xC4E0]  }
0x327: {  	[tilespmem:s9+$0x14400] =	vst v3;
	v2 =	vmul.f32 v2, v5;
	v3 =	vld [tilespmem:s9+$0x4440]  }
0x328: {  	v5 =	vld [tilespmem:s9+$0xC440]  }
0x329: {  	[tilespmem:s9+$0x14410] =	vst v2;
	v2 =	vld [tilespmem:s9+$0x4450]  }
0x32a: {  	v1 =	vmul.f32 v1, v4;
	v4 =	vld [tilespmem:s9+$0xC450]  }
0x32b: {  	v0 =	vmul.f32 v0, v6;
	v6 =	vld [tilespmem:s9+$0xC460]  }
0x32c: {  	[tilespmem:s9+$0x14420] =	vst v1;
	v1 =	vld [tilespmem:s9+$0x4460]  }
0x32d: {  	[tilespmem:s9+$0x14430] =	vst v0;
	v0 =	vmul.f32 v5, v3;
	v3 =	vld [tilespmem:s9+$0x4470]  }
0x32e: {  	v5 =	vld [tilespmem:s9+$0xC470]  }
0x32f: {  	[tilespmem:s9+$0x14440] =	vst v0;
	v0 =	vmul.f32 v4, v2;
	v2 =	vld [tilespmem:s9+$0x4480]  }
0x330: {  	v4 =	vld [tilespmem:s9+$0xC480]  }
0x331: {  	[tilespmem:s9+$0x14450] =	vst v0;
	v0 =	vmul.f32 v6, v1;
	v1 =	vld [tilespmem:s9+$0x4490]  }
0x332: {  	v6 =	vld [tilespmem:s9+$0xC490]  }
0x333: {  	[tilespmem:s9+$0x14460] =	vst v0;
	v0 =	vmul.f32 v5, v3;
	v3 =	vld [tilespmem:s9+$0x44A0]  }
0x334: {  	v5 =	vld [tilespmem:s9+$0xC4A0]  }
0x335: {  	[tilespmem:s9+$0x14470] =	vst v0;
	v0 =	vmul.f32 v4, v2;
	v2 =	vld [tilespmem:s9+$0x44B0]  }
0x336: {  	v4 =	vld [tilespmem:s9+$0xC4B0]  }
0x337: {  	[tilespmem:s9+$0x14480] =	vst v0;
	v0 =	vmul.f32 v6, v1;
	v1 =	vld [tilespmem:s9+$0x44C0]  }
0x338: {  	v6 =	vld [tilespmem:s9+$0xC4C0]  }
0x339: {  	[tilespmem:s9+$0x14490] =	vst v0;
	v0 =	vmul.f32 v5, v3;
	v3 =	vld [tilespmem:s9+$0x44D0]  }
0x33a: {  	v5 =	vld [tilespmem:s9+$0xC4D0]  }
0x33b: {  	[tilespmem:s9+$0x144A0] =	vst v0;
	v0 =	vld [tilespmem:s9+$0x44E0];
	_ =	sdelay $0x1  }
0x33c: {  	v2 =	vmul.f32 v4, v2  }
0x33d: {  	v1 =	vmul.f32 v6, v1  }
0x33e: {  	[tilespmem:s9+$0x144B0] =	vst v2;
	v2 =	vmul.f32 v5, v3  }
0x33f: {  	[tilespmem:s9+$0x144C0] =	vst v1;
	v0 =	vmul.f32 v7, v0  }
0x340: {  	[tilespmem:s9+$0x144D0] =	vst v2  }
0x341: {  	[tilespmem:s9+$0x144E0] =	vst v0;
	s9 =	simm.s32 $0x0  }
0x342: {  	[hbm4b:s13+s9] =	stream.linear.scatter [tilespmem:s20], [sflag:$0xB], $0x2000, $0x38;
	[tilespmem:$0x18400] =	vst v63  }
0x343: {  	_ =	swait.ge [sflag:s21], $0x2000  }
0x344: {  	[sflag:s21] =	ssyncset.done $0x0  }
0x345: {  	[sflag:s21] =	ssyncadd.s32 $0xFFFFE000  }
0x346: {  	_ =	swait.ge [sflag:s23], $0x2000  }
0x347: {  	[sflag:s23] =	ssyncset.done $0x0  }
0x348: {  	[sflag:s23] =	ssyncadd.s32 $0xFFFFE000  }
0x349: {  	_ =	swait.ge [sflag:s29], $0x2000  }
0x34a: {  	[sflag:s29] =	ssyncset.done $0x0  }
0x34b: {  	s7 =	simm.s32 $0x0;
	[sflag:s29] =	ssyncadd.s32 $0xFFFFE000  }
0x34c: {  	v0 =	vld [tilespmem:s7+$0x64F0]  }
0x34d: {  	v1 =	vld [tilespmem:s7+$0xE4F0]  }
0x34e: {  	v2 =	vld [tilespmem:s7+$0x6400]  }
0x34f: {  	v3 =	vld [tilespmem:s7+$0xE400]  }
0x350: {  	v4 =	vld [tilespmem:s7+$0x6410]  }
0x351: {  	v5 =	vld [tilespmem:s7+$0xE410]  }
0x352: {  	v6 =	vld [tilespmem:s7+$0x6420]  }
0x353: {  	v7 =	vld [tilespmem:s7+$0x6430]  }
0x354: {  	v0 =	vmul.f32 v1, v0;
	v1 =	vld [tilespmem:s7+$0xE420]  }
0x355: {  	v2 =	vmul.f32 v3, v2;
	v3 =	vld [tilespmem:s7+$0x6440]  }
0x356: {  	[tilespmem:s7+$0x164F0] =	vst v0;
	v0 =	vld [tilespmem:s7+$0xE430]  }
0x357: {  	[tilespmem:s7+$0x16400] =	vst v2;
	v2 =	vmul.f32 v5, v4;
	v4 =	vld [tilespmem:s7+$0xE440]  }
0x358: {  	v5 =	vld [tilespmem:s7+$0xE450]  }
0x359: {  	[tilespmem:s7+$0x16410] =	vst v2;
	v2 =	vld [tilespmem:s7+$0x6450];
	v1 =	vmul.f32 v1, v6  }
0x35a: {  	v6 =	vld [tilespmem:s7+$0xE460]  }
0x35b: {  	[tilespmem:s7+$0x16420] =	vst v1;
	v0 =	vmul.f32 v0, v7;
	v1 =	vld [tilespmem:s7+$0x6460]  }
0x35c: {  	v7 =	vld [tilespmem:s7+$0xE4B0]  }
0x35d: {  	[tilespmem:s7+$0x16430] =	vst v0;
	v0 =	vmul.f32 v4, v3;
	v3 =	vld [tilespmem:s7+$0x6470]  }
0x35e: {  	v4 =	vld [tilespmem:s7+$0xE470]  }
0x35f: {  	[tilespmem:s7+$0x16440] =	vst v0;
	v0 =	vmul.f32 v5, v2;
	v2 =	vld [tilespmem:s7+$0x6480]  }
0x360: {  	v5 =	vld [tilespmem:s7+$0xE480]  }
0x361: {  	[tilespmem:s7+$0x16450] =	vst v0;
	v0 =	vmul.f32 v6, v1;
	v1 =	vld [tilespmem:s7+$0x6490]  }
0x362: {  	v6 =	vld [tilespmem:s7+$0xE490]  }
0x363: {  	[tilespmem:s7+$0x16460] =	vst v0;
	v0 =	vmul.f32 v4, v3;
	v3 =	vld [tilespmem:s7+$0x64A0]  }
0x364: {  	v4 =	vld [tilespmem:s7+$0xE4A0]  }
0x365: {  	[tilespmem:s7+$0x16470] =	vst v0;
	v0 =	vmul.f32 v5, v2;
	v5 =	vld [tilespmem:s7+$0x64B0]  }
0x366: {  	v8 =	vld [tilespmem:s7+$0xE4C0]  }
0x367: {  	[tilespmem:s7+$0x16480] =	vst v0;
	v0 =	vmul.f32 v6, v1;
	v6 =	vld [tilespmem:s7+$0x64C0]  }
0x368: {  	v2 =	vld [tilespmem:s7+$0x64D0]  }
0x369: {  	[tilespmem:s7+$0x16490] =	vst v0;
	v0 =	vmul.f32 v4, v3;
	v3 =	vld [tilespmem:s7+$0xE4D0]  }
0x36a: {  	v4 =	vld [tilespmem:s7+$0xE4E0];
	v5 =	vmul.f32 v7, v5  }
0x36b: {  	s9 =	simm.s32 $0x100;
	[tilespmem:s7+$0x164A0] =	vst v0;
	v0 =	vld [tilespmem:s7+$0x64E0]  }
0x36c: {  	s8 =	simm.s32 $0x800;
	v1 =	vld [tilespmem:s9+$0x64F0];
	[tilespmem:s7+$0x164B0] =	vst v5;
	v5 =	vmul.f32 v8, v6  }
.LBB2_16:
0x36d: {  	p0 =	sne.s32 s8, $0x7C00;
	v6 =	vld [tilespmem:s9+$0xE4F0]  }
0x36e: {  	v7 =	vld [tilespmem:s9+$0x6400];
	[tilespmem:s7+$0x164C0] =	vst v5;
	v2 =	vmul.f32 v3, v2  }
0x36f: {  	v3 =	vld [tilespmem:s9+$0xE400]  }
0x370: {  	v5 =	vld [tilespmem:s9+$0x6410];
	[tilespmem:s7+$0x164D0] =	vst v2;
	v0 =	vmul.f32 v4, v0  }
0x371: {  	v2 =	vld [tilespmem:s9+$0xE410]  }
0x372: {  	v4 =	vld [tilespmem:s9+$0x6420];
	v1 =	vmul.f32 v6, v1;
	[tilespmem:s7+$0x164E0] =	vst v0;
	s7 =	smov.u32 s9  }
0x373: {  	v0 =	vld [tilespmem:s7+$0xE420]  }
0x374: {  	v3 =	vmul.f32 v3, v7;
	v6 =	vld [tilespmem:s7+$0x6430];
	[tilespmem:s7+$0x164F0] =	vst v1  }
0x375: {  	v1 =	vld [tilespmem:s7+$0xE430]  }
0x376: {  	[tilespmem:s7+$0x16400] =	vst v3;
	v2 =	vmul.f32 v2, v5;
	v3 =	vld [tilespmem:s7+$0x6440]  }
0x377: {  	v5 =	vld [tilespmem:s7+$0xE440]  }
0x378: {  	[tilespmem:s7+$0x16410] =	vst v2;
	v0 =	vmul.f32 v0, v4;
	v2 =	vld [tilespmem:s7+$0x6450]  }
0x379: {  	v4 =	vld [tilespmem:s7+$0xE450]  }
0x37a: {  	[tilespmem:s7+$0x16420] =	vst v0;
	v0 =	vmul.f32 v1, v6;
	v1 =	vld [tilespmem:s7+$0x6460]  }
0x37b: {  	v6 =	vld [tilespmem:s7+$0xE460]  }
0x37c: {  	[tilespmem:s7+$0x16430] =	vst v0;
	v0 =	vmul.f32 v5, v3;
	v3 =	vld [tilespmem:s7+$0x6470]  }
0x37d: {  	v5 =	vld [tilespmem:s7+$0xE470]  }
0x37e: {  	[tilespmem:s7+$0x16440] =	vst v0;
	v0 =	vmul.f32 v4, v2;
	v2 =	vld [tilespmem:s7+$0x6480]  }
0x37f: {  	v4 =	vld [tilespmem:s7+$0xE480]  }
0x380: {  	[tilespmem:s7+$0x16450] =	vst v0;
	v0 =	vmul.f32 v6, v1;
	v1 =	vld [tilespmem:s7+$0x6490]  }
0x381: {  	v6 =	vld [tilespmem:s7+$0xE490]  }
0x382: {  	[tilespmem:s7+$0x16460] =	vst v0;
	v0 =	vmul.f32 v5, v3;
	v3 =	vld [tilespmem:s7+$0x64A0]  }
0x383: {  	v5 =	vld [tilespmem:s7+$0xE4A0]  }
0x384: {  	[tilespmem:s7+$0x16470] =	vst v0;
	v0 =	vmul.f32 v4, v2;
	v4 =	vld [tilespmem:s7+$0x64B0]  }
0x385: {  	v7 =	vld [tilespmem:s7+$0xE4B0]  }
0x386: {  	[tilespmem:s7+$0x16480] =	vst v0;
	v0 =	vmul.f32 v6, v1;
	v6 =	vld [tilespmem:s7+$0x64C0]  }
0x387: {  	v8 =	vld [tilespmem:s7+$0xE4C0]  }
.Ltmp7:
0x388: {  	[tilespmem:s7+$0x16490] =	vst v0;
	v0 =	vmul.f32 v5, v3;
	v2 =	vld [tilespmem:s7+$0x64D0];
	(pc) =	sbr.rel @p0 .LBB2_16-.Ltmp7, $4  }
0x389: {  	v3 =	vld [tilespmem:s7+$0xE4D0]  }
0x38a: {  	[tilespmem:s7+$0x164A0] =	vst v0;
	v5 =	vmul.f32 v7, v4;
	v0 =	vld [tilespmem:s7+$0x64E0]  }
0x38b: {  	s9 =	sshra.s32 s8, $0x2;
	v4 =	vld [tilespmem:s7+$0xE4E0]  }
0x38c: {  	s8 =	sadd.s32 $0x400, s8;
	v1 =	vld [tilespmem:s9+$0x64F0];
	[tilespmem:s7+$0x164B0] =	vst v5;
	v5 =	vmul.f32 v8, v6  }
0x38d: {  	v6 =	vld [tilespmem:s9+$0xE4F0]  }
0x38e: {  	v7 =	vld [tilespmem:s9+$0x6400];
	[tilespmem:s7+$0x164C0] =	vst v5;
	v2 =	vmul.f32 v3, v2  }
0x38f: {  	v28 =	vld [tilespmem:s9+$0xE400]  }
0x390: {  	v5 =	vld [tilespmem:s9+$0x6410];
	[tilespmem:s7+$0x164D0] =	vst v2;
	v0 =	vmul.f32 v4, v0  }
0x391: {  	v2 =	vld [tilespmem:s9+$0xE410]  }
0x392: {  	v29 =	vld [tilespmem:s9+$0x6420];
	[tilespmem:s7+$0x164E0] =	vst v0  }
0x393: {  	v31 =	vld [tilespmem:s9+$0xE420]  }
0x394: {  	v32 =	vld [tilespmem:s9+$0x6430]  }
0x395: {  	v33 =	vld [tilespmem:s9+$0xE430]  }
0x396: {  	v34 =	vld [tilespmem:s9+$0x6440]  }
0x397: {  	v35 =	vld [tilespmem:s9+$0xE440]  }
0x398: {  	v36 =	vld [tilespmem:s9+$0x6450]  }
0x399: {  	v37 =	vld [tilespmem:s9+$0xE450]  }
0x39a: {  	v38 =	vld [tilespmem:s9+$0x6460]  }
0x39b: {  	v39 =	vld [tilespmem:s9+$0xE460]  }
0x39c: {  	v41 =	vld [tilespmem:s9+$0x6470]  }
0x39d: {  	v42 =	vld [tilespmem:s9+$0xE470]  }
0x39e: {  	v44 =	vld [tilespmem:s9+$0x6480]  }
0x39f: {  	v45 =	vld [tilespmem:s9+$0xE480]  }
0x3a0: {  	v47 =	vld [tilespmem:s9+$0x6490]  }
0x3a1: {  	v30 =	vmul.f32 v6, v1;
	v48 =	vld [tilespmem:s9+$0xE490]  }
0x3a2: {  	v50 =	vld [tilespmem:s9+$0x64A0];
	v3 =	vmul.f32 v28, v7  }
0x3a3: {  	v51 =	vld [tilespmem:s9+$0xE4A0];
	[tilespmem:s9+$0x164F0] =	vst v30;
	v2 =	vmul.f32 v2, v5  }
0x3a4: {  	v53 =	vld [tilespmem:s9+$0x64B0];
	[tilespmem:s9+$0x16400] =	vst v3;
	v1 =	vmul.f32 v31, v29  }
0x3a5: {  	v54 =	vld [tilespmem:s9+$0xE4B0];
	[tilespmem:s9+$0x16410] =	vst v2;
	v0 =	vmul.f32 v33, v32  }
0x3a6: {  	v56 =	vld [tilespmem:s9+$0x64C0];
	v40 =	vmul.f32 v35, v34;
	[tilespmem:s9+$0x16420] =	vst v1  }
0x3a7: {  	v57 =	vld [tilespmem:s9+$0xE4C0];
	v43 =	vmul.f32 v37, v36;
	[tilespmem:s9+$0x16430] =	vst v0  }
0x3a8: {  	v59 =	vld [tilespmem:s9+$0x64D0];
	v46 =	vmul.f32 v39, v38;
	[tilespmem:s9+$0x16440] =	vst v40  }
0x3a9: {  	v60 =	vld [tilespmem:s9+$0xE4D0];
	v49 =	vmul.f32 v42, v41;
	[tilespmem:s9+$0x16450] =	vst v43  }
0x3aa: {  	v61 =	vld [tilespmem:s9+$0x64E0];
	v52 =	vmul.f32 v45, v44;
	[tilespmem:s9+$0x16460] =	vst v46  }
0x3ab: {  	v62 =	vld [tilespmem:s9+$0xE4E0];
	v55 =	vmul.f32 v48, v47;
	[tilespmem:s9+$0x16470] =	vst v49  }
0x3ac: {  	v58 =	vmul.f32 v51, v50;
	[tilespmem:s9+$0x16480] =	vst v52  }
0x3ad: {  	v2 =	vmul.f32 v54, v53;
	[tilespmem:s9+$0x16490] =	vst v55  }
0x3ae: {  	v63 =	vmul.f32 v60, v59;
	[tilespmem:s9+$0x164A0] =	vst v58  }
0x3af: {  	v1 =	vmul.f32 v57, v56;
	[tilespmem:s9+$0x164B0] =	vst v2  }
0x3b0: {  	v0 =	vmul.f32 v62, v61;
	[tilespmem:s9+$0x164D0] =	vst v63  }
0x3b1: {  	[tilespmem:s9+$0x164C0] =	vst v1  }
0x3b2: {  	[tilespmem:s9+$0x164E0] =	vst v0  }
0x3b3: {  	[hbm4b:s14+s4] =	stream.linear.scatter [tilespmem:s25], [sflag:$0xC], $0x2000, $0x38;
	[tilespmem:$0x18400] =	vst v63  }
0x3b4: {  	_ =	swait.ge [sflag:s28], $0x2000  }
0x3b5: {  	[sflag:s28] =	ssyncset.done $0x0  }
0x3b6: {  	[sflag:s28] =	ssyncadd.s32 $0xFFFFE000  }
0x3b7: {  	_ =	swait.ge [sflag:s30], $0x2000  }
0x3b8: {  	[sflag:s30] =	ssyncset.done $0x0  }
0x3b9: {  	s6 =	sadd.s32 $0x1, s6;
	[sflag:s30] =	ssyncadd.s32 $0xFFFFE000  }
0x3ba: {  	p0 =	sne.s32 s6, s15;
	_ =	swait.ge [sflag:s0], $0x2000  }
.Ltmp8:
0x3bb: {  	[sflag:s0] =	ssyncset.done $0x0;
	(pc) =	sbr.rel @p0 .LBB2_1-.Ltmp8, $4  }
0x3bc: {  	[sflag:s0] =	ssyncadd.s32 $0xFFFFE000  }
0x3bd: {  	_ =	swait.ge [sflag:s29], $0x2000  }
0x3be: {  	[sflag:s29] =	ssyncset.done $0x0  }
0x3bf: {  	[sflag:s29] =	ssyncadd.s32 $0xFFFFE000  }
0x3c0: {  	_ =	sfence.sel $0x180000  }
0x3c1: {  	[bflag:$0x0] =	sbarrier.arrive $0xFFFF  }
0x3c2: {  	_ =	strace $0x90000047  }
0x3c3: {  	s0 =	stileid.u32;
	[bflag:$0x2] =	sbarrier.arrive $0xFFFF  }
0x3c4: {  	p0 =	sne.s32 s0, $0x0;
	s0 =	rddreg [dreg:$0x5]  }
0x3c5: {  	s0 =	sadd.s32 @!p0 $0x100000, s0  }
0x3c6: {  	[sflag:s0] =	ssyncadd.tile.s32 @!p0 $0x1;
	_ =	shalt  }
.Lfunc_end2:
_tile_overlayer_lowered:
.L_overlay_start_2:
0x3c7: {  	(tag) =	ssettag $0x2  }
0x3c8: {  	s0 =	rddreg [dreg:$0x0];
	s2 =	stileid.u32  }
0x3c9: {  	s1 =	rddreg [dreg:$0x1];
	p0 =	sne.s32 s2, $0x0  }
0x3ca: {  	s3 =	rddreg [dreg:$0x2];
	[bflag:$0x3] =	sbarrier.arrive $0xFFFF;
	s2 =	simm.s32 @!p0 $0x1C0E  }
0x3cb: {  	[timem:s3], [sflag:s2] =	dma.local @!p0 [hbm:s0], s1  }
0x3cc: {  	s0 =	simm.s32 @!p0 $0xE  }
0x3cd: {  	_ =	swait.ge @!p0 [sflag:s0], s1  }
0x3ce: {  	s1 =	ssub.s32 @!p0 $0x0, s1;
	[sflag:s0] =	ssyncset.done @!p0 $0x0  }
0x3cf: {  	[sflag:s0] =	ssyncadd.s32 @!p0 s1  }
0x3d0: {  	[bflag:$0x3] =	sbarrier.arrive $0xFFFF  }
0x3d1: {  	_ =	shalt  }

</sc_bundles>
